<compile_context>
chip_gen: v7x
topology: tpu7x:2x2x1
jax: 0.10.2.dev20260603
libtpu: 0.0.44.dev20260713+nightly
codegen_flags: <defaults>
</compile_context>

<pallas_src>
import functools

import jax
import jax.numpy as jnp
from jax import lax
from jax.experimental import pallas as pl
from jax.experimental.pallas import tpu as pltpu
from jax.experimental.pallas import tpu_sc as plsc

NC = 2
NS = 16
NW = NC * NS
B = 64
L = 16
P = 4


def _sc_spmm(feat, src4, dst4, val4, zeros, n, d, mc):
    rows_per_tile = n // NS
    n8 = mc // (2 * P)
    mesh = plsc.VectorSubcoreMesh(core_axis_name="c", subcore_axis_name="s")

    @functools.partial(
        pl.kernel,
        out_type=jax.ShapeDtypeStruct((NC, n, d), jnp.float32),
        mesh=mesh,
        compiler_params=pltpu.CompilerParams(needs_layout_passes=False),
        scratch_types=[
            pltpu.VMEM((P, 1, B), jnp.int32),
            pltpu.VMEM((P, 1, B), jnp.int32),
            pltpu.VMEM((P, 1, B), jnp.int32),
            pltpu.VMEM((P, 1, B), jnp.int32),
            pltpu.VMEM((P, 1, B), jnp.float32),
            pltpu.VMEM((P, 1, B), jnp.float32),
            pltpu.VMEM((B, d), jnp.float32),
            pltpu.VMEM((B, d), jnp.float32),
            pltpu.VMEM((B, d), jnp.float32),
            pltpu.VMEM((B, d), jnp.float32),
            pltpu.VMEM_SHARED((n, d), jnp.float32),
            pltpu.SemaphoreType.DMA,
            pltpu.SemaphoreType.DMA,
            pltpu.SemaphoreType.DMA,
            pltpu.SemaphoreType.DMA,
            pltpu.SemaphoreType.DMA,
            pltpu.SemaphoreType.DMA,
            pltpu.SemaphoreType.DMA,
            pltpu.SemaphoreType.DMA,
            pltpu.SemaphoreType.DMA,
            pltpu.SemaphoreType.DMA,
            pltpu.SemaphoreType.DMA,
        ],
    )
    def sc_kernel(feat_hbm, src_hbm, dst_hbm, val_hbm, zeros_hbm, out_hbm,
                  srcA, srcB, dstA, dstB, valA, valB,
                  rows0, rows1, rows2, rows3, acc_sh,
                  stA, stB, zsem, sg0, sg1, sg2, sg3, sc0, sc1, sc2, sc3):
        c = lax.axis_index("c")
        s = lax.axis_index("s")
        wid = s * NC + c
        row0 = s * rows_per_tile
        rows = [rows0, rows1, rows2, rows3]
        sg = [sg0, sg1, sg2, sg3]
        sc = [sc0, sc1, sc2, sc3]
        win = [(srcA, dstA, valA, stA), (srcB, dstB, valB, stB)]

        pltpu.async_copy(zeros_hbm.at[pl.ds(row0, rows_per_tile)],
                         acc_sh.at[pl.ds(row0, rows_per_tile)], zsem)

        def stage(j0, w):
            sv, dv, vv, sem = w
            pltpu.async_copy(src_hbm.at[wid, pl.ds(j0, P)], sv, sem)
            pltpu.async_copy(dst_hbm.at[wid, pl.ds(j0, P)], dv, sem)
            pltpu.async_copy(val_hbm.at[wid, pl.ds(j0, P)], vv, sem)

        def wait_stage(w):
            sv, dv, vv, sem = w
            pltpu.make_async_copy(src_hbm.at[wid, pl.ds(0, P)], sv, sem).wait()
            pltpu.make_async_copy(dst_hbm.at[wid, pl.ds(0, P)], dv, sem).wait()
            pltpu.make_async_copy(val_hbm.at[wid, pl.ds(0, P)], vv, sem).wait()

        def gather(w, wk, buf, sem):
            pltpu.async_copy(feat_hbm.at[w[0].at[wk, 0]], buf, sem)

        def wait_gather(w, wk, buf, sem):
            pltpu.make_async_copy(feat_hbm.at[w[0].at[wk, 0]], buf, sem).wait()

        def scatter(buf, w, wk, sem):
            pltpu.async_copy(buf, acc_sh.at[w[1].at[wk, 0]], sem, add=True)

        def wait_scatter(buf, w, wk, sem):
            pltpu.make_async_copy(buf, acc_sh.at[w[1].at[wk, 0]], sem).wait()

        z16 = jnp.zeros((L,), jnp.int32)

        def scale(buf, w, wk):
            wk16 = jnp.full((L,), wk, jnp.int32)
            vv = w[2]

            def row_body(k, carry2):
                k16 = jnp.full((L,), k, jnp.int32)
                v16 = plsc.load_gather(vv, [wk16, z16, k16])
                for jj in range(d // L):
                    sl = pl.ds(jj * L, L)
                    buf[k, sl] = buf[k, sl] * v16
                return carry2

            lax.fori_loop(0, B, row_body, 0, unroll=4)

        stage(0, win[0])
        wait_stage(win[0])
        pltpu.make_async_copy(zeros_hbm.at[pl.ds(row0, rows_per_tile)],
                              acc_sh.at[pl.ds(row0, rows_per_tile)],
                              zsem).wait()
        plsc.subcore_barrier()

        gather(win[0], 0, rows[0], sg[0])
        gather(win[0], 1, rows[1], sg[1])

        def oct_body(p, carry):
            c0 = 2 * P * p
            for k in range(2 * P):
                ci = c0 + k
                bk = k % P
                kn = (k + 2) % P
                cur = win[0] if k < P else win[1]
                nxt = win[(k // P + 1) % 2]

                wait_gather(cur, k % P, rows[bk], sg[bk])

                @pl.when(ci >= 2)
                def _():
                    wait_scatter(rows[kn], cur, 0, sc[kn])

                if k == 1:
                    stage(c0 + P, win[1])
                if k == 5:
                    @pl.when(c0 + 2 * P < mc)
                    def _():
                        stage(c0 + 2 * P, win[0])
                if k == 2:
                    wait_stage(win[1])
                if k == 6:
                    @pl.when(c0 + 2 * P < mc)
                    def _():
                        wait_stage(win[0])

                @pl.when(ci + 2 < mc)
                def _():
                    gather(nxt if k % P >= 2 else cur, (k + 2) % P,
                           rows[kn], sg[kn])

                scale(rows[bk], cur, k % P)
                scatter(rows[bk], cur, k % P, sc[bk])
            return carry

        lax.fori_loop(0, n8, oct_body, 0)
        wait_scatter(rows[(mc - 2) % P], win[1], 0, sc[(mc - 2) % P])
        wait_scatter(rows[(mc - 1) % P], win[1], 0, sc[(mc - 1) % P])
        plsc.subcore_barrier()
        pltpu.sync_copy(acc_sh.at[pl.ds(row0, rows_per_tile)],
                        out_hbm.at[c, pl.ds(row0, rows_per_tile)])
        plsc.subcore_barrier()

    return sc_kernel(feat, src4, dst4, val4, zeros)


def _tc_dense(p0, p1, W, n, d, bn):

    def body(a_ref, b_ref, w_ref, o_ref):
        x = a_ref[...] + b_ref[...]
        y = jnp.dot(x, w_ref[...], preferred_element_type=jnp.float32)
        y = jnp.maximum(y, 0.0)
        nrm = jnp.sqrt(jnp.sum(y * y, axis=1, keepdims=True))
        o_ref[...] = y / jnp.maximum(nrm, 1e-12)

    return pl.pallas_call(
        body,
        grid=(n // bn,),
        in_specs=[
            pl.BlockSpec((bn, d), lambda i: (i, 0)),
            pl.BlockSpec((bn, d), lambda i: (i, 0)),
            pl.BlockSpec((d, d), lambda i: (0, 0)),
        ],
        out_specs=pl.BlockSpec((bn, d), lambda i: (i, 0)),
        out_shape=jax.ShapeDtypeStruct((n, d), jnp.float32),
    )(p0, p1, W)


def kernel(feat, sup_indices, sup_values, W, bn=1000):
    n, d = feat.shape
    e = sup_values.shape[0]
    dst = sup_indices[0]
    src = sup_indices[1]

    ew = -(-e // NW)
    mc = -(-ew // B)
    mc = -(-mc // 8) * 8
    e_pad = NW * mc * B
    pad = e_pad - e
    src_p = jnp.pad(src.astype(jnp.int32), (0, pad)).reshape(NW, mc, 1, B)
    dst_p = jnp.pad(dst.astype(jnp.int32), (0, pad)).reshape(NW, mc, 1, B)
    val_p = jnp.pad(sup_values, (0, pad)).reshape(NW, mc, 1, B)

    n_pad = -(-n // (NS * 8)) * (NS * 8)
    zeros = jnp.zeros((n_pad, d), jnp.float32)

    partials = _sc_spmm(feat, src_p, dst_p, val_p, zeros, n_pad, d, mc)
    return _tc_dense(partials[0], partials[1], W, n, d, bn=bn)

# --- scband reference (transcript-rebuilt; emitter-appended) ---
"""Pipeline reference for scband-graph-neural-network-39771397161525 (READ-ONLY COPY).

The authoritative reference and input builder live on the scoring server;
editing this copy changes nothing except your own understanding.
"""

import jax, jax.numpy as jnp
import numpy as np

N = 10000
E = 320000
D_IN = 128
D_OUT = 128


def setup_inputs(seed: int = 0) -> dict:
    key = jax.random.key(seed)
    k1, k2, k3, k4 = jax.random.split(key, 4)
    feat = jax.random.normal(k1, (N, D_IN), dtype=jnp.float32)
    # COO representation of the sparse support (normalized adjacency):
    # row 0 = dst (output row of spmm), row 1 = src (column / gathered node)
    sup_indices = jax.random.randint(k2, (2, E), 0, N)
    sup_values = jax.random.uniform(k3, (E,), dtype=jnp.float32)
    # xavier_uniform_ init for agg_wei [D_IN, D_OUT]
    limit = float(np.sqrt(6.0 / (D_IN + D_OUT)))
    W = jax.random.uniform(k4, (D_IN, D_OUT), minval=-limit, maxval=limit, dtype=jnp.float32)
    return {"feat": feat, "sup_indices": sup_indices, "sup_values": sup_values, "W": W}


def reference(feat, sup_indices, sup_values, W):
    # feat_agg = torch.spmm(sup, feat)  -> gather + scatter-add (SparseCore friendly)
    dst = sup_indices[0]
    src = sup_indices[1]
    msgs = sup_values[:, None] * jnp.take(feat, src, axis=0)
    feat_agg = jax.ops.segment_sum(msgs, dst, num_segments=N)
    # agg_output = relu(feat_agg @ agg_wei)
    agg_output = jax.nn.relu(feat_agg @ W)
    # F.normalize(agg_output, dim=1, p=2) with eps=1e-12
    norm = jnp.maximum(jnp.linalg.norm(agg_output, axis=1, keepdims=True), 1e-12)
    agg_output = agg_output / norm
    # dropout_rate = 0.0 -> identity
    return agg_output

if __name__ == "__main__":
    import jax
    _d = setup_inputs()
    print(jax.jit(kernel)(*tuple(_d.values())))

</pallas_src>

<mosaic_0001>
#map = affine_map<(d0, d1) -> (0, 0)>
#map1 = affine_map<(d0, d1) -> (0, 0, 0, 0)>
#map2 = affine_map<(d0, d1) -> (0, 0, 0)>
module attributes {stable_mosaic.version = 14 : i64} {
  func.func @sc_kernel(%arg0: i32, %arg1: i32, %arg2: memref<10000x128xf32, #tpu.memory_space<hbm>>, %arg3: memref<32x160x1x64xi32, #tpu.memory_space<hbm>>, %arg4: memref<32x160x1x64xi32, #tpu.memory_space<hbm>>, %arg5: memref<32x160x1x64xf32, #tpu.memory_space<hbm>>, %arg6: memref<10112x128xf32, #tpu.memory_space<hbm>>, %arg7: memref<2x10112x128xf32, #tpu.memory_space<hbm>>, %arg8: memref<4x1x64xi32, #tpu.memory_space<vmem>>, %arg9: memref<4x1x64xi32, #tpu.memory_space<vmem>>, %arg10: memref<4x1x64xi32, #tpu.memory_space<vmem>>, %arg11: memref<4x1x64xi32, #tpu.memory_space<vmem>>, %arg12: memref<4x1x64xf32, #tpu.memory_space<vmem>>, %arg13: memref<4x1x64xf32, #tpu.memory_space<vmem>>, %arg14: memref<64x128xf32, #tpu.memory_space<vmem>>, %arg15: memref<64x128xf32, #tpu.memory_space<vmem>>, %arg16: memref<64x128xf32, #tpu.memory_space<vmem>>, %arg17: memref<64x128xf32, #tpu.memory_space<vmem>>, %arg18: memref<10112x128xf32, #tpu.memory_space<vmem_shared>>, %arg19: memref<!tpu.dma_semaphore, #tpu.memory_space<semaphore_mem>>, %arg20: memref<!tpu.dma_semaphore, #tpu.memory_space<semaphore_mem>>, %arg21: memref<!tpu.dma_semaphore, #tpu.memory_space<semaphore_mem>>, %arg22: memref<!tpu.dma_semaphore, #tpu.memory_space<semaphore_mem>>, %arg23: memref<!tpu.dma_semaphore, #tpu.memory_space<semaphore_mem>>, %arg24: memref<!tpu.dma_semaphore, #tpu.memory_space<semaphore_mem>>, %arg25: memref<!tpu.dma_semaphore, #tpu.memory_space<semaphore_mem>>, %arg26: memref<!tpu.dma_semaphore, #tpu.memory_space<semaphore_mem>>, %arg27: memref<!tpu.dma_semaphore, #tpu.memory_space<semaphore_mem>>, %arg28: memref<!tpu.dma_semaphore, #tpu.memory_space<semaphore_mem>>, %arg29: memref<!tpu.dma_semaphore, #tpu.memory_space<semaphore_mem>>) attributes {dimension_semantics = [#tpu.dimension_semantics<core_parallel>, #tpu.dimension_semantics<subcore_parallel>], iteration_bounds = array<i64: 2, 16>, scalar_prefetch = 0 : i64, scratch_operands = 22 : i64, tpu.core_type = #tpu.core_type<sc_vector_subcore>, window_params = [{transform_indices = #map}, {transform_indices = #map1}, {transform_indices = #map1}, {transform_indices = #map1}, {transform_indices = #map}, {transform_indices = #map2}]} {
    %mul3A = arith.constant 2 : i32
    %mul3A_0 = arith.muli %arg1, %mul3A : i32
    %add3A = arith.addi %mul3A_0, %arg0 : i32
    %mul3A_1 = arith.constant 632 : i32
    %mul3A_2 = arith.muli %arg1, %mul3A_1 : i32
    %dma_start3A = arith.constant 0 : i32
    %dma_start3A_3 = tpu.memref_slice %arg18[%mul3A_2, %dma_start3A] : memref<10112x128xf32, #tpu.memory_space<vmem_shared>> -> memref<632x128xf32, #tpu.memory_space<vmem_shared>>
    %dma_start3A_4 = arith.constant 0 : i32
    %dma_start3A_5 = tpu.memref_slice %arg6[%mul3A_2, %dma_start3A_4] : memref<10112x128xf32, #tpu.memory_space<hbm>> -> memref<632x128xf32, #tpu.memory_space<hbm>>
    tpu.enqueue_dma source(%dma_start3A_5 : memref<632x128xf32, #tpu.memory_space<hbm>>) target(%dma_start3A_3 : memref<632x128xf32, #tpu.memory_space<vmem_shared>>) target_semaphore(%arg21 : memref<!tpu.dma_semaphore, #tpu.memory_space<semaphore_mem>>)
    %broadcast_in_dim3A = arith.constant 0 : i32
    %broadcast_in_dim3A_6 = vector.broadcast %broadcast_in_dim3A : i32 to vector<16xi32>
    %dma_start3A_7 = arith.constant 0 : i32
    %dma_start3A_8 = arith.constant 0 : i32
    %dma_start3A_9 = arith.constant 0 : i32
    %dma_start3A_10 = tpu.memref_slice %arg3[%add3A, %dma_start3A_7, %dma_start3A_8, %dma_start3A_9] : memref<32x160x1x64xi32, #tpu.memory_space<hbm>> -> memref<1x4x1x64xi32, #tpu.memory_space<hbm>>
    %dma_start3A_11 = tpu.memref_squeeze %dma_start3A_10 : memref<1x4x1x64xi32, #tpu.memory_space<hbm>> -> memref<4x1x64xi32, #tpu.memory_space<hbm>>
    %dma_start3A_12 = arith.constant 0 : i32
    %dma_start3A_13 = arith.constant 0 : i32
    %dma_start3A_14 = arith.constant 0 : i32
    %dma_start3A_15 = tpu.memref_slice %arg3[%add3A, %dma_start3A_12, %dma_start3A_13, %dma_start3A_14] : memref<32x160x1x64xi32, #tpu.memory_space<hbm>> -> memref<1x4x1x64xi32, #tpu.memory_space<hbm>>
    %dma_start3A_16 = tpu.memref_squeeze %dma_start3A_15 : memref<1x4x1x64xi32, #tpu.memory_space<hbm>> -> memref<4x1x64xi32, #tpu.memory_space<hbm>>
    tpu.enqueue_dma source(%dma_start3A_16 : memref<4x1x64xi32, #tpu.memory_space<hbm>>) target(%arg8 : memref<4x1x64xi32, #tpu.memory_space<vmem>>) target_semaphore(%arg19 : memref<!tpu.dma_semaphore, #tpu.memory_space<semaphore_mem>>)
    %dma_start3A_17 = arith.constant 0 : i32
    %dma_start3A_18 = arith.constant 0 : i32
    %dma_start3A_19 = arith.constant 0 : i32
    %dma_start3A_20 = tpu.memref_slice %arg4[%add3A, %dma_start3A_17, %dma_start3A_18, %dma_start3A_19] : memref<32x160x1x64xi32, #tpu.memory_space<hbm>> -> memref<1x4x1x64xi32, #tpu.memory_space<hbm>>
    %dma_start3A_21 = tpu.memref_squeeze %dma_start3A_20 : memref<1x4x1x64xi32, #tpu.memory_space<hbm>> -> memref<4x1x64xi32, #tpu.memory_space<hbm>>
    %dma_start3A_22 = arith.constant 0 : i32
    %dma_start3A_23 = arith.constant 0 : i32
    %dma_start3A_24 = arith.constant 0 : i32
    %dma_start3A_25 = tpu.memref_slice %arg4[%add3A, %dma_start3A_22, %dma_start3A_23, %dma_start3A_24] : memref<32x160x1x64xi32, #tpu.memory_space<hbm>> -> memref<1x4x1x64xi32, #tpu.memory_space<hbm>>
    %dma_start3A_26 = tpu.memref_squeeze %dma_start3A_25 : memref<1x4x1x64xi32, #tpu.memory_space<hbm>> -> memref<4x1x64xi32, #tpu.memory_space<hbm>>
    tpu.enqueue_dma source(%dma_start3A_26 : memref<4x1x64xi32, #tpu.memory_space<hbm>>) target(%arg10 : memref<4x1x64xi32, #tpu.memory_space<vmem>>) target_semaphore(%arg19 : memref<!tpu.dma_semaphore, #tpu.memory_space<semaphore_mem>>)
    %dma_start3A_27 = arith.constant 0 : i32
    %dma_start3A_28 = arith.constant 0 : i32
    %dma_start3A_29 = arith.constant 0 : i32
    %dma_start3A_30 = tpu.memref_slice %arg5[%add3A, %dma_start3A_27, %dma_start3A_28, %dma_start3A_29] : memref<32x160x1x64xf32, #tpu.memory_space<hbm>> -> memref<1x4x1x64xf32, #tpu.memory_space<hbm>>
    %dma_start3A_31 = tpu.memref_squeeze %dma_start3A_30 : memref<1x4x1x64xf32, #tpu.memory_space<hbm>> -> memref<4x1x64xf32, #tpu.memory_space<hbm>>
    %dma_start3A_32 = arith.constant 0 : i32
    %dma_start3A_33 = arith.constant 0 : i32
    %dma_start3A_34 = arith.constant 0 : i32
    %dma_start3A_35 = tpu.memref_slice %arg5[%add3A, %dma_start3A_32, %dma_start3A_33, %dma_start3A_34] : memref<32x160x1x64xf32, #tpu.memory_space<hbm>> -> memref<1x4x1x64xf32, #tpu.memory_space<hbm>>
    %dma_start3A_36 = tpu.memref_squeeze %dma_start3A_35 : memref<1x4x1x64xf32, #tpu.memory_space<hbm>> -> memref<4x1x64xf32, #tpu.memory_space<hbm>>
    tpu.enqueue_dma source(%dma_start3A_36 : memref<4x1x64xf32, #tpu.memory_space<hbm>>) target(%arg12 : memref<4x1x64xf32, #tpu.memory_space<vmem>>) target_semaphore(%arg19 : memref<!tpu.dma_semaphore, #tpu.memory_space<semaphore_mem>>)
    %dma_wait3A = arith.constant 0 : i32
    %dma_wait3A_37 = arith.constant 0 : i32
    %dma_wait3A_38 = arith.constant 0 : i32
    %dma_wait3A_39 = tpu.memref_slice %arg3[%add3A, %dma_wait3A, %dma_wait3A_37, %dma_wait3A_38] : memref<32x160x1x64xi32, #tpu.memory_space<hbm>> -> memref<1x4x1x64xi32, #tpu.memory_space<hbm>>
    %dma_wait3A_40 = tpu.memref_squeeze %dma_wait3A_39 : memref<1x4x1x64xi32, #tpu.memory_space<hbm>> -> memref<4x1x64xi32, #tpu.memory_space<hbm>>
    %dma_wait3A_41 = arith.constant 0 : i32
    %dma_wait3A_42 = arith.constant 0 : i32
    %dma_wait3A_43 = arith.constant 0 : i32
    %dma_wait3A_44 = tpu.memref_slice %arg3[%add3A, %dma_wait3A_41, %dma_wait3A_42, %dma_wait3A_43] : memref<32x160x1x64xi32, #tpu.memory_space<hbm>> -> memref<1x4x1x64xi32, #tpu.memory_space<hbm>>
    %dma_wait3A_45 = tpu.memref_squeeze %dma_wait3A_44 : memref<1x4x1x64xi32, #tpu.memory_space<hbm>> -> memref<4x1x64xi32, #tpu.memory_space<hbm>>
    tpu.wait_dma2 semaphore(%arg19 : memref<!tpu.dma_semaphore, #tpu.memory_space<semaphore_mem>>) src(%dma_wait3A_45 : memref<4x1x64xi32, #tpu.memory_space<hbm>>) dst(%arg8 : memref<4x1x64xi32, #tpu.memory_space<vmem>>)
    %dma_wait3A_46 = arith.constant 0 : i32
    %dma_wait3A_47 = arith.constant 0 : i32
    %dma_wait3A_48 = arith.constant 0 : i32
    %dma_wait3A_49 = tpu.memref_slice %arg4[%add3A, %dma_wait3A_46, %dma_wait3A_47, %dma_wait3A_48] : memref<32x160x1x64xi32, #tpu.memory_space<hbm>> -> memref<1x4x1x64xi32, #tpu.memory_space<hbm>>
    %dma_wait3A_50 = tpu.memref_squeeze %dma_wait3A_49 : memref<1x4x1x64xi32, #tpu.memory_space<hbm>> -> memref<4x1x64xi32, #tpu.memory_space<hbm>>
    %dma_wait3A_51 = arith.constant 0 : i32
    %dma_wait3A_52 = arith.constant 0 : i32
    %dma_wait3A_53 = arith.constant 0 : i32
    %dma_wait3A_54 = tpu.memref_slice %arg4[%add3A, %dma_wait3A_51, %dma_wait3A_52, %dma_wait3A_53] : memref<32x160x1x64xi32, #tpu.memory_space<hbm>> -> memref<1x4x1x64xi32, #tpu.memory_space<hbm>>
    %dma_wait3A_55 = tpu.memref_squeeze %dma_wait3A_54 : memref<1x4x1x64xi32, #tpu.memory_space<hbm>> -> memref<4x1x64xi32, #tpu.memory_space<hbm>>
    tpu.wait_dma2 semaphore(%arg19 : memref<!tpu.dma_semaphore, #tpu.memory_space<semaphore_mem>>) src(%dma_wait3A_55 : memref<4x1x64xi32, #tpu.memory_space<hbm>>) dst(%arg10 : memref<4x1x64xi32, #tpu.memory_space<vmem>>)
    %dma_wait3A_56 = arith.constant 0 : i32
    %dma_wait3A_57 = arith.constant 0 : i32
    %dma_wait3A_58 = arith.constant 0 : i32
    %dma_wait3A_59 = tpu.memref_slice %arg5[%add3A, %dma_wait3A_56, %dma_wait3A_57, %dma_wait3A_58] : memref<32x160x1x64xf32, #tpu.memory_space<hbm>> -> memref<1x4x1x64xf32, #tpu.memory_space<hbm>>
    %dma_wait3A_60 = tpu.memref_squeeze %dma_wait3A_59 : memref<1x4x1x64xf32, #tpu.memory_space<hbm>> -> memref<4x1x64xf32, #tpu.memory_space<hbm>>
    %dma_wait3A_61 = arith.constant 0 : i32
    %dma_wait3A_62 = arith.constant 0 : i32
    %dma_wait3A_63 = arith.constant 0 : i32
    %dma_wait3A_64 = tpu.memref_slice %arg5[%add3A, %dma_wait3A_61, %dma_wait3A_62, %dma_wait3A_63] : memref<32x160x1x64xf32, #tpu.memory_space<hbm>> -> memref<1x4x1x64xf32, #tpu.memory_space<hbm>>
    %dma_wait3A_65 = tpu.memref_squeeze %dma_wait3A_64 : memref<1x4x1x64xf32, #tpu.memory_space<hbm>> -> memref<4x1x64xf32, #tpu.memory_space<hbm>>
    tpu.wait_dma2 semaphore(%arg19 : memref<!tpu.dma_semaphore, #tpu.memory_space<semaphore_mem>>) src(%dma_wait3A_65 : memref<4x1x64xf32, #tpu.memory_space<hbm>>) dst(%arg12 : memref<4x1x64xf32, #tpu.memory_space<vmem>>)
    %dma_wait3A_66 = arith.constant 0 : i32
    %dma_wait3A_67 = tpu.memref_slice %arg18[%mul3A_2, %dma_wait3A_66] : memref<10112x128xf32, #tpu.memory_space<vmem_shared>> -> memref<632x128xf32, #tpu.memory_space<vmem_shared>>
    %dma_wait3A_68 = arith.constant 0 : i32
    %dma_wait3A_69 = tpu.memref_slice %arg6[%mul3A_2, %dma_wait3A_68] : memref<10112x128xf32, #tpu.memory_space<hbm>> -> memref<632x128xf32, #tpu.memory_space<hbm>>
    tpu.wait_dma2 semaphore(%arg21 : memref<!tpu.dma_semaphore, #tpu.memory_space<semaphore_mem>>) src(%dma_wait3A_69 : memref<632x128xf32, #tpu.memory_space<hbm>>) dst(%dma_wait3A_67 : memref<632x128xf32, #tpu.memory_space<vmem_shared>>)
    %barrier3A = arith.constant 0 : index
    tpu.barrier barrier_id(%barrier3A)
    %dma_start3A_70 = arith.constant 0 : i32
    %dma_start3A_71 = arith.constant 0 : i32
    %dma_start3A_72 = arith.constant 0 : i32
    %dma_start3A_73 = tpu.memref_slice %arg8[%dma_start3A_70, %dma_start3A_71, %dma_start3A_72] : memref<4x1x64xi32, #tpu.memory_space<vmem>> -> memref<1x1x64xi32, #tpu.memory_space<vmem>>
    %dma_start3A_74 = tpu.memref_squeeze %dma_start3A_73 : memref<1x1x64xi32, #tpu.memory_space<vmem>> -> memref<64xi32, #tpu.memory_space<vmem>>
    %dma_start3A_75 = arith.constant 0 : i32
    %dma_start3A_76 = arith.constant 0 : i32
    %dma_start3A_77 = tpu.memref_slice %arg2[%dma_start3A_75, %dma_start3A_76] : memref<10000x128xf32, #tpu.memory_space<hbm>> -> memref<10000x128xf32, #tpu.memory_space<hbm>>
    tpu.enqueue_indirect_dma source(%dma_start3A_77 : memref<10000x128xf32, #tpu.memory_space<hbm>>) target(%arg14 : memref<64x128xf32, #tpu.memory_space<vmem>>) offsets(%dma_start3A_74 : memref<64xi32, #tpu.memory_space<vmem>>) semaphore(%arg22 : memref<!tpu.dma_semaphore, #tpu.memory_space<semaphore_mem>>)
    %dma_start3A_78 = arith.constant 1 : i32
    %dma_start3A_79 = arith.constant 0 : i32
    %dma_start3A_80 = arith.constant 0 : i32
    %dma_start3A_81 = tpu.memref_slice %arg8[%dma_start3A_78, %dma_start3A_79, %dma_start3A_80] : memref<4x1x64xi32, #tpu.memory_space<vmem>> -> memref<1x1x64xi32, #tpu.memory_space<vmem>>
    %dma_start3A_82 = tpu.memref_squeeze %dma_start3A_81 : memref<1x1x64xi32, #tpu.memory_space<vmem>> -> memref<64xi32, #tpu.memory_space<vmem>>
    %dma_start3A_83 = arith.constant 0 : i32
    %dma_start3A_84 = arith.constant 0 : i32
    %dma_start3A_85 = tpu.memref_slice %arg2[%dma_start3A_83, %dma_start3A_84] : memref<10000x128xf32, #tpu.memory_space<hbm>> -> memref<10000x128xf32, #tpu.memory_space<hbm>>
    tpu.enqueue_indirect_dma source(%dma_start3A_85 : memref<10000x128xf32, #tpu.memory_space<hbm>>) target(%arg15 : memref<64x128xf32, #tpu.memory_space<vmem>>) offsets(%dma_start3A_82 : memref<64xi32, #tpu.memory_space<vmem>>) semaphore(%arg23 : memref<!tpu.dma_semaphore, #tpu.memory_space<semaphore_mem>>)
    %scan3A = arith.constant 0 : i32
    %scan3A_86 = arith.constant 0 : i32
    %scan3A_87 = arith.constant 20 : i32
    %scan3A_88 = arith.addi %scan3A_86, %scan3A_87 : i32
    %scan3A_89 = arith.constant 1 : i32
    scf.for %scan3A_109 = %scan3A_86 to %scan3A_88 step %scan3A_89  : i32 {
      %mul3A_110 = arith.constant 8 : i32
      %mul3A_111 = arith.muli %mul3A_110, %scan3A_109 : i32
      %add3A_112 = arith.constant 0 : i32
      %add3A_113 = arith.addi %mul3A_111, %add3A_112 : i32
      %dma_wait3A_114 = arith.constant 0 : i32
      %dma_wait3A_115 = arith.constant 0 : i32
      %dma_wait3A_116 = arith.constant 0 : i32
      %dma_wait3A_117 = tpu.memref_slice %arg8[%dma_wait3A_114, %dma_wait3A_115, %dma_wait3A_116] : memref<4x1x64xi32, #tpu.memory_space<vmem>> -> memref<1x1x64xi32, #tpu.memory_space<vmem>>
      %dma_wait3A_118 = tpu.memref_squeeze %dma_wait3A_117 : memref<1x1x64xi32, #tpu.memory_space<vmem>> -> memref<64xi32, #tpu.memory_space<vmem>>
      %dma_wait3A_119 = arith.constant 0 : i32
      %dma_wait3A_120 = arith.constant 0 : i32
      %dma_wait3A_121 = tpu.memref_slice %arg2[%dma_wait3A_119, %dma_wait3A_120] : memref<10000x128xf32, #tpu.memory_space<hbm>> -> memref<10000x128xf32, #tpu.memory_space<hbm>>
      tpu.wait_indirect_dma semaphore(%arg22 : memref<!tpu.dma_semaphore, #tpu.memory_space<semaphore_mem>>) src(%dma_wait3A_121 : memref<10000x128xf32, #tpu.memory_space<hbm>>) dst(%arg14 : memref<64x128xf32, #tpu.memory_space<vmem>>)
      %ge3A = arith.constant 2 : i32
      %ge3A_122 = arith.cmpi sge, %add3A_113, %ge3A : i32
      %convert_element_type3A = arith.extui %ge3A_122 : i1 to i32
      %cond3A = arith.constant 0 : i32
      %cond3A_123 = arith.cmpi ne, %convert_element_type3A, %cond3A : i32
      scf.if %cond3A_123 {
        %dma_wait3A_482 = arith.constant 0 : i32
        %dma_wait3A_483 = arith.constant 0 : i32
        %dma_wait3A_484 = arith.constant 0 : i32
        %dma_wait3A_485 = tpu.memref_slice %arg10[%dma_wait3A_482, %dma_wait3A_483, %dma_wait3A_484] : memref<4x1x64xi32, #tpu.memory_space<vmem>> -> memref<1x1x64xi32, #tpu.memory_space<vmem>>
        %dma_wait3A_486 = tpu.memref_squeeze %dma_wait3A_485 : memref<1x1x64xi32, #tpu.memory_space<vmem>> -> memref<64xi32, #tpu.memory_space<vmem>>
        %dma_wait3A_487 = arith.constant 0 : i32
        %dma_wait3A_488 = arith.constant 0 : i32
        %dma_wait3A_489 = tpu.memref_slice %arg18[%dma_wait3A_487, %dma_wait3A_488] : memref<10112x128xf32, #tpu.memory_space<vmem_shared>> -> memref<10112x128xf32, #tpu.memory_space<vmem_shared>>
        tpu.wait_indirect_dma semaphore(%arg28 : memref<!tpu.dma_semaphore, #tpu.memory_space<semaphore_mem>>) src(%arg16 : memref<64x128xf32, #tpu.memory_space<vmem>>) dst(%dma_wait3A_489 : memref<10112x128xf32, #tpu.memory_space<vmem_shared>>)
      } else {
      }
      %add3A_124 = arith.constant 2 : i32
      %add3A_125 = arith.addi %add3A_113, %add3A_124 : i32
      %lt3A = arith.constant 160 : i32
      %lt3A_126 = arith.cmpi slt, %add3A_125, %lt3A : i32
      %convert_element_type3A_127 = arith.extui %lt3A_126 : i1 to i32
      %cond3A_128 = arith.constant 0 : i32
      %cond3A_129 = arith.cmpi ne, %convert_element_type3A_127, %cond3A_128 : i32
      scf.if %cond3A_129 {
        %dma_start3A_482 = arith.constant 2 : i32
        %dma_start3A_483 = arith.constant 0 : i32
        %dma_start3A_484 = arith.constant 0 : i32
        %dma_start3A_485 = tpu.memref_slice %arg8[%dma_start3A_482, %dma_start3A_483, %dma_start3A_484] : memref<4x1x64xi32, #tpu.memory_space<vmem>> -> memref<1x1x64xi32, #tpu.memory_space<vmem>>
        %dma_start3A_486 = tpu.memref_squeeze %dma_start3A_485 : memref<1x1x64xi32, #tpu.memory_space<vmem>> -> memref<64xi32, #tpu.memory_space<vmem>>
        %dma_start3A_487 = arith.constant 0 : i32
        %dma_start3A_488 = arith.constant 0 : i32
        %dma_start3A_489 = tpu.memref_slice %arg2[%dma_start3A_487, %dma_start3A_488] : memref<10000x128xf32, #tpu.memory_space<hbm>> -> memref<10000x128xf32, #tpu.memory_space<hbm>>
        tpu.enqueue_indirect_dma source(%dma_start3A_489 : memref<10000x128xf32, #tpu.memory_space<hbm>>) target(%arg16 : memref<64x128xf32, #tpu.memory_space<vmem>>) offsets(%dma_start3A_486 : memref<64xi32, #tpu.memory_space<vmem>>) semaphore(%arg24 : memref<!tpu.dma_semaphore, #tpu.memory_space<semaphore_mem>>)
      } else {
      }
      %broadcast_in_dim3A_130 = arith.constant 0 : i32
      %broadcast_in_dim3A_131 = vector.broadcast %broadcast_in_dim3A_130 : i32 to vector<16xi32>
      %scan3A_132 = arith.constant 0 : i32
      %scan3A_133 = arith.constant 0 : i32
      %scan3A_134 = arith.constant 64 : i32
      %scan3A_135 = arith.addi %scan3A_133, %scan3A_134 : i32
      %scan3A_136 = arith.constant 4 : i32
      scf.for %scan3A_482 = %scan3A_133 to %scan3A_135 step %scan3A_136  : i32 {
        %broadcast_in_dim3A_483 = vector.broadcast %scan3A_482 : i32 to vector<16xi32>
        %gather3A = tpu.vector_load_idx %arg12[%broadcast_in_dim3A_131, %broadcast_in_dim3A_6, %broadcast_in_dim3A_483] : memref<4x1x64xf32, #tpu.memory_space<vmem>>[vector<16xi32>, vector<16xi32>, vector<16xi32>], vector<16xf32>,
        %get3A = arith.index_cast %scan3A_482 : i32 to index
        %get3A_484 = arith.constant 0 : index
        %get3A_485 = tpu.vector_load %arg14[%get3A, %get3A_484] {strides = array<i32>} : memref<64x128xf32, #tpu.memory_space<vmem>>, vector<16xf32>,
        %mul3A_486 = arith.mulf %get3A_485, %gather3A : vector<16xf32>
        %swap3A = arith.index_cast %scan3A_482 : i32 to index
        %swap3A_487 = arith.constant 0 : index
        %swap3A_488 = tpu.vector_load %arg14[%swap3A, %swap3A_487] {strides = array<i32>} : memref<64x128xf32, #tpu.memory_space<vmem>>, vector<16xf32>,
        tpu.vector_store %arg14[%swap3A, %swap3A_487], %mul3A_486 {strides = array<i32>} : memref<64x128xf32, #tpu.memory_space<vmem>>, vector<16xf32>,
        %get3A_489 = arith.index_cast %scan3A_482 : i32 to index
        %get3A_490 = arith.constant 16 : index
        %get3A_491 = tpu.vector_load %arg14[%get3A_489, %get3A_490] {strides = array<i32>} : memref<64x128xf32, #tpu.memory_space<vmem>>, vector<16xf32>,
        %mul3A_492 = arith.mulf %get3A_491, %gather3A : vector<16xf32>
        %swap3A_493 = arith.index_cast %scan3A_482 : i32 to index
        %swap3A_494 = arith.constant 16 : index
        %swap3A_495 = tpu.vector_load %arg14[%swap3A_493, %swap3A_494] {strides = array<i32>} : memref<64x128xf32, #tpu.memory_space<vmem>>, vector<16xf32>,
        tpu.vector_store %arg14[%swap3A_493, %swap3A_494], %mul3A_492 {strides = array<i32>} : memref<64x128xf32, #tpu.memory_space<vmem>>, vector<16xf32>,
        %get3A_496 = arith.index_cast %scan3A_482 : i32 to index
        %get3A_497 = arith.constant 32 : index
        %get3A_498 = tpu.vector_load %arg14[%get3A_496, %get3A_497] {strides = array<i32>} : memref<64x128xf32, #tpu.memory_space<vmem>>, vector<16xf32>,
        %mul3A_499 = arith.mulf %get3A_498, %gather3A : vector<16xf32>
        %swap3A_500 = arith.index_cast %scan3A_482 : i32 to index
        %swap3A_501 = arith.constant 32 : index
        %swap3A_502 = tpu.vector_load %arg14[%swap3A_500, %swap3A_501] {strides = array<i32>} : memref<64x128xf32, #tpu.memory_space<vmem>>, vector<16xf32>,
        tpu.vector_store %arg14[%swap3A_500, %swap3A_501], %mul3A_499 {strides = array<i32>} : memref<64x128xf32, #tpu.memory_space<vmem>>, vector<16xf32>,
        %get3A_503 = arith.index_cast %scan3A_482 : i32 to index
        %get3A_504 = arith.constant 48 : index
        %get3A_505 = tpu.vector_load %arg14[%get3A_503, %get3A_504] {strides = array<i32>} : memref<64x128xf32, #tpu.memory_space<vmem>>, vector<16xf32>,
        %mul3A_506 = arith.mulf %get3A_505, %gather3A : vector<16xf32>
        %swap3A_507 = arith.index_cast %scan3A_482 : i32 to index
        %swap3A_508 = arith.constant 48 : index
        %swap3A_509 = tpu.vector_load %arg14[%swap3A_507, %swap3A_508] {strides = array<i32>} : memref<64x128xf32, #tpu.memory_space<vmem>>, vector<16xf32>,
        tpu.vector_store %arg14[%swap3A_507, %swap3A_508], %mul3A_506 {strides = array<i32>} : memref<64x128xf32, #tpu.memory_space<vmem>>, vector<16xf32>,
        %get3A_510 = arith.index_cast %scan3A_482 : i32 to index
        %get3A_511 = arith.constant 64 : index
        %get3A_512 = tpu.vector_load %arg14[%get3A_510, %get3A_511] {strides = array<i32>} : memref<64x128xf32, #tpu.memory_space<vmem>>, vector<16xf32>,
        %mul3A_513 = arith.mulf %get3A_512, %gather3A : vector<16xf32>
        %swap3A_514 = arith.index_cast %scan3A_482 : i32 to index
        %swap3A_515 = arith.constant 64 : index
        %swap3A_516 = tpu.vector_load %arg14[%swap3A_514, %swap3A_515] {strides = array<i32>} : memref<64x128xf32, #tpu.memory_space<vmem>>, vector<16xf32>,
        tpu.vector_store %arg14[%swap3A_514, %swap3A_515], %mul3A_513 {strides = array<i32>} : memref<64x128xf32, #tpu.memory_space<vmem>>, vector<16xf32>,
        %get3A_517 = arith.index_cast %scan3A_482 : i32 to index
        %get3A_518 = arith.constant 80 : index
        %get3A_519 = tpu.vector_load %arg14[%get3A_517, %get3A_518] {strides = array<i32>} : memref<64x128xf32, #tpu.memory_space<vmem>>, vector<16xf32>,
        %mul3A_520 = arith.mulf %get3A_519, %gather3A : vector<16xf32>
        %swap3A_521 = arith.index_cast %scan3A_482 : i32 to index
        %swap3A_522 = arith.constant 80 : index
        %swap3A_523 = tpu.vector_load %arg14[%swap3A_521, %swap3A_522] {strides = array<i32>} : memref<64x128xf32, #tpu.memory_space<vmem>>, vector<16xf32>,
        tpu.vector_store %arg14[%swap3A_521, %swap3A_522], %mul3A_520 {strides = array<i32>} : memref<64x128xf32, #tpu.memory_space<vmem>>, vector<16xf32>,
        %get3A_524 = arith.index_cast %scan3A_482 : i32 to index
        %get3A_525 = arith.constant 96 : index
        %get3A_526 = tpu.vector_load %arg14[%get3A_524, %get3A_525] {strides = array<i32>} : memref<64x128xf32, #tpu.memory_space<vmem>>, vector<16xf32>,
        %mul3A_527 = arith.mulf %get3A_526, %gather3A : vector<16xf32>
        %swap3A_528 = arith.index_cast %scan3A_482 : i32 to index
        %swap3A_529 = arith.constant 96 : index
        %swap3A_530 = tpu.vector_load %arg14[%swap3A_528, %swap3A_529] {strides = array<i32>} : memref<64x128xf32, #tpu.memory_space<vmem>>, vector<16xf32>,
        tpu.vector_store %arg14[%swap3A_528, %swap3A_529], %mul3A_527 {strides = array<i32>} : memref<64x128xf32, #tpu.memory_space<vmem>>, vector<16xf32>,
        %get3A_531 = arith.index_cast %scan3A_482 : i32 to index
        %get3A_532 = arith.constant 112 : index
        %get3A_533 = tpu.vector_load %arg14[%get3A_531, %get3A_532] {strides = array<i32>} : memref<64x128xf32, #tpu.memory_space<vmem>>, vector<16xf32>,
        %mul3A_534 = arith.mulf %get3A_533, %gather3A : vector<16xf32>
        %swap3A_535 = arith.index_cast %scan3A_482 : i32 to index
        %swap3A_536 = arith.constant 112 : index
        %swap3A_537 = tpu.vector_load %arg14[%swap3A_535, %swap3A_536] {strides = array<i32>} : memref<64x128xf32, #tpu.memory_space<vmem>>, vector<16xf32>,
        tpu.vector_store %arg14[%swap3A_535, %swap3A_536], %mul3A_534 {strides = array<i32>} : memref<64x128xf32, #tpu.memory_space<vmem>>, vector<16xf32>,
        %scan3A_538 = arith.constant 1 : i32
        %scan3A_539 = arith.addi %scan3A_482, %scan3A_538 : i32
        %broadcast_in_dim3A_540 = vector.broadcast %scan3A_539 : i32 to vector<16xi32>
        %gather3A_541 = tpu.vector_load_idx %arg12[%broadcast_in_dim3A_131, %broadcast_in_dim3A_6, %broadcast_in_dim3A_540] : memref<4x1x64xf32, #tpu.memory_space<vmem>>[vector<16xi32>, vector<16xi32>, vector<16xi32>], vector<16xf32>,
        %get3A_542 = arith.index_cast %scan3A_539 : i32 to index
        %get3A_543 = arith.constant 0 : index
        %get3A_544 = tpu.vector_load %arg14[%get3A_542, %get3A_543] {strides = array<i32>} : memref<64x128xf32, #tpu.memory_space<vmem>>, vector<16xf32>,
        %mul3A_545 = arith.mulf %get3A_544, %gather3A_541 : vector<16xf32>
        %swap3A_546 = arith.index_cast %scan3A_539 : i32 to index
        %swap3A_547 = arith.constant 0 : index
        %swap3A_548 = tpu.vector_load %arg14[%swap3A_546, %swap3A_547] {strides = array<i32>} : memref<64x128xf32, #tpu.memory_space<vmem>>, vector<16xf32>,
        tpu.vector_store %arg14[%swap3A_546, %swap3A_547], %mul3A_545 {strides = array<i32>} : memref<64x128xf32, #tpu.memory_space<vmem>>, vector<16xf32>,
        %get3A_549 = arith.index_cast %scan3A_539 : i32 to index
        %get3A_550 = arith.constant 16 : index
        %get3A_551 = tpu.vector_load %arg14[%get3A_549, %get3A_550] {strides = array<i32>} : memref<64x128xf32, #tpu.memory_space<vmem>>, vector<16xf32>,
        %mul3A_552 = arith.mulf %get3A_551, %gather3A_541 : vector<16xf32>
        %swap3A_553 = arith.index_cast %scan3A_539 : i32 to index
        %swap3A_554 = arith.constant 16 : index
        %swap3A_555 = tpu.vector_load %arg14[%swap3A_553, %swap3A_554] {strides = array<i32>} : memref<64x128xf32, #tpu.memory_space<vmem>>, vector<16xf32>,
        tpu.vector_store %arg14[%swap3A_553, %swap3A_554], %mul3A_552 {strides = array<i32>} : memref<64x128xf32, #tpu.memory_space<vmem>>, vector<16xf32>,
        %get3A_556 = arith.index_cast %scan3A_539 : i32 to index
        %get3A_557 = arith.constant 32 : index
        %get3A_558 = tpu.vector_load %arg14[%get3A_556, %get3A_557] {strides = array<i32>} : memref<64x128xf32, #tpu.memory_space<vmem>>, vector<16xf32>,
        %mul3A_559 = arith.mulf %get3A_558, %gather3A_541 : vector<16xf32>
        %swap3A_560 = arith.index_cast %scan3A_539 : i32 to index
        %swap3A_561 = arith.constant 32 : index
        %swap3A_562 = tpu.vector_load %arg14[%swap3A_560, %swap3A_561] {strides = array<i32>} : memref<64x128xf32, #tpu.memory_space<vmem>>, vector<16xf32>,
        tpu.vector_store %arg14[%swap3A_560, %swap3A_561], %mul3A_559 {strides = array<i32>} : memref<64x128xf32, #tpu.memory_space<vmem>>, vector<16xf32>,
        %get3A_563 = arith.index_cast %scan3A_539 : i32 to index
        %get3A_564 = arith.constant 48 : index
        %get3A_565 = tpu.vector_load %arg14[%get3A_563, %get3A_564] {strides = array<i32>} : memref<64x128xf32, #tpu.memory_space<vmem>>, vector<16xf32>,
        %mul3A_566 = arith.mulf %get3A_565, %gather3A_541 : vector<16xf32>
        %swap3A_567 = arith.index_cast %scan3A_539 : i32 to index
        %swap3A_568 = arith.constant 48 : index
        %swap3A_569 = tpu.vector_load %arg14[%swap3A_567, %swap3A_568] {strides = array<i32>} : memref<64x128xf32, #tpu.memory_space<vmem>>, vector<16xf32>,
        tpu.vector_store %arg14[%swap3A_567, %swap3A_568], %mul3A_566 {strides = array<i32>} : memref<64x128xf32, #tpu.memory_space<vmem>>, vector<16xf32>,
        %get3A_570 = arith.index_cast %scan3A_539 : i32 to index
        %get3A_571 = arith.constant 64 : index
        %get3A_572 = tpu.vector_load %arg14[%get3A_570, %get3A_571] {strides = array<i32>} : memref<64x128xf32, #tpu.memory_space<vmem>>, vector<16xf32>,
        %mul3A_573 = arith.mulf %get3A_572, %gather3A_541 : vector<16xf32>
        %swap3A_574 = arith.index_cast %scan3A_539 : i32 to index
        %swap3A_575 = arith.constant 64 : index
        %swap3A_576 = tpu.vector_load %arg14[%swap3A_574, %swap3A_575] {strides = array<i32>} : memref<64x128xf32, #tpu.memory_space<vmem>>, vector<16xf32>,
        tpu.vector_store %arg14[%swap3A_574, %swap3A_575], %mul3A_573 {strides = array<i32>} : memref<64x128xf32, #tpu.memory_space<vmem>>, vector<16xf32>,
        %get3A_577 = arith.index_cast %scan3A_539 : i32 to index
        %get3A_578 = arith.constant 80 : index
        %get3A_579 = tpu.vector_load %arg14[%get3A_577, %get3A_578] {strides = array<i32>} : memref<64x128xf32, #tpu.memory_space<vmem>>, vector<16xf32>,
        %mul3A_580 = arith.mulf %get3A_579, %gather3A_541 : vector<16xf32>
        %swap3A_581 = arith.index_cast %scan3A_539 : i32 to index
        %swap3A_582 = arith.constant 80 : index
        %swap3A_583 = tpu.vector_load %arg14[%swap3A_581, %swap3A_582] {strides = array<i32>} : memref<64x128xf32, #tpu.memory_space<vmem>>, vector<16xf32>,
        tpu.vector_store %arg14[%swap3A_581, %swap3A_582], %mul3A_580 {strides = array<i32>} : memref<64x128xf32, #tpu.memory_space<vmem>>, vector<16xf32>,
        %get3A_584 = arith.index_cast %scan3A_539 : i32 to index
        %get3A_585 = arith.constant 96 : index
        %get3A_586 = tpu.vector_load %arg14[%get3A_584, %get3A_585] {strides = array<i32>} : memref<64x128xf32, #tpu.memory_space<vmem>>, vector<16xf32>,
        %mul3A_587 = arith.mulf %get3A_586, %gather3A_541 : vector<16xf32>
        %swap3A_588 = arith.index_cast %scan3A_539 : i32 to index
        %swap3A_589 = arith.constant 96 : index
        %swap3A_590 = tpu.vector_load %arg14[%swap3A_588, %swap3A_589] {strides = array<i32>} : memref<64x128xf32, #tpu.memory_space<vmem>>, vector<16xf32>,
        tpu.vector_store %arg14[%swap3A_588, %swap3A_589], %mul3A_587 {strides = array<i32>} : memref<64x128xf32, #tpu.memory_space<vmem>>, vector<16xf32>,
        %get3A_591 = arith.index_cast %scan3A_539 : i32 to index
        %get3A_592 = arith.constant 112 : index
        %get3A_593 = tpu.vector_load %arg14[%get3A_591, %get3A_592] {strides = array<i32>} : memref<64x128xf32, #tpu.memory_space<vmem>>, vector<16xf32>,
        %mul3A_594 = arith.mulf %get3A_593, %gather3A_541 : vector<16xf32>
        %swap3A_595 = arith.index_cast %scan3A_539 : i32 to index
        %swap3A_596 = arith.constant 112 : index
        %swap3A_597 = tpu.vector_load %arg14[%swap3A_595, %swap3A_596] {strides = array<i32>} : memref<64x128xf32, #tpu.memory_space<vmem>>, vector<16xf32>,
        tpu.vector_store %arg14[%swap3A_595, %swap3A_596], %mul3A_594 {strides = array<i32>} : memref<64x128xf32, #tpu.memory_space<vmem>>, vector<16xf32>,
        %scan3A_598 = arith.constant 2 : i32
        %scan3A_599 = arith.addi %scan3A_482, %scan3A_598 : i32
        %broadcast_in_dim3A_600 = vector.broadcast %scan3A_599 : i32 to vector<16xi32>
        %gather3A_601 = tpu.vector_load_idx %arg12[%broadcast_in_dim3A_131, %broadcast_in_dim3A_6, %broadcast_in_dim3A_600] : memref<4x1x64xf32, #tpu.memory_space<vmem>>[vector<16xi32>, vector<16xi32>, vector<16xi32>], vector<16xf32>,
        %get3A_602 = arith.index_cast %scan3A_599 : i32 to index
        %get3A_603 = arith.constant 0 : index
        %get3A_604 = tpu.vector_load %arg14[%get3A_602, %get3A_603] {strides = array<i32>} : memref<64x128xf32, #tpu.memory_space<vmem>>, vector<16xf32>,
        %mul3A_605 = arith.mulf %get3A_604, %gather3A_601 : vector<16xf32>
        %swap3A_606 = arith.index_cast %scan3A_599 : i32 to index
        %swap3A_607 = arith.constant 0 : index
        %swap3A_608 = tpu.vector_load %arg14[%swap3A_606, %swap3A_607] {strides = array<i32>} : memref<64x128xf32, #tpu.memory_space<vmem>>, vector<16xf32>,
        tpu.vector_store %arg14[%swap3A_606, %swap3A_607], %mul3A_605 {strides = array<i32>} : memref<64x128xf32, #tpu.memory_space<vmem>>, vector<16xf32>,
        %get3A_609 = arith.index_cast %scan3A_599 : i32 to index
        %get3A_610 = arith.constant 16 : index
        %get3A_611 = tpu.vector_load %arg14[%get3A_609, %get3A_610] {strides = array<i32>} : memref<64x128xf32, #tpu.memory_space<vmem>>, vector<16xf32>,
        %mul3A_612 = arith.mulf %get3A_611, %gather3A_601 : vector<16xf32>
        %swap3A_613 = arith.index_cast %scan3A_599 : i32 to index
        %swap3A_614 = arith.constant 16 : index
        %swap3A_615 = tpu.vector_load %arg14[%swap3A_613, %swap3A_614] {strides = array<i32>} : memref<64x128xf32, #tpu.memory_space<vmem>>, vector<16xf32>,
        tpu.vector_store %arg14[%swap3A_613, %swap3A_614], %mul3A_612 {strides = array<i32>} : memref<64x128xf32, #tpu.memory_space<vmem>>, vector<16xf32>,
        %get3A_616 = arith.index_cast %scan3A_599 : i32 to index
        %get3A_617 = arith.constant 32 : index
        %get3A_618 = tpu.vector_load %arg14[%get3A_616, %get3A_617] {strides = array<i32>} : memref<64x128xf32, #tpu.memory_space<vmem>>, vector<16xf32>,
        %mul3A_619 = arith.mulf %get3A_618, %gather3A_601 : vector<16xf32>
        %swap3A_620 = arith.index_cast %scan3A_599 : i32 to index
        %swap3A_621 = arith.constant 32 : index
        %swap3A_622 = tpu.vector_load %arg14[%swap3A_620, %swap3A_621] {strides = array<i32>} : memref<64x128xf32, #tpu.memory_space<vmem>>, vector<16xf32>,
        tpu.vector_store %arg14[%swap3A_620, %swap3A_621], %mul3A_619 {strides = array<i32>} : memref<64x128xf32, #tpu.memory_space<vmem>>, vector<16xf32>,
        %get3A_623 = arith.index_cast %scan3A_599 : i32 to index
        %get3A_624 = arith.constant 48 : index
        %get3A_625 = tpu.vector_load %arg14[%get3A_623, %get3A_624] {strides = array<i32>} : memref<64x128xf32, #tpu.memory_space<vmem>>, vector<16xf32>,
        %mul3A_626 = arith.mulf %get3A_625, %gather3A_601 : vector<16xf32>
        %swap3A_627 = arith.index_cast %scan3A_599 : i32 to index
        %swap3A_628 = arith.constant 48 : index
        %swap3A_629 = tpu.vector_load %arg14[%swap3A_627, %swap3A_628] {strides = array<i32>} : memref<64x128xf32, #tpu.memory_space<vmem>>, vector<16xf32>,
        tpu.vector_store %arg14[%swap3A_627, %swap3A_628], %mul3A_626 {strides = array<i32>} : memref<64x128xf32, #tpu.memory_space<vmem>>, vector<16xf32>,
        %get3A_630 = arith.index_cast %scan3A_599 : i32 to index
        %get3A_631 = arith.constant 64 : index
        %get3A_632 = tpu.vector_load %arg14[%get3A_630, %get3A_631] {strides = array<i32>} : memref<64x128xf32, #tpu.memory_space<vmem>>, vector<16xf32>,
        %mul3A_633 = arith.mulf %get3A_632, %gather3A_601 : vector<16xf32>
        %swap3A_634 = arith.index_cast %scan3A_599 : i32 to index
        %swap3A_635 = arith.constant 64 : index
        %swap3A_636 = tpu.vector_load %arg14[%swap3A_634, %swap3A_635] {strides = array<i32>} : memref<64x128xf32, #tpu.memory_space<vmem>>, vector<16xf32>,
        tpu.vector_store %arg14[%swap3A_634, %swap3A_635], %mul3A_633 {strides = array<i32>} : memref<64x128xf32, #tpu.memory_space<vmem>>, vector<16xf32>,
        %get3A_637 = arith.index_cast %scan3A_599 : i32 to index
        %get3A_638 = arith.constant 80 : index
        %get3A_639 = tpu.vector_load %arg14[%get3A_637, %get3A_638] {strides = array<i32>} : memref<64x128xf32, #tpu.memory_space<vmem>>, vector<16xf32>,
        %mul3A_640 = arith.mulf %get3A_639, %gather3A_601 : vector<16xf32>
        %swap3A_641 = arith.index_cast %scan3A_599 : i32 to index
        %swap3A_642 = arith.constant 80 : index
        %swap3A_643 = tpu.vector_load %arg14[%swap3A_641, %swap3A_642] {strides = array<i32>} : memref<64x128xf32, #tpu.memory_space<vmem>>, vector<16xf32>,
        tpu.vector_store %arg14[%swap3A_641, %swap3A_642], %mul3A_640 {strides = array<i32>} : memref<64x128xf32, #tpu.memory_space<vmem>>, vector<16xf32>,
        %get3A_644 = arith.index_cast %scan3A_599 : i32 to index
        %get3A_645 = arith.constant 96 : index
        %get3A_646 = tpu.vector_load %arg14[%get3A_644, %get3A_645] {strides = array<i32>} : memref<64x128xf32, #tpu.memory_space<vmem>>, vector<16xf32>,
        %mul3A_647 = arith.mulf %get3A_646, %gather3A_601 : vector<16xf32>
        %swap3A_648 = arith.index_cast %scan3A_599 : i32 to index
        %swap3A_649 = arith.constant 96 : index
        %swap3A_650 = tpu.vector_load %arg14[%swap3A_648, %swap3A_649] {strides = array<i32>} : memref<64x128xf32, #tpu.memory_space<vmem>>, vector<16xf32>,
        tpu.vector_store %arg14[%swap3A_648, %swap3A_649], %mul3A_647 {strides = array<i32>} : memref<64x128xf32, #tpu.memory_space<vmem>>, vector<16xf32>,
        %get3A_651 = arith.index_cast %scan3A_599 : i32 to index
        %get3A_652 = arith.constant 112 : index
        %get3A_653 = tpu.vector_load %arg14[%get3A_651, %get3A_652] {strides = array<i32>} : memref<64x128xf32, #tpu.memory_space<vmem>>, vector<16xf32>,
        %mul3A_654 = arith.mulf %get3A_653, %gather3A_601 : vector<16xf32>
        %swap3A_655 = arith.index_cast %scan3A_599 : i32 to index
        %swap3A_656 = arith.constant 112 : index
        %swap3A_657 = tpu.vector_load %arg14[%swap3A_655, %swap3A_656] {strides = array<i32>} : memref<64x128xf32, #tpu.memory_space<vmem>>, vector<16xf32>,
        tpu.vector_store %arg14[%swap3A_655, %swap3A_656], %mul3A_654 {strides = array<i32>} : memref<64x128xf32, #tpu.memory_space<vmem>>, vector<16xf32>,
        %scan3A_658 = arith.constant 3 : i32
        %scan3A_659 = arith.addi %scan3A_482, %scan3A_658 : i32
        %broadcast_in_dim3A_660 = vector.broadcast %scan3A_659 : i32 to vector<16xi32>
        %gather3A_661 = tpu.vector_load_idx %arg12[%broadcast_in_dim3A_131, %broadcast_in_dim3A_6, %broadcast_in_dim3A_660] : memref<4x1x64xf32, #tpu.memory_space<vmem>>[vector<16xi32>, vector<16xi32>, vector<16xi32>], vector<16xf32>,
        %get3A_662 = arith.index_cast %scan3A_659 : i32 to index
        %get3A_663 = arith.constant 0 : index
        %get3A_664 = tpu.vector_load %arg14[%get3A_662, %get3A_663] {strides = array<i32>} : memref<64x128xf32, #tpu.memory_space<vmem>>, vector<16xf32>,
        %mul3A_665 = arith.mulf %get3A_664, %gather3A_661 : vector<16xf32>
        %swap3A_666 = arith.index_cast %scan3A_659 : i32 to index
        %swap3A_667 = arith.constant 0 : index
        %swap3A_668 = tpu.vector_load %arg14[%swap3A_666, %swap3A_667] {strides = array<i32>} : memref<64x128xf32, #tpu.memory_space<vmem>>, vector<16xf32>,
        tpu.vector_store %arg14[%swap3A_666, %swap3A_667], %mul3A_665 {strides = array<i32>} : memref<64x128xf32, #tpu.memory_space<vmem>>, vector<16xf32>,
        %get3A_669 = arith.index_cast %scan3A_659 : i32 to index
        %get3A_670 = arith.constant 16 : index
        %get3A_671 = tpu.vector_load %arg14[%get3A_669, %get3A_670] {strides = array<i32>} : memref<64x128xf32, #tpu.memory_space<vmem>>, vector<16xf32>,
        %mul3A_672 = arith.mulf %get3A_671, %gather3A_661 : vector<16xf32>
        %swap3A_673 = arith.index_cast %scan3A_659 : i32 to index
        %swap3A_674 = arith.constant 16 : index
        %swap3A_675 = tpu.vector_load %arg14[%swap3A_673, %swap3A_674] {strides = array<i32>} : memref<64x128xf32, #tpu.memory_space<vmem>>, vector<16xf32>,
        tpu.vector_store %arg14[%swap3A_673, %swap3A_674], %mul3A_672 {strides = array<i32>} : memref<64x128xf32, #tpu.memory_space<vmem>>, vector<16xf32>,
        %get3A_676 = arith.index_cast %scan3A_659 : i32 to index
        %get3A_677 = arith.constant 32 : index
        %get3A_678 = tpu.vector_load %arg14[%get3A_676, %get3A_677] {strides = array<i32>} : memref<64x128xf32, #tpu.memory_space<vmem>>, vector<16xf32>,
        %mul3A_679 = arith.mulf %get3A_678, %gather3A_661 : vector<16xf32>
        %swap3A_680 = arith.index_cast %scan3A_659 : i32 to index
        %swap3A_681 = arith.constant 32 : index
        %swap3A_682 = tpu.vector_load %arg14[%swap3A_680, %swap3A_681] {strides = array<i32>} : memref<64x128xf32, #tpu.memory_space<vmem>>, vector<16xf32>,
        tpu.vector_store %arg14[%swap3A_680, %swap3A_681], %mul3A_679 {strides = array<i32>} : memref<64x128xf32, #tpu.memory_space<vmem>>, vector<16xf32>,
        %get3A_683 = arith.index_cast %scan3A_659 : i32 to index
        %get3A_684 = arith.constant 48 : index
        %get3A_685 = tpu.vector_load %arg14[%get3A_683, %get3A_684] {strides = array<i32>} : memref<64x128xf32, #tpu.memory_space<vmem>>, vector<16xf32>,
        %mul3A_686 = arith.mulf %get3A_685, %gather3A_661 : vector<16xf32>
        %swap3A_687 = arith.index_cast %scan3A_659 : i32 to index
        %swap3A_688 = arith.constant 48 : index
        %swap3A_689 = tpu.vector_load %arg14[%swap3A_687, %swap3A_688] {strides = array<i32>} : memref<64x128xf32, #tpu.memory_space<vmem>>, vector<16xf32>,
        tpu.vector_store %arg14[%swap3A_687, %swap3A_688], %mul3A_686 {strides = array<i32>} : memref<64x128xf32, #tpu.memory_space<vmem>>, vector<16xf32>,
        %get3A_690 = arith.index_cast %scan3A_659 : i32 to index
        %get3A_691 = arith.constant 64 : index
        %get3A_692 = tpu.vector_load %arg14[%get3A_690, %get3A_691] {strides = array<i32>} : memref<64x128xf32, #tpu.memory_space<vmem>>, vector<16xf32>,
        %mul3A_693 = arith.mulf %get3A_692, %gather3A_661 : vector<16xf32>
        %swap3A_694 = arith.index_cast %scan3A_659 : i32 to index
        %swap3A_695 = arith.constant 64 : index
        %swap3A_696 = tpu.vector_load %arg14[%swap3A_694, %swap3A_695] {strides = array<i32>} : memref<64x128xf32, #tpu.memory_space<vmem>>, vector<16xf32>,
        tpu.vector_store %arg14[%swap3A_694, %swap3A_695], %mul3A_693 {strides = array<i32>} : memref<64x128xf32, #tpu.memory_space<vmem>>, vector<16xf32>,
        %get3A_697 = arith.index_cast %scan3A_659 : i32 to index
        %get3A_698 = arith.constant 80 : index
        %get3A_699 = tpu.vector_load %arg14[%get3A_697, %get3A_698] {strides = array<i32>} : memref<64x128xf32, #tpu.memory_space<vmem>>, vector<16xf32>,
        %mul3A_700 = arith.mulf %get3A_699, %gather3A_661 : vector<16xf32>
        %swap3A_701 = arith.index_cast %scan3A_659 : i32 to index
        %swap3A_702 = arith.constant 80 : index
        %swap3A_703 = tpu.vector_load %arg14[%swap3A_701, %swap3A_702] {strides = array<i32>} : memref<64x128xf32, #tpu.memory_space<vmem>>, vector<16xf32>,
        tpu.vector_store %arg14[%swap3A_701, %swap3A_702], %mul3A_700 {strides = array<i32>} : memref<64x128xf32, #tpu.memory_space<vmem>>, vector<16xf32>,
        %get3A_704 = arith.index_cast %scan3A_659 : i32 to index
        %get3A_705 = arith.constant 96 : index
        %get3A_706 = tpu.vector_load %arg14[%get3A_704, %get3A_705] {strides = array<i32>} : memref<64x128xf32, #tpu.memory_space<vmem>>, vector<16xf32>,
        %mul3A_707 = arith.mulf %get3A_706, %gather3A_661 : vector<16xf32>
        %swap3A_708 = arith.index_cast %scan3A_659 : i32 to index
        %swap3A_709 = arith.constant 96 : index
        %swap3A_710 = tpu.vector_load %arg14[%swap3A_708, %swap3A_709] {strides = array<i32>} : memref<64x128xf32, #tpu.memory_space<vmem>>, vector<16xf32>,
        tpu.vector_store %arg14[%swap3A_708, %swap3A_709], %mul3A_707 {strides = array<i32>} : memref<64x128xf32, #tpu.memory_space<vmem>>, vector<16xf32>,
        %get3A_711 = arith.index_cast %scan3A_659 : i32 to index
        %get3A_712 = arith.constant 112 : index
        %get3A_713 = tpu.vector_load %arg14[%get3A_711, %get3A_712] {strides = array<i32>} : memref<64x128xf32, #tpu.memory_space<vmem>>, vector<16xf32>,
        %mul3A_714 = arith.mulf %get3A_713, %gather3A_661 : vector<16xf32>
        %swap3A_715 = arith.index_cast %scan3A_659 : i32 to index
        %swap3A_716 = arith.constant 112 : index
        %swap3A_717 = tpu.vector_load %arg14[%swap3A_715, %swap3A_716] {strides = array<i32>} : memref<64x128xf32, #tpu.memory_space<vmem>>, vector<16xf32>,
        tpu.vector_store %arg14[%swap3A_715, %swap3A_716], %mul3A_714 {strides = array<i32>} : memref<64x128xf32, #tpu.memory_space<vmem>>, vector<16xf32>,
      }
      %scan3A_137 = arith.constant 64 : i32
      %dma_start3A_138 = arith.constant 0 : i32
      %dma_start3A_139 = arith.constant 0 : i32
      %dma_start3A_140 = arith.constant 0 : i32
      %dma_start3A_141 = tpu.memref_slice %arg10[%dma_start3A_138, %dma_start3A_139, %dma_start3A_140] : memref<4x1x64xi32, #tpu.memory_space<vmem>> -> memref<1x1x64xi32, #tpu.memory_space<vmem>>
      %dma_start3A_142 = tpu.memref_squeeze %dma_start3A_141 : memref<1x1x64xi32, #tpu.memory_space<vmem>> -> memref<64xi32, #tpu.memory_space<vmem>>
      %dma_start3A_143 = arith.constant 0 : i32
      %dma_start3A_144 = arith.constant 0 : i32
      %dma_start3A_145 = tpu.memref_slice %arg18[%dma_start3A_143, %dma_start3A_144] : memref<10112x128xf32, #tpu.memory_space<vmem_shared>> -> memref<10112x128xf32, #tpu.memory_space<vmem_shared>>
      tpu.enqueue_indirect_dma source(%arg14 : memref<64x128xf32, #tpu.memory_space<vmem>>) target(%dma_start3A_145 : memref<10112x128xf32, #tpu.memory_space<vmem_shared>>) offsets(%dma_start3A_142 : memref<64xi32, #tpu.memory_space<vmem>>) semaphore(%arg26 : memref<!tpu.dma_semaphore, #tpu.memory_space<semaphore_mem>>) {add = true}
      %add3A_146 = arith.constant 1 : i32
      %add3A_147 = arith.addi %mul3A_111, %add3A_146 : i32
      %dma_wait3A_148 = arith.constant 1 : i32
      %dma_wait3A_149 = arith.constant 0 : i32
      %dma_wait3A_150 = arith.constant 0 : i32
      %dma_wait3A_151 = tpu.memref_slice %arg8[%dma_wait3A_148, %dma_wait3A_149, %dma_wait3A_150] : memref<4x1x64xi32, #tpu.memory_space<vmem>> -> memref<1x1x64xi32, #tpu.memory_space<vmem>>
      %dma_wait3A_152 = tpu.memref_squeeze %dma_wait3A_151 : memref<1x1x64xi32, #tpu.memory_space<vmem>> -> memref<64xi32, #tpu.memory_space<vmem>>
      %dma_wait3A_153 = arith.constant 0 : i32
      %dma_wait3A_154 = arith.constant 0 : i32
      %dma_wait3A_155 = tpu.memref_slice %arg2[%dma_wait3A_153, %dma_wait3A_154] : memref<10000x128xf32, #tpu.memory_space<hbm>> -> memref<10000x128xf32, #tpu.memory_space<hbm>>
      tpu.wait_indirect_dma semaphore(%arg23 : memref<!tpu.dma_semaphore, #tpu.memory_space<semaphore_mem>>) src(%dma_wait3A_155 : memref<10000x128xf32, #tpu.memory_space<hbm>>) dst(%arg15 : memref<64x128xf32, #tpu.memory_space<vmem>>)
      %ge3A_156 = arith.constant 2 : i32
      %ge3A_157 = arith.cmpi sge, %add3A_147, %ge3A_156 : i32
      %convert_element_type3A_158 = arith.extui %ge3A_157 : i1 to i32
      %cond3A_159 = arith.constant 0 : i32
      %cond3A_160 = arith.cmpi ne, %convert_element_type3A_158, %cond3A_159 : i32
      scf.if %cond3A_160 {
        %dma_wait3A_482 = arith.constant 0 : i32
        %dma_wait3A_483 = arith.constant 0 : i32
        %dma_wait3A_484 = arith.constant 0 : i32
        %dma_wait3A_485 = tpu.memref_slice %arg10[%dma_wait3A_482, %dma_wait3A_483, %dma_wait3A_484] : memref<4x1x64xi32, #tpu.memory_space<vmem>> -> memref<1x1x64xi32, #tpu.memory_space<vmem>>
        %dma_wait3A_486 = tpu.memref_squeeze %dma_wait3A_485 : memref<1x1x64xi32, #tpu.memory_space<vmem>> -> memref<64xi32, #tpu.memory_space<vmem>>
        %dma_wait3A_487 = arith.constant 0 : i32
        %dma_wait3A_488 = arith.constant 0 : i32
        %dma_wait3A_489 = tpu.memref_slice %arg18[%dma_wait3A_487, %dma_wait3A_488] : memref<10112x128xf32, #tpu.memory_space<vmem_shared>> -> memref<10112x128xf32, #tpu.memory_space<vmem_shared>>
        tpu.wait_indirect_dma semaphore(%arg29 : memref<!tpu.dma_semaphore, #tpu.memory_space<semaphore_mem>>) src(%arg17 : memref<64x128xf32, #tpu.memory_space<vmem>>) dst(%dma_wait3A_489 : memref<10112x128xf32, #tpu.memory_space<vmem_shared>>)
      } else {
      }
      %add3A_161 = arith.constant 4 : i32
      %add3A_162 = arith.addi %mul3A_111, %add3A_161 : i32
      %dma_start3A_163 = arith.constant 0 : i32
      %dma_start3A_164 = arith.constant 0 : i32
      %dma_start3A_165 = tpu.memref_slice %arg3[%add3A, %add3A_162, %dma_start3A_163, %dma_start3A_164] : memref<32x160x1x64xi32, #tpu.memory_space<hbm>> -> memref<1x4x1x64xi32, #tpu.memory_space<hbm>>
      %dma_start3A_166 = tpu.memref_squeeze %dma_start3A_165 : memref<1x4x1x64xi32, #tpu.memory_space<hbm>> -> memref<4x1x64xi32, #tpu.memory_space<hbm>>
      %dma_start3A_167 = arith.constant 0 : i32
      %dma_start3A_168 = arith.constant 0 : i32
      %dma_start3A_169 = tpu.memref_slice %arg3[%add3A, %add3A_162, %dma_start3A_167, %dma_start3A_168] : memref<32x160x1x64xi32, #tpu.memory_space<hbm>> -> memref<1x4x1x64xi32, #tpu.memory_space<hbm>>
      %dma_start3A_170 = tpu.memref_squeeze %dma_start3A_169 : memref<1x4x1x64xi32, #tpu.memory_space<hbm>> -> memref<4x1x64xi32, #tpu.memory_space<hbm>>
      tpu.enqueue_dma source(%dma_start3A_170 : memref<4x1x64xi32, #tpu.memory_space<hbm>>) target(%arg9 : memref<4x1x64xi32, #tpu.memory_space<vmem>>) target_semaphore(%arg20 : memref<!tpu.dma_semaphore, #tpu.memory_space<semaphore_mem>>)
      %dma_start3A_171 = arith.constant 0 : i32
      %dma_start3A_172 = arith.constant 0 : i32
      %dma_start3A_173 = tpu.memref_slice %arg4[%add3A, %add3A_162, %dma_start3A_171, %dma_start3A_172] : memref<32x160x1x64xi32, #tpu.memory_space<hbm>> -> memref<1x4x1x64xi32, #tpu.memory_space<hbm>>
      %dma_start3A_174 = tpu.memref_squeeze %dma_start3A_173 : memref<1x4x1x64xi32, #tpu.memory_space<hbm>> -> memref<4x1x64xi32, #tpu.memory_space<hbm>>
      %dma_start3A_175 = arith.constant 0 : i32
      %dma_start3A_176 = arith.constant 0 : i32
      %dma_start3A_177 = tpu.memref_slice %arg4[%add3A, %add3A_162, %dma_start3A_175, %dma_start3A_176] : memref<32x160x1x64xi32, #tpu.memory_space<hbm>> -> memref<1x4x1x64xi32, #tpu.memory_space<hbm>>
      %dma_start3A_178 = tpu.memref_squeeze %dma_start3A_177 : memref<1x4x1x64xi32, #tpu.memory_space<hbm>> -> memref<4x1x64xi32, #tpu.memory_space<hbm>>
      tpu.enqueue_dma source(%dma_start3A_178 : memref<4x1x64xi32, #tpu.memory_space<hbm>>) target(%arg11 : memref<4x1x64xi32, #tpu.memory_space<vmem>>) target_semaphore(%arg20 : memref<!tpu.dma_semaphore, #tpu.memory_space<semaphore_mem>>)
      %dma_start3A_179 = arith.constant 0 : i32
      %dma_start3A_180 = arith.constant 0 : i32
      %dma_start3A_181 = tpu.memref_slice %arg5[%add3A, %add3A_162, %dma_start3A_179, %dma_start3A_180] : memref<32x160x1x64xf32, #tpu.memory_space<hbm>> -> memref<1x4x1x64xf32, #tpu.memory_space<hbm>>
      %dma_start3A_182 = tpu.memref_squeeze %dma_start3A_181 : memref<1x4x1x64xf32, #tpu.memory_space<hbm>> -> memref<4x1x64xf32, #tpu.memory_space<hbm>>
      %dma_start3A_183 = arith.constant 0 : i32
      %dma_start3A_184 = arith.constant 0 : i32
      %dma_start3A_185 = tpu.memref_slice %arg5[%add3A, %add3A_162, %dma_start3A_183, %dma_start3A_184] : memref<32x160x1x64xf32, #tpu.memory_space<hbm>> -> memref<1x4x1x64xf32, #tpu.memory_space<hbm>>
      %dma_start3A_186 = tpu.memref_squeeze %dma_start3A_185 : memref<1x4x1x64xf32, #tpu.memory_space<hbm>> -> memref<4x1x64xf32, #tpu.memory_space<hbm>>
      tpu.enqueue_dma source(%dma_start3A_186 : memref<4x1x64xf32, #tpu.memory_space<hbm>>) target(%arg13 : memref<4x1x64xf32, #tpu.memory_space<vmem>>) target_semaphore(%arg20 : memref<!tpu.dma_semaphore, #tpu.memory_space<semaphore_mem>>)
      %add3A_187 = arith.constant 2 : i32
      %add3A_188 = arith.addi %add3A_147, %add3A_187 : i32
      %lt3A_189 = arith.constant 160 : i32
      %lt3A_190 = arith.cmpi slt, %add3A_188, %lt3A_189 : i32
      %convert_element_type3A_191 = arith.extui %lt3A_190 : i1 to i32
      %cond3A_192 = arith.constant 0 : i32
      %cond3A_193 = arith.cmpi ne, %convert_element_type3A_191, %cond3A_192 : i32
      scf.if %cond3A_193 {
        %dma_start3A_482 = arith.constant 3 : i32
        %dma_start3A_483 = arith.constant 0 : i32
        %dma_start3A_484 = arith.constant 0 : i32
        %dma_start3A_485 = tpu.memref_slice %arg8[%dma_start3A_482, %dma_start3A_483, %dma_start3A_484] : memref<4x1x64xi32, #tpu.memory_space<vmem>> -> memref<1x1x64xi32, #tpu.memory_space<vmem>>
        %dma_start3A_486 = tpu.memref_squeeze %dma_start3A_485 : memref<1x1x64xi32, #tpu.memory_space<vmem>> -> memref<64xi32, #tpu.memory_space<vmem>>
        %dma_start3A_487 = arith.constant 0 : i32
        %dma_start3A_488 = arith.constant 0 : i32
        %dma_start3A_489 = tpu.memref_slice %arg2[%dma_start3A_487, %dma_start3A_488] : memref<10000x128xf32, #tpu.memory_space<hbm>> -> memref<10000x128xf32, #tpu.memory_space<hbm>>
        tpu.enqueue_indirect_dma source(%dma_start3A_489 : memref<10000x128xf32, #tpu.memory_space<hbm>>) target(%arg17 : memref<64x128xf32, #tpu.memory_space<vmem>>) offsets(%dma_start3A_486 : memref<64xi32, #tpu.memory_space<vmem>>) semaphore(%arg25 : memref<!tpu.dma_semaphore, #tpu.memory_space<semaphore_mem>>)
      } else {
      }
      %broadcast_in_dim3A_194 = arith.constant 1 : i32
      %broadcast_in_dim3A_195 = vector.broadcast %broadcast_in_dim3A_194 : i32 to vector<16xi32>
      %scan3A_196 = arith.constant 0 : i32
      %scan3A_197 = arith.constant 0 : i32
      %scan3A_198 = arith.constant 64 : i32
      %scan3A_199 = arith.addi %scan3A_197, %scan3A_198 : i32
      %scan3A_200 = arith.constant 4 : i32
      scf.for %scan3A_482 = %scan3A_197 to %scan3A_199 step %scan3A_200  : i32 {
        %broadcast_in_dim3A_483 = vector.broadcast %scan3A_482 : i32 to vector<16xi32>
        %gather3A = tpu.vector_load_idx %arg12[%broadcast_in_dim3A_195, %broadcast_in_dim3A_6, %broadcast_in_dim3A_483] : memref<4x1x64xf32, #tpu.memory_space<vmem>>[vector<16xi32>, vector<16xi32>, vector<16xi32>], vector<16xf32>,
        %get3A = arith.index_cast %scan3A_482 : i32 to index
        %get3A_484 = arith.constant 0 : index
        %get3A_485 = tpu.vector_load %arg15[%get3A, %get3A_484] {strides = array<i32>} : memref<64x128xf32, #tpu.memory_space<vmem>>, vector<16xf32>,
        %mul3A_486 = arith.mulf %get3A_485, %gather3A : vector<16xf32>
        %swap3A = arith.index_cast %scan3A_482 : i32 to index
        %swap3A_487 = arith.constant 0 : index
        %swap3A_488 = tpu.vector_load %arg15[%swap3A, %swap3A_487] {strides = array<i32>} : memref<64x128xf32, #tpu.memory_space<vmem>>, vector<16xf32>,
        tpu.vector_store %arg15[%swap3A, %swap3A_487], %mul3A_486 {strides = array<i32>} : memref<64x128xf32, #tpu.memory_space<vmem>>, vector<16xf32>,
        %get3A_489 = arith.index_cast %scan3A_482 : i32 to index
        %get3A_490 = arith.constant 16 : index
        %get3A_491 = tpu.vector_load %arg15[%get3A_489, %get3A_490] {strides = array<i32>} : memref<64x128xf32, #tpu.memory_space<vmem>>, vector<16xf32>,
        %mul3A_492 = arith.mulf %get3A_491, %gather3A : vector<16xf32>
        %swap3A_493 = arith.index_cast %scan3A_482 : i32 to index
        %swap3A_494 = arith.constant 16 : index
        %swap3A_495 = tpu.vector_load %arg15[%swap3A_493, %swap3A_494] {strides = array<i32>} : memref<64x128xf32, #tpu.memory_space<vmem>>, vector<16xf32>,
        tpu.vector_store %arg15[%swap3A_493, %swap3A_494], %mul3A_492 {strides = array<i32>} : memref<64x128xf32, #tpu.memory_space<vmem>>, vector<16xf32>,
        %get3A_496 = arith.index_cast %scan3A_482 : i32 to index
        %get3A_497 = arith.constant 32 : index
        %get3A_498 = tpu.vector_load %arg15[%get3A_496, %get3A_497] {strides = array<i32>} : memref<64x128xf32, #tpu.memory_space<vmem>>, vector<16xf32>,
        %mul3A_499 = arith.mulf %get3A_498, %gather3A : vector<16xf32>
        %swap3A_500 = arith.index_cast %scan3A_482 : i32 to index
        %swap3A_501 = arith.constant 32 : index
        %swap3A_502 = tpu.vector_load %arg15[%swap3A_500, %swap3A_501] {strides = array<i32>} : memref<64x128xf32, #tpu.memory_space<vmem>>, vector<16xf32>,
        tpu.vector_store %arg15[%swap3A_500, %swap3A_501], %mul3A_499 {strides = array<i32>} : memref<64x128xf32, #tpu.memory_space<vmem>>, vector<16xf32>,
        %get3A_503 = arith.index_cast %scan3A_482 : i32 to index
        %get3A_504 = arith.constant 48 : index
        %get3A_505 = tpu.vector_load %arg15[%get3A_503, %get3A_504] {strides = array<i32>} : memref<64x128xf32, #tpu.memory_space<vmem>>, vector<16xf32>,
        %mul3A_506 = arith.mulf %get3A_505, %gather3A : vector<16xf32>
        %swap3A_507 = arith.index_cast %scan3A_482 : i32 to index
        %swap3A_508 = arith.constant 48 : index
        %swap3A_509 = tpu.vector_load %arg15[%swap3A_507, %swap3A_508] {strides = array<i32>} : memref<64x128xf32, #tpu.memory_space<vmem>>, vector<16xf32>,
        tpu.vector_store %arg15[%swap3A_507, %swap3A_508], %mul3A_506 {strides = array<i32>} : memref<64x128xf32, #tpu.memory_space<vmem>>, vector<16xf32>,
        %get3A_510 = arith.index_cast %scan3A_482 : i32 to index
        %get3A_511 = arith.constant 64 : index
        %get3A_512 = tpu.vector_load %arg15[%get3A_510, %get3A_511] {strides = array<i32>} : memref<64x128xf32, #tpu.memory_space<vmem>>, vector<16xf32>,
        %mul3A_513 = arith.mulf %get3A_512, %gather3A : vector<16xf32>
        %swap3A_514 = arith.index_cast %scan3A_482 : i32 to index
        %swap3A_515 = arith.constant 64 : index
        %swap3A_516 = tpu.vector_load %arg15[%swap3A_514, %swap3A_515] {strides = array<i32>} : memref<64x128xf32, #tpu.memory_space<vmem>>, vector<16xf32>,
        tpu.vector_store %arg15[%swap3A_514, %swap3A_515], %mul3A_513 {strides = array<i32>} : memref<64x128xf32, #tpu.memory_space<vmem>>, vector<16xf32>,
        %get3A_517 = arith.index_cast %scan3A_482 : i32 to index
        %get3A_518 = arith.constant 80 : index
        %get3A_519 = tpu.vector_load %arg15[%get3A_517, %get3A_518] {strides = array<i32>} : memref<64x128xf32, #tpu.memory_space<vmem>>, vector<16xf32>,
        %mul3A_520 = arith.mulf %get3A_519, %gather3A : vector<16xf32>
        %swap3A_521 = arith.index_cast %scan3A_482 : i32 to index
        %swap3A_522 = arith.constant 80 : index
        %swap3A_523 = tpu.vector_load %arg15[%swap3A_521, %swap3A_522] {strides = array<i32>} : memref<64x128xf32, #tpu.memory_space<vmem>>, vector<16xf32>,
        tpu.vector_store %arg15[%swap3A_521, %swap3A_522], %mul3A_520 {strides = array<i32>} : memref<64x128xf32, #tpu.memory_space<vmem>>, vector<16xf32>,
        %get3A_524 = arith.index_cast %scan3A_482 : i32 to index
        %get3A_525 = arith.constant 96 : index
        %get3A_526 = tpu.vector_load %arg15[%get3A_524, %get3A_525] {strides = array<i32>} : memref<64x128xf32, #tpu.memory_space<vmem>>, vector<16xf32>,
        %mul3A_527 = arith.mulf %get3A_526, %gather3A : vector<16xf32>
        %swap3A_528 = arith.index_cast %scan3A_482 : i32 to index
        %swap3A_529 = arith.constant 96 : index
        %swap3A_530 = tpu.vector_load %arg15[%swap3A_528, %swap3A_529] {strides = array<i32>} : memref<64x128xf32, #tpu.memory_space<vmem>>, vector<16xf32>,
        tpu.vector_store %arg15[%swap3A_528, %swap3A_529], %mul3A_527 {strides = array<i32>} : memref<64x128xf32, #tpu.memory_space<vmem>>, vector<16xf32>,
        %get3A_531 = arith.index_cast %scan3A_482 : i32 to index
        %get3A_532 = arith.constant 112 : index
        %get3A_533 = tpu.vector_load %arg15[%get3A_531, %get3A_532] {strides = array<i32>} : memref<64x128xf32, #tpu.memory_space<vmem>>, vector<16xf32>,
        %mul3A_534 = arith.mulf %get3A_533, %gather3A : vector<16xf32>
        %swap3A_535 = arith.index_cast %scan3A_482 : i32 to index
        %swap3A_536 = arith.constant 112 : index
        %swap3A_537 = tpu.vector_load %arg15[%swap3A_535, %swap3A_536] {strides = array<i32>} : memref<64x128xf32, #tpu.memory_space<vmem>>, vector<16xf32>,
        tpu.vector_store %arg15[%swap3A_535, %swap3A_536], %mul3A_534 {strides = array<i32>} : memref<64x128xf32, #tpu.memory_space<vmem>>, vector<16xf32>,
        %scan3A_538 = arith.constant 1 : i32
        %scan3A_539 = arith.addi %scan3A_482, %scan3A_538 : i32
        %broadcast_in_dim3A_540 = vector.broadcast %scan3A_539 : i32 to vector<16xi32>
        %gather3A_541 = tpu.vector_load_idx %arg12[%broadcast_in_dim3A_195, %broadcast_in_dim3A_6, %broadcast_in_dim3A_540] : memref<4x1x64xf32, #tpu.memory_space<vmem>>[vector<16xi32>, vector<16xi32>, vector<16xi32>], vector<16xf32>,
        %get3A_542 = arith.index_cast %scan3A_539 : i32 to index
        %get3A_543 = arith.constant 0 : index
        %get3A_544 = tpu.vector_load %arg15[%get3A_542, %get3A_543] {strides = array<i32>} : memref<64x128xf32, #tpu.memory_space<vmem>>, vector<16xf32>,
        %mul3A_545 = arith.mulf %get3A_544, %gather3A_541 : vector<16xf32>
        %swap3A_546 = arith.index_cast %scan3A_539 : i32 to index
        %swap3A_547 = arith.constant 0 : index
        %swap3A_548 = tpu.vector_load %arg15[%swap3A_546, %swap3A_547] {strides = array<i32>} : memref<64x128xf32, #tpu.memory_space<vmem>>, vector<16xf32>,
        tpu.vector_store %arg15[%swap3A_546, %swap3A_547], %mul3A_545 {strides = array<i32>} : memref<64x128xf32, #tpu.memory_space<vmem>>, vector<16xf32>,
        %get3A_549 = arith.index_cast %scan3A_539 : i32 to index
        %get3A_550 = arith.constant 16 : index
        %get3A_551 = tpu.vector_load %arg15[%get3A_549, %get3A_550] {strides = array<i32>} : memref<64x128xf32, #tpu.memory_space<vmem>>, vector<16xf32>,
        %mul3A_552 = arith.mulf %get3A_551, %gather3A_541 : vector<16xf32>
        %swap3A_553 = arith.index_cast %scan3A_539 : i32 to index
        %swap3A_554 = arith.constant 16 : index
        %swap3A_555 = tpu.vector_load %arg15[%swap3A_553, %swap3A_554] {strides = array<i32>} : memref<64x128xf32, #tpu.memory_space<vmem>>, vector<16xf32>,
        tpu.vector_store %arg15[%swap3A_553, %swap3A_554], %mul3A_552 {strides = array<i32>} : memref<64x128xf32, #tpu.memory_space<vmem>>, vector<16xf32>,
        %get3A_556 = arith.index_cast %scan3A_539 : i32 to index
        %get3A_557 = arith.constant 32 : index
        %get3A_558 = tpu.vector_load %arg15[%get3A_556, %get3A_557] {strides = array<i32>} : memref<64x128xf32, #tpu.memory_space<vmem>>, vector<16xf32>,
        %mul3A_559 = arith.mulf %get3A_558, %gather3A_541 : vector<16xf32>
        %swap3A_560 = arith.index_cast %scan3A_539 : i32 to index
        %swap3A_561 = arith.constant 32 : index
        %swap3A_562 = tpu.vector_load %arg15[%swap3A_560, %swap3A_561] {strides = array<i32>} : memref<64x128xf32, #tpu.memory_space<vmem>>, vector<16xf32>,
        tpu.vector_store %arg15[%swap3A_560, %swap3A_561], %mul3A_559 {strides = array<i32>} : memref<64x128xf32, #tpu.memory_space<vmem>>, vector<16xf32>,
        %get3A_563 = arith.index_cast %scan3A_539 : i32 to index
        %get3A_564 = arith.constant 48 : index
        %get3A_565 = tpu.vector_load %arg15[%get3A_563, %get3A_564] {strides = array<i32>} : memref<64x128xf32, #tpu.memory_space<vmem>>, vector<16xf32>,
        %mul3A_566 = arith.mulf %get3A_565, %gather3A_541 : vector<16xf32>
        %swap3A_567 = arith.index_cast %scan3A_539 : i32 to index
        %swap3A_568 = arith.constant 48 : index
        %swap3A_569 = tpu.vector_load %arg15[%swap3A_567, %swap3A_568] {strides = array<i32>} : memref<64x128xf32, #tpu.memory_space<vmem>>, vector<16xf32>,
        tpu.vector_store %arg15[%swap3A_567, %swap3A_568], %mul3A_566 {strides = array<i32>} : memref<64x128xf32, #tpu.memory_space<vmem>>, vector<16xf32>,
        %get3A_570 = arith.index_cast %scan3A_539 : i32 to index
        %get3A_571 = arith.constant 64 : index
        %get3A_572 = tpu.vector_load %arg15[%get3A_570, %get3A_571] {strides = array<i32>} : memref<64x128xf32, #tpu.memory_space<vmem>>, vector<16xf32>,
        %mul3A_573 = arith.mulf %get3A_572, %gather3A_541 : vector<16xf32>
        %swap3A_574 = arith.index_cast %scan3A_539 : i32 to index
        %swap3A_575 = arith.constant 64 : index
        %swap3A_576 = tpu.vector_load %arg15[%swap3A_574, %swap3A_575] {strides = array<i32>} : memref<64x128xf32, #tpu.memory_space<vmem>>, vector<16xf32>,
        tpu.vector_store %arg15[%swap3A_574, %swap3A_575], %mul3A_573 {strides = array<i32>} : memref<64x128xf32, #tpu.memory_space<vmem>>, vector<16xf32>,
        %get3A_577 = arith.index_cast %scan3A_539 : i32 to index
        %get3A_578 = arith.constant 80 : index
        %get3A_579 = tpu.vector_load %arg15[%get3A_577, %get3A_578] {strides = array<i32>} : memref<64x128xf32, #tpu.memory_space<vmem>>, vector<16xf32>,
        %mul3A_580 = arith.mulf %get3A_579, %gather3A_541 : vector<16xf32>
        %swap3A_581 = arith.index_cast %scan3A_539 : i32 to index
        %swap3A_582 = arith.constant 80 : index
        %swap3A_583 = tpu.vector_load %arg15[%swap3A_581, %swap3A_582] {strides = array<i32>} : memref<64x128xf32, #tpu.memory_space<vmem>>, vector<16xf32>,
        tpu.vector_store %arg15[%swap3A_581, %swap3A_582], %mul3A_580 {strides = array<i32>} : memref<64x128xf32, #tpu.memory_space<vmem>>, vector<16xf32>,
        %get3A_584 = arith.index_cast %scan3A_539 : i32 to index
        %get3A_585 = arith.constant 96 : index
        %get3A_586 = tpu.vector_load %arg15[%get3A_584, %get3A_585] {strides = array<i32>} : memref<64x128xf32, #tpu.memory_space<vmem>>, vector<16xf32>,
        %mul3A_587 = arith.mulf %get3A_586, %gather3A_541 : vector<16xf32>
        %swap3A_588 = arith.index_cast %scan3A_539 : i32 to index
        %swap3A_589 = arith.constant 96 : index
        %swap3A_590 = tpu.vector_load %arg15[%swap3A_588, %swap3A_589] {strides = array<i32>} : memref<64x128xf32, #tpu.memory_space<vmem>>, vector<16xf32>,
        tpu.vector_store %arg15[%swap3A_588, %swap3A_589], %mul3A_587 {strides = array<i32>} : memref<64x128xf32, #tpu.memory_space<vmem>>, vector<16xf32>,
        %get3A_591 = arith.index_cast %scan3A_539 : i32 to index
        %get3A_592 = arith.constant 112 : index
        %get3A_593 = tpu.vector_load %arg15[%get3A_591, %get3A_592] {strides = array<i32>} : memref<64x128xf32, #tpu.memory_space<vmem>>, vector<16xf32>,
        %mul3A_594 = arith.mulf %get3A_593, %gather3A_541 : vector<16xf32>
        %swap3A_595 = arith.index_cast %scan3A_539 : i32 to index
        %swap3A_596 = arith.constant 112 : index
        %swap3A_597 = tpu.vector_load %arg15[%swap3A_595, %swap3A_596] {strides = array<i32>} : memref<64x128xf32, #tpu.memory_space<vmem>>, vector<16xf32>,
        tpu.vector_store %arg15[%swap3A_595, %swap3A_596], %mul3A_594 {strides = array<i32>} : memref<64x128xf32, #tpu.memory_space<vmem>>, vector<16xf32>,
        %scan3A_598 = arith.constant 2 : i32
        %scan3A_599 = arith.addi %scan3A_482, %scan3A_598 : i32
        %broadcast_in_dim3A_600 = vector.broadcast %scan3A_599 : i32 to vector<16xi32>
        %gather3A_601 = tpu.vector_load_idx %arg12[%broadcast_in_dim3A_195, %broadcast_in_dim3A_6, %broadcast_in_dim3A_600] : memref<4x1x64xf32, #tpu.memory_space<vmem>>[vector<16xi32>, vector<16xi32>, vector<16xi32>], vector<16xf32>,
        %get3A_602 = arith.index_cast %scan3A_599 : i32 to index
        %get3A_603 = arith.constant 0 : index
        %get3A_604 = tpu.vector_load %arg15[%get3A_602, %get3A_603] {strides = array<i32>} : memref<64x128xf32, #tpu.memory_space<vmem>>, vector<16xf32>,
        %mul3A_605 = arith.mulf %get3A_604, %gather3A_601 : vector<16xf32>
        %swap3A_606 = arith.index_cast %scan3A_599 : i32 to index
        %swap3A_607 = arith.constant 0 : index
        %swap3A_608 = tpu.vector_load %arg15[%swap3A_606, %swap3A_607] {strides = array<i32>} : memref<64x128xf32, #tpu.memory_space<vmem>>, vector<16xf32>,
        tpu.vector_store %arg15[%swap3A_606, %swap3A_607], %mul3A_605 {strides = array<i32>} : memref<64x128xf32, #tpu.memory_space<vmem>>, vector<16xf32>,
        %get3A_609 = arith.index_cast %scan3A_599 : i32 to index
        %get3A_610 = arith.constant 16 : index
        %get3A_611 = tpu.vector_load %arg15[%get3A_609, %get3A_610] {strides = array<i32>} : memref<64x128xf32, #tpu.memory_space<vmem>>, vector<16xf32>,
        %mul3A_612 = arith.mulf %get3A_611, %gather3A_601 : vector<16xf32>
        %swap3A_613 = arith.index_cast %scan3A_599 : i32 to index
        %swap3A_614 = arith.constant 16 : index
        %swap3A_615 = tpu.vector_load %arg15[%swap3A_613, %swap3A_614] {strides = array<i32>} : memref<64x128xf32, #tpu.memory_space<vmem>>, vector<16xf32>,
        tpu.vector_store %arg15[%swap3A_613, %swap3A_614], %mul3A_612 {strides = array<i32>} : memref<64x128xf32, #tpu.memory_space<vmem>>, vector<16xf32>,
        %get3A_616 = arith.index_cast %scan3A_599 : i32 to index
        %get3A_617 = arith.constant 32 : index
        %get3A_618 = tpu.vector_load %arg15[%get3A_616, %get3A_617] {strides = array<i32>} : memref<64x128xf32, #tpu.memory_space<vmem>>, vector<16xf32>,
        %mul3A_619 = arith.mulf %get3A_618, %gather3A_601 : vector<16xf32>
        %swap3A_620 = arith.index_cast %scan3A_599 : i32 to index
        %swap3A_621 = arith.constant 32 : index
        %swap3A_622 = tpu.vector_load %arg15[%swap3A_620, %swap3A_621] {strides = array<i32>} : memref<64x128xf32, #tpu.memory_space<vmem>>, vector<16xf32>,
        tpu.vector_store %arg15[%swap3A_620, %swap3A_621], %mul3A_619 {strides = array<i32>} : memref<64x128xf32, #tpu.memory_space<vmem>>, vector<16xf32>,
        %get3A_623 = arith.index_cast %scan3A_599 : i32 to index
        %get3A_624 = arith.constant 48 : index
        %get3A_625 = tpu.vector_load %arg15[%get3A_623, %get3A_624] {strides = array<i32>} : memref<64x128xf32, #tpu.memory_space<vmem>>, vector<16xf32>,
        %mul3A_626 = arith.mulf %get3A_625, %gather3A_601 : vector<16xf32>
        %swap3A_627 = arith.index_cast %scan3A_599 : i32 to index
        %swap3A_628 = arith.constant 48 : index
        %swap3A_629 = tpu.vector_load %arg15[%swap3A_627, %swap3A_628] {strides = array<i32>} : memref<64x128xf32, #tpu.memory_space<vmem>>, vector<16xf32>,
        tpu.vector_store %arg15[%swap3A_627, %swap3A_628], %mul3A_626 {strides = array<i32>} : memref<64x128xf32, #tpu.memory_space<vmem>>, vector<16xf32>,
        %get3A_630 = arith.index_cast %scan3A_599 : i32 to index
        %get3A_631 = arith.constant 64 : index
        %get3A_632 = tpu.vector_load %arg15[%get3A_630, %get3A_631] {strides = array<i32>} : memref<64x128xf32, #tpu.memory_space<vmem>>, vector<16xf32>,
        %mul3A_633 = arith.mulf %get3A_632, %gather3A_601 : vector<16xf32>
        %swap3A_634 = arith.index_cast %scan3A_599 : i32 to index
        %swap3A_635 = arith.constant 64 : index
        %swap3A_636 = tpu.vector_load %arg15[%swap3A_634, %swap3A_635] {strides = array<i32>} : memref<64x128xf32, #tpu.memory_space<vmem>>, vector<16xf32>,
        tpu.vector_store %arg15[%swap3A_634, %swap3A_635], %mul3A_633 {strides = array<i32>} : memref<64x128xf32, #tpu.memory_space<vmem>>, vector<16xf32>,
        %get3A_637 = arith.index_cast %scan3A_599 : i32 to index
        %get3A_638 = arith.constant 80 : index
        %get3A_639 = tpu.vector_load %arg15[%get3A_637, %get3A_638] {strides = array<i32>} : memref<64x128xf32, #tpu.memory_space<vmem>>, vector<16xf32>,
        %mul3A_640 = arith.mulf %get3A_639, %gather3A_601 : vector<16xf32>
        %swap3A_641 = arith.index_cast %scan3A_599 : i32 to index
        %swap3A_642 = arith.constant 80 : index
        %swap3A_643 = tpu.vector_load %arg15[%swap3A_641, %swap3A_642] {strides = array<i32>} : memref<64x128xf32, #tpu.memory_space<vmem>>, vector<16xf32>,
        tpu.vector_store %arg15[%swap3A_641, %swap3A_642], %mul3A_640 {strides = array<i32>} : memref<64x128xf32, #tpu.memory_space<vmem>>, vector<16xf32>,
        %get3A_644 = arith.index_cast %scan3A_599 : i32 to index
        %get3A_645 = arith.constant 96 : index
        %get3A_646 = tpu.vector_load %arg15[%get3A_644, %get3A_645] {strides = array<i32>} : memref<64x128xf32, #tpu.memory_space<vmem>>, vector<16xf32>,
        %mul3A_647 = arith.mulf %get3A_646, %gather3A_601 : vector<16xf32>
        %swap3A_648 = arith.index_cast %scan3A_599 : i32 to index
        %swap3A_649 = arith.constant 96 : index
        %swap3A_650 = tpu.vector_load %arg15[%swap3A_648, %swap3A_649] {strides = array<i32>} : memref<64x128xf32, #tpu.memory_space<vmem>>, vector<16xf32>,
        tpu.vector_store %arg15[%swap3A_648, %swap3A_649], %mul3A_647 {strides = array<i32>} : memref<64x128xf32, #tpu.memory_space<vmem>>, vector<16xf32>,
        %get3A_651 = arith.index_cast %scan3A_599 : i32 to index
        %get3A_652 = arith.constant 112 : index
        %get3A_653 = tpu.vector_load %arg15[%get3A_651, %get3A_652] {strides = array<i32>} : memref<64x128xf32, #tpu.memory_space<vmem>>, vector<16xf32>,
        %mul3A_654 = arith.mulf %get3A_653, %gather3A_601 : vector<16xf32>
        %swap3A_655 = arith.index_cast %scan3A_599 : i32 to index
        %swap3A_656 = arith.constant 112 : index
        %swap3A_657 = tpu.vector_load %arg15[%swap3A_655, %swap3A_656] {strides = array<i32>} : memref<64x128xf32, #tpu.memory_space<vmem>>, vector<16xf32>,
        tpu.vector_store %arg15[%swap3A_655, %swap3A_656], %mul3A_654 {strides = array<i32>} : memref<64x128xf32, #tpu.memory_space<vmem>>, vector<16xf32>,
        %scan3A_658 = arith.constant 3 : i32
        %scan3A_659 = arith.addi %scan3A_482, %scan3A_658 : i32
        %broadcast_in_dim3A_660 = vector.broadcast %scan3A_659 : i32 to vector<16xi32>
        %gather3A_661 = tpu.vector_load_idx %arg12[%broadcast_in_dim3A_195, %broadcast_in_dim3A_6, %broadcast_in_dim3A_660] : memref<4x1x64xf32, #tpu.memory_space<vmem>>[vector<16xi32>, vector<16xi32>, vector<16xi32>], vector<16xf32>,
        %get3A_662 = arith.index_cast %scan3A_659 : i32 to index
        %get3A_663 = arith.constant 0 : index
        %get3A_664 = tpu.vector_load %arg15[%get3A_662, %get3A_663] {strides = array<i32>} : memref<64x128xf32, #tpu.memory_space<vmem>>, vector<16xf32>,
        %mul3A_665 = arith.mulf %get3A_664, %gather3A_661 : vector<16xf32>
        %swap3A_666 = arith.index_cast %scan3A_659 : i32 to index
        %swap3A_667 = arith.constant 0 : index
        %swap3A_668 = tpu.vector_load %arg15[%swap3A_666, %swap3A_667] {strides = array<i32>} : memref<64x128xf32, #tpu.memory_space<vmem>>, vector<16xf32>,
        tpu.vector_store %arg15[%swap3A_666, %swap3A_667], %mul3A_665 {strides = array<i32>} : memref<64x128xf32, #tpu.memory_space<vmem>>, vector<16xf32>,
        %get3A_669 = arith.index_cast %scan3A_659 : i32 to index
        %get3A_670 = arith.constant 16 : index
        %get3A_671 = tpu.vector_load %arg15[%get3A_669, %get3A_670] {strides = array<i32>} : memref<64x128xf32, #tpu.memory_space<vmem>>, vector<16xf32>,
        %mul3A_672 = arith.mulf %get3A_671, %gather3A_661 : vector<16xf32>
        %swap3A_673 = arith.index_cast %scan3A_659 : i32 to index
        %swap3A_674 = arith.constant 16 : index
        %swap3A_675 = tpu.vector_load %arg15[%swap3A_673, %swap3A_674] {strides = array<i32>} : memref<64x128xf32, #tpu.memory_space<vmem>>, vector<16xf32>,
        tpu.vector_store %arg15[%swap3A_673, %swap3A_674], %mul3A_672 {strides = array<i32>} : memref<64x128xf32, #tpu.memory_space<vmem>>, vector<16xf32>,
        %get3A_676 = arith.index_cast %scan3A_659 : i32 to index
        %get3A_677 = arith.constant 32 : index
        %get3A_678 = tpu.vector_load %arg15[%get3A_676, %get3A_677] {strides = array<i32>} : memref<64x128xf32, #tpu.memory_space<vmem>>, vector<16xf32>,
        %mul3A_679 = arith.mulf %get3A_678, %gather3A_661 : vector<16xf32>
        %swap3A_680 = arith.index_cast %scan3A_659 : i32 to index
        %swap3A_681 = arith.constant 32 : index
        %swap3A_682 = tpu.vector_load %arg15[%swap3A_680, %swap3A_681] {strides = array<i32>} : memref<64x128xf32, #tpu.memory_space<vmem>>, vector<16xf32>,
        tpu.vector_store %arg15[%swap3A_680, %swap3A_681], %mul3A_679 {strides = array<i32>} : memref<64x128xf32, #tpu.memory_space<vmem>>, vector<16xf32>,
        %get3A_683 = arith.index_cast %scan3A_659 : i32 to index
        %get3A_684 = arith.constant 48 : index
        %get3A_685 = tpu.vector_load %arg15[%get3A_683, %get3A_684] {strides = array<i32>} : memref<64x128xf32, #tpu.memory_space<vmem>>, vector<16xf32>,
        %mul3A_686 = arith.mulf %get3A_685, %gather3A_661 : vector<16xf32>
        %swap3A_687 = arith.index_cast %scan3A_659 : i32 to index
        %swap3A_688 = arith.constant 48 : index
        %swap3A_689 = tpu.vector_load %arg15[%swap3A_687, %swap3A_688] {strides = array<i32>} : memref<64x128xf32, #tpu.memory_space<vmem>>, vector<16xf32>,
        tpu.vector_store %arg15[%swap3A_687, %swap3A_688], %mul3A_686 {strides = array<i32>} : memref<64x128xf32, #tpu.memory_space<vmem>>, vector<16xf32>,
        %get3A_690 = arith.index_cast %scan3A_659 : i32 to index
        %get3A_691 = arith.constant 64 : index
        %get3A_692 = tpu.vector_load %arg15[%get3A_690, %get3A_691] {strides = array<i32>} : memref<64x128xf32, #tpu.memory_space<vmem>>, vector<16xf32>,
        %mul3A_693 = arith.mulf %get3A_692, %gather3A_661 : vector<16xf32>
        %swap3A_694 = arith.index_cast %scan3A_659 : i32 to index
        %swap3A_695 = arith.constant 64 : index
        %swap3A_696 = tpu.vector_load %arg15[%swap3A_694, %swap3A_695] {strides = array<i32>} : memref<64x128xf32, #tpu.memory_space<vmem>>, vector<16xf32>,
        tpu.vector_store %arg15[%swap3A_694, %swap3A_695], %mul3A_693 {strides = array<i32>} : memref<64x128xf32, #tpu.memory_space<vmem>>, vector<16xf32>,
        %get3A_697 = arith.index_cast %scan3A_659 : i32 to index
        %get3A_698 = arith.constant 80 : index
        %get3A_699 = tpu.vector_load %arg15[%get3A_697, %get3A_698] {strides = array<i32>} : memref<64x128xf32, #tpu.memory_space<vmem>>, vector<16xf32>,
        %mul3A_700 = arith.mulf %get3A_699, %gather3A_661 : vector<16xf32>
        %swap3A_701 = arith.index_cast %scan3A_659 : i32 to index
        %swap3A_702 = arith.constant 80 : index
        %swap3A_703 = tpu.vector_load %arg15[%swap3A_701, %swap3A_702] {strides = array<i32>} : memref<64x128xf32, #tpu.memory_space<vmem>>, vector<16xf32>,
        tpu.vector_store %arg15[%swap3A_701, %swap3A_702], %mul3A_700 {strides = array<i32>} : memref<64x128xf32, #tpu.memory_space<vmem>>, vector<16xf32>,
        %get3A_704 = arith.index_cast %scan3A_659 : i32 to index
        %get3A_705 = arith.constant 96 : index
        %get3A_706 = tpu.vector_load %arg15[%get3A_704, %get3A_705] {strides = array<i32>} : memref<64x128xf32, #tpu.memory_space<vmem>>, vector<16xf32>,
        %mul3A_707 = arith.mulf %get3A_706, %gather3A_661 : vector<16xf32>
        %swap3A_708 = arith.index_cast %scan3A_659 : i32 to index
        %swap3A_709 = arith.constant 96 : index
        %swap3A_710 = tpu.vector_load %arg15[%swap3A_708, %swap3A_709] {strides = array<i32>} : memref<64x128xf32, #tpu.memory_space<vmem>>, vector<16xf32>,
        tpu.vector_store %arg15[%swap3A_708, %swap3A_709], %mul3A_707 {strides = array<i32>} : memref<64x128xf32, #tpu.memory_space<vmem>>, vector<16xf32>,
        %get3A_711 = arith.index_cast %scan3A_659 : i32 to index
        %get3A_712 = arith.constant 112 : index
        %get3A_713 = tpu.vector_load %arg15[%get3A_711, %get3A_712] {strides = array<i32>} : memref<64x128xf32, #tpu.memory_space<vmem>>, vector<16xf32>,
        %mul3A_714 = arith.mulf %get3A_713, %gather3A_661 : vector<16xf32>
        %swap3A_715 = arith.index_cast %scan3A_659 : i32 to index
        %swap3A_716 = arith.constant 112 : index
        %swap3A_717 = tpu.vector_load %arg15[%swap3A_715, %swap3A_716] {strides = array<i32>} : memref<64x128xf32, #tpu.memory_space<vmem>>, vector<16xf32>,
        tpu.vector_store %arg15[%swap3A_715, %swap3A_716], %mul3A_714 {strides = array<i32>} : memref<64x128xf32, #tpu.memory_space<vmem>>, vector<16xf32>,
      }
      %scan3A_201 = arith.constant 64 : i32
      %dma_start3A_202 = arith.constant 1 : i32
      %dma_start3A_203 = arith.constant 0 : i32
      %dma_start3A_204 = arith.constant 0 : i32
      %dma_start3A_205 = tpu.memref_slice %arg10[%dma_start3A_202, %dma_start3A_203, %dma_start3A_204] : memref<4x1x64xi32, #tpu.memory_space<vmem>> -> memref<1x1x64xi32, #tpu.memory_space<vmem>>
      %dma_start3A_206 = tpu.memref_squeeze %dma_start3A_205 : memref<1x1x64xi32, #tpu.memory_space<vmem>> -> memref<64xi32, #tpu.memory_space<vmem>>
      %dma_start3A_207 = arith.constant 0 : i32
      %dma_start3A_208 = arith.constant 0 : i32
      %dma_start3A_209 = tpu.memref_slice %arg18[%dma_start3A_207, %dma_start3A_208] : memref<10112x128xf32, #tpu.memory_space<vmem_shared>> -> memref<10112x128xf32, #tpu.memory_space<vmem_shared>>
      tpu.enqueue_indirect_dma source(%arg15 : memref<64x128xf32, #tpu.memory_space<vmem>>) target(%dma_start3A_209 : memref<10112x128xf32, #tpu.memory_space<vmem_shared>>) offsets(%dma_start3A_206 : memref<64xi32, #tpu.memory_space<vmem>>) semaphore(%arg27 : memref<!tpu.dma_semaphore, #tpu.memory_space<semaphore_mem>>) {add = true}
      %add3A_210 = arith.constant 2 : i32
      %add3A_211 = arith.addi %mul3A_111, %add3A_210 : i32
      %dma_wait3A_212 = arith.constant 2 : i32
      %dma_wait3A_213 = arith.constant 0 : i32
      %dma_wait3A_214 = arith.constant 0 : i32
      %dma_wait3A_215 = tpu.memref_slice %arg8[%dma_wait3A_212, %dma_wait3A_213, %dma_wait3A_214] : memref<4x1x64xi32, #tpu.memory_space<vmem>> -> memref<1x1x64xi32, #tpu.memory_space<vmem>>
      %dma_wait3A_216 = tpu.memref_squeeze %dma_wait3A_215 : memref<1x1x64xi32, #tpu.memory_space<vmem>> -> memref<64xi32, #tpu.memory_space<vmem>>
      %dma_wait3A_217 = arith.constant 0 : i32
      %dma_wait3A_218 = arith.constant 0 : i32
      %dma_wait3A_219 = tpu.memref_slice %arg2[%dma_wait3A_217, %dma_wait3A_218] : memref<10000x128xf32, #tpu.memory_space<hbm>> -> memref<10000x128xf32, #tpu.memory_space<hbm>>
      tpu.wait_indirect_dma semaphore(%arg24 : memref<!tpu.dma_semaphore, #tpu.memory_space<semaphore_mem>>) src(%dma_wait3A_219 : memref<10000x128xf32, #tpu.memory_space<hbm>>) dst(%arg16 : memref<64x128xf32, #tpu.memory_space<vmem>>)
      %ge3A_220 = arith.constant 2 : i32
      %ge3A_221 = arith.cmpi sge, %add3A_211, %ge3A_220 : i32
      %convert_element_type3A_222 = arith.extui %ge3A_221 : i1 to i32
      %cond3A_223 = arith.constant 0 : i32
      %cond3A_224 = arith.cmpi ne, %convert_element_type3A_222, %cond3A_223 : i32
      scf.if %cond3A_224 {
        %dma_wait3A_482 = arith.constant 0 : i32
        %dma_wait3A_483 = arith.constant 0 : i32
        %dma_wait3A_484 = arith.constant 0 : i32
        %dma_wait3A_485 = tpu.memref_slice %arg10[%dma_wait3A_482, %dma_wait3A_483, %dma_wait3A_484] : memref<4x1x64xi32, #tpu.memory_space<vmem>> -> memref<1x1x64xi32, #tpu.memory_space<vmem>>
        %dma_wait3A_486 = tpu.memref_squeeze %dma_wait3A_485 : memref<1x1x64xi32, #tpu.memory_space<vmem>> -> memref<64xi32, #tpu.memory_space<vmem>>
        %dma_wait3A_487 = arith.constant 0 : i32
        %dma_wait3A_488 = arith.constant 0 : i32
        %dma_wait3A_489 = tpu.memref_slice %arg18[%dma_wait3A_487, %dma_wait3A_488] : memref<10112x128xf32, #tpu.memory_space<vmem_shared>> -> memref<10112x128xf32, #tpu.memory_space<vmem_shared>>
        tpu.wait_indirect_dma semaphore(%arg26 : memref<!tpu.dma_semaphore, #tpu.memory_space<semaphore_mem>>) src(%arg14 : memref<64x128xf32, #tpu.memory_space<vmem>>) dst(%dma_wait3A_489 : memref<10112x128xf32, #tpu.memory_space<vmem_shared>>)
      } else {
      }
      %dma_wait3A_225 = arith.constant 0 : i32
      %dma_wait3A_226 = arith.constant 0 : i32
      %dma_wait3A_227 = arith.constant 0 : i32
      %dma_wait3A_228 = tpu.memref_slice %arg3[%add3A, %dma_wait3A_225, %dma_wait3A_226, %dma_wait3A_227] : memref<32x160x1x64xi32, #tpu.memory_space<hbm>> -> memref<1x4x1x64xi32, #tpu.memory_space<hbm>>
      %dma_wait3A_229 = tpu.memref_squeeze %dma_wait3A_228 : memref<1x4x1x64xi32, #tpu.memory_space<hbm>> -> memref<4x1x64xi32, #tpu.memory_space<hbm>>
      %dma_wait3A_230 = arith.constant 0 : i32
      %dma_wait3A_231 = arith.constant 0 : i32
      %dma_wait3A_232 = arith.constant 0 : i32
      %dma_wait3A_233 = tpu.memref_slice %arg3[%add3A, %dma_wait3A_230, %dma_wait3A_231, %dma_wait3A_232] : memref<32x160x1x64xi32, #tpu.memory_space<hbm>> -> memref<1x4x1x64xi32, #tpu.memory_space<hbm>>
      %dma_wait3A_234 = tpu.memref_squeeze %dma_wait3A_233 : memref<1x4x1x64xi32, #tpu.memory_space<hbm>> -> memref<4x1x64xi32, #tpu.memory_space<hbm>>
      tpu.wait_dma2 semaphore(%arg20 : memref<!tpu.dma_semaphore, #tpu.memory_space<semaphore_mem>>) src(%dma_wait3A_234 : memref<4x1x64xi32, #tpu.memory_space<hbm>>) dst(%arg9 : memref<4x1x64xi32, #tpu.memory_space<vmem>>)
      %dma_wait3A_235 = arith.constant 0 : i32
      %dma_wait3A_236 = arith.constant 0 : i32
      %dma_wait3A_237 = arith.constant 0 : i32
      %dma_wait3A_238 = tpu.memref_slice %arg4[%add3A, %dma_wait3A_235, %dma_wait3A_236, %dma_wait3A_237] : memref<32x160x1x64xi32, #tpu.memory_space<hbm>> -> memref<1x4x1x64xi32, #tpu.memory_space<hbm>>
      %dma_wait3A_239 = tpu.memref_squeeze %dma_wait3A_238 : memref<1x4x1x64xi32, #tpu.memory_space<hbm>> -> memref<4x1x64xi32, #tpu.memory_space<hbm>>
      %dma_wait3A_240 = arith.constant 0 : i32
      %dma_wait3A_241 = arith.constant 0 : i32
      %dma_wait3A_242 = arith.constant 0 : i32
      %dma_wait3A_243 = tpu.memref_slice %arg4[%add3A, %dma_wait3A_240, %dma_wait3A_241, %dma_wait3A_242] : memref<32x160x1x64xi32, #tpu.memory_space<hbm>> -> memref<1x4x1x64xi32, #tpu.memory_space<hbm>>
      %dma_wait3A_244 = tpu.memref_squeeze %dma_wait3A_243 : memref<1x4x1x64xi32, #tpu.memory_space<hbm>> -> memref<4x1x64xi32, #tpu.memory_space<hbm>>
      tpu.wait_dma2 semaphore(%arg20 : memref<!tpu.dma_semaphore, #tpu.memory_space<semaphore_mem>>) src(%dma_wait3A_244 : memref<4x1x64xi32, #tpu.memory_space<hbm>>) dst(%arg11 : memref<4x1x64xi32, #tpu.memory_space<vmem>>)
      %dma_wait3A_245 = arith.constant 0 : i32
      %dma_wait3A_246 = arith.constant 0 : i32
      %dma_wait3A_247 = arith.constant 0 : i32
      %dma_wait3A_248 = tpu.memref_slice %arg5[%add3A, %dma_wait3A_245, %dma_wait3A_246, %dma_wait3A_247] : memref<32x160x1x64xf32, #tpu.memory_space<hbm>> -> memref<1x4x1x64xf32, #tpu.memory_space<hbm>>
      %dma_wait3A_249 = tpu.memref_squeeze %dma_wait3A_248 : memref<1x4x1x64xf32, #tpu.memory_space<hbm>> -> memref<4x1x64xf32, #tpu.memory_space<hbm>>
      %dma_wait3A_250 = arith.constant 0 : i32
      %dma_wait3A_251 = arith.constant 0 : i32
      %dma_wait3A_252 = arith.constant 0 : i32
      %dma_wait3A_253 = tpu.memref_slice %arg5[%add3A, %dma_wait3A_250, %dma_wait3A_251, %dma_wait3A_252] : memref<32x160x1x64xf32, #tpu.memory_space<hbm>> -> memref<1x4x1x64xf32, #tpu.memory_space<hbm>>
      %dma_wait3A_254 = tpu.memref_squeeze %dma_wait3A_253 : memref<1x4x1x64xf32, #tpu.memory_space<hbm>> -> memref<4x1x64xf32, #tpu.memory_space<hbm>>
      tpu.wait_dma2 semaphore(%arg20 : memref<!tpu.dma_semaphore, #tpu.memory_space<semaphore_mem>>) src(%dma_wait3A_254 : memref<4x1x64xf32, #tpu.memory_space<hbm>>) dst(%arg13 : memref<4x1x64xf32, #tpu.memory_space<vmem>>)
      %add3A_255 = arith.constant 2 : i32
      %add3A_256 = arith.addi %add3A_211, %add3A_255 : i32
      %lt3A_257 = arith.constant 160 : i32
      %lt3A_258 = arith.cmpi slt, %add3A_256, %lt3A_257 : i32
      %convert_element_type3A_259 = arith.extui %lt3A_258 : i1 to i32
      %cond3A_260 = arith.constant 0 : i32
      %cond3A_261 = arith.cmpi ne, %convert_element_type3A_259, %cond3A_260 : i32
      scf.if %cond3A_261 {
        %dma_start3A_482 = arith.constant 0 : i32
        %dma_start3A_483 = arith.constant 0 : i32
        %dma_start3A_484 = arith.constant 0 : i32
        %dma_start3A_485 = tpu.memref_slice %arg9[%dma_start3A_482, %dma_start3A_483, %dma_start3A_484] : memref<4x1x64xi32, #tpu.memory_space<vmem>> -> memref<1x1x64xi32, #tpu.memory_space<vmem>>
        %dma_start3A_486 = tpu.memref_squeeze %dma_start3A_485 : memref<1x1x64xi32, #tpu.memory_space<vmem>> -> memref<64xi32, #tpu.memory_space<vmem>>
        %dma_start3A_487 = arith.constant 0 : i32
        %dma_start3A_488 = arith.constant 0 : i32
        %dma_start3A_489 = tpu.memref_slice %arg2[%dma_start3A_487, %dma_start3A_488] : memref<10000x128xf32, #tpu.memory_space<hbm>> -> memref<10000x128xf32, #tpu.memory_space<hbm>>
        tpu.enqueue_indirect_dma source(%dma_start3A_489 : memref<10000x128xf32, #tpu.memory_space<hbm>>) target(%arg14 : memref<64x128xf32, #tpu.memory_space<vmem>>) offsets(%dma_start3A_486 : memref<64xi32, #tpu.memory_space<vmem>>) semaphore(%arg22 : memref<!tpu.dma_semaphore, #tpu.memory_space<semaphore_mem>>)
      } else {
      }
      %broadcast_in_dim3A_262 = arith.constant 2 : i32
      %broadcast_in_dim3A_263 = vector.broadcast %broadcast_in_dim3A_262 : i32 to vector<16xi32>
      %scan3A_264 = arith.constant 0 : i32
      %scan3A_265 = arith.constant 0 : i32
      %scan3A_266 = arith.constant 64 : i32
      %scan3A_267 = arith.addi %scan3A_265, %scan3A_266 : i32
      %scan3A_268 = arith.constant 4 : i32
      scf.for %scan3A_482 = %scan3A_265 to %scan3A_267 step %scan3A_268  : i32 {
        %broadcast_in_dim3A_483 = vector.broadcast %scan3A_482 : i32 to vector<16xi32>
        %gather3A = tpu.vector_load_idx %arg12[%broadcast_in_dim3A_263, %broadcast_in_dim3A_6, %broadcast_in_dim3A_483] : memref<4x1x64xf32, #tpu.memory_space<vmem>>[vector<16xi32>, vector<16xi32>, vector<16xi32>], vector<16xf32>,
        %get3A = arith.index_cast %scan3A_482 : i32 to index
        %get3A_484 = arith.constant 0 : index
        %get3A_485 = tpu.vector_load %arg16[%get3A, %get3A_484] {strides = array<i32>} : memref<64x128xf32, #tpu.memory_space<vmem>>, vector<16xf32>,
        %mul3A_486 = arith.mulf %get3A_485, %gather3A : vector<16xf32>
        %swap3A = arith.index_cast %scan3A_482 : i32 to index
        %swap3A_487 = arith.constant 0 : index
        %swap3A_488 = tpu.vector_load %arg16[%swap3A, %swap3A_487] {strides = array<i32>} : memref<64x128xf32, #tpu.memory_space<vmem>>, vector<16xf32>,
        tpu.vector_store %arg16[%swap3A, %swap3A_487], %mul3A_486 {strides = array<i32>} : memref<64x128xf32, #tpu.memory_space<vmem>>, vector<16xf32>,
        %get3A_489 = arith.index_cast %scan3A_482 : i32 to index
        %get3A_490 = arith.constant 16 : index
        %get3A_491 = tpu.vector_load %arg16[%get3A_489, %get3A_490] {strides = array<i32>} : memref<64x128xf32, #tpu.memory_space<vmem>>, vector<16xf32>,
        %mul3A_492 = arith.mulf %get3A_491, %gather3A : vector<16xf32>
        %swap3A_493 = arith.index_cast %scan3A_482 : i32 to index
        %swap3A_494 = arith.constant 16 : index
        %swap3A_495 = tpu.vector_load %arg16[%swap3A_493, %swap3A_494] {strides = array<i32>} : memref<64x128xf32, #tpu.memory_space<vmem>>, vector<16xf32>,
        tpu.vector_store %arg16[%swap3A_493, %swap3A_494], %mul3A_492 {strides = array<i32>} : memref<64x128xf32, #tpu.memory_space<vmem>>, vector<16xf32>,
        %get3A_496 = arith.index_cast %scan3A_482 : i32 to index
        %get3A_497 = arith.constant 32 : index
        %get3A_498 = tpu.vector_load %arg16[%get3A_496, %get3A_497] {strides = array<i32>} : memref<64x128xf32, #tpu.memory_space<vmem>>, vector<16xf32>,
        %mul3A_499 = arith.mulf %get3A_498, %gather3A : vector<16xf32>
        %swap3A_500 = arith.index_cast %scan3A_482 : i32 to index
        %swap3A_501 = arith.constant 32 : index
        %swap3A_502 = tpu.vector_load %arg16[%swap3A_500, %swap3A_501] {strides = array<i32>} : memref<64x128xf32, #tpu.memory_space<vmem>>, vector<16xf32>,
        tpu.vector_store %arg16[%swap3A_500, %swap3A_501], %mul3A_499 {strides = array<i32>} : memref<64x128xf32, #tpu.memory_space<vmem>>, vector<16xf32>,
        %get3A_503 = arith.index_cast %scan3A_482 : i32 to index
        %get3A_504 = arith.constant 48 : index
        %get3A_505 = tpu.vector_load %arg16[%get3A_503, %get3A_504] {strides = array<i32>} : memref<64x128xf32, #tpu.memory_space<vmem>>, vector<16xf32>,
        %mul3A_506 = arith.mulf %get3A_505, %gather3A : vector<16xf32>
        %swap3A_507 = arith.index_cast %scan3A_482 : i32 to index
        %swap3A_508 = arith.constant 48 : index
        %swap3A_509 = tpu.vector_load %arg16[%swap3A_507, %swap3A_508] {strides = array<i32>} : memref<64x128xf32, #tpu.memory_space<vmem>>, vector<16xf32>,
        tpu.vector_store %arg16[%swap3A_507, %swap3A_508], %mul3A_506 {strides = array<i32>} : memref<64x128xf32, #tpu.memory_space<vmem>>, vector<16xf32>,
        %get3A_510 = arith.index_cast %scan3A_482 : i32 to index
        %get3A_511 = arith.constant 64 : index
        %get3A_512 = tpu.vector_load %arg16[%get3A_510, %get3A_511] {strides = array<i32>} : memref<64x128xf32, #tpu.memory_space<vmem>>, vector<16xf32>,
        %mul3A_513 = arith.mulf %get3A_512, %gather3A : vector<16xf32>
        %swap3A_514 = arith.index_cast %scan3A_482 : i32 to index
        %swap3A_515 = arith.constant 64 : index
        %swap3A_516 = tpu.vector_load %arg16[%swap3A_514, %swap3A_515] {strides = array<i32>} : memref<64x128xf32, #tpu.memory_space<vmem>>, vector<16xf32>,
        tpu.vector_store %arg16[%swap3A_514, %swap3A_515], %mul3A_513 {strides = array<i32>} : memref<64x128xf32, #tpu.memory_space<vmem>>, vector<16xf32>,
        %get3A_517 = arith.index_cast %scan3A_482 : i32 to index
        %get3A_518 = arith.constant 80 : index
        %get3A_519 = tpu.vector_load %arg16[%get3A_517, %get3A_518] {strides = array<i32>} : memref<64x128xf32, #tpu.memory_space<vmem>>, vector<16xf32>,
        %mul3A_520 = arith.mulf %get3A_519, %gather3A : vector<16xf32>
        %swap3A_521 = arith.index_cast %scan3A_482 : i32 to index
        %swap3A_522 = arith.constant 80 : index
        %swap3A_523 = tpu.vector_load %arg16[%swap3A_521, %swap3A_522] {strides = array<i32>} : memref<64x128xf32, #tpu.memory_space<vmem>>, vector<16xf32>,
        tpu.vector_store %arg16[%swap3A_521, %swap3A_522], %mul3A_520 {strides = array<i32>} : memref<64x128xf32, #tpu.memory_space<vmem>>, vector<16xf32>,
        %get3A_524 = arith.index_cast %scan3A_482 : i32 to index
        %get3A_525 = arith.constant 96 : index
        %get3A_526 = tpu.vector_load %arg16[%get3A_524, %get3A_525] {strides = array<i32>} : memref<64x128xf32, #tpu.memory_space<vmem>>, vector<16xf32>,
        %mul3A_527 = arith.mulf %get3A_526, %gather3A : vector<16xf32>
        %swap3A_528 = arith.index_cast %scan3A_482 : i32 to index
        %swap3A_529 = arith.constant 96 : index
        %swap3A_530 = tpu.vector_load %arg16[%swap3A_528, %swap3A_529] {strides = array<i32>} : memref<64x128xf32, #tpu.memory_space<vmem>>, vector<16xf32>,
        tpu.vector_store %arg16[%swap3A_528, %swap3A_529], %mul3A_527 {strides = array<i32>} : memref<64x128xf32, #tpu.memory_space<vmem>>, vector<16xf32>,
        %get3A_531 = arith.index_cast %scan3A_482 : i32 to index
        %get3A_532 = arith.constant 112 : index
        %get3A_533 = tpu.vector_load %arg16[%get3A_531, %get3A_532] {strides = array<i32>} : memref<64x128xf32, #tpu.memory_space<vmem>>, vector<16xf32>,
        %mul3A_534 = arith.mulf %get3A_533, %gather3A : vector<16xf32>
        %swap3A_535 = arith.index_cast %scan3A_482 : i32 to index
        %swap3A_536 = arith.constant 112 : index
        %swap3A_537 = tpu.vector_load %arg16[%swap3A_535, %swap3A_536] {strides = array<i32>} : memref<64x128xf32, #tpu.memory_space<vmem>>, vector<16xf32>,
        tpu.vector_store %arg16[%swap3A_535, %swap3A_536], %mul3A_534 {strides = array<i32>} : memref<64x128xf32, #tpu.memory_space<vmem>>, vector<16xf32>,
        %scan3A_538 = arith.constant 1 : i32
        %scan3A_539 = arith.addi %scan3A_482, %scan3A_538 : i32
        %broadcast_in_dim3A_540 = vector.broadcast %scan3A_539 : i32 to vector<16xi32>
        %gather3A_541 = tpu.vector_load_idx %arg12[%broadcast_in_dim3A_263, %broadcast_in_dim3A_6, %broadcast_in_dim3A_540] : memref<4x1x64xf32, #tpu.memory_space<vmem>>[vector<16xi32>, vector<16xi32>, vector<16xi32>], vector<16xf32>,
        %get3A_542 = arith.index_cast %scan3A_539 : i32 to index
        %get3A_543 = arith.constant 0 : index
        %get3A_544 = tpu.vector_load %arg16[%get3A_542, %get3A_543] {strides = array<i32>} : memref<64x128xf32, #tpu.memory_space<vmem>>, vector<16xf32>,
        %mul3A_545 = arith.mulf %get3A_544, %gather3A_541 : vector<16xf32>
        %swap3A_546 = arith.index_cast %scan3A_539 : i32 to index
        %swap3A_547 = arith.constant 0 : index
        %swap3A_548 = tpu.vector_load %arg16[%swap3A_546, %swap3A_547] {strides = array<i32>} : memref<64x128xf32, #tpu.memory_space<vmem>>, vector<16xf32>,
        tpu.vector_store %arg16[%swap3A_546, %swap3A_547], %mul3A_545 {strides = array<i32>} : memref<64x128xf32, #tpu.memory_space<vmem>>, vector<16xf32>,
        %get3A_549 = arith.index_cast %scan3A_539 : i32 to index
        %get3A_550 = arith.constant 16 : index
        %get3A_551 = tpu.vector_load %arg16[%get3A_549, %get3A_550] {strides = array<i32>} : memref<64x128xf32, #tpu.memory_space<vmem>>, vector<16xf32>,
        %mul3A_552 = arith.mulf %get3A_551, %gather3A_541 : vector<16xf32>
        %swap3A_553 = arith.index_cast %scan3A_539 : i32 to index
        %swap3A_554 = arith.constant 16 : index
        %swap3A_555 = tpu.vector_load %arg16[%swap3A_553, %swap3A_554] {strides = array<i32>} : memref<64x128xf32, #tpu.memory_space<vmem>>, vector<16xf32>,
        tpu.vector_store %arg16[%swap3A_553, %swap3A_554], %mul3A_552 {strides = array<i32>} : memref<64x128xf32, #tpu.memory_space<vmem>>, vector<16xf32>,
        %get3A_556 = arith.index_cast %scan3A_539 : i32 to index
        %get3A_557 = arith.constant 32 : index
        %get3A_558 = tpu.vector_load %arg16[%get3A_556, %get3A_557] {strides = array<i32>} : memref<64x128xf32, #tpu.memory_space<vmem>>, vector<16xf32>,
        %mul3A_559 = arith.mulf %get3A_558, %gather3A_541 : vector<16xf32>
        %swap3A_560 = arith.index_cast %scan3A_539 : i32 to index
        %swap3A_561 = arith.constant 32 : index
        %swap3A_562 = tpu.vector_load %arg16[%swap3A_560, %swap3A_561] {strides = array<i32>} : memref<64x128xf32, #tpu.memory_space<vmem>>, vector<16xf32>,
        tpu.vector_store %arg16[%swap3A_560, %swap3A_561], %mul3A_559 {strides = array<i32>} : memref<64x128xf32, #tpu.memory_space<vmem>>, vector<16xf32>,
        %get3A_563 = arith.index_cast %scan3A_539 : i32 to index
        %get3A_564 = arith.constant 48 : index
        %get3A_565 = tpu.vector_load %arg16[%get3A_563, %get3A_564] {strides = array<i32>} : memref<64x128xf32, #tpu.memory_space<vmem>>, vector<16xf32>,
        %mul3A_566 = arith.mulf %get3A_565, %gather3A_541 : vector<16xf32>
        %swap3A_567 = arith.index_cast %scan3A_539 : i32 to index
        %swap3A_568 = arith.constant 48 : index
        %swap3A_569 = tpu.vector_load %arg16[%swap3A_567, %swap3A_568] {strides = array<i32>} : memref<64x128xf32, #tpu.memory_space<vmem>>, vector<16xf32>,
        tpu.vector_store %arg16[%swap3A_567, %swap3A_568], %mul3A_566 {strides = array<i32>} : memref<64x128xf32, #tpu.memory_space<vmem>>, vector<16xf32>,
        %get3A_570 = arith.index_cast %scan3A_539 : i32 to index
        %get3A_571 = arith.constant 64 : index
        %get3A_572 = tpu.vector_load %arg16[%get3A_570, %get3A_571] {strides = array<i32>} : memref<64x128xf32, #tpu.memory_space<vmem>>, vector<16xf32>,
        %mul3A_573 = arith.mulf %get3A_572, %gather3A_541 : vector<16xf32>
        %swap3A_574 = arith.index_cast %scan3A_539 : i32 to index
        %swap3A_575 = arith.constant 64 : index
        %swap3A_576 = tpu.vector_load %arg16[%swap3A_574, %swap3A_575] {strides = array<i32>} : memref<64x128xf32, #tpu.memory_space<vmem>>, vector<16xf32>,
        tpu.vector_store %arg16[%swap3A_574, %swap3A_575], %mul3A_573 {strides = array<i32>} : memref<64x128xf32, #tpu.memory_space<vmem>>, vector<16xf32>,
        %get3A_577 = arith.index_cast %scan3A_539 : i32 to index
        %get3A_578 = arith.constant 80 : index
        %get3A_579 = tpu.vector_load %arg16[%get3A_577, %get3A_578] {strides = array<i32>} : memref<64x128xf32, #tpu.memory_space<vmem>>, vector<16xf32>,
        %mul3A_580 = arith.mulf %get3A_579, %gather3A_541 : vector<16xf32>
        %swap3A_581 = arith.index_cast %scan3A_539 : i32 to index
        %swap3A_582 = arith.constant 80 : index
        %swap3A_583 = tpu.vector_load %arg16[%swap3A_581, %swap3A_582] {strides = array<i32>} : memref<64x128xf32, #tpu.memory_space<vmem>>, vector<16xf32>,
        tpu.vector_store %arg16[%swap3A_581, %swap3A_582], %mul3A_580 {strides = array<i32>} : memref<64x128xf32, #tpu.memory_space<vmem>>, vector<16xf32>,
        %get3A_584 = arith.index_cast %scan3A_539 : i32 to index
        %get3A_585 = arith.constant 96 : index
        %get3A_586 = tpu.vector_load %arg16[%get3A_584, %get3A_585] {strides = array<i32>} : memref<64x128xf32, #tpu.memory_space<vmem>>, vector<16xf32>,
        %mul3A_587 = arith.mulf %get3A_586, %gather3A_541 : vector<16xf32>
        %swap3A_588 = arith.index_cast %scan3A_539 : i32 to index
        %swap3A_589 = arith.constant 96 : index
        %swap3A_590 = tpu.vector_load %arg16[%swap3A_588, %swap3A_589] {strides = array<i32>} : memref<64x128xf32, #tpu.memory_space<vmem>>, vector<16xf32>,
        tpu.vector_store %arg16[%swap3A_588, %swap3A_589], %mul3A_587 {strides = array<i32>} : memref<64x128xf32, #tpu.memory_space<vmem>>, vector<16xf32>,
        %get3A_591 = arith.index_cast %scan3A_539 : i32 to index
        %get3A_592 = arith.constant 112 : index
        %get3A_593 = tpu.vector_load %arg16[%get3A_591, %get3A_592] {strides = array<i32>} : memref<64x128xf32, #tpu.memory_space<vmem>>, vector<16xf32>,
        %mul3A_594 = arith.mulf %get3A_593, %gather3A_541 : vector<16xf32>
        %swap3A_595 = arith.index_cast %scan3A_539 : i32 to index
        %swap3A_596 = arith.constant 112 : index
        %swap3A_597 = tpu.vector_load %arg16[%swap3A_595, %swap3A_596] {strides = array<i32>} : memref<64x128xf32, #tpu.memory_space<vmem>>, vector<16xf32>,
        tpu.vector_store %arg16[%swap3A_595, %swap3A_596], %mul3A_594 {strides = array<i32>} : memref<64x128xf32, #tpu.memory_space<vmem>>, vector<16xf32>,
        %scan3A_598 = arith.constant 2 : i32
        %scan3A_599 = arith.addi %scan3A_482, %scan3A_598 : i32
        %broadcast_in_dim3A_600 = vector.broadcast %scan3A_599 : i32 to vector<16xi32>
        %gather3A_601 = tpu.vector_load_idx %arg12[%broadcast_in_dim3A_263, %broadcast_in_dim3A_6, %broadcast_in_dim3A_600] : memref<4x1x64xf32, #tpu.memory_space<vmem>>[vector<16xi32>, vector<16xi32>, vector<16xi32>], vector<16xf32>,
        %get3A_602 = arith.index_cast %scan3A_599 : i32 to index
        %get3A_603 = arith.constant 0 : index
        %get3A_604 = tpu.vector_load %arg16[%get3A_602, %get3A_603] {strides = array<i32>} : memref<64x128xf32, #tpu.memory_space<vmem>>, vector<16xf32>,
        %mul3A_605 = arith.mulf %get3A_604, %gather3A_601 : vector<16xf32>
        %swap3A_606 = arith.index_cast %scan3A_599 : i32 to index
        %swap3A_607 = arith.constant 0 : index
        %swap3A_608 = tpu.vector_load %arg16[%swap3A_606, %swap3A_607] {strides = array<i32>} : memref<64x128xf32, #tpu.memory_space<vmem>>, vector<16xf32>,
        tpu.vector_store %arg16[%swap3A_606, %swap3A_607], %mul3A_605 {strides = array<i32>} : memref<64x128xf32, #tpu.memory_space<vmem>>, vector<16xf32>,
        %get3A_609 = arith.index_cast %scan3A_599 : i32 to index
        %get3A_610 = arith.constant 16 : index
        %get3A_611 = tpu.vector_load %arg16[%get3A_609, %get3A_610] {strides = array<i32>} : memref<64x128xf32, #tpu.memory_space<vmem>>, vector<16xf32>,
        %mul3A_612 = arith.mulf %get3A_611, %gather3A_601 : vector<16xf32>
        %swap3A_613 = arith.index_cast %scan3A_599 : i32 to index
        %swap3A_614 = arith.constant 16 : index
        %swap3A_615 = tpu.vector_load %arg16[%swap3A_613, %swap3A_614] {strides = array<i32>} : memref<64x128xf32, #tpu.memory_space<vmem>>, vector<16xf32>,
        tpu.vector_store %arg16[%swap3A_613, %swap3A_614], %mul3A_612 {strides = array<i32>} : memref<64x128xf32, #tpu.memory_space<vmem>>, vector<16xf32>,
        %get3A_616 = arith.index_cast %scan3A_599 : i32 to index
        %get3A_617 = arith.constant 32 : index
        %get3A_618 = tpu.vector_load %arg16[%get3A_616, %get3A_617] {strides = array<i32>} : memref<64x128xf32, #tpu.memory_space<vmem>>, vector<16xf32>,
        %mul3A_619 = arith.mulf %get3A_618, %gather3A_601 : vector<16xf32>
        %swap3A_620 = arith.index_cast %scan3A_599 : i32 to index
        %swap3A_621 = arith.constant 32 : index
        %swap3A_622 = tpu.vector_load %arg16[%swap3A_620, %swap3A_621] {strides = array<i32>} : memref<64x128xf32, #tpu.memory_space<vmem>>, vector<16xf32>,
        tpu.vector_store %arg16[%swap3A_620, %swap3A_621], %mul3A_619 {strides = array<i32>} : memref<64x128xf32, #tpu.memory_space<vmem>>, vector<16xf32>,
        %get3A_623 = arith.index_cast %scan3A_599 : i32 to index
        %get3A_624 = arith.constant 48 : index
        %get3A_625 = tpu.vector_load %arg16[%get3A_623, %get3A_624] {strides = array<i32>} : memref<64x128xf32, #tpu.memory_space<vmem>>, vector<16xf32>,
        %mul3A_626 = arith.mulf %get3A_625, %gather3A_601 : vector<16xf32>
        %swap3A_627 = arith.index_cast %scan3A_599 : i32 to index
        %swap3A_628 = arith.constant 48 : index
        %swap3A_629 = tpu.vector_load %arg16[%swap3A_627, %swap3A_628] {strides = array<i32>} : memref<64x128xf32, #tpu.memory_space<vmem>>, vector<16xf32>,
        tpu.vector_store %arg16[%swap3A_627, %swap3A_628], %mul3A_626 {strides = array<i32>} : memref<64x128xf32, #tpu.memory_space<vmem>>, vector<16xf32>,
        %get3A_630 = arith.index_cast %scan3A_599 : i32 to index
        %get3A_631 = arith.constant 64 : index
        %get3A_632 = tpu.vector_load %arg16[%get3A_630, %get3A_631] {strides = array<i32>} : memref<64x128xf32, #tpu.memory_space<vmem>>, vector<16xf32>,
        %mul3A_633 = arith.mulf %get3A_632, %gather3A_601 : vector<16xf32>
        %swap3A_634 = arith.index_cast %scan3A_599 : i32 to index
        %swap3A_635 = arith.constant 64 : index
        %swap3A_636 = tpu.vector_load %arg16[%swap3A_634, %swap3A_635] {strides = array<i32>} : memref<64x128xf32, #tpu.memory_space<vmem>>, vector<16xf32>,
        tpu.vector_store %arg16[%swap3A_634, %swap3A_635], %mul3A_633 {strides = array<i32>} : memref<64x128xf32, #tpu.memory_space<vmem>>, vector<16xf32>,
        %get3A_637 = arith.index_cast %scan3A_599 : i32 to index
        %get3A_638 = arith.constant 80 : index
        %get3A_639 = tpu.vector_load %arg16[%get3A_637, %get3A_638] {strides = array<i32>} : memref<64x128xf32, #tpu.memory_space<vmem>>, vector<16xf32>,
        %mul3A_640 = arith.mulf %get3A_639, %gather3A_601 : vector<16xf32>
        %swap3A_641 = arith.index_cast %scan3A_599 : i32 to index
        %swap3A_642 = arith.constant 80 : index
        %swap3A_643 = tpu.vector_load %arg16[%swap3A_641, %swap3A_642] {strides = array<i32>} : memref<64x128xf32, #tpu.memory_space<vmem>>, vector<16xf32>,
        tpu.vector_store %arg16[%swap3A_641, %swap3A_642], %mul3A_640 {strides = array<i32>} : memref<64x128xf32, #tpu.memory_space<vmem>>, vector<16xf32>,
        %get3A_644 = arith.index_cast %scan3A_599 : i32 to index
        %get3A_645 = arith.constant 96 : index
        %get3A_646 = tpu.vector_load %arg16[%get3A_644, %get3A_645] {strides = array<i32>} : memref<64x128xf32, #tpu.memory_space<vmem>>, vector<16xf32>,
        %mul3A_647 = arith.mulf %get3A_646, %gather3A_601 : vector<16xf32>
        %swap3A_648 = arith.index_cast %scan3A_599 : i32 to index
        %swap3A_649 = arith.constant 96 : index
        %swap3A_650 = tpu.vector_load %arg16[%swap3A_648, %swap3A_649] {strides = array<i32>} : memref<64x128xf32, #tpu.memory_space<vmem>>, vector<16xf32>,
        tpu.vector_store %arg16[%swap3A_648, %swap3A_649], %mul3A_647 {strides = array<i32>} : memref<64x128xf32, #tpu.memory_space<vmem>>, vector<16xf32>,
        %get3A_651 = arith.index_cast %scan3A_599 : i32 to index
        %get3A_652 = arith.constant 112 : index
        %get3A_653 = tpu.vector_load %arg16[%get3A_651, %get3A_652] {strides = array<i32>} : memref<64x128xf32, #tpu.memory_space<vmem>>, vector<16xf32>,
        %mul3A_654 = arith.mulf %get3A_653, %gather3A_601 : vector<16xf32>
        %swap3A_655 = arith.index_cast %scan3A_599 : i32 to index
        %swap3A_656 = arith.constant 112 : index
        %swap3A_657 = tpu.vector_load %arg16[%swap3A_655, %swap3A_656] {strides = array<i32>} : memref<64x128xf32, #tpu.memory_space<vmem>>, vector<16xf32>,
        tpu.vector_store %arg16[%swap3A_655, %swap3A_656], %mul3A_654 {strides = array<i32>} : memref<64x128xf32, #tpu.memory_space<vmem>>, vector<16xf32>,
        %scan3A_658 = arith.constant 3 : i32
        %scan3A_659 = arith.addi %scan3A_482, %scan3A_658 : i32
        %broadcast_in_dim3A_660 = vector.broadcast %scan3A_659 : i32 to vector<16xi32>
        %gather3A_661 = tpu.vector_load_idx %arg12[%broadcast_in_dim3A_263, %broadcast_in_dim3A_6, %broadcast_in_dim3A_660] : memref<4x1x64xf32, #tpu.memory_space<vmem>>[vector<16xi32>, vector<16xi32>, vector<16xi32>], vector<16xf32>,
        %get3A_662 = arith.index_cast %scan3A_659 : i32 to index
        %get3A_663 = arith.constant 0 : index
        %get3A_664 = tpu.vector_load %arg16[%get3A_662, %get3A_663] {strides = array<i32>} : memref<64x128xf32, #tpu.memory_space<vmem>>, vector<16xf32>,
        %mul3A_665 = arith.mulf %get3A_664, %gather3A_661 : vector<16xf32>
        %swap3A_666 = arith.index_cast %scan3A_659 : i32 to index
        %swap3A_667 = arith.constant 0 : index
        %swap3A_668 = tpu.vector_load %arg16[%swap3A_666, %swap3A_667] {strides = array<i32>} : memref<64x128xf32, #tpu.memory_space<vmem>>, vector<16xf32>,
        tpu.vector_store %arg16[%swap3A_666, %swap3A_667], %mul3A_665 {strides = array<i32>} : memref<64x128xf32, #tpu.memory_space<vmem>>, vector<16xf32>,
        %get3A_669 = arith.index_cast %scan3A_659 : i32 to index
        %get3A_670 = arith.constant 16 : index
        %get3A_671 = tpu.vector_load %arg16[%get3A_669, %get3A_670] {strides = array<i32>} : memref<64x128xf32, #tpu.memory_space<vmem>>, vector<16xf32>,
        %mul3A_672 = arith.mulf %get3A_671, %gather3A_661 : vector<16xf32>
        %swap3A_673 = arith.index_cast %scan3A_659 : i32 to index
        %swap3A_674 = arith.constant 16 : index
        %swap3A_675 = tpu.vector_load %arg16[%swap3A_673, %swap3A_674] {strides = array<i32>} : memref<64x128xf32, #tpu.memory_space<vmem>>, vector<16xf32>,
        tpu.vector_store %arg16[%swap3A_673, %swap3A_674], %mul3A_672 {strides = array<i32>} : memref<64x128xf32, #tpu.memory_space<vmem>>, vector<16xf32>,
        %get3A_676 = arith.index_cast %scan3A_659 : i32 to index
        %get3A_677 = arith.constant 32 : index
        %get3A_678 = tpu.vector_load %arg16[%get3A_676, %get3A_677] {strides = array<i32>} : memref<64x128xf32, #tpu.memory_space<vmem>>, vector<16xf32>,
        %mul3A_679 = arith.mulf %get3A_678, %gather3A_661 : vector<16xf32>
        %swap3A_680 = arith.index_cast %scan3A_659 : i32 to index
        %swap3A_681 = arith.constant 32 : index
        %swap3A_682 = tpu.vector_load %arg16[%swap3A_680, %swap3A_681] {strides = array<i32>} : memref<64x128xf32, #tpu.memory_space<vmem>>, vector<16xf32>,
        tpu.vector_store %arg16[%swap3A_680, %swap3A_681], %mul3A_679 {strides = array<i32>} : memref<64x128xf32, #tpu.memory_space<vmem>>, vector<16xf32>,
        %get3A_683 = arith.index_cast %scan3A_659 : i32 to index
        %get3A_684 = arith.constant 48 : index
        %get3A_685 = tpu.vector_load %arg16[%get3A_683, %get3A_684] {strides = array<i32>} : memref<64x128xf32, #tpu.memory_space<vmem>>, vector<16xf32>,
        %mul3A_686 = arith.mulf %get3A_685, %gather3A_661 : vector<16xf32>
        %swap3A_687 = arith.index_cast %scan3A_659 : i32 to index
        %swap3A_688 = arith.constant 48 : index
        %swap3A_689 = tpu.vector_load %arg16[%swap3A_687, %swap3A_688] {strides = array<i32>} : memref<64x128xf32, #tpu.memory_space<vmem>>, vector<16xf32>,
        tpu.vector_store %arg16[%swap3A_687, %swap3A_688], %mul3A_686 {strides = array<i32>} : memref<64x128xf32, #tpu.memory_space<vmem>>, vector<16xf32>,
        %get3A_690 = arith.index_cast %scan3A_659 : i32 to index
        %get3A_691 = arith.constant 64 : index
        %get3A_692 = tpu.vector_load %arg16[%get3A_690, %get3A_691] {strides = array<i32>} : memref<64x128xf32, #tpu.memory_space<vmem>>, vector<16xf32>,
        %mul3A_693 = arith.mulf %get3A_692, %gather3A_661 : vector<16xf32>
        %swap3A_694 = arith.index_cast %scan3A_659 : i32 to index
        %swap3A_695 = arith.constant 64 : index
        %swap3A_696 = tpu.vector_load %arg16[%swap3A_694, %swap3A_695] {strides = array<i32>} : memref<64x128xf32, #tpu.memory_space<vmem>>, vector<16xf32>,
        tpu.vector_store %arg16[%swap3A_694, %swap3A_695], %mul3A_693 {strides = array<i32>} : memref<64x128xf32, #tpu.memory_space<vmem>>, vector<16xf32>,
        %get3A_697 = arith.index_cast %scan3A_659 : i32 to index
        %get3A_698 = arith.constant 80 : index
        %get3A_699 = tpu.vector_load %arg16[%get3A_697, %get3A_698] {strides = array<i32>} : memref<64x128xf32, #tpu.memory_space<vmem>>, vector<16xf32>,
        %mul3A_700 = arith.mulf %get3A_699, %gather3A_661 : vector<16xf32>
        %swap3A_701 = arith.index_cast %scan3A_659 : i32 to index
        %swap3A_702 = arith.constant 80 : index
        %swap3A_703 = tpu.vector_load %arg16[%swap3A_701, %swap3A_702] {strides = array<i32>} : memref<64x128xf32, #tpu.memory_space<vmem>>, vector<16xf32>,
        tpu.vector_store %arg16[%swap3A_701, %swap3A_702], %mul3A_700 {strides = array<i32>} : memref<64x128xf32, #tpu.memory_space<vmem>>, vector<16xf32>,
        %get3A_704 = arith.index_cast %scan3A_659 : i32 to index
        %get3A_705 = arith.constant 96 : index
        %get3A_706 = tpu.vector_load %arg16[%get3A_704, %get3A_705] {strides = array<i32>} : memref<64x128xf32, #tpu.memory_space<vmem>>, vector<16xf32>,
        %mul3A_707 = arith.mulf %get3A_706, %gather3A_661 : vector<16xf32>
        %swap3A_708 = arith.index_cast %scan3A_659 : i32 to index
        %swap3A_709 = arith.constant 96 : index
        %swap3A_710 = tpu.vector_load %arg16[%swap3A_708, %swap3A_709] {strides = array<i32>} : memref<64x128xf32, #tpu.memory_space<vmem>>, vector<16xf32>,
        tpu.vector_store %arg16[%swap3A_708, %swap3A_709], %mul3A_707 {strides = array<i32>} : memref<64x128xf32, #tpu.memory_space<vmem>>, vector<16xf32>,
        %get3A_711 = arith.index_cast %scan3A_659 : i32 to index
        %get3A_712 = arith.constant 112 : index
        %get3A_713 = tpu.vector_load %arg16[%get3A_711, %get3A_712] {strides = array<i32>} : memref<64x128xf32, #tpu.memory_space<vmem>>, vector<16xf32>,
        %mul3A_714 = arith.mulf %get3A_713, %gather3A_661 : vector<16xf32>
        %swap3A_715 = arith.index_cast %scan3A_659 : i32 to index
        %swap3A_716 = arith.constant 112 : index
        %swap3A_717 = tpu.vector_load %arg16[%swap3A_715, %swap3A_716] {strides = array<i32>} : memref<64x128xf32, #tpu.memory_space<vmem>>, vector<16xf32>,
        tpu.vector_store %arg16[%swap3A_715, %swap3A_716], %mul3A_714 {strides = array<i32>} : memref<64x128xf32, #tpu.memory_space<vmem>>, vector<16xf32>,
      }
      %scan3A_269 = arith.constant 64 : i32
      %dma_start3A_270 = arith.constant 2 : i32
      %dma_start3A_271 = arith.constant 0 : i32
      %dma_start3A_272 = arith.constant 0 : i32
      %dma_start3A_273 = tpu.memref_slice %arg10[%dma_start3A_270, %dma_start3A_271, %dma_start3A_272] : memref<4x1x64xi32, #tpu.memory_space<vmem>> -> memref<1x1x64xi32, #tpu.memory_space<vmem>>
      %dma_start3A_274 = tpu.memref_squeeze %dma_start3A_273 : memref<1x1x64xi32, #tpu.memory_space<vmem>> -> memref<64xi32, #tpu.memory_space<vmem>>
      %dma_start3A_275 = arith.constant 0 : i32
      %dma_start3A_276 = arith.constant 0 : i32
      %dma_start3A_277 = tpu.memref_slice %arg18[%dma_start3A_275, %dma_start3A_276] : memref<10112x128xf32, #tpu.memory_space<vmem_shared>> -> memref<10112x128xf32, #tpu.memory_space<vmem_shared>>
      tpu.enqueue_indirect_dma source(%arg16 : memref<64x128xf32, #tpu.memory_space<vmem>>) target(%dma_start3A_277 : memref<10112x128xf32, #tpu.memory_space<vmem_shared>>) offsets(%dma_start3A_274 : memref<64xi32, #tpu.memory_space<vmem>>) semaphore(%arg28 : memref<!tpu.dma_semaphore, #tpu.memory_space<semaphore_mem>>) {add = true}
      %add3A_278 = arith.constant 3 : i32
      %add3A_279 = arith.addi %mul3A_111, %add3A_278 : i32
      %dma_wait3A_280 = arith.constant 3 : i32
      %dma_wait3A_281 = arith.constant 0 : i32
      %dma_wait3A_282 = arith.constant 0 : i32
      %dma_wait3A_283 = tpu.memref_slice %arg8[%dma_wait3A_280, %dma_wait3A_281, %dma_wait3A_282] : memref<4x1x64xi32, #tpu.memory_space<vmem>> -> memref<1x1x64xi32, #tpu.memory_space<vmem>>
      %dma_wait3A_284 = tpu.memref_squeeze %dma_wait3A_283 : memref<1x1x64xi32, #tpu.memory_space<vmem>> -> memref<64xi32, #tpu.memory_space<vmem>>
      %dma_wait3A_285 = arith.constant 0 : i32
      %dma_wait3A_286 = arith.constant 0 : i32
      %dma_wait3A_287 = tpu.memref_slice %arg2[%dma_wait3A_285, %dma_wait3A_286] : memref<10000x128xf32, #tpu.memory_space<hbm>> -> memref<10000x128xf32, #tpu.memory_space<hbm>>
      tpu.wait_indirect_dma semaphore(%arg25 : memref<!tpu.dma_semaphore, #tpu.memory_space<semaphore_mem>>) src(%dma_wait3A_287 : memref<10000x128xf32, #tpu.memory_space<hbm>>) dst(%arg17 : memref<64x128xf32, #tpu.memory_space<vmem>>)
      %ge3A_288 = arith.constant 2 : i32
      %ge3A_289 = arith.cmpi sge, %add3A_279, %ge3A_288 : i32
      %convert_element_type3A_290 = arith.extui %ge3A_289 : i1 to i32
      %cond3A_291 = arith.constant 0 : i32
      %cond3A_292 = arith.cmpi ne, %convert_element_type3A_290, %cond3A_291 : i32
      scf.if %cond3A_292 {
        %dma_wait3A_482 = arith.constant 0 : i32
        %dma_wait3A_483 = arith.constant 0 : i32
        %dma_wait3A_484 = arith.constant 0 : i32
        %dma_wait3A_485 = tpu.memref_slice %arg10[%dma_wait3A_482, %dma_wait3A_483, %dma_wait3A_484] : memref<4x1x64xi32, #tpu.memory_space<vmem>> -> memref<1x1x64xi32, #tpu.memory_space<vmem>>
        %dma_wait3A_486 = tpu.memref_squeeze %dma_wait3A_485 : memref<1x1x64xi32, #tpu.memory_space<vmem>> -> memref<64xi32, #tpu.memory_space<vmem>>
        %dma_wait3A_487 = arith.constant 0 : i32
        %dma_wait3A_488 = arith.constant 0 : i32
        %dma_wait3A_489 = tpu.memref_slice %arg18[%dma_wait3A_487, %dma_wait3A_488] : memref<10112x128xf32, #tpu.memory_space<vmem_shared>> -> memref<10112x128xf32, #tpu.memory_space<vmem_shared>>
        tpu.wait_indirect_dma semaphore(%arg27 : memref<!tpu.dma_semaphore, #tpu.memory_space<semaphore_mem>>) src(%arg15 : memref<64x128xf32, #tpu.memory_space<vmem>>) dst(%dma_wait3A_489 : memref<10112x128xf32, #tpu.memory_space<vmem_shared>>)
      } else {
      }
      %add3A_293 = arith.constant 2 : i32
      %add3A_294 = arith.addi %add3A_279, %add3A_293 : i32
      %lt3A_295 = arith.constant 160 : i32
      %lt3A_296 = arith.cmpi slt, %add3A_294, %lt3A_295 : i32
      %convert_element_type3A_297 = arith.extui %lt3A_296 : i1 to i32
      %cond3A_298 = arith.constant 0 : i32
      %cond3A_299 = arith.cmpi ne, %convert_element_type3A_297, %cond3A_298 : i32
      scf.if %cond3A_299 {
        %dma_start3A_482 = arith.constant 1 : i32
        %dma_start3A_483 = arith.constant 0 : i32
        %dma_start3A_484 = arith.constant 0 : i32
        %dma_start3A_485 = tpu.memref_slice %arg9[%dma_start3A_482, %dma_start3A_483, %dma_start3A_484] : memref<4x1x64xi32, #tpu.memory_space<vmem>> -> memref<1x1x64xi32, #tpu.memory_space<vmem>>
        %dma_start3A_486 = tpu.memref_squeeze %dma_start3A_485 : memref<1x1x64xi32, #tpu.memory_space<vmem>> -> memref<64xi32, #tpu.memory_space<vmem>>
        %dma_start3A_487 = arith.constant 0 : i32
        %dma_start3A_488 = arith.constant 0 : i32
        %dma_start3A_489 = tpu.memref_slice %arg2[%dma_start3A_487, %dma_start3A_488] : memref<10000x128xf32, #tpu.memory_space<hbm>> -> memref<10000x128xf32, #tpu.memory_space<hbm>>
        tpu.enqueue_indirect_dma source(%dma_start3A_489 : memref<10000x128xf32, #tpu.memory_space<hbm>>) target(%arg15 : memref<64x128xf32, #tpu.memory_space<vmem>>) offsets(%dma_start3A_486 : memref<64xi32, #tpu.memory_space<vmem>>) semaphore(%arg23 : memref<!tpu.dma_semaphore, #tpu.memory_space<semaphore_mem>>)
      } else {
      }
      %broadcast_in_dim3A_300 = arith.constant 3 : i32
      %broadcast_in_dim3A_301 = vector.broadcast %broadcast_in_dim3A_300 : i32 to vector<16xi32>
      %scan3A_302 = arith.constant 0 : i32
      %scan3A_303 = arith.constant 0 : i32
      %scan3A_304 = arith.constant 64 : i32
      %scan3A_305 = arith.addi %scan3A_303, %scan3A_304 : i32
      %scan3A_306 = arith.constant 4 : i32
      scf.for %scan3A_482 = %scan3A_303 to %scan3A_305 step %scan3A_306  : i32 {
        %broadcast_in_dim3A_483 = vector.broadcast %scan3A_482 : i32 to vector<16xi32>
        %gather3A = tpu.vector_load_idx %arg12[%broadcast_in_dim3A_301, %broadcast_in_dim3A_6, %broadcast_in_dim3A_483] : memref<4x1x64xf32, #tpu.memory_space<vmem>>[vector<16xi32>, vector<16xi32>, vector<16xi32>], vector<16xf32>,
        %get3A = arith.index_cast %scan3A_482 : i32 to index
        %get3A_484 = arith.constant 0 : index
        %get3A_485 = tpu.vector_load %arg17[%get3A, %get3A_484] {strides = array<i32>} : memref<64x128xf32, #tpu.memory_space<vmem>>, vector<16xf32>,
        %mul3A_486 = arith.mulf %get3A_485, %gather3A : vector<16xf32>
        %swap3A = arith.index_cast %scan3A_482 : i32 to index
        %swap3A_487 = arith.constant 0 : index
        %swap3A_488 = tpu.vector_load %arg17[%swap3A, %swap3A_487] {strides = array<i32>} : memref<64x128xf32, #tpu.memory_space<vmem>>, vector<16xf32>,
        tpu.vector_store %arg17[%swap3A, %swap3A_487], %mul3A_486 {strides = array<i32>} : memref<64x128xf32, #tpu.memory_space<vmem>>, vector<16xf32>,
        %get3A_489 = arith.index_cast %scan3A_482 : i32 to index
        %get3A_490 = arith.constant 16 : index
        %get3A_491 = tpu.vector_load %arg17[%get3A_489, %get3A_490] {strides = array<i32>} : memref<64x128xf32, #tpu.memory_space<vmem>>, vector<16xf32>,
        %mul3A_492 = arith.mulf %get3A_491, %gather3A : vector<16xf32>
        %swap3A_493 = arith.index_cast %scan3A_482 : i32 to index
        %swap3A_494 = arith.constant 16 : index
        %swap3A_495 = tpu.vector_load %arg17[%swap3A_493, %swap3A_494] {strides = array<i32>} : memref<64x128xf32, #tpu.memory_space<vmem>>, vector<16xf32>,
        tpu.vector_store %arg17[%swap3A_493, %swap3A_494], %mul3A_492 {strides = array<i32>} : memref<64x128xf32, #tpu.memory_space<vmem>>, vector<16xf32>,
        %get3A_496 = arith.index_cast %scan3A_482 : i32 to index
        %get3A_497 = arith.constant 32 : index
        %get3A_498 = tpu.vector_load %arg17[%get3A_496, %get3A_497] {strides = array<i32>} : memref<64x128xf32, #tpu.memory_space<vmem>>, vector<16xf32>,
        %mul3A_499 = arith.mulf %get3A_498, %gather3A : vector<16xf32>
        %swap3A_500 = arith.index_cast %scan3A_482 : i32 to index
        %swap3A_501 = arith.constant 32 : index
        %swap3A_502 = tpu.vector_load %arg17[%swap3A_500, %swap3A_501] {strides = array<i32>} : memref<64x128xf32, #tpu.memory_space<vmem>>, vector<16xf32>,
        tpu.vector_store %arg17[%swap3A_500, %swap3A_501], %mul3A_499 {strides = array<i32>} : memref<64x128xf32, #tpu.memory_space<vmem>>, vector<16xf32>,
        %get3A_503 = arith.index_cast %scan3A_482 : i32 to index
        %get3A_504 = arith.constant 48 : index
        %get3A_505 = tpu.vector_load %arg17[%get3A_503, %get3A_504] {strides = array<i32>} : memref<64x128xf32, #tpu.memory_space<vmem>>, vector<16xf32>,
        %mul3A_506 = arith.mulf %get3A_505, %gather3A : vector<16xf32>
        %swap3A_507 = arith.index_cast %scan3A_482 : i32 to index
        %swap3A_508 = arith.constant 48 : index
        %swap3A_509 = tpu.vector_load %arg17[%swap3A_507, %swap3A_508] {strides = array<i32>} : memref<64x128xf32, #tpu.memory_space<vmem>>, vector<16xf32>,
        tpu.vector_store %arg17[%swap3A_507, %swap3A_508], %mul3A_506 {strides = array<i32>} : memref<64x128xf32, #tpu.memory_space<vmem>>, vector<16xf32>,
        %get3A_510 = arith.index_cast %scan3A_482 : i32 to index
        %get3A_511 = arith.constant 64 : index
        %get3A_512 = tpu.vector_load %arg17[%get3A_510, %get3A_511] {strides = array<i32>} : memref<64x128xf32, #tpu.memory_space<vmem>>, vector<16xf32>,
        %mul3A_513 = arith.mulf %get3A_512, %gather3A : vector<16xf32>
        %swap3A_514 = arith.index_cast %scan3A_482 : i32 to index
        %swap3A_515 = arith.constant 64 : index
        %swap3A_516 = tpu.vector_load %arg17[%swap3A_514, %swap3A_515] {strides = array<i32>} : memref<64x128xf32, #tpu.memory_space<vmem>>, vector<16xf32>,
        tpu.vector_store %arg17[%swap3A_514, %swap3A_515], %mul3A_513 {strides = array<i32>} : memref<64x128xf32, #tpu.memory_space<vmem>>, vector<16xf32>,
        %get3A_517 = arith.index_cast %scan3A_482 : i32 to index
        %get3A_518 = arith.constant 80 : index
        %get3A_519 = tpu.vector_load %arg17[%get3A_517, %get3A_518] {strides = array<i32>} : memref<64x128xf32, #tpu.memory_space<vmem>>, vector<16xf32>,
        %mul3A_520 = arith.mulf %get3A_519, %gather3A : vector<16xf32>
        %swap3A_521 = arith.index_cast %scan3A_482 : i32 to index
        %swap3A_522 = arith.constant 80 : index
        %swap3A_523 = tpu.vector_load %arg17[%swap3A_521, %swap3A_522] {strides = array<i32>} : memref<64x128xf32, #tpu.memory_space<vmem>>, vector<16xf32>,
        tpu.vector_store %arg17[%swap3A_521, %swap3A_522], %mul3A_520 {strides = array<i32>} : memref<64x128xf32, #tpu.memory_space<vmem>>, vector<16xf32>,
        %get3A_524 = arith.index_cast %scan3A_482 : i32 to index
        %get3A_525 = arith.constant 96 : index
        %get3A_526 = tpu.vector_load %arg17[%get3A_524, %get3A_525] {strides = array<i32>} : memref<64x128xf32, #tpu.memory_space<vmem>>, vector<16xf32>,
        %mul3A_527 = arith.mulf %get3A_526, %gather3A : vector<16xf32>
        %swap3A_528 = arith.index_cast %scan3A_482 : i32 to index
        %swap3A_529 = arith.constant 96 : index
        %swap3A_530 = tpu.vector_load %arg17[%swap3A_528, %swap3A_529] {strides = array<i32>} : memref<64x128xf32, #tpu.memory_space<vmem>>, vector<16xf32>,
        tpu.vector_store %arg17[%swap3A_528, %swap3A_529], %mul3A_527 {strides = array<i32>} : memref<64x128xf32, #tpu.memory_space<vmem>>, vector<16xf32>,
        %get3A_531 = arith.index_cast %scan3A_482 : i32 to index
        %get3A_532 = arith.constant 112 : index
        %get3A_533 = tpu.vector_load %arg17[%get3A_531, %get3A_532] {strides = array<i32>} : memref<64x128xf32, #tpu.memory_space<vmem>>, vector<16xf32>,
        %mul3A_534 = arith.mulf %get3A_533, %gather3A : vector<16xf32>
        %swap3A_535 = arith.index_cast %scan3A_482 : i32 to index
        %swap3A_536 = arith.constant 112 : index
        %swap3A_537 = tpu.vector_load %arg17[%swap3A_535, %swap3A_536] {strides = array<i32>} : memref<64x128xf32, #tpu.memory_space<vmem>>, vector<16xf32>,
        tpu.vector_store %arg17[%swap3A_535, %swap3A_536], %mul3A_534 {strides = array<i32>} : memref<64x128xf32, #tpu.memory_space<vmem>>, vector<16xf32>,
        %scan3A_538 = arith.constant 1 : i32
        %scan3A_539 = arith.addi %scan3A_482, %scan3A_538 : i32
        %broadcast_in_dim3A_540 = vector.broadcast %scan3A_539 : i32 to vector<16xi32>
        %gather3A_541 = tpu.vector_load_idx %arg12[%broadcast_in_dim3A_301, %broadcast_in_dim3A_6, %broadcast_in_dim3A_540] : memref<4x1x64xf32, #tpu.memory_space<vmem>>[vector<16xi32>, vector<16xi32>, vector<16xi32>], vector<16xf32>,
        %get3A_542 = arith.index_cast %scan3A_539 : i32 to index
        %get3A_543 = arith.constant 0 : index
        %get3A_544 = tpu.vector_load %arg17[%get3A_542, %get3A_543] {strides = array<i32>} : memref<64x128xf32, #tpu.memory_space<vmem>>, vector<16xf32>,
        %mul3A_545 = arith.mulf %get3A_544, %gather3A_541 : vector<16xf32>
        %swap3A_546 = arith.index_cast %scan3A_539 : i32 to index
        %swap3A_547 = arith.constant 0 : index
        %swap3A_548 = tpu.vector_load %arg17[%swap3A_546, %swap3A_547] {strides = array<i32>} : memref<64x128xf32, #tpu.memory_space<vmem>>, vector<16xf32>,
        tpu.vector_store %arg17[%swap3A_546, %swap3A_547], %mul3A_545 {strides = array<i32>} : memref<64x128xf32, #tpu.memory_space<vmem>>, vector<16xf32>,
        %get3A_549 = arith.index_cast %scan3A_539 : i32 to index
        %get3A_550 = arith.constant 16 : index
        %get3A_551 = tpu.vector_load %arg17[%get3A_549, %get3A_550] {strides = array<i32>} : memref<64x128xf32, #tpu.memory_space<vmem>>, vector<16xf32>,
        %mul3A_552 = arith.mulf %get3A_551, %gather3A_541 : vector<16xf32>
        %swap3A_553 = arith.index_cast %scan3A_539 : i32 to index
        %swap3A_554 = arith.constant 16 : index
        %swap3A_555 = tpu.vector_load %arg17[%swap3A_553, %swap3A_554] {strides = array<i32>} : memref<64x128xf32, #tpu.memory_space<vmem>>, vector<16xf32>,
        tpu.vector_store %arg17[%swap3A_553, %swap3A_554], %mul3A_552 {strides = array<i32>} : memref<64x128xf32, #tpu.memory_space<vmem>>, vector<16xf32>,
        %get3A_556 = arith.index_cast %scan3A_539 : i32 to index
        %get3A_557 = arith.constant 32 : index
        %get3A_558 = tpu.vector_load %arg17[%get3A_556, %get3A_557] {strides = array<i32>} : memref<64x128xf32, #tpu.memory_space<vmem>>, vector<16xf32>,
        %mul3A_559 = arith.mulf %get3A_558, %gather3A_541 : vector<16xf32>
        %swap3A_560 = arith.index_cast %scan3A_539 : i32 to index
        %swap3A_561 = arith.constant 32 : index
        %swap3A_562 = tpu.vector_load %arg17[%swap3A_560, %swap3A_561] {strides = array<i32>} : memref<64x128xf32, #tpu.memory_space<vmem>>, vector<16xf32>,
        tpu.vector_store %arg17[%swap3A_560, %swap3A_561], %mul3A_559 {strides = array<i32>} : memref<64x128xf32, #tpu.memory_space<vmem>>, vector<16xf32>,
        %get3A_563 = arith.index_cast %scan3A_539 : i32 to index
        %get3A_564 = arith.constant 48 : index
        %get3A_565 = tpu.vector_load %arg17[%get3A_563, %get3A_564] {strides = array<i32>} : memref<64x128xf32, #tpu.memory_space<vmem>>, vector<16xf32>,
        %mul3A_566 = arith.mulf %get3A_565, %gather3A_541 : vector<16xf32>
        %swap3A_567 = arith.index_cast %scan3A_539 : i32 to index
        %swap3A_568 = arith.constant 48 : index
        %swap3A_569 = tpu.vector_load %arg17[%swap3A_567, %swap3A_568] {strides = array<i32>} : memref<64x128xf32, #tpu.memory_space<vmem>>, vector<16xf32>,
        tpu.vector_store %arg17[%swap3A_567, %swap3A_568], %mul3A_566 {strides = array<i32>} : memref<64x128xf32, #tpu.memory_space<vmem>>, vector<16xf32>,
        %get3A_570 = arith.index_cast %scan3A_539 : i32 to index
        %get3A_571 = arith.constant 64 : index
        %get3A_572 = tpu.vector_load %arg17[%get3A_570, %get3A_571] {strides = array<i32>} : memref<64x128xf32, #tpu.memory_space<vmem>>, vector<16xf32>,
        %mul3A_573 = arith.mulf %get3A_572, %gather3A_541 : vector<16xf32>
        %swap3A_574 = arith.index_cast %scan3A_539 : i32 to index
        %swap3A_575 = arith.constant 64 : index
        %swap3A_576 = tpu.vector_load %arg17[%swap3A_574, %swap3A_575] {strides = array<i32>} : memref<64x128xf32, #tpu.memory_space<vmem>>, vector<16xf32>,
        tpu.vector_store %arg17[%swap3A_574, %swap3A_575], %mul3A_573 {strides = array<i32>} : memref<64x128xf32, #tpu.memory_space<vmem>>, vector<16xf32>,
        %get3A_577 = arith.index_cast %scan3A_539 : i32 to index
        %get3A_578 = arith.constant 80 : index
        %get3A_579 = tpu.vector_load %arg17[%get3A_577, %get3A_578] {strides = array<i32>} : memref<64x128xf32, #tpu.memory_space<vmem>>, vector<16xf32>,
        %mul3A_580 = arith.mulf %get3A_579, %gather3A_541 : vector<16xf32>
        %swap3A_581 = arith.index_cast %scan3A_539 : i32 to index
        %swap3A_582 = arith.constant 80 : index
        %swap3A_583 = tpu.vector_load %arg17[%swap3A_581, %swap3A_582] {strides = array<i32>} : memref<64x128xf32, #tpu.memory_space<vmem>>, vector<16xf32>,
        tpu.vector_store %arg17[%swap3A_581, %swap3A_582], %mul3A_580 {strides = array<i32>} : memref<64x128xf32, #tpu.memory_space<vmem>>, vector<16xf32>,
        %get3A_584 = arith.index_cast %scan3A_539 : i32 to index
        %get3A_585 = arith.constant 96 : index
        %get3A_586 = tpu.vector_load %arg17[%get3A_584, %get3A_585] {strides = array<i32>} : memref<64x128xf32, #tpu.memory_space<vmem>>, vector<16xf32>,
        %mul3A_587 = arith.mulf %get3A_586, %gather3A_541 : vector<16xf32>
        %swap3A_588 = arith.index_cast %scan3A_539 : i32 to index
        %swap3A_589 = arith.constant 96 : index
        %swap3A_590 = tpu.vector_load %arg17[%swap3A_588, %swap3A_589] {strides = array<i32>} : memref<64x128xf32, #tpu.memory_space<vmem>>, vector<16xf32>,
        tpu.vector_store %arg17[%swap3A_588, %swap3A_589], %mul3A_587 {strides = array<i32>} : memref<64x128xf32, #tpu.memory_space<vmem>>, vector<16xf32>,
        %get3A_591 = arith.index_cast %scan3A_539 : i32 to index
        %get3A_592 = arith.constant 112 : index
        %get3A_593 = tpu.vector_load %arg17[%get3A_591, %get3A_592] {strides = array<i32>} : memref<64x128xf32, #tpu.memory_space<vmem>>, vector<16xf32>,
        %mul3A_594 = arith.mulf %get3A_593, %gather3A_541 : vector<16xf32>
        %swap3A_595 = arith.index_cast %scan3A_539 : i32 to index
        %swap3A_596 = arith.constant 112 : index
        %swap3A_597 = tpu.vector_load %arg17[%swap3A_595, %swap3A_596] {strides = array<i32>} : memref<64x128xf32, #tpu.memory_space<vmem>>, vector<16xf32>,
        tpu.vector_store %arg17[%swap3A_595, %swap3A_596], %mul3A_594 {strides = array<i32>} : memref<64x128xf32, #tpu.memory_space<vmem>>, vector<16xf32>,
        %scan3A_598 = arith.constant 2 : i32
        %scan3A_599 = arith.addi %scan3A_482, %scan3A_598 : i32
        %broadcast_in_dim3A_600 = vector.broadcast %scan3A_599 : i32 to vector<16xi32>
        %gather3A_601 = tpu.vector_load_idx %arg12[%broadcast_in_dim3A_301, %broadcast_in_dim3A_6, %broadcast_in_dim3A_600] : memref<4x1x64xf32, #tpu.memory_space<vmem>>[vector<16xi32>, vector<16xi32>, vector<16xi32>], vector<16xf32>,
        %get3A_602 = arith.index_cast %scan3A_599 : i32 to index
        %get3A_603 = arith.constant 0 : index
        %get3A_604 = tpu.vector_load %arg17[%get3A_602, %get3A_603] {strides = array<i32>} : memref<64x128xf32, #tpu.memory_space<vmem>>, vector<16xf32>,
        %mul3A_605 = arith.mulf %get3A_604, %gather3A_601 : vector<16xf32>
        %swap3A_606 = arith.index_cast %scan3A_599 : i32 to index
        %swap3A_607 = arith.constant 0 : index
        %swap3A_608 = tpu.vector_load %arg17[%swap3A_606, %swap3A_607] {strides = array<i32>} : memref<64x128xf32, #tpu.memory_space<vmem>>, vector<16xf32>,
        tpu.vector_store %arg17[%swap3A_606, %swap3A_607], %mul3A_605 {strides = array<i32>} : memref<64x128xf32, #tpu.memory_space<vmem>>, vector<16xf32>,
        %get3A_609 = arith.index_cast %scan3A_599 : i32 to index
        %get3A_610 = arith.constant 16 : index
        %get3A_611 = tpu.vector_load %arg17[%get3A_609, %get3A_610] {strides = array<i32>} : memref<64x128xf32, #tpu.memory_space<vmem>>, vector<16xf32>,
        %mul3A_612 = arith.mulf %get3A_611, %gather3A_601 : vector<16xf32>
        %swap3A_613 = arith.index_cast %scan3A_599 : i32 to index
        %swap3A_614 = arith.constant 16 : index
        %swap3A_615 = tpu.vector_load %arg17[%swap3A_613, %swap3A_614] {strides = array<i32>} : memref<64x128xf32, #tpu.memory_space<vmem>>, vector<16xf32>,
        tpu.vector_store %arg17[%swap3A_613, %swap3A_614], %mul3A_612 {strides = array<i32>} : memref<64x128xf32, #tpu.memory_space<vmem>>, vector<16xf32>,
        %get3A_616 = arith.index_cast %scan3A_599 : i32 to index
        %get3A_617 = arith.constant 32 : index
        %get3A_618 = tpu.vector_load %arg17[%get3A_616, %get3A_617] {strides = array<i32>} : memref<64x128xf32, #tpu.memory_space<vmem>>, vector<16xf32>,
        %mul3A_619 = arith.mulf %get3A_618, %gather3A_601 : vector<16xf32>
        %swap3A_620 = arith.index_cast %scan3A_599 : i32 to index
        %swap3A_621 = arith.constant 32 : index
        %swap3A_622 = tpu.vector_load %arg17[%swap3A_620, %swap3A_621] {strides = array<i32>} : memref<64x128xf32, #tpu.memory_space<vmem>>, vector<16xf32>,
        tpu.vector_store %arg17[%swap3A_620, %swap3A_621], %mul3A_619 {strides = array<i32>} : memref<64x128xf32, #tpu.memory_space<vmem>>, vector<16xf32>,
        %get3A_623 = arith.index_cast %scan3A_599 : i32 to index
        %get3A_624 = arith.constant 48 : index
        %get3A_625 = tpu.vector_load %arg17[%get3A_623, %get3A_624] {strides = array<i32>} : memref<64x128xf32, #tpu.memory_space<vmem>>, vector<16xf32>,
        %mul3A_626 = arith.mulf %get3A_625, %gather3A_601 : vector<16xf32>
        %swap3A_627 = arith.index_cast %scan3A_599 : i32 to index
        %swap3A_628 = arith.constant 48 : index
        %swap3A_629 = tpu.vector_load %arg17[%swap3A_627, %swap3A_628] {strides = array<i32>} : memref<64x128xf32, #tpu.memory_space<vmem>>, vector<16xf32>,
        tpu.vector_store %arg17[%swap3A_627, %swap3A_628], %mul3A_626 {strides = array<i32>} : memref<64x128xf32, #tpu.memory_space<vmem>>, vector<16xf32>,
        %get3A_630 = arith.index_cast %scan3A_599 : i32 to index
        %get3A_631 = arith.constant 64 : index
        %get3A_632 = tpu.vector_load %arg17[%get3A_630, %get3A_631] {strides = array<i32>} : memref<64x128xf32, #tpu.memory_space<vmem>>, vector<16xf32>,
        %mul3A_633 = arith.mulf %get3A_632, %gather3A_601 : vector<16xf32>
        %swap3A_634 = arith.index_cast %scan3A_599 : i32 to index
        %swap3A_635 = arith.constant 64 : index
        %swap3A_636 = tpu.vector_load %arg17[%swap3A_634, %swap3A_635] {strides = array<i32>} : memref<64x128xf32, #tpu.memory_space<vmem>>, vector<16xf32>,
        tpu.vector_store %arg17[%swap3A_634, %swap3A_635], %mul3A_633 {strides = array<i32>} : memref<64x128xf32, #tpu.memory_space<vmem>>, vector<16xf32>,
        %get3A_637 = arith.index_cast %scan3A_599 : i32 to index
        %get3A_638 = arith.constant 80 : index
        %get3A_639 = tpu.vector_load %arg17[%get3A_637, %get3A_638] {strides = array<i32>} : memref<64x128xf32, #tpu.memory_space<vmem>>, vector<16xf32>,
        %mul3A_640 = arith.mulf %get3A_639, %gather3A_601 : vector<16xf32>
        %swap3A_641 = arith.index_cast %scan3A_599 : i32 to index
        %swap3A_642 = arith.constant 80 : index
        %swap3A_643 = tpu.vector_load %arg17[%swap3A_641, %swap3A_642] {strides = array<i32>} : memref<64x128xf32, #tpu.memory_space<vmem>>, vector<16xf32>,
        tpu.vector_store %arg17[%swap3A_641, %swap3A_642], %mul3A_640 {strides = array<i32>} : memref<64x128xf32, #tpu.memory_space<vmem>>, vector<16xf32>,
        %get3A_644 = arith.index_cast %scan3A_599 : i32 to index
        %get3A_645 = arith.constant 96 : index
        %get3A_646 = tpu.vector_load %arg17[%get3A_644, %get3A_645] {strides = array<i32>} : memref<64x128xf32, #tpu.memory_space<vmem>>, vector<16xf32>,
        %mul3A_647 = arith.mulf %get3A_646, %gather3A_601 : vector<16xf32>
        %swap3A_648 = arith.index_cast %scan3A_599 : i32 to index
        %swap3A_649 = arith.constant 96 : index
        %swap3A_650 = tpu.vector_load %arg17[%swap3A_648, %swap3A_649] {strides = array<i32>} : memref<64x128xf32, #tpu.memory_space<vmem>>, vector<16xf32>,
        tpu.vector_store %arg17[%swap3A_648, %swap3A_649], %mul3A_647 {strides = array<i32>} : memref<64x128xf32, #tpu.memory_space<vmem>>, vector<16xf32>,
        %get3A_651 = arith.index_cast %scan3A_599 : i32 to index
        %get3A_652 = arith.constant 112 : index
        %get3A_653 = tpu.vector_load %arg17[%get3A_651, %get3A_652] {strides = array<i32>} : memref<64x128xf32, #tpu.memory_space<vmem>>, vector<16xf32>,
        %mul3A_654 = arith.mulf %get3A_653, %gather3A_601 : vector<16xf32>
        %swap3A_655 = arith.index_cast %scan3A_599 : i32 to index
        %swap3A_656 = arith.constant 112 : index
        %swap3A_657 = tpu.vector_load %arg17[%swap3A_655, %swap3A_656] {strides = array<i32>} : memref<64x128xf32, #tpu.memory_space<vmem>>, vector<16xf32>,
        tpu.vector_store %arg17[%swap3A_655, %swap3A_656], %mul3A_654 {strides = array<i32>} : memref<64x128xf32, #tpu.memory_space<vmem>>, vector<16xf32>,
        %scan3A_658 = arith.constant 3 : i32
        %scan3A_659 = arith.addi %scan3A_482, %scan3A_658 : i32
        %broadcast_in_dim3A_660 = vector.broadcast %scan3A_659 : i32 to vector<16xi32>
        %gather3A_661 = tpu.vector_load_idx %arg12[%broadcast_in_dim3A_301, %broadcast_in_dim3A_6, %broadcast_in_dim3A_660] : memref<4x1x64xf32, #tpu.memory_space<vmem>>[vector<16xi32>, vector<16xi32>, vector<16xi32>], vector<16xf32>,
        %get3A_662 = arith.index_cast %scan3A_659 : i32 to index
        %get3A_663 = arith.constant 0 : index
        %get3A_664 = tpu.vector_load %arg17[%get3A_662, %get3A_663] {strides = array<i32>} : memref<64x128xf32, #tpu.memory_space<vmem>>, vector<16xf32>,
        %mul3A_665 = arith.mulf %get3A_664, %gather3A_661 : vector<16xf32>
        %swap3A_666 = arith.index_cast %scan3A_659 : i32 to index
        %swap3A_667 = arith.constant 0 : index
        %swap3A_668 = tpu.vector_load %arg17[%swap3A_666, %swap3A_667] {strides = array<i32>} : memref<64x128xf32, #tpu.memory_space<vmem>>, vector<16xf32>,
        tpu.vector_store %arg17[%swap3A_666, %swap3A_667], %mul3A_665 {strides = array<i32>} : memref<64x128xf32, #tpu.memory_space<vmem>>, vector<16xf32>,
        %get3A_669 = arith.index_cast %scan3A_659 : i32 to index
        %get3A_670 = arith.constant 16 : index
        %get3A_671 = tpu.vector_load %arg17[%get3A_669, %get3A_670] {strides = array<i32>} : memref<64x128xf32, #tpu.memory_space<vmem>>, vector<16xf32>,
        %mul3A_672 = arith.mulf %get3A_671, %gather3A_661 : vector<16xf32>
        %swap3A_673 = arith.index_cast %scan3A_659 : i32 to index
        %swap3A_674 = arith.constant 16 : index
        %swap3A_675 = tpu.vector_load %arg17[%swap3A_673, %swap3A_674] {strides = array<i32>} : memref<64x128xf32, #tpu.memory_space<vmem>>, vector<16xf32>,
        tpu.vector_store %arg17[%swap3A_673, %swap3A_674], %mul3A_672 {strides = array<i32>} : memref<64x128xf32, #tpu.memory_space<vmem>>, vector<16xf32>,
        %get3A_676 = arith.index_cast %scan3A_659 : i32 to index
        %get3A_677 = arith.constant 32 : index
        %get3A_678 = tpu.vector_load %arg17[%get3A_676, %get3A_677] {strides = array<i32>} : memref<64x128xf32, #tpu.memory_space<vmem>>, vector<16xf32>,
        %mul3A_679 = arith.mulf %get3A_678, %gather3A_661 : vector<16xf32>
        %swap3A_680 = arith.index_cast %scan3A_659 : i32 to index
        %swap3A_681 = arith.constant 32 : index
        %swap3A_682 = tpu.vector_load %arg17[%swap3A_680, %swap3A_681] {strides = array<i32>} : memref<64x128xf32, #tpu.memory_space<vmem>>, vector<16xf32>,
        tpu.vector_store %arg17[%swap3A_680, %swap3A_681], %mul3A_679 {strides = array<i32>} : memref<64x128xf32, #tpu.memory_space<vmem>>, vector<16xf32>,
        %get3A_683 = arith.index_cast %scan3A_659 : i32 to index
        %get3A_684 = arith.constant 48 : index
        %get3A_685 = tpu.vector_load %arg17[%get3A_683, %get3A_684] {strides = array<i32>} : memref<64x128xf32, #tpu.memory_space<vmem>>, vector<16xf32>,
        %mul3A_686 = arith.mulf %get3A_685, %gather3A_661 : vector<16xf32>
        %swap3A_687 = arith.index_cast %scan3A_659 : i32 to index
        %swap3A_688 = arith.constant 48 : index
        %swap3A_689 = tpu.vector_load %arg17[%swap3A_687, %swap3A_688] {strides = array<i32>} : memref<64x128xf32, #tpu.memory_space<vmem>>, vector<16xf32>,
        tpu.vector_store %arg17[%swap3A_687, %swap3A_688], %mul3A_686 {strides = array<i32>} : memref<64x128xf32, #tpu.memory_space<vmem>>, vector<16xf32>,
        %get3A_690 = arith.index_cast %scan3A_659 : i32 to index
        %get3A_691 = arith.constant 64 : index
        %get3A_692 = tpu.vector_load %arg17[%get3A_690, %get3A_691] {strides = array<i32>} : memref<64x128xf32, #tpu.memory_space<vmem>>, vector<16xf32>,
        %mul3A_693 = arith.mulf %get3A_692, %gather3A_661 : vector<16xf32>
        %swap3A_694 = arith.index_cast %scan3A_659 : i32 to index
        %swap3A_695 = arith.constant 64 : index
        %swap3A_696 = tpu.vector_load %arg17[%swap3A_694, %swap3A_695] {strides = array<i32>} : memref<64x128xf32, #tpu.memory_space<vmem>>, vector<16xf32>,
        tpu.vector_store %arg17[%swap3A_694, %swap3A_695], %mul3A_693 {strides = array<i32>} : memref<64x128xf32, #tpu.memory_space<vmem>>, vector<16xf32>,
        %get3A_697 = arith.index_cast %scan3A_659 : i32 to index
        %get3A_698 = arith.constant 80 : index
        %get3A_699 = tpu.vector_load %arg17[%get3A_697, %get3A_698] {strides = array<i32>} : memref<64x128xf32, #tpu.memory_space<vmem>>, vector<16xf32>,
        %mul3A_700 = arith.mulf %get3A_699, %gather3A_661 : vector<16xf32>
        %swap3A_701 = arith.index_cast %scan3A_659 : i32 to index
        %swap3A_702 = arith.constant 80 : index
        %swap3A_703 = tpu.vector_load %arg17[%swap3A_701, %swap3A_702] {strides = array<i32>} : memref<64x128xf32, #tpu.memory_space<vmem>>, vector<16xf32>,
        tpu.vector_store %arg17[%swap3A_701, %swap3A_702], %mul3A_700 {strides = array<i32>} : memref<64x128xf32, #tpu.memory_space<vmem>>, vector<16xf32>,
        %get3A_704 = arith.index_cast %scan3A_659 : i32 to index
        %get3A_705 = arith.constant 96 : index
        %get3A_706 = tpu.vector_load %arg17[%get3A_704, %get3A_705] {strides = array<i32>} : memref<64x128xf32, #tpu.memory_space<vmem>>, vector<16xf32>,
        %mul3A_707 = arith.mulf %get3A_706, %gather3A_661 : vector<16xf32>
        %swap3A_708 = arith.index_cast %scan3A_659 : i32 to index
        %swap3A_709 = arith.constant 96 : index
        %swap3A_710 = tpu.vector_load %arg17[%swap3A_708, %swap3A_709] {strides = array<i32>} : memref<64x128xf32, #tpu.memory_space<vmem>>, vector<16xf32>,
        tpu.vector_store %arg17[%swap3A_708, %swap3A_709], %mul3A_707 {strides = array<i32>} : memref<64x128xf32, #tpu.memory_space<vmem>>, vector<16xf32>,
        %get3A_711 = arith.index_cast %scan3A_659 : i32 to index
        %get3A_712 = arith.constant 112 : index
        %get3A_713 = tpu.vector_load %arg17[%get3A_711, %get3A_712] {strides = array<i32>} : memref<64x128xf32, #tpu.memory_space<vmem>>, vector<16xf32>,
        %mul3A_714 = arith.mulf %get3A_713, %gather3A_661 : vector<16xf32>
        %swap3A_715 = arith.index_cast %scan3A_659 : i32 to index
        %swap3A_716 = arith.constant 112 : index
        %swap3A_717 = tpu.vector_load %arg17[%swap3A_715, %swap3A_716] {strides = array<i32>} : memref<64x128xf32, #tpu.memory_space<vmem>>, vector<16xf32>,
        tpu.vector_store %arg17[%swap3A_715, %swap3A_716], %mul3A_714 {strides = array<i32>} : memref<64x128xf32, #tpu.memory_space<vmem>>, vector<16xf32>,
      }
      %scan3A_307 = arith.constant 64 : i32
      %dma_start3A_308 = arith.constant 3 : i32
      %dma_start3A_309 = arith.constant 0 : i32
      %dma_start3A_310 = arith.constant 0 : i32
      %dma_start3A_311 = tpu.memref_slice %arg10[%dma_start3A_308, %dma_start3A_309, %dma_start3A_310] : memref<4x1x64xi32, #tpu.memory_space<vmem>> -> memref<1x1x64xi32, #tpu.memory_space<vmem>>
      %dma_start3A_312 = tpu.memref_squeeze %dma_start3A_311 : memref<1x1x64xi32, #tpu.memory_space<vmem>> -> memref<64xi32, #tpu.memory_space<vmem>>
      %dma_start3A_313 = arith.constant 0 : i32
      %dma_start3A_314 = arith.constant 0 : i32
      %dma_start3A_315 = tpu.memref_slice %arg18[%dma_start3A_313, %dma_start3A_314] : memref<10112x128xf32, #tpu.memory_space<vmem_shared>> -> memref<10112x128xf32, #tpu.memory_space<vmem_shared>>
      tpu.enqueue_indirect_dma source(%arg17 : memref<64x128xf32, #tpu.memory_space<vmem>>) target(%dma_start3A_315 : memref<10112x128xf32, #tpu.memory_space<vmem_shared>>) offsets(%dma_start3A_312 : memref<64xi32, #tpu.memory_space<vmem>>) semaphore(%arg29 : memref<!tpu.dma_semaphore, #tpu.memory_space<semaphore_mem>>) {add = true}
      %add3A_316 = arith.constant 4 : i32
      %add3A_317 = arith.addi %mul3A_111, %add3A_316 : i32
      %dma_wait3A_318 = arith.constant 0 : i32
      %dma_wait3A_319 = arith.constant 0 : i32
      %dma_wait3A_320 = arith.constant 0 : i32
      %dma_wait3A_321 = tpu.memref_slice %arg9[%dma_wait3A_318, %dma_wait3A_319, %dma_wait3A_320] : memref<4x1x64xi32, #tpu.memory_space<vmem>> -> memref<1x1x64xi32, #tpu.memory_space<vmem>>
      %dma_wait3A_322 = tpu.memref_squeeze %dma_wait3A_321 : memref<1x1x64xi32, #tpu.memory_space<vmem>> -> memref<64xi32, #tpu.memory_space<vmem>>
      %dma_wait3A_323 = arith.constant 0 : i32
      %dma_wait3A_324 = arith.constant 0 : i32
      %dma_wait3A_325 = tpu.memref_slice %arg2[%dma_wait3A_323, %dma_wait3A_324] : memref<10000x128xf32, #tpu.memory_space<hbm>> -> memref<10000x128xf32, #tpu.memory_space<hbm>>
      tpu.wait_indirect_dma semaphore(%arg22 : memref<!tpu.dma_semaphore, #tpu.memory_space<semaphore_mem>>) src(%dma_wait3A_325 : memref<10000x128xf32, #tpu.memory_space<hbm>>) dst(%arg14 : memref<64x128xf32, #tpu.memory_space<vmem>>)
      %ge3A_326 = arith.constant 2 : i32
      %ge3A_327 = arith.cmpi sge, %add3A_317, %ge3A_326 : i32
      %convert_element_type3A_328 = arith.extui %ge3A_327 : i1 to i32
      %cond3A_329 = arith.constant 0 : i32
      %cond3A_330 = arith.cmpi ne, %convert_element_type3A_328, %cond3A_329 : i32
      scf.if %cond3A_330 {
        %dma_wait3A_482 = arith.constant 0 : i32
        %dma_wait3A_483 = arith.constant 0 : i32
        %dma_wait3A_484 = arith.constant 0 : i32
        %dma_wait3A_485 = tpu.memref_slice %arg11[%dma_wait3A_482, %dma_wait3A_483, %dma_wait3A_484] : memref<4x1x64xi32, #tpu.memory_space<vmem>> -> memref<1x1x64xi32, #tpu.memory_space<vmem>>
        %dma_wait3A_486 = tpu.memref_squeeze %dma_wait3A_485 : memref<1x1x64xi32, #tpu.memory_space<vmem>> -> memref<64xi32, #tpu.memory_space<vmem>>
        %dma_wait3A_487 = arith.constant 0 : i32
        %dma_wait3A_488 = arith.constant 0 : i32
        %dma_wait3A_489 = tpu.memref_slice %arg18[%dma_wait3A_487, %dma_wait3A_488] : memref<10112x128xf32, #tpu.memory_space<vmem_shared>> -> memref<10112x128xf32, #tpu.memory_space<vmem_shared>>
        tpu.wait_indirect_dma semaphore(%arg28 : memref<!tpu.dma_semaphore, #tpu.memory_space<semaphore_mem>>) src(%arg16 : memref<64x128xf32, #tpu.memory_space<vmem>>) dst(%dma_wait3A_489 : memref<10112x128xf32, #tpu.memory_space<vmem_shared>>)
      } else {
      }
      %add3A_331 = arith.constant 2 : i32
      %add3A_332 = arith.addi %add3A_317, %add3A_331 : i32
      %lt3A_333 = arith.constant 160 : i32
      %lt3A_334 = arith.cmpi slt, %add3A_332, %lt3A_333 : i32
      %convert_element_type3A_335 = arith.extui %lt3A_334 : i1 to i32
      %cond3A_336 = arith.constant 0 : i32
      %cond3A_337 = arith.cmpi ne, %convert_element_type3A_335, %cond3A_336 : i32
      scf.if %cond3A_337 {
        %dma_start3A_482 = arith.constant 2 : i32
        %dma_start3A_483 = arith.constant 0 : i32
        %dma_start3A_484 = arith.constant 0 : i32
        %dma_start3A_485 = tpu.memref_slice %arg9[%dma_start3A_482, %dma_start3A_483, %dma_start3A_484] : memref<4x1x64xi32, #tpu.memory_space<vmem>> -> memref<1x1x64xi32, #tpu.memory_space<vmem>>
        %dma_start3A_486 = tpu.memref_squeeze %dma_start3A_485 : memref<1x1x64xi32, #tpu.memory_space<vmem>> -> memref<64xi32, #tpu.memory_space<vmem>>
        %dma_start3A_487 = arith.constant 0 : i32
        %dma_start3A_488 = arith.constant 0 : i32
        %dma_start3A_489 = tpu.memref_slice %arg2[%dma_start3A_487, %dma_start3A_488] : memref<10000x128xf32, #tpu.memory_space<hbm>> -> memref<10000x128xf32, #tpu.memory_space<hbm>>
        tpu.enqueue_indirect_dma source(%dma_start3A_489 : memref<10000x128xf32, #tpu.memory_space<hbm>>) target(%arg16 : memref<64x128xf32, #tpu.memory_space<vmem>>) offsets(%dma_start3A_486 : memref<64xi32, #tpu.memory_space<vmem>>) semaphore(%arg24 : memref<!tpu.dma_semaphore, #tpu.memory_space<semaphore_mem>>)
      } else {
      }
      %broadcast_in_dim3A_338 = arith.constant 0 : i32
      %broadcast_in_dim3A_339 = vector.broadcast %broadcast_in_dim3A_338 : i32 to vector<16xi32>
      %scan3A_340 = arith.constant 0 : i32
      %scan3A_341 = arith.constant 0 : i32
      %scan3A_342 = arith.constant 64 : i32
      %scan3A_343 = arith.addi %scan3A_341, %scan3A_342 : i32
      %scan3A_344 = arith.constant 4 : i32
      scf.for %scan3A_482 = %scan3A_341 to %scan3A_343 step %scan3A_344  : i32 {
        %broadcast_in_dim3A_483 = vector.broadcast %scan3A_482 : i32 to vector<16xi32>
        %gather3A = tpu.vector_load_idx %arg13[%broadcast_in_dim3A_339, %broadcast_in_dim3A_6, %broadcast_in_dim3A_483] : memref<4x1x64xf32, #tpu.memory_space<vmem>>[vector<16xi32>, vector<16xi32>, vector<16xi32>], vector<16xf32>,
        %get3A = arith.index_cast %scan3A_482 : i32 to index
        %get3A_484 = arith.constant 0 : index
        %get3A_485 = tpu.vector_load %arg14[%get3A, %get3A_484] {strides = array<i32>} : memref<64x128xf32, #tpu.memory_space<vmem>>, vector<16xf32>,
        %mul3A_486 = arith.mulf %get3A_485, %gather3A : vector<16xf32>
        %swap3A = arith.index_cast %scan3A_482 : i32 to index
        %swap3A_487 = arith.constant 0 : index
        %swap3A_488 = tpu.vector_load %arg14[%swap3A, %swap3A_487] {strides = array<i32>} : memref<64x128xf32, #tpu.memory_space<vmem>>, vector<16xf32>,
        tpu.vector_store %arg14[%swap3A, %swap3A_487], %mul3A_486 {strides = array<i32>} : memref<64x128xf32, #tpu.memory_space<vmem>>, vector<16xf32>,
        %get3A_489 = arith.index_cast %scan3A_482 : i32 to index
        %get3A_490 = arith.constant 16 : index
        %get3A_491 = tpu.vector_load %arg14[%get3A_489, %get3A_490] {strides = array<i32>} : memref<64x128xf32, #tpu.memory_space<vmem>>, vector<16xf32>,
        %mul3A_492 = arith.mulf %get3A_491, %gather3A : vector<16xf32>
        %swap3A_493 = arith.index_cast %scan3A_482 : i32 to index
        %swap3A_494 = arith.constant 16 : index
        %swap3A_495 = tpu.vector_load %arg14[%swap3A_493, %swap3A_494] {strides = array<i32>} : memref<64x128xf32, #tpu.memory_space<vmem>>, vector<16xf32>,
        tpu.vector_store %arg14[%swap3A_493, %swap3A_494], %mul3A_492 {strides = array<i32>} : memref<64x128xf32, #tpu.memory_space<vmem>>, vector<16xf32>,
        %get3A_496 = arith.index_cast %scan3A_482 : i32 to index
        %get3A_497 = arith.constant 32 : index
        %get3A_498 = tpu.vector_load %arg14[%get3A_496, %get3A_497] {strides = array<i32>} : memref<64x128xf32, #tpu.memory_space<vmem>>, vector<16xf32>,
        %mul3A_499 = arith.mulf %get3A_498, %gather3A : vector<16xf32>
        %swap3A_500 = arith.index_cast %scan3A_482 : i32 to index
        %swap3A_501 = arith.constant 32 : index
        %swap3A_502 = tpu.vector_load %arg14[%swap3A_500, %swap3A_501] {strides = array<i32>} : memref<64x128xf32, #tpu.memory_space<vmem>>, vector<16xf32>,
        tpu.vector_store %arg14[%swap3A_500, %swap3A_501], %mul3A_499 {strides = array<i32>} : memref<64x128xf32, #tpu.memory_space<vmem>>, vector<16xf32>,
        %get3A_503 = arith.index_cast %scan3A_482 : i32 to index
        %get3A_504 = arith.constant 48 : index
        %get3A_505 = tpu.vector_load %arg14[%get3A_503, %get3A_504] {strides = array<i32>} : memref<64x128xf32, #tpu.memory_space<vmem>>, vector<16xf32>,
        %mul3A_506 = arith.mulf %get3A_505, %gather3A : vector<16xf32>
        %swap3A_507 = arith.index_cast %scan3A_482 : i32 to index
        %swap3A_508 = arith.constant 48 : index
        %swap3A_509 = tpu.vector_load %arg14[%swap3A_507, %swap3A_508] {strides = array<i32>} : memref<64x128xf32, #tpu.memory_space<vmem>>, vector<16xf32>,
        tpu.vector_store %arg14[%swap3A_507, %swap3A_508], %mul3A_506 {strides = array<i32>} : memref<64x128xf32, #tpu.memory_space<vmem>>, vector<16xf32>,
        %get3A_510 = arith.index_cast %scan3A_482 : i32 to index
        %get3A_511 = arith.constant 64 : index
        %get3A_512 = tpu.vector_load %arg14[%get3A_510, %get3A_511] {strides = array<i32>} : memref<64x128xf32, #tpu.memory_space<vmem>>, vector<16xf32>,
        %mul3A_513 = arith.mulf %get3A_512, %gather3A : vector<16xf32>
        %swap3A_514 = arith.index_cast %scan3A_482 : i32 to index
        %swap3A_515 = arith.constant 64 : index
        %swap3A_516 = tpu.vector_load %arg14[%swap3A_514, %swap3A_515] {strides = array<i32>} : memref<64x128xf32, #tpu.memory_space<vmem>>, vector<16xf32>,
        tpu.vector_store %arg14[%swap3A_514, %swap3A_515], %mul3A_513 {strides = array<i32>} : memref<64x128xf32, #tpu.memory_space<vmem>>, vector<16xf32>,
        %get3A_517 = arith.index_cast %scan3A_482 : i32 to index
        %get3A_518 = arith.constant 80 : index
        %get3A_519 = tpu.vector_load %arg14[%get3A_517, %get3A_518] {strides = array<i32>} : memref<64x128xf32, #tpu.memory_space<vmem>>, vector<16xf32>,
        %mul3A_520 = arith.mulf %get3A_519, %gather3A : vector<16xf32>
        %swap3A_521 = arith.index_cast %scan3A_482 : i32 to index
        %swap3A_522 = arith.constant 80 : index
        %swap3A_523 = tpu.vector_load %arg14[%swap3A_521, %swap3A_522] {strides = array<i32>} : memref<64x128xf32, #tpu.memory_space<vmem>>, vector<16xf32>,
        tpu.vector_store %arg14[%swap3A_521, %swap3A_522], %mul3A_520 {strides = array<i32>} : memref<64x128xf32, #tpu.memory_space<vmem>>, vector<16xf32>,
        %get3A_524 = arith.index_cast %scan3A_482 : i32 to index
        %get3A_525 = arith.constant 96 : index
        %get3A_526 = tpu.vector_load %arg14[%get3A_524, %get3A_525] {strides = array<i32>} : memref<64x128xf32, #tpu.memory_space<vmem>>, vector<16xf32>,
        %mul3A_527 = arith.mulf %get3A_526, %gather3A : vector<16xf32>
        %swap3A_528 = arith.index_cast %scan3A_482 : i32 to index
        %swap3A_529 = arith.constant 96 : index
        %swap3A_530 = tpu.vector_load %arg14[%swap3A_528, %swap3A_529] {strides = array<i32>} : memref<64x128xf32, #tpu.memory_space<vmem>>, vector<16xf32>,
        tpu.vector_store %arg14[%swap3A_528, %swap3A_529], %mul3A_527 {strides = array<i32>} : memref<64x128xf32, #tpu.memory_space<vmem>>, vector<16xf32>,
        %get3A_531 = arith.index_cast %scan3A_482 : i32 to index
        %get3A_532 = arith.constant 112 : index
        %get3A_533 = tpu.vector_load %arg14[%get3A_531, %get3A_532] {strides = array<i32>} : memref<64x128xf32, #tpu.memory_space<vmem>>, vector<16xf32>,
        %mul3A_534 = arith.mulf %get3A_533, %gather3A : vector<16xf32>
        %swap3A_535 = arith.index_cast %scan3A_482 : i32 to index
        %swap3A_536 = arith.constant 112 : index
        %swap3A_537 = tpu.vector_load %arg14[%swap3A_535, %swap3A_536] {strides = array<i32>} : memref<64x128xf32, #tpu.memory_space<vmem>>, vector<16xf32>,
        tpu.vector_store %arg14[%swap3A_535, %swap3A_536], %mul3A_534 {strides = array<i32>} : memref<64x128xf32, #tpu.memory_space<vmem>>, vector<16xf32>,
        %scan3A_538 = arith.constant 1 : i32
        %scan3A_539 = arith.addi %scan3A_482, %scan3A_538 : i32
        %broadcast_in_dim3A_540 = vector.broadcast %scan3A_539 : i32 to vector<16xi32>
        %gather3A_541 = tpu.vector_load_idx %arg13[%broadcast_in_dim3A_339, %broadcast_in_dim3A_6, %broadcast_in_dim3A_540] : memref<4x1x64xf32, #tpu.memory_space<vmem>>[vector<16xi32>, vector<16xi32>, vector<16xi32>], vector<16xf32>,
        %get3A_542 = arith.index_cast %scan3A_539 : i32 to index
        %get3A_543 = arith.constant 0 : index
        %get3A_544 = tpu.vector_load %arg14[%get3A_542, %get3A_543] {strides = array<i32>} : memref<64x128xf32, #tpu.memory_space<vmem>>, vector<16xf32>,
        %mul3A_545 = arith.mulf %get3A_544, %gather3A_541 : vector<16xf32>
        %swap3A_546 = arith.index_cast %scan3A_539 : i32 to index
        %swap3A_547 = arith.constant 0 : index
        %swap3A_548 = tpu.vector_load %arg14[%swap3A_546, %swap3A_547] {strides = array<i32>} : memref<64x128xf32, #tpu.memory_space<vmem>>, vector<16xf32>,
        tpu.vector_store %arg14[%swap3A_546, %swap3A_547], %mul3A_545 {strides = array<i32>} : memref<64x128xf32, #tpu.memory_space<vmem>>, vector<16xf32>,
        %get3A_549 = arith.index_cast %scan3A_539 : i32 to index
        %get3A_550 = arith.constant 16 : index
        %get3A_551 = tpu.vector_load %arg14[%get3A_549, %get3A_550] {strides = array<i32>} : memref<64x128xf32, #tpu.memory_space<vmem>>, vector<16xf32>,
        %mul3A_552 = arith.mulf %get3A_551, %gather3A_541 : vector<16xf32>
        %swap3A_553 = arith.index_cast %scan3A_539 : i32 to index
        %swap3A_554 = arith.constant 16 : index
        %swap3A_555 = tpu.vector_load %arg14[%swap3A_553, %swap3A_554] {strides = array<i32>} : memref<64x128xf32, #tpu.memory_space<vmem>>, vector<16xf32>,
        tpu.vector_store %arg14[%swap3A_553, %swap3A_554], %mul3A_552 {strides = array<i32>} : memref<64x128xf32, #tpu.memory_space<vmem>>, vector<16xf32>,
        %get3A_556 = arith.index_cast %scan3A_539 : i32 to index
        %get3A_557 = arith.constant 32 : index
        %get3A_558 = tpu.vector_load %arg14[%get3A_556, %get3A_557] {strides = array<i32>} : memref<64x128xf32, #tpu.memory_space<vmem>>, vector<16xf32>,
        %mul3A_559 = arith.mulf %get3A_558, %gather3A_541 : vector<16xf32>
        %swap3A_560 = arith.index_cast %scan3A_539 : i32 to index
        %swap3A_561 = arith.constant 32 : index
        %swap3A_562 = tpu.vector_load %arg14[%swap3A_560, %swap3A_561] {strides = array<i32>} : memref<64x128xf32, #tpu.memory_space<vmem>>, vector<16xf32>,
        tpu.vector_store %arg14[%swap3A_560, %swap3A_561], %mul3A_559 {strides = array<i32>} : memref<64x128xf32, #tpu.memory_space<vmem>>, vector<16xf32>,
        %get3A_563 = arith.index_cast %scan3A_539 : i32 to index
        %get3A_564 = arith.constant 48 : index
        %get3A_565 = tpu.vector_load %arg14[%get3A_563, %get3A_564] {strides = array<i32>} : memref<64x128xf32, #tpu.memory_space<vmem>>, vector<16xf32>,
        %mul3A_566 = arith.mulf %get3A_565, %gather3A_541 : vector<16xf32>
        %swap3A_567 = arith.index_cast %scan3A_539 : i32 to index
        %swap3A_568 = arith.constant 48 : index
        %swap3A_569 = tpu.vector_load %arg14[%swap3A_567, %swap3A_568] {strides = array<i32>} : memref<64x128xf32, #tpu.memory_space<vmem>>, vector<16xf32>,
        tpu.vector_store %arg14[%swap3A_567, %swap3A_568], %mul3A_566 {strides = array<i32>} : memref<64x128xf32, #tpu.memory_space<vmem>>, vector<16xf32>,
        %get3A_570 = arith.index_cast %scan3A_539 : i32 to index
        %get3A_571 = arith.constant 64 : index
        %get3A_572 = tpu.vector_load %arg14[%get3A_570, %get3A_571] {strides = array<i32>} : memref<64x128xf32, #tpu.memory_space<vmem>>, vector<16xf32>,
        %mul3A_573 = arith.mulf %get3A_572, %gather3A_541 : vector<16xf32>
        %swap3A_574 = arith.index_cast %scan3A_539 : i32 to index
        %swap3A_575 = arith.constant 64 : index
        %swap3A_576 = tpu.vector_load %arg14[%swap3A_574, %swap3A_575] {strides = array<i32>} : memref<64x128xf32, #tpu.memory_space<vmem>>, vector<16xf32>,
        tpu.vector_store %arg14[%swap3A_574, %swap3A_575], %mul3A_573 {strides = array<i32>} : memref<64x128xf32, #tpu.memory_space<vmem>>, vector<16xf32>,
        %get3A_577 = arith.index_cast %scan3A_539 : i32 to index
        %get3A_578 = arith.constant 80 : index
        %get3A_579 = tpu.vector_load %arg14[%get3A_577, %get3A_578] {strides = array<i32>} : memref<64x128xf32, #tpu.memory_space<vmem>>, vector<16xf32>,
        %mul3A_580 = arith.mulf %get3A_579, %gather3A_541 : vector<16xf32>
        %swap3A_581 = arith.index_cast %scan3A_539 : i32 to index
        %swap3A_582 = arith.constant 80 : index
        %swap3A_583 = tpu.vector_load %arg14[%swap3A_581, %swap3A_582] {strides = array<i32>} : memref<64x128xf32, #tpu.memory_space<vmem>>, vector<16xf32>,
        tpu.vector_store %arg14[%swap3A_581, %swap3A_582], %mul3A_580 {strides = array<i32>} : memref<64x128xf32, #tpu.memory_space<vmem>>, vector<16xf32>,
        %get3A_584 = arith.index_cast %scan3A_539 : i32 to index
        %get3A_585 = arith.constant 96 : index
        %get3A_586 = tpu.vector_load %arg14[%get3A_584, %get3A_585] {strides = array<i32>} : memref<64x128xf32, #tpu.memory_space<vmem>>, vector<16xf32>,
        %mul3A_587 = arith.mulf %get3A_586, %gather3A_541 : vector<16xf32>
        %swap3A_588 = arith.index_cast %scan3A_539 : i32 to index
        %swap3A_589 = arith.constant 96 : index
        %swap3A_590 = tpu.vector_load %arg14[%swap3A_588, %swap3A_589] {strides = array<i32>} : memref<64x128xf32, #tpu.memory_space<vmem>>, vector<16xf32>,
        tpu.vector_store %arg14[%swap3A_588, %swap3A_589], %mul3A_587 {strides = array<i32>} : memref<64x128xf32, #tpu.memory_space<vmem>>, vector<16xf32>,
        %get3A_591 = arith.index_cast %scan3A_539 : i32 to index
        %get3A_592 = arith.constant 112 : index
        %get3A_593 = tpu.vector_load %arg14[%get3A_591, %get3A_592] {strides = array<i32>} : memref<64x128xf32, #tpu.memory_space<vmem>>, vector<16xf32>,
        %mul3A_594 = arith.mulf %get3A_593, %gather3A_541 : vector<16xf32>
        %swap3A_595 = arith.index_cast %scan3A_539 : i32 to index
        %swap3A_596 = arith.constant 112 : index
        %swap3A_597 = tpu.vector_load %arg14[%swap3A_595, %swap3A_596] {strides = array<i32>} : memref<64x128xf32, #tpu.memory_space<vmem>>, vector<16xf32>,
        tpu.vector_store %arg14[%swap3A_595, %swap3A_596], %mul3A_594 {strides = array<i32>} : memref<64x128xf32, #tpu.memory_space<vmem>>, vector<16xf32>,
        %scan3A_598 = arith.constant 2 : i32
        %scan3A_599 = arith.addi %scan3A_482, %scan3A_598 : i32
        %broadcast_in_dim3A_600 = vector.broadcast %scan3A_599 : i32 to vector<16xi32>
        %gather3A_601 = tpu.vector_load_idx %arg13[%broadcast_in_dim3A_339, %broadcast_in_dim3A_6, %broadcast_in_dim3A_600] : memref<4x1x64xf32, #tpu.memory_space<vmem>>[vector<16xi32>, vector<16xi32>, vector<16xi32>], vector<16xf32>,
        %get3A_602 = arith.index_cast %scan3A_599 : i32 to index
        %get3A_603 = arith.constant 0 : index
        %get3A_604 = tpu.vector_load %arg14[%get3A_602, %get3A_603] {strides = array<i32>} : memref<64x128xf32, #tpu.memory_space<vmem>>, vector<16xf32>,
        %mul3A_605 = arith.mulf %get3A_604, %gather3A_601 : vector<16xf32>
        %swap3A_606 = arith.index_cast %scan3A_599 : i32 to index
        %swap3A_607 = arith.constant 0 : index
        %swap3A_608 = tpu.vector_load %arg14[%swap3A_606, %swap3A_607] {strides = array<i32>} : memref<64x128xf32, #tpu.memory_space<vmem>>, vector<16xf32>,
        tpu.vector_store %arg14[%swap3A_606, %swap3A_607], %mul3A_605 {strides = array<i32>} : memref<64x128xf32, #tpu.memory_space<vmem>>, vector<16xf32>,
        %get3A_609 = arith.index_cast %scan3A_599 : i32 to index
        %get3A_610 = arith.constant 16 : index
        %get3A_611 = tpu.vector_load %arg14[%get3A_609, %get3A_610] {strides = array<i32>} : memref<64x128xf32, #tpu.memory_space<vmem>>, vector<16xf32>,
        %mul3A_612 = arith.mulf %get3A_611, %gather3A_601 : vector<16xf32>
        %swap3A_613 = arith.index_cast %scan3A_599 : i32 to index
        %swap3A_614 = arith.constant 16 : index
        %swap3A_615 = tpu.vector_load %arg14[%swap3A_613, %swap3A_614] {strides = array<i32>} : memref<64x128xf32, #tpu.memory_space<vmem>>, vector<16xf32>,
        tpu.vector_store %arg14[%swap3A_613, %swap3A_614], %mul3A_612 {strides = array<i32>} : memref<64x128xf32, #tpu.memory_space<vmem>>, vector<16xf32>,
        %get3A_616 = arith.index_cast %scan3A_599 : i32 to index
        %get3A_617 = arith.constant 32 : index
        %get3A_618 = tpu.vector_load %arg14[%get3A_616, %get3A_617] {strides = array<i32>} : memref<64x128xf32, #tpu.memory_space<vmem>>, vector<16xf32>,
        %mul3A_619 = arith.mulf %get3A_618, %gather3A_601 : vector<16xf32>
        %swap3A_620 = arith.index_cast %scan3A_599 : i32 to index
        %swap3A_621 = arith.constant 32 : index
        %swap3A_622 = tpu.vector_load %arg14[%swap3A_620, %swap3A_621] {strides = array<i32>} : memref<64x128xf32, #tpu.memory_space<vmem>>, vector<16xf32>,
        tpu.vector_store %arg14[%swap3A_620, %swap3A_621], %mul3A_619 {strides = array<i32>} : memref<64x128xf32, #tpu.memory_space<vmem>>, vector<16xf32>,
        %get3A_623 = arith.index_cast %scan3A_599 : i32 to index
        %get3A_624 = arith.constant 48 : index
        %get3A_625 = tpu.vector_load %arg14[%get3A_623, %get3A_624] {strides = array<i32>} : memref<64x128xf32, #tpu.memory_space<vmem>>, vector<16xf32>,
        %mul3A_626 = arith.mulf %get3A_625, %gather3A_601 : vector<16xf32>
        %swap3A_627 = arith.index_cast %scan3A_599 : i32 to index
        %swap3A_628 = arith.constant 48 : index
        %swap3A_629 = tpu.vector_load %arg14[%swap3A_627, %swap3A_628] {strides = array<i32>} : memref<64x128xf32, #tpu.memory_space<vmem>>, vector<16xf32>,
        tpu.vector_store %arg14[%swap3A_627, %swap3A_628], %mul3A_626 {strides = array<i32>} : memref<64x128xf32, #tpu.memory_space<vmem>>, vector<16xf32>,
        %get3A_630 = arith.index_cast %scan3A_599 : i32 to index
        %get3A_631 = arith.constant 64 : index
        %get3A_632 = tpu.vector_load %arg14[%get3A_630, %get3A_631] {strides = array<i32>} : memref<64x128xf32, #tpu.memory_space<vmem>>, vector<16xf32>,
        %mul3A_633 = arith.mulf %get3A_632, %gather3A_601 : vector<16xf32>
        %swap3A_634 = arith.index_cast %scan3A_599 : i32 to index
        %swap3A_635 = arith.constant 64 : index
        %swap3A_636 = tpu.vector_load %arg14[%swap3A_634, %swap3A_635] {strides = array<i32>} : memref<64x128xf32, #tpu.memory_space<vmem>>, vector<16xf32>,
        tpu.vector_store %arg14[%swap3A_634, %swap3A_635], %mul3A_633 {strides = array<i32>} : memref<64x128xf32, #tpu.memory_space<vmem>>, vector<16xf32>,
        %get3A_637 = arith.index_cast %scan3A_599 : i32 to index
        %get3A_638 = arith.constant 80 : index
        %get3A_639 = tpu.vector_load %arg14[%get3A_637, %get3A_638] {strides = array<i32>} : memref<64x128xf32, #tpu.memory_space<vmem>>, vector<16xf32>,
        %mul3A_640 = arith.mulf %get3A_639, %gather3A_601 : vector<16xf32>
        %swap3A_641 = arith.index_cast %scan3A_599 : i32 to index
        %swap3A_642 = arith.constant 80 : index
        %swap3A_643 = tpu.vector_load %arg14[%swap3A_641, %swap3A_642] {strides = array<i32>} : memref<64x128xf32, #tpu.memory_space<vmem>>, vector<16xf32>,
        tpu.vector_store %arg14[%swap3A_641, %swap3A_642], %mul3A_640 {strides = array<i32>} : memref<64x128xf32, #tpu.memory_space<vmem>>, vector<16xf32>,
        %get3A_644 = arith.index_cast %scan3A_599 : i32 to index
        %get3A_645 = arith.constant 96 : index
        %get3A_646 = tpu.vector_load %arg14[%get3A_644, %get3A_645] {strides = array<i32>} : memref<64x128xf32, #tpu.memory_space<vmem>>, vector<16xf32>,
        %mul3A_647 = arith.mulf %get3A_646, %gather3A_601 : vector<16xf32>
        %swap3A_648 = arith.index_cast %scan3A_599 : i32 to index
        %swap3A_649 = arith.constant 96 : index
        %swap3A_650 = tpu.vector_load %arg14[%swap3A_648, %swap3A_649] {strides = array<i32>} : memref<64x128xf32, #tpu.memory_space<vmem>>, vector<16xf32>,
        tpu.vector_store %arg14[%swap3A_648, %swap3A_649], %mul3A_647 {strides = array<i32>} : memref<64x128xf32, #tpu.memory_space<vmem>>, vector<16xf32>,
        %get3A_651 = arith.index_cast %scan3A_599 : i32 to index
        %get3A_652 = arith.constant 112 : index
        %get3A_653 = tpu.vector_load %arg14[%get3A_651, %get3A_652] {strides = array<i32>} : memref<64x128xf32, #tpu.memory_space<vmem>>, vector<16xf32>,
        %mul3A_654 = arith.mulf %get3A_653, %gather3A_601 : vector<16xf32>
        %swap3A_655 = arith.index_cast %scan3A_599 : i32 to index
        %swap3A_656 = arith.constant 112 : index
        %swap3A_657 = tpu.vector_load %arg14[%swap3A_655, %swap3A_656] {strides = array<i32>} : memref<64x128xf32, #tpu.memory_space<vmem>>, vector<16xf32>,
        tpu.vector_store %arg14[%swap3A_655, %swap3A_656], %mul3A_654 {strides = array<i32>} : memref<64x128xf32, #tpu.memory_space<vmem>>, vector<16xf32>,
        %scan3A_658 = arith.constant 3 : i32
        %scan3A_659 = arith.addi %scan3A_482, %scan3A_658 : i32
        %broadcast_in_dim3A_660 = vector.broadcast %scan3A_659 : i32 to vector<16xi32>
        %gather3A_661 = tpu.vector_load_idx %arg13[%broadcast_in_dim3A_339, %broadcast_in_dim3A_6, %broadcast_in_dim3A_660] : memref<4x1x64xf32, #tpu.memory_space<vmem>>[vector<16xi32>, vector<16xi32>, vector<16xi32>], vector<16xf32>,
        %get3A_662 = arith.index_cast %scan3A_659 : i32 to index
        %get3A_663 = arith.constant 0 : index
        %get3A_664 = tpu.vector_load %arg14[%get3A_662, %get3A_663] {strides = array<i32>} : memref<64x128xf32, #tpu.memory_space<vmem>>, vector<16xf32>,
        %mul3A_665 = arith.mulf %get3A_664, %gather3A_661 : vector<16xf32>
        %swap3A_666 = arith.index_cast %scan3A_659 : i32 to index
        %swap3A_667 = arith.constant 0 : index
        %swap3A_668 = tpu.vector_load %arg14[%swap3A_666, %swap3A_667] {strides = array<i32>} : memref<64x128xf32, #tpu.memory_space<vmem>>, vector<16xf32>,
        tpu.vector_store %arg14[%swap3A_666, %swap3A_667], %mul3A_665 {strides = array<i32>} : memref<64x128xf32, #tpu.memory_space<vmem>>, vector<16xf32>,
        %get3A_669 = arith.index_cast %scan3A_659 : i32 to index
        %get3A_670 = arith.constant 16 : index
        %get3A_671 = tpu.vector_load %arg14[%get3A_669, %get3A_670] {strides = array<i32>} : memref<64x128xf32, #tpu.memory_space<vmem>>, vector<16xf32>,
        %mul3A_672 = arith.mulf %get3A_671, %gather3A_661 : vector<16xf32>
        %swap3A_673 = arith.index_cast %scan3A_659 : i32 to index
        %swap3A_674 = arith.constant 16 : index
        %swap3A_675 = tpu.vector_load %arg14[%swap3A_673, %swap3A_674] {strides = array<i32>} : memref<64x128xf32, #tpu.memory_space<vmem>>, vector<16xf32>,
        tpu.vector_store %arg14[%swap3A_673, %swap3A_674], %mul3A_672 {strides = array<i32>} : memref<64x128xf32, #tpu.memory_space<vmem>>, vector<16xf32>,
        %get3A_676 = arith.index_cast %scan3A_659 : i32 to index
        %get3A_677 = arith.constant 32 : index
        %get3A_678 = tpu.vector_load %arg14[%get3A_676, %get3A_677] {strides = array<i32>} : memref<64x128xf32, #tpu.memory_space<vmem>>, vector<16xf32>,
        %mul3A_679 = arith.mulf %get3A_678, %gather3A_661 : vector<16xf32>
        %swap3A_680 = arith.index_cast %scan3A_659 : i32 to index
        %swap3A_681 = arith.constant 32 : index
        %swap3A_682 = tpu.vector_load %arg14[%swap3A_680, %swap3A_681] {strides = array<i32>} : memref<64x128xf32, #tpu.memory_space<vmem>>, vector<16xf32>,
        tpu.vector_store %arg14[%swap3A_680, %swap3A_681], %mul3A_679 {strides = array<i32>} : memref<64x128xf32, #tpu.memory_space<vmem>>, vector<16xf32>,
        %get3A_683 = arith.index_cast %scan3A_659 : i32 to index
        %get3A_684 = arith.constant 48 : index
        %get3A_685 = tpu.vector_load %arg14[%get3A_683, %get3A_684] {strides = array<i32>} : memref<64x128xf32, #tpu.memory_space<vmem>>, vector<16xf32>,
        %mul3A_686 = arith.mulf %get3A_685, %gather3A_661 : vector<16xf32>
        %swap3A_687 = arith.index_cast %scan3A_659 : i32 to index
        %swap3A_688 = arith.constant 48 : index
        %swap3A_689 = tpu.vector_load %arg14[%swap3A_687, %swap3A_688] {strides = array<i32>} : memref<64x128xf32, #tpu.memory_space<vmem>>, vector<16xf32>,
        tpu.vector_store %arg14[%swap3A_687, %swap3A_688], %mul3A_686 {strides = array<i32>} : memref<64x128xf32, #tpu.memory_space<vmem>>, vector<16xf32>,
        %get3A_690 = arith.index_cast %scan3A_659 : i32 to index
        %get3A_691 = arith.constant 64 : index
        %get3A_692 = tpu.vector_load %arg14[%get3A_690, %get3A_691] {strides = array<i32>} : memref<64x128xf32, #tpu.memory_space<vmem>>, vector<16xf32>,
        %mul3A_693 = arith.mulf %get3A_692, %gather3A_661 : vector<16xf32>
        %swap3A_694 = arith.index_cast %scan3A_659 : i32 to index
        %swap3A_695 = arith.constant 64 : index
        %swap3A_696 = tpu.vector_load %arg14[%swap3A_694, %swap3A_695] {strides = array<i32>} : memref<64x128xf32, #tpu.memory_space<vmem>>, vector<16xf32>,
        tpu.vector_store %arg14[%swap3A_694, %swap3A_695], %mul3A_693 {strides = array<i32>} : memref<64x128xf32, #tpu.memory_space<vmem>>, vector<16xf32>,
        %get3A_697 = arith.index_cast %scan3A_659 : i32 to index
        %get3A_698 = arith.constant 80 : index
        %get3A_699 = tpu.vector_load %arg14[%get3A_697, %get3A_698] {strides = array<i32>} : memref<64x128xf32, #tpu.memory_space<vmem>>, vector<16xf32>,
        %mul3A_700 = arith.mulf %get3A_699, %gather3A_661 : vector<16xf32>
        %swap3A_701 = arith.index_cast %scan3A_659 : i32 to index
        %swap3A_702 = arith.constant 80 : index
        %swap3A_703 = tpu.vector_load %arg14[%swap3A_701, %swap3A_702] {strides = array<i32>} : memref<64x128xf32, #tpu.memory_space<vmem>>, vector<16xf32>,
        tpu.vector_store %arg14[%swap3A_701, %swap3A_702], %mul3A_700 {strides = array<i32>} : memref<64x128xf32, #tpu.memory_space<vmem>>, vector<16xf32>,
        %get3A_704 = arith.index_cast %scan3A_659 : i32 to index
        %get3A_705 = arith.constant 96 : index
        %get3A_706 = tpu.vector_load %arg14[%get3A_704, %get3A_705] {strides = array<i32>} : memref<64x128xf32, #tpu.memory_space<vmem>>, vector<16xf32>,
        %mul3A_707 = arith.mulf %get3A_706, %gather3A_661 : vector<16xf32>
        %swap3A_708 = arith.index_cast %scan3A_659 : i32 to index
        %swap3A_709 = arith.constant 96 : index
        %swap3A_710 = tpu.vector_load %arg14[%swap3A_708, %swap3A_709] {strides = array<i32>} : memref<64x128xf32, #tpu.memory_space<vmem>>, vector<16xf32>,
        tpu.vector_store %arg14[%swap3A_708, %swap3A_709], %mul3A_707 {strides = array<i32>} : memref<64x128xf32, #tpu.memory_space<vmem>>, vector<16xf32>,
        %get3A_711 = arith.index_cast %scan3A_659 : i32 to index
        %get3A_712 = arith.constant 112 : index
        %get3A_713 = tpu.vector_load %arg14[%get3A_711, %get3A_712] {strides = array<i32>} : memref<64x128xf32, #tpu.memory_space<vmem>>, vector<16xf32>,
        %mul3A_714 = arith.mulf %get3A_713, %gather3A_661 : vector<16xf32>
        %swap3A_715 = arith.index_cast %scan3A_659 : i32 to index
        %swap3A_716 = arith.constant 112 : index
        %swap3A_717 = tpu.vector_load %arg14[%swap3A_715, %swap3A_716] {strides = array<i32>} : memref<64x128xf32, #tpu.memory_space<vmem>>, vector<16xf32>,
        tpu.vector_store %arg14[%swap3A_715, %swap3A_716], %mul3A_714 {strides = array<i32>} : memref<64x128xf32, #tpu.memory_space<vmem>>, vector<16xf32>,
      }
      %scan3A_345 = arith.constant 64 : i32
      %dma_start3A_346 = arith.constant 0 : i32
      %dma_start3A_347 = arith.constant 0 : i32
      %dma_start3A_348 = arith.constant 0 : i32
      %dma_start3A_349 = tpu.memref_slice %arg11[%dma_start3A_346, %dma_start3A_347, %dma_start3A_348] : memref<4x1x64xi32, #tpu.memory_space<vmem>> -> memref<1x1x64xi32, #tpu.memory_space<vmem>>
      %dma_start3A_350 = tpu.memref_squeeze %dma_start3A_349 : memref<1x1x64xi32, #tpu.memory_space<vmem>> -> memref<64xi32, #tpu.memory_space<vmem>>
      %dma_start3A_351 = arith.constant 0 : i32
      %dma_start3A_352 = arith.constant 0 : i32
      %dma_start3A_353 = tpu.memref_slice %arg18[%dma_start3A_351, %dma_start3A_352] : memref<10112x128xf32, #tpu.memory_space<vmem_shared>> -> memref<10112x128xf32, #tpu.memory_space<vmem_shared>>
      tpu.enqueue_indirect_dma source(%arg14 : memref<64x128xf32, #tpu.memory_space<vmem>>) target(%dma_start3A_353 : memref<10112x128xf32, #tpu.memory_space<vmem_shared>>) offsets(%dma_start3A_350 : memref<64xi32, #tpu.memory_space<vmem>>) semaphore(%arg26 : memref<!tpu.dma_semaphore, #tpu.memory_space<semaphore_mem>>) {add = true}
      %add3A_354 = arith.constant 5 : i32
      %add3A_355 = arith.addi %mul3A_111, %add3A_354 : i32
      %dma_wait3A_356 = arith.constant 1 : i32
      %dma_wait3A_357 = arith.constant 0 : i32
      %dma_wait3A_358 = arith.constant 0 : i32
      %dma_wait3A_359 = tpu.memref_slice %arg9[%dma_wait3A_356, %dma_wait3A_357, %dma_wait3A_358] : memref<4x1x64xi32, #tpu.memory_space<vmem>> -> memref<1x1x64xi32, #tpu.memory_space<vmem>>
      %dma_wait3A_360 = tpu.memref_squeeze %dma_wait3A_359 : memref<1x1x64xi32, #tpu.memory_space<vmem>> -> memref<64xi32, #tpu.memory_space<vmem>>
      %dma_wait3A_361 = arith.constant 0 : i32
      %dma_wait3A_362 = arith.constant 0 : i32
      %dma_wait3A_363 = tpu.memref_slice %arg2[%dma_wait3A_361, %dma_wait3A_362] : memref<10000x128xf32, #tpu.memory_space<hbm>> -> memref<10000x128xf32, #tpu.memory_space<hbm>>
      tpu.wait_indirect_dma semaphore(%arg23 : memref<!tpu.dma_semaphore, #tpu.memory_space<semaphore_mem>>) src(%dma_wait3A_363 : memref<10000x128xf32, #tpu.memory_space<hbm>>) dst(%arg15 : memref<64x128xf32, #tpu.memory_space<vmem>>)
      %ge3A_364 = arith.constant 2 : i32
      %ge3A_365 = arith.cmpi sge, %add3A_355, %ge3A_364 : i32
      %convert_element_type3A_366 = arith.extui %ge3A_365 : i1 to i32
      %cond3A_367 = arith.constant 0 : i32
      %cond3A_368 = arith.cmpi ne, %convert_element_type3A_366, %cond3A_367 : i32
      scf.if %cond3A_368 {
        %dma_wait3A_482 = arith.constant 0 : i32
        %dma_wait3A_483 = arith.constant 0 : i32
        %dma_wait3A_484 = arith.constant 0 : i32
        %dma_wait3A_485 = tpu.memref_slice %arg11[%dma_wait3A_482, %dma_wait3A_483, %dma_wait3A_484] : memref<4x1x64xi32, #tpu.memory_space<vmem>> -> memref<1x1x64xi32, #tpu.memory_space<vmem>>
        %dma_wait3A_486 = tpu.memref_squeeze %dma_wait3A_485 : memref<1x1x64xi32, #tpu.memory_space<vmem>> -> memref<64xi32, #tpu.memory_space<vmem>>
        %dma_wait3A_487 = arith.constant 0 : i32
        %dma_wait3A_488 = arith.constant 0 : i32
        %dma_wait3A_489 = tpu.memref_slice %arg18[%dma_wait3A_487, %dma_wait3A_488] : memref<10112x128xf32, #tpu.memory_space<vmem_shared>> -> memref<10112x128xf32, #tpu.memory_space<vmem_shared>>
        tpu.wait_indirect_dma semaphore(%arg29 : memref<!tpu.dma_semaphore, #tpu.memory_space<semaphore_mem>>) src(%arg17 : memref<64x128xf32, #tpu.memory_space<vmem>>) dst(%dma_wait3A_489 : memref<10112x128xf32, #tpu.memory_space<vmem_shared>>)
      } else {
      }
      %add3A_369 = arith.constant 8 : i32
      %add3A_370 = arith.addi %mul3A_111, %add3A_369 : i32
      %lt3A_371 = arith.constant 160 : i32
      %lt3A_372 = arith.cmpi slt, %add3A_370, %lt3A_371 : i32
      %convert_element_type3A_373 = arith.extui %lt3A_372 : i1 to i32
      %cond3A_374 = arith.constant 0 : i32
      %cond3A_375 = arith.cmpi ne, %convert_element_type3A_373, %cond3A_374 : i32
      scf.if %cond3A_375 {
        %add3A_482 = arith.constant 8 : i32
        %add3A_483 = arith.addi %mul3A_111, %add3A_482 : i32
        %dma_start3A_484 = arith.constant 0 : i32
        %dma_start3A_485 = arith.constant 0 : i32
        %dma_start3A_486 = tpu.memref_slice %arg3[%add3A, %add3A_483, %dma_start3A_484, %dma_start3A_485] : memref<32x160x1x64xi32, #tpu.memory_space<hbm>> -> memref<1x4x1x64xi32, #tpu.memory_space<hbm>>
        %dma_start3A_487 = tpu.memref_squeeze %dma_start3A_486 : memref<1x4x1x64xi32, #tpu.memory_space<hbm>> -> memref<4x1x64xi32, #tpu.memory_space<hbm>>
        %dma_start3A_488 = arith.constant 0 : i32
        %dma_start3A_489 = arith.constant 0 : i32
        %dma_start3A_490 = tpu.memref_slice %arg3[%add3A, %add3A_483, %dma_start3A_488, %dma_start3A_489] : memref<32x160x1x64xi32, #tpu.memory_space<hbm>> -> memref<1x4x1x64xi32, #tpu.memory_space<hbm>>
        %dma_start3A_491 = tpu.memref_squeeze %dma_start3A_490 : memref<1x4x1x64xi32, #tpu.memory_space<hbm>> -> memref<4x1x64xi32, #tpu.memory_space<hbm>>
        tpu.enqueue_dma source(%dma_start3A_491 : memref<4x1x64xi32, #tpu.memory_space<hbm>>) target(%arg8 : memref<4x1x64xi32, #tpu.memory_space<vmem>>) target_semaphore(%arg19 : memref<!tpu.dma_semaphore, #tpu.memory_space<semaphore_mem>>)
        %dma_start3A_492 = arith.constant 0 : i32
        %dma_start3A_493 = arith.constant 0 : i32
        %dma_start3A_494 = tpu.memref_slice %arg4[%add3A, %add3A_483, %dma_start3A_492, %dma_start3A_493] : memref<32x160x1x64xi32, #tpu.memory_space<hbm>> -> memref<1x4x1x64xi32, #tpu.memory_space<hbm>>
        %dma_start3A_495 = tpu.memref_squeeze %dma_start3A_494 : memref<1x4x1x64xi32, #tpu.memory_space<hbm>> -> memref<4x1x64xi32, #tpu.memory_space<hbm>>
        %dma_start3A_496 = arith.constant 0 : i32
        %dma_start3A_497 = arith.constant 0 : i32
        %dma_start3A_498 = tpu.memref_slice %arg4[%add3A, %add3A_483, %dma_start3A_496, %dma_start3A_497] : memref<32x160x1x64xi32, #tpu.memory_space<hbm>> -> memref<1x4x1x64xi32, #tpu.memory_space<hbm>>
        %dma_start3A_499 = tpu.memref_squeeze %dma_start3A_498 : memref<1x4x1x64xi32, #tpu.memory_space<hbm>> -> memref<4x1x64xi32, #tpu.memory_space<hbm>>
        tpu.enqueue_dma source(%dma_start3A_499 : memref<4x1x64xi32, #tpu.memory_space<hbm>>) target(%arg10 : memref<4x1x64xi32, #tpu.memory_space<vmem>>) target_semaphore(%arg19 : memref<!tpu.dma_semaphore, #tpu.memory_space<semaphore_mem>>)
        %dma_start3A_500 = arith.constant 0 : i32
        %dma_start3A_501 = arith.constant 0 : i32
        %dma_start3A_502 = tpu.memref_slice %arg5[%add3A, %add3A_483, %dma_start3A_500, %dma_start3A_501] : memref<32x160x1x64xf32, #tpu.memory_space<hbm>> -> memref<1x4x1x64xf32, #tpu.memory_space<hbm>>
        %dma_start3A_503 = tpu.memref_squeeze %dma_start3A_502 : memref<1x4x1x64xf32, #tpu.memory_space<hbm>> -> memref<4x1x64xf32, #tpu.memory_space<hbm>>
        %dma_start3A_504 = arith.constant 0 : i32
        %dma_start3A_505 = arith.constant 0 : i32
        %dma_start3A_506 = tpu.memref_slice %arg5[%add3A, %add3A_483, %dma_start3A_504, %dma_start3A_505] : memref<32x160x1x64xf32, #tpu.memory_space<hbm>> -> memref<1x4x1x64xf32, #tpu.memory_space<hbm>>
        %dma_start3A_507 = tpu.memref_squeeze %dma_start3A_506 : memref<1x4x1x64xf32, #tpu.memory_space<hbm>> -> memref<4x1x64xf32, #tpu.memory_space<hbm>>
        tpu.enqueue_dma source(%dma_start3A_507 : memref<4x1x64xf32, #tpu.memory_space<hbm>>) target(%arg12 : memref<4x1x64xf32, #tpu.memory_space<vmem>>) target_semaphore(%arg19 : memref<!tpu.dma_semaphore, #tpu.memory_space<semaphore_mem>>)
      } else {
      }
      %add3A_376 = arith.constant 2 : i32
      %add3A_377 = arith.addi %add3A_355, %add3A_376 : i32
      %lt3A_378 = arith.constant 160 : i32
      %lt3A_379 = arith.cmpi slt, %add3A_377, %lt3A_378 : i32
      %convert_element_type3A_380 = arith.extui %lt3A_379 : i1 to i32
      %cond3A_381 = arith.constant 0 : i32
      %cond3A_382 = arith.cmpi ne, %convert_element_type3A_380, %cond3A_381 : i32
      scf.if %cond3A_382 {
        %dma_start3A_482 = arith.constant 3 : i32
        %dma_start3A_483 = arith.constant 0 : i32
        %dma_start3A_484 = arith.constant 0 : i32
        %dma_start3A_485 = tpu.memref_slice %arg9[%dma_start3A_482, %dma_start3A_483, %dma_start3A_484] : memref<4x1x64xi32, #tpu.memory_space<vmem>> -> memref<1x1x64xi32, #tpu.memory_space<vmem>>
        %dma_start3A_486 = tpu.memref_squeeze %dma_start3A_485 : memref<1x1x64xi32, #tpu.memory_space<vmem>> -> memref<64xi32, #tpu.memory_space<vmem>>
        %dma_start3A_487 = arith.constant 0 : i32
        %dma_start3A_488 = arith.constant 0 : i32
        %dma_start3A_489 = tpu.memref_slice %arg2[%dma_start3A_487, %dma_start3A_488] : memref<10000x128xf32, #tpu.memory_space<hbm>> -> memref<10000x128xf32, #tpu.memory_space<hbm>>
        tpu.enqueue_indirect_dma source(%dma_start3A_489 : memref<10000x128xf32, #tpu.memory_space<hbm>>) target(%arg17 : memref<64x128xf32, #tpu.memory_space<vmem>>) offsets(%dma_start3A_486 : memref<64xi32, #tpu.memory_space<vmem>>) semaphore(%arg25 : memref<!tpu.dma_semaphore, #tpu.memory_space<semaphore_mem>>)
      } else {
      }
      %broadcast_in_dim3A_383 = arith.constant 1 : i32
      %broadcast_in_dim3A_384 = vector.broadcast %broadcast_in_dim3A_383 : i32 to vector<16xi32>
      %scan3A_385 = arith.constant 0 : i32
      %scan3A_386 = arith.constant 0 : i32
      %scan3A_387 = arith.constant 64 : i32
      %scan3A_388 = arith.addi %scan3A_386, %scan3A_387 : i32
      %scan3A_389 = arith.constant 4 : i32
      scf.for %scan3A_482 = %scan3A_386 to %scan3A_388 step %scan3A_389  : i32 {
        %broadcast_in_dim3A_483 = vector.broadcast %scan3A_482 : i32 to vector<16xi32>
        %gather3A = tpu.vector_load_idx %arg13[%broadcast_in_dim3A_384, %broadcast_in_dim3A_6, %broadcast_in_dim3A_483] : memref<4x1x64xf32, #tpu.memory_space<vmem>>[vector<16xi32>, vector<16xi32>, vector<16xi32>], vector<16xf32>,
        %get3A = arith.index_cast %scan3A_482 : i32 to index
        %get3A_484 = arith.constant 0 : index
        %get3A_485 = tpu.vector_load %arg15[%get3A, %get3A_484] {strides = array<i32>} : memref<64x128xf32, #tpu.memory_space<vmem>>, vector<16xf32>,
        %mul3A_486 = arith.mulf %get3A_485, %gather3A : vector<16xf32>
        %swap3A = arith.index_cast %scan3A_482 : i32 to index
        %swap3A_487 = arith.constant 0 : index
        %swap3A_488 = tpu.vector_load %arg15[%swap3A, %swap3A_487] {strides = array<i32>} : memref<64x128xf32, #tpu.memory_space<vmem>>, vector<16xf32>,
        tpu.vector_store %arg15[%swap3A, %swap3A_487], %mul3A_486 {strides = array<i32>} : memref<64x128xf32, #tpu.memory_space<vmem>>, vector<16xf32>,
        %get3A_489 = arith.index_cast %scan3A_482 : i32 to index
        %get3A_490 = arith.constant 16 : index
        %get3A_491 = tpu.vector_load %arg15[%get3A_489, %get3A_490] {strides = array<i32>} : memref<64x128xf32, #tpu.memory_space<vmem>>, vector<16xf32>,
        %mul3A_492 = arith.mulf %get3A_491, %gather3A : vector<16xf32>
        %swap3A_493 = arith.index_cast %scan3A_482 : i32 to index
        %swap3A_494 = arith.constant 16 : index
        %swap3A_495 = tpu.vector_load %arg15[%swap3A_493, %swap3A_494] {strides = array<i32>} : memref<64x128xf32, #tpu.memory_space<vmem>>, vector<16xf32>,
        tpu.vector_store %arg15[%swap3A_493, %swap3A_494], %mul3A_492 {strides = array<i32>} : memref<64x128xf32, #tpu.memory_space<vmem>>, vector<16xf32>,
        %get3A_496 = arith.index_cast %scan3A_482 : i32 to index
        %get3A_497 = arith.constant 32 : index
        %get3A_498 = tpu.vector_load %arg15[%get3A_496, %get3A_497] {strides = array<i32>} : memref<64x128xf32, #tpu.memory_space<vmem>>, vector<16xf32>,
        %mul3A_499 = arith.mulf %get3A_498, %gather3A : vector<16xf32>
        %swap3A_500 = arith.index_cast %scan3A_482 : i32 to index
        %swap3A_501 = arith.constant 32 : index
        %swap3A_502 = tpu.vector_load %arg15[%swap3A_500, %swap3A_501] {strides = array<i32>} : memref<64x128xf32, #tpu.memory_space<vmem>>, vector<16xf32>,
        tpu.vector_store %arg15[%swap3A_500, %swap3A_501], %mul3A_499 {strides = array<i32>} : memref<64x128xf32, #tpu.memory_space<vmem>>, vector<16xf32>,
        %get3A_503 = arith.index_cast %scan3A_482 : i32 to index
        %get3A_504 = arith.constant 48 : index
        %get3A_505 = tpu.vector_load %arg15[%get3A_503, %get3A_504] {strides = array<i32>} : memref<64x128xf32, #tpu.memory_space<vmem>>, vector<16xf32>,
        %mul3A_506 = arith.mulf %get3A_505, %gather3A : vector<16xf32>
        %swap3A_507 = arith.index_cast %scan3A_482 : i32 to index
        %swap3A_508 = arith.constant 48 : index
        %swap3A_509 = tpu.vector_load %arg15[%swap3A_507, %swap3A_508] {strides = array<i32>} : memref<64x128xf32, #tpu.memory_space<vmem>>, vector<16xf32>,
        tpu.vector_store %arg15[%swap3A_507, %swap3A_508], %mul3A_506 {strides = array<i32>} : memref<64x128xf32, #tpu.memory_space<vmem>>, vector<16xf32>,
        %get3A_510 = arith.index_cast %scan3A_482 : i32 to index
        %get3A_511 = arith.constant 64 : index
        %get3A_512 = tpu.vector_load %arg15[%get3A_510, %get3A_511] {strides = array<i32>} : memref<64x128xf32, #tpu.memory_space<vmem>>, vector<16xf32>,
        %mul3A_513 = arith.mulf %get3A_512, %gather3A : vector<16xf32>
        %swap3A_514 = arith.index_cast %scan3A_482 : i32 to index
        %swap3A_515 = arith.constant 64 : index
        %swap3A_516 = tpu.vector_load %arg15[%swap3A_514, %swap3A_515] {strides = array<i32>} : memref<64x128xf32, #tpu.memory_space<vmem>>, vector<16xf32>,
        tpu.vector_store %arg15[%swap3A_514, %swap3A_515], %mul3A_513 {strides = array<i32>} : memref<64x128xf32, #tpu.memory_space<vmem>>, vector<16xf32>,
        %get3A_517 = arith.index_cast %scan3A_482 : i32 to index
        %get3A_518 = arith.constant 80 : index
        %get3A_519 = tpu.vector_load %arg15[%get3A_517, %get3A_518] {strides = array<i32>} : memref<64x128xf32, #tpu.memory_space<vmem>>, vector<16xf32>,
        %mul3A_520 = arith.mulf %get3A_519, %gather3A : vector<16xf32>
        %swap3A_521 = arith.index_cast %scan3A_482 : i32 to index
        %swap3A_522 = arith.constant 80 : index
        %swap3A_523 = tpu.vector_load %arg15[%swap3A_521, %swap3A_522] {strides = array<i32>} : memref<64x128xf32, #tpu.memory_space<vmem>>, vector<16xf32>,
        tpu.vector_store %arg15[%swap3A_521, %swap3A_522], %mul3A_520 {strides = array<i32>} : memref<64x128xf32, #tpu.memory_space<vmem>>, vector<16xf32>,
        %get3A_524 = arith.index_cast %scan3A_482 : i32 to index
        %get3A_525 = arith.constant 96 : index
        %get3A_526 = tpu.vector_load %arg15[%get3A_524, %get3A_525] {strides = array<i32>} : memref<64x128xf32, #tpu.memory_space<vmem>>, vector<16xf32>,
        %mul3A_527 = arith.mulf %get3A_526, %gather3A : vector<16xf32>
        %swap3A_528 = arith.index_cast %scan3A_482 : i32 to index
        %swap3A_529 = arith.constant 96 : index
        %swap3A_530 = tpu.vector_load %arg15[%swap3A_528, %swap3A_529] {strides = array<i32>} : memref<64x128xf32, #tpu.memory_space<vmem>>, vector<16xf32>,
        tpu.vector_store %arg15[%swap3A_528, %swap3A_529], %mul3A_527 {strides = array<i32>} : memref<64x128xf32, #tpu.memory_space<vmem>>, vector<16xf32>,
        %get3A_531 = arith.index_cast %scan3A_482 : i32 to index
        %get3A_532 = arith.constant 112 : index
        %get3A_533 = tpu.vector_load %arg15[%get3A_531, %get3A_532] {strides = array<i32>} : memref<64x128xf32, #tpu.memory_space<vmem>>, vector<16xf32>,
        %mul3A_534 = arith.mulf %get3A_533, %gather3A : vector<16xf32>
        %swap3A_535 = arith.index_cast %scan3A_482 : i32 to index
        %swap3A_536 = arith.constant 112 : index
        %swap3A_537 = tpu.vector_load %arg15[%swap3A_535, %swap3A_536] {strides = array<i32>} : memref<64x128xf32, #tpu.memory_space<vmem>>, vector<16xf32>,
        tpu.vector_store %arg15[%swap3A_535, %swap3A_536], %mul3A_534 {strides = array<i32>} : memref<64x128xf32, #tpu.memory_space<vmem>>, vector<16xf32>,
        %scan3A_538 = arith.constant 1 : i32
        %scan3A_539 = arith.addi %scan3A_482, %scan3A_538 : i32
        %broadcast_in_dim3A_540 = vector.broadcast %scan3A_539 : i32 to vector<16xi32>
        %gather3A_541 = tpu.vector_load_idx %arg13[%broadcast_in_dim3A_384, %broadcast_in_dim3A_6, %broadcast_in_dim3A_540] : memref<4x1x64xf32, #tpu.memory_space<vmem>>[vector<16xi32>, vector<16xi32>, vector<16xi32>], vector<16xf32>,
        %get3A_542 = arith.index_cast %scan3A_539 : i32 to index
        %get3A_543 = arith.constant 0 : index
        %get3A_544 = tpu.vector_load %arg15[%get3A_542, %get3A_543] {strides = array<i32>} : memref<64x128xf32, #tpu.memory_space<vmem>>, vector<16xf32>,
        %mul3A_545 = arith.mulf %get3A_544, %gather3A_541 : vector<16xf32>
        %swap3A_546 = arith.index_cast %scan3A_539 : i32 to index
        %swap3A_547 = arith.constant 0 : index
        %swap3A_548 = tpu.vector_load %arg15[%swap3A_546, %swap3A_547] {strides = array<i32>} : memref<64x128xf32, #tpu.memory_space<vmem>>, vector<16xf32>,
        tpu.vector_store %arg15[%swap3A_546, %swap3A_547], %mul3A_545 {strides = array<i32>} : memref<64x128xf32, #tpu.memory_space<vmem>>, vector<16xf32>,
        %get3A_549 = arith.index_cast %scan3A_539 : i32 to index
        %get3A_550 = arith.constant 16 : index
        %get3A_551 = tpu.vector_load %arg15[%get3A_549, %get3A_550] {strides = array<i32>} : memref<64x128xf32, #tpu.memory_space<vmem>>, vector<16xf32>,
        %mul3A_552 = arith.mulf %get3A_551, %gather3A_541 : vector<16xf32>
        %swap3A_553 = arith.index_cast %scan3A_539 : i32 to index
        %swap3A_554 = arith.constant 16 : index
        %swap3A_555 = tpu.vector_load %arg15[%swap3A_553, %swap3A_554] {strides = array<i32>} : memref<64x128xf32, #tpu.memory_space<vmem>>, vector<16xf32>,
        tpu.vector_store %arg15[%swap3A_553, %swap3A_554], %mul3A_552 {strides = array<i32>} : memref<64x128xf32, #tpu.memory_space<vmem>>, vector<16xf32>,
        %get3A_556 = arith.index_cast %scan3A_539 : i32 to index
        %get3A_557 = arith.constant 32 : index
        %get3A_558 = tpu.vector_load %arg15[%get3A_556, %get3A_557] {strides = array<i32>} : memref<64x128xf32, #tpu.memory_space<vmem>>, vector<16xf32>,
        %mul3A_559 = arith.mulf %get3A_558, %gather3A_541 : vector<16xf32>
        %swap3A_560 = arith.index_cast %scan3A_539 : i32 to index
        %swap3A_561 = arith.constant 32 : index
        %swap3A_562 = tpu.vector_load %arg15[%swap3A_560, %swap3A_561] {strides = array<i32>} : memref<64x128xf32, #tpu.memory_space<vmem>>, vector<16xf32>,
        tpu.vector_store %arg15[%swap3A_560, %swap3A_561], %mul3A_559 {strides = array<i32>} : memref<64x128xf32, #tpu.memory_space<vmem>>, vector<16xf32>,
        %get3A_563 = arith.index_cast %scan3A_539 : i32 to index
        %get3A_564 = arith.constant 48 : index
        %get3A_565 = tpu.vector_load %arg15[%get3A_563, %get3A_564] {strides = array<i32>} : memref<64x128xf32, #tpu.memory_space<vmem>>, vector<16xf32>,
        %mul3A_566 = arith.mulf %get3A_565, %gather3A_541 : vector<16xf32>
        %swap3A_567 = arith.index_cast %scan3A_539 : i32 to index
        %swap3A_568 = arith.constant 48 : index
        %swap3A_569 = tpu.vector_load %arg15[%swap3A_567, %swap3A_568] {strides = array<i32>} : memref<64x128xf32, #tpu.memory_space<vmem>>, vector<16xf32>,
        tpu.vector_store %arg15[%swap3A_567, %swap3A_568], %mul3A_566 {strides = array<i32>} : memref<64x128xf32, #tpu.memory_space<vmem>>, vector<16xf32>,
        %get3A_570 = arith.index_cast %scan3A_539 : i32 to index
        %get3A_571 = arith.constant 64 : index
        %get3A_572 = tpu.vector_load %arg15[%get3A_570, %get3A_571] {strides = array<i32>} : memref<64x128xf32, #tpu.memory_space<vmem>>, vector<16xf32>,
        %mul3A_573 = arith.mulf %get3A_572, %gather3A_541 : vector<16xf32>
        %swap3A_574 = arith.index_cast %scan3A_539 : i32 to index
        %swap3A_575 = arith.constant 64 : index
        %swap3A_576 = tpu.vector_load %arg15[%swap3A_574, %swap3A_575] {strides = array<i32>} : memref<64x128xf32, #tpu.memory_space<vmem>>, vector<16xf32>,
        tpu.vector_store %arg15[%swap3A_574, %swap3A_575], %mul3A_573 {strides = array<i32>} : memref<64x128xf32, #tpu.memory_space<vmem>>, vector<16xf32>,
        %get3A_577 = arith.index_cast %scan3A_539 : i32 to index
        %get3A_578 = arith.constant 80 : index
        %get3A_579 = tpu.vector_load %arg15[%get3A_577, %get3A_578] {strides = array<i32>} : memref<64x128xf32, #tpu.memory_space<vmem>>, vector<16xf32>,
        %mul3A_580 = arith.mulf %get3A_579, %gather3A_541 : vector<16xf32>
        %swap3A_581 = arith.index_cast %scan3A_539 : i32 to index
        %swap3A_582 = arith.constant 80 : index
        %swap3A_583 = tpu.vector_load %arg15[%swap3A_581, %swap3A_582] {strides = array<i32>} : memref<64x128xf32, #tpu.memory_space<vmem>>, vector<16xf32>,
        tpu.vector_store %arg15[%swap3A_581, %swap3A_582], %mul3A_580 {strides = array<i32>} : memref<64x128xf32, #tpu.memory_space<vmem>>, vector<16xf32>,
        %get3A_584 = arith.index_cast %scan3A_539 : i32 to index
        %get3A_585 = arith.constant 96 : index
        %get3A_586 = tpu.vector_load %arg15[%get3A_584, %get3A_585] {strides = array<i32>} : memref<64x128xf32, #tpu.memory_space<vmem>>, vector<16xf32>,
        %mul3A_587 = arith.mulf %get3A_586, %gather3A_541 : vector<16xf32>
        %swap3A_588 = arith.index_cast %scan3A_539 : i32 to index
        %swap3A_589 = arith.constant 96 : index
        %swap3A_590 = tpu.vector_load %arg15[%swap3A_588, %swap3A_589] {strides = array<i32>} : memref<64x128xf32, #tpu.memory_space<vmem>>, vector<16xf32>,
        tpu.vector_store %arg15[%swap3A_588, %swap3A_589], %mul3A_587 {strides = array<i32>} : memref<64x128xf32, #tpu.memory_space<vmem>>, vector<16xf32>,
        %get3A_591 = arith.index_cast %scan3A_539 : i32 to index
        %get3A_592 = arith.constant 112 : index
        %get3A_593 = tpu.vector_load %arg15[%get3A_591, %get3A_592] {strides = array<i32>} : memref<64x128xf32, #tpu.memory_space<vmem>>, vector<16xf32>,
        %mul3A_594 = arith.mulf %get3A_593, %gather3A_541 : vector<16xf32>
        %swap3A_595 = arith.index_cast %scan3A_539 : i32 to index
        %swap3A_596 = arith.constant 112 : index
        %swap3A_597 = tpu.vector_load %arg15[%swap3A_595, %swap3A_596] {strides = array<i32>} : memref<64x128xf32, #tpu.memory_space<vmem>>, vector<16xf32>,
        tpu.vector_store %arg15[%swap3A_595, %swap3A_596], %mul3A_594 {strides = array<i32>} : memref<64x128xf32, #tpu.memory_space<vmem>>, vector<16xf32>,
        %scan3A_598 = arith.constant 2 : i32
        %scan3A_599 = arith.addi %scan3A_482, %scan3A_598 : i32
        %broadcast_in_dim3A_600 = vector.broadcast %scan3A_599 : i32 to vector<16xi32>
        %gather3A_601 = tpu.vector_load_idx %arg13[%broadcast_in_dim3A_384, %broadcast_in_dim3A_6, %broadcast_in_dim3A_600] : memref<4x1x64xf32, #tpu.memory_space<vmem>>[vector<16xi32>, vector<16xi32>, vector<16xi32>], vector<16xf32>,
        %get3A_602 = arith.index_cast %scan3A_599 : i32 to index
        %get3A_603 = arith.constant 0 : index
        %get3A_604 = tpu.vector_load %arg15[%get3A_602, %get3A_603] {strides = array<i32>} : memref<64x128xf32, #tpu.memory_space<vmem>>, vector<16xf32>,
        %mul3A_605 = arith.mulf %get3A_604, %gather3A_601 : vector<16xf32>
        %swap3A_606 = arith.index_cast %scan3A_599 : i32 to index
        %swap3A_607 = arith.constant 0 : index
        %swap3A_608 = tpu.vector_load %arg15[%swap3A_606, %swap3A_607] {strides = array<i32>} : memref<64x128xf32, #tpu.memory_space<vmem>>, vector<16xf32>,
        tpu.vector_store %arg15[%swap3A_606, %swap3A_607], %mul3A_605 {strides = array<i32>} : memref<64x128xf32, #tpu.memory_space<vmem>>, vector<16xf32>,
        %get3A_609 = arith.index_cast %scan3A_599 : i32 to index
        %get3A_610 = arith.constant 16 : index
        %get3A_611 = tpu.vector_load %arg15[%get3A_609, %get3A_610] {strides = array<i32>} : memref<64x128xf32, #tpu.memory_space<vmem>>, vector<16xf32>,
        %mul3A_612 = arith.mulf %get3A_611, %gather3A_601 : vector<16xf32>
        %swap3A_613 = arith.index_cast %scan3A_599 : i32 to index
        %swap3A_614 = arith.constant 16 : index
        %swap3A_615 = tpu.vector_load %arg15[%swap3A_613, %swap3A_614] {strides = array<i32>} : memref<64x128xf32, #tpu.memory_space<vmem>>, vector<16xf32>,
        tpu.vector_store %arg15[%swap3A_613, %swap3A_614], %mul3A_612 {strides = array<i32>} : memref<64x128xf32, #tpu.memory_space<vmem>>, vector<16xf32>,
        %get3A_616 = arith.index_cast %scan3A_599 : i32 to index
        %get3A_617 = arith.constant 32 : index
        %get3A_618 = tpu.vector_load %arg15[%get3A_616, %get3A_617] {strides = array<i32>} : memref<64x128xf32, #tpu.memory_space<vmem>>, vector<16xf32>,
        %mul3A_619 = arith.mulf %get3A_618, %gather3A_601 : vector<16xf32>
        %swap3A_620 = arith.index_cast %scan3A_599 : i32 to index
        %swap3A_621 = arith.constant 32 : index
        %swap3A_622 = tpu.vector_load %arg15[%swap3A_620, %swap3A_621] {strides = array<i32>} : memref<64x128xf32, #tpu.memory_space<vmem>>, vector<16xf32>,
        tpu.vector_store %arg15[%swap3A_620, %swap3A_621], %mul3A_619 {strides = array<i32>} : memref<64x128xf32, #tpu.memory_space<vmem>>, vector<16xf32>,
        %get3A_623 = arith.index_cast %scan3A_599 : i32 to index
        %get3A_624 = arith.constant 48 : index
        %get3A_625 = tpu.vector_load %arg15[%get3A_623, %get3A_624] {strides = array<i32>} : memref<64x128xf32, #tpu.memory_space<vmem>>, vector<16xf32>,
        %mul3A_626 = arith.mulf %get3A_625, %gather3A_601 : vector<16xf32>
        %swap3A_627 = arith.index_cast %scan3A_599 : i32 to index
        %swap3A_628 = arith.constant 48 : index
        %swap3A_629 = tpu.vector_load %arg15[%swap3A_627, %swap3A_628] {strides = array<i32>} : memref<64x128xf32, #tpu.memory_space<vmem>>, vector<16xf32>,
        tpu.vector_store %arg15[%swap3A_627, %swap3A_628], %mul3A_626 {strides = array<i32>} : memref<64x128xf32, #tpu.memory_space<vmem>>, vector<16xf32>,
        %get3A_630 = arith.index_cast %scan3A_599 : i32 to index
        %get3A_631 = arith.constant 64 : index
        %get3A_632 = tpu.vector_load %arg15[%get3A_630, %get3A_631] {strides = array<i32>} : memref<64x128xf32, #tpu.memory_space<vmem>>, vector<16xf32>,
        %mul3A_633 = arith.mulf %get3A_632, %gather3A_601 : vector<16xf32>
        %swap3A_634 = arith.index_cast %scan3A_599 : i32 to index
        %swap3A_635 = arith.constant 64 : index
        %swap3A_636 = tpu.vector_load %arg15[%swap3A_634, %swap3A_635] {strides = array<i32>} : memref<64x128xf32, #tpu.memory_space<vmem>>, vector<16xf32>,
        tpu.vector_store %arg15[%swap3A_634, %swap3A_635], %mul3A_633 {strides = array<i32>} : memref<64x128xf32, #tpu.memory_space<vmem>>, vector<16xf32>,
        %get3A_637 = arith.index_cast %scan3A_599 : i32 to index
        %get3A_638 = arith.constant 80 : index
        %get3A_639 = tpu.vector_load %arg15[%get3A_637, %get3A_638] {strides = array<i32>} : memref<64x128xf32, #tpu.memory_space<vmem>>, vector<16xf32>,
        %mul3A_640 = arith.mulf %get3A_639, %gather3A_601 : vector<16xf32>
        %swap3A_641 = arith.index_cast %scan3A_599 : i32 to index
        %swap3A_642 = arith.constant 80 : index
        %swap3A_643 = tpu.vector_load %arg15[%swap3A_641, %swap3A_642] {strides = array<i32>} : memref<64x128xf32, #tpu.memory_space<vmem>>, vector<16xf32>,
        tpu.vector_store %arg15[%swap3A_641, %swap3A_642], %mul3A_640 {strides = array<i32>} : memref<64x128xf32, #tpu.memory_space<vmem>>, vector<16xf32>,
        %get3A_644 = arith.index_cast %scan3A_599 : i32 to index
        %get3A_645 = arith.constant 96 : index
        %get3A_646 = tpu.vector_load %arg15[%get3A_644, %get3A_645] {strides = array<i32>} : memref<64x128xf32, #tpu.memory_space<vmem>>, vector<16xf32>,
        %mul3A_647 = arith.mulf %get3A_646, %gather3A_601 : vector<16xf32>
        %swap3A_648 = arith.index_cast %scan3A_599 : i32 to index
        %swap3A_649 = arith.constant 96 : index
        %swap3A_650 = tpu.vector_load %arg15[%swap3A_648, %swap3A_649] {strides = array<i32>} : memref<64x128xf32, #tpu.memory_space<vmem>>, vector<16xf32>,
        tpu.vector_store %arg15[%swap3A_648, %swap3A_649], %mul3A_647 {strides = array<i32>} : memref<64x128xf32, #tpu.memory_space<vmem>>, vector<16xf32>,
        %get3A_651 = arith.index_cast %scan3A_599 : i32 to index
        %get3A_652 = arith.constant 112 : index
        %get3A_653 = tpu.vector_load %arg15[%get3A_651, %get3A_652] {strides = array<i32>} : memref<64x128xf32, #tpu.memory_space<vmem>>, vector<16xf32>,
        %mul3A_654 = arith.mulf %get3A_653, %gather3A_601 : vector<16xf32>
        %swap3A_655 = arith.index_cast %scan3A_599 : i32 to index
        %swap3A_656 = arith.constant 112 : index
        %swap3A_657 = tpu.vector_load %arg15[%swap3A_655, %swap3A_656] {strides = array<i32>} : memref<64x128xf32, #tpu.memory_space<vmem>>, vector<16xf32>,
        tpu.vector_store %arg15[%swap3A_655, %swap3A_656], %mul3A_654 {strides = array<i32>} : memref<64x128xf32, #tpu.memory_space<vmem>>, vector<16xf32>,
        %scan3A_658 = arith.constant 3 : i32
        %scan3A_659 = arith.addi %scan3A_482, %scan3A_658 : i32
        %broadcast_in_dim3A_660 = vector.broadcast %scan3A_659 : i32 to vector<16xi32>
        %gather3A_661 = tpu.vector_load_idx %arg13[%broadcast_in_dim3A_384, %broadcast_in_dim3A_6, %broadcast_in_dim3A_660] : memref<4x1x64xf32, #tpu.memory_space<vmem>>[vector<16xi32>, vector<16xi32>, vector<16xi32>], vector<16xf32>,
        %get3A_662 = arith.index_cast %scan3A_659 : i32 to index
        %get3A_663 = arith.constant 0 : index
        %get3A_664 = tpu.vector_load %arg15[%get3A_662, %get3A_663] {strides = array<i32>} : memref<64x128xf32, #tpu.memory_space<vmem>>, vector<16xf32>,
        %mul3A_665 = arith.mulf %get3A_664, %gather3A_661 : vector<16xf32>
        %swap3A_666 = arith.index_cast %scan3A_659 : i32 to index
        %swap3A_667 = arith.constant 0 : index
        %swap3A_668 = tpu.vector_load %arg15[%swap3A_666, %swap3A_667] {strides = array<i32>} : memref<64x128xf32, #tpu.memory_space<vmem>>, vector<16xf32>,
        tpu.vector_store %arg15[%swap3A_666, %swap3A_667], %mul3A_665 {strides = array<i32>} : memref<64x128xf32, #tpu.memory_space<vmem>>, vector<16xf32>,
        %get3A_669 = arith.index_cast %scan3A_659 : i32 to index
        %get3A_670 = arith.constant 16 : index
        %get3A_671 = tpu.vector_load %arg15[%get3A_669, %get3A_670] {strides = array<i32>} : memref<64x128xf32, #tpu.memory_space<vmem>>, vector<16xf32>,
        %mul3A_672 = arith.mulf %get3A_671, %gather3A_661 : vector<16xf32>
        %swap3A_673 = arith.index_cast %scan3A_659 : i32 to index
        %swap3A_674 = arith.constant 16 : index
        %swap3A_675 = tpu.vector_load %arg15[%swap3A_673, %swap3A_674] {strides = array<i32>} : memref<64x128xf32, #tpu.memory_space<vmem>>, vector<16xf32>,
        tpu.vector_store %arg15[%swap3A_673, %swap3A_674], %mul3A_672 {strides = array<i32>} : memref<64x128xf32, #tpu.memory_space<vmem>>, vector<16xf32>,
        %get3A_676 = arith.index_cast %scan3A_659 : i32 to index
        %get3A_677 = arith.constant 32 : index
        %get3A_678 = tpu.vector_load %arg15[%get3A_676, %get3A_677] {strides = array<i32>} : memref<64x128xf32, #tpu.memory_space<vmem>>, vector<16xf32>,
        %mul3A_679 = arith.mulf %get3A_678, %gather3A_661 : vector<16xf32>
        %swap3A_680 = arith.index_cast %scan3A_659 : i32 to index
        %swap3A_681 = arith.constant 32 : index
        %swap3A_682 = tpu.vector_load %arg15[%swap3A_680, %swap3A_681] {strides = array<i32>} : memref<64x128xf32, #tpu.memory_space<vmem>>, vector<16xf32>,
        tpu.vector_store %arg15[%swap3A_680, %swap3A_681], %mul3A_679 {strides = array<i32>} : memref<64x128xf32, #tpu.memory_space<vmem>>, vector<16xf32>,
        %get3A_683 = arith.index_cast %scan3A_659 : i32 to index
        %get3A_684 = arith.constant 48 : index
        %get3A_685 = tpu.vector_load %arg15[%get3A_683, %get3A_684] {strides = array<i32>} : memref<64x128xf32, #tpu.memory_space<vmem>>, vector<16xf32>,
        %mul3A_686 = arith.mulf %get3A_685, %gather3A_661 : vector<16xf32>
        %swap3A_687 = arith.index_cast %scan3A_659 : i32 to index
        %swap3A_688 = arith.constant 48 : index
        %swap3A_689 = tpu.vector_load %arg15[%swap3A_687, %swap3A_688] {strides = array<i32>} : memref<64x128xf32, #tpu.memory_space<vmem>>, vector<16xf32>,
        tpu.vector_store %arg15[%swap3A_687, %swap3A_688], %mul3A_686 {strides = array<i32>} : memref<64x128xf32, #tpu.memory_space<vmem>>, vector<16xf32>,
        %get3A_690 = arith.index_cast %scan3A_659 : i32 to index
        %get3A_691 = arith.constant 64 : index
        %get3A_692 = tpu.vector_load %arg15[%get3A_690, %get3A_691] {strides = array<i32>} : memref<64x128xf32, #tpu.memory_space<vmem>>, vector<16xf32>,
        %mul3A_693 = arith.mulf %get3A_692, %gather3A_661 : vector<16xf32>
        %swap3A_694 = arith.index_cast %scan3A_659 : i32 to index
        %swap3A_695 = arith.constant 64 : index
        %swap3A_696 = tpu.vector_load %arg15[%swap3A_694, %swap3A_695] {strides = array<i32>} : memref<64x128xf32, #tpu.memory_space<vmem>>, vector<16xf32>,
        tpu.vector_store %arg15[%swap3A_694, %swap3A_695], %mul3A_693 {strides = array<i32>} : memref<64x128xf32, #tpu.memory_space<vmem>>, vector<16xf32>,
        %get3A_697 = arith.index_cast %scan3A_659 : i32 to index
        %get3A_698 = arith.constant 80 : index
        %get3A_699 = tpu.vector_load %arg15[%get3A_697, %get3A_698] {strides = array<i32>} : memref<64x128xf32, #tpu.memory_space<vmem>>, vector<16xf32>,
        %mul3A_700 = arith.mulf %get3A_699, %gather3A_661 : vector<16xf32>
        %swap3A_701 = arith.index_cast %scan3A_659 : i32 to index
        %swap3A_702 = arith.constant 80 : index
        %swap3A_703 = tpu.vector_load %arg15[%swap3A_701, %swap3A_702] {strides = array<i32>} : memref<64x128xf32, #tpu.memory_space<vmem>>, vector<16xf32>,
        tpu.vector_store %arg15[%swap3A_701, %swap3A_702], %mul3A_700 {strides = array<i32>} : memref<64x128xf32, #tpu.memory_space<vmem>>, vector<16xf32>,
        %get3A_704 = arith.index_cast %scan3A_659 : i32 to index
        %get3A_705 = arith.constant 96 : index
        %get3A_706 = tpu.vector_load %arg15[%get3A_704, %get3A_705] {strides = array<i32>} : memref<64x128xf32, #tpu.memory_space<vmem>>, vector<16xf32>,
        %mul3A_707 = arith.mulf %get3A_706, %gather3A_661 : vector<16xf32>
        %swap3A_708 = arith.index_cast %scan3A_659 : i32 to index
        %swap3A_709 = arith.constant 96 : index
        %swap3A_710 = tpu.vector_load %arg15[%swap3A_708, %swap3A_709] {strides = array<i32>} : memref<64x128xf32, #tpu.memory_space<vmem>>, vector<16xf32>,
        tpu.vector_store %arg15[%swap3A_708, %swap3A_709], %mul3A_707 {strides = array<i32>} : memref<64x128xf32, #tpu.memory_space<vmem>>, vector<16xf32>,
        %get3A_711 = arith.index_cast %scan3A_659 : i32 to index
        %get3A_712 = arith.constant 112 : index
        %get3A_713 = tpu.vector_load %arg15[%get3A_711, %get3A_712] {strides = array<i32>} : memref<64x128xf32, #tpu.memory_space<vmem>>, vector<16xf32>,
        %mul3A_714 = arith.mulf %get3A_713, %gather3A_661 : vector<16xf32>
        %swap3A_715 = arith.index_cast %scan3A_659 : i32 to index
        %swap3A_716 = arith.constant 112 : index
        %swap3A_717 = tpu.vector_load %arg15[%swap3A_715, %swap3A_716] {strides = array<i32>} : memref<64x128xf32, #tpu.memory_space<vmem>>, vector<16xf32>,
        tpu.vector_store %arg15[%swap3A_715, %swap3A_716], %mul3A_714 {strides = array<i32>} : memref<64x128xf32, #tpu.memory_space<vmem>>, vector<16xf32>,
      }
      %scan3A_390 = arith.constant 64 : i32
      %dma_start3A_391 = arith.constant 1 : i32
      %dma_start3A_392 = arith.constant 0 : i32
      %dma_start3A_393 = arith.constant 0 : i32
      %dma_start3A_394 = tpu.memref_slice %arg11[%dma_start3A_391, %dma_start3A_392, %dma_start3A_393] : memref<4x1x64xi32, #tpu.memory_space<vmem>> -> memref<1x1x64xi32, #tpu.memory_space<vmem>>
      %dma_start3A_395 = tpu.memref_squeeze %dma_start3A_394 : memref<1x1x64xi32, #tpu.memory_space<vmem>> -> memref<64xi32, #tpu.memory_space<vmem>>
      %dma_start3A_396 = arith.constant 0 : i32
      %dma_start3A_397 = arith.constant 0 : i32
      %dma_start3A_398 = tpu.memref_slice %arg18[%dma_start3A_396, %dma_start3A_397] : memref<10112x128xf32, #tpu.memory_space<vmem_shared>> -> memref<10112x128xf32, #tpu.memory_space<vmem_shared>>
      tpu.enqueue_indirect_dma source(%arg15 : memref<64x128xf32, #tpu.memory_space<vmem>>) target(%dma_start3A_398 : memref<10112x128xf32, #tpu.memory_space<vmem_shared>>) offsets(%dma_start3A_395 : memref<64xi32, #tpu.memory_space<vmem>>) semaphore(%arg27 : memref<!tpu.dma_semaphore, #tpu.memory_space<semaphore_mem>>) {add = true}
      %add3A_399 = arith.constant 6 : i32
      %add3A_400 = arith.addi %mul3A_111, %add3A_399 : i32
      %dma_wait3A_401 = arith.constant 2 : i32
      %dma_wait3A_402 = arith.constant 0 : i32
      %dma_wait3A_403 = arith.constant 0 : i32
      %dma_wait3A_404 = tpu.memref_slice %arg9[%dma_wait3A_401, %dma_wait3A_402, %dma_wait3A_403] : memref<4x1x64xi32, #tpu.memory_space<vmem>> -> memref<1x1x64xi32, #tpu.memory_space<vmem>>
      %dma_wait3A_405 = tpu.memref_squeeze %dma_wait3A_404 : memref<1x1x64xi32, #tpu.memory_space<vmem>> -> memref<64xi32, #tpu.memory_space<vmem>>
      %dma_wait3A_406 = arith.constant 0 : i32
      %dma_wait3A_407 = arith.constant 0 : i32
      %dma_wait3A_408 = tpu.memref_slice %arg2[%dma_wait3A_406, %dma_wait3A_407] : memref<10000x128xf32, #tpu.memory_space<hbm>> -> memref<10000x128xf32, #tpu.memory_space<hbm>>
      tpu.wait_indirect_dma semaphore(%arg24 : memref<!tpu.dma_semaphore, #tpu.memory_space<semaphore_mem>>) src(%dma_wait3A_408 : memref<10000x128xf32, #tpu.memory_space<hbm>>) dst(%arg16 : memref<64x128xf32, #tpu.memory_space<vmem>>)
      %ge3A_409 = arith.constant 2 : i32
      %ge3A_410 = arith.cmpi sge, %add3A_400, %ge3A_409 : i32
      %convert_element_type3A_411 = arith.extui %ge3A_410 : i1 to i32
      %cond3A_412 = arith.constant 0 : i32
      %cond3A_413 = arith.cmpi ne, %convert_element_type3A_411, %cond3A_412 : i32
      scf.if %cond3A_413 {
        %dma_wait3A_482 = arith.constant 0 : i32
        %dma_wait3A_483 = arith.constant 0 : i32
        %dma_wait3A_484 = arith.constant 0 : i32
        %dma_wait3A_485 = tpu.memref_slice %arg11[%dma_wait3A_482, %dma_wait3A_483, %dma_wait3A_484] : memref<4x1x64xi32, #tpu.memory_space<vmem>> -> memref<1x1x64xi32, #tpu.memory_space<vmem>>
        %dma_wait3A_486 = tpu.memref_squeeze %dma_wait3A_485 : memref<1x1x64xi32, #tpu.memory_space<vmem>> -> memref<64xi32, #tpu.memory_space<vmem>>
        %dma_wait3A_487 = arith.constant 0 : i32
        %dma_wait3A_488 = arith.constant 0 : i32
        %dma_wait3A_489 = tpu.memref_slice %arg18[%dma_wait3A_487, %dma_wait3A_488] : memref<10112x128xf32, #tpu.memory_space<vmem_shared>> -> memref<10112x128xf32, #tpu.memory_space<vmem_shared>>
        tpu.wait_indirect_dma semaphore(%arg26 : memref<!tpu.dma_semaphore, #tpu.memory_space<semaphore_mem>>) src(%arg14 : memref<64x128xf32, #tpu.memory_space<vmem>>) dst(%dma_wait3A_489 : memref<10112x128xf32, #tpu.memory_space<vmem_shared>>)
      } else {
      }
      %add3A_414 = arith.constant 8 : i32
      %add3A_415 = arith.addi %mul3A_111, %add3A_414 : i32
      %lt3A_416 = arith.constant 160 : i32
      %lt3A_417 = arith.cmpi slt, %add3A_415, %lt3A_416 : i32
      %convert_element_type3A_418 = arith.extui %lt3A_417 : i1 to i32
      %cond3A_419 = arith.constant 0 : i32
      %cond3A_420 = arith.cmpi ne, %convert_element_type3A_418, %cond3A_419 : i32
      scf.if %cond3A_420 {
        %dma_wait3A_482 = arith.constant 0 : i32
        %dma_wait3A_483 = arith.constant 0 : i32
        %dma_wait3A_484 = arith.constant 0 : i32
        %dma_wait3A_485 = tpu.memref_slice %arg3[%add3A, %dma_wait3A_482, %dma_wait3A_483, %dma_wait3A_484] : memref<32x160x1x64xi32, #tpu.memory_space<hbm>> -> memref<1x4x1x64xi32, #tpu.memory_space<hbm>>
        %dma_wait3A_486 = tpu.memref_squeeze %dma_wait3A_485 : memref<1x4x1x64xi32, #tpu.memory_space<hbm>> -> memref<4x1x64xi32, #tpu.memory_space<hbm>>
        %dma_wait3A_487 = arith.constant 0 : i32
        %dma_wait3A_488 = arith.constant 0 : i32
        %dma_wait3A_489 = arith.constant 0 : i32
        %dma_wait3A_490 = tpu.memref_slice %arg3[%add3A, %dma_wait3A_487, %dma_wait3A_488, %dma_wait3A_489] : memref<32x160x1x64xi32, #tpu.memory_space<hbm>> -> memref<1x4x1x64xi32, #tpu.memory_space<hbm>>
        %dma_wait3A_491 = tpu.memref_squeeze %dma_wait3A_490 : memref<1x4x1x64xi32, #tpu.memory_space<hbm>> -> memref<4x1x64xi32, #tpu.memory_space<hbm>>
        tpu.wait_dma2 semaphore(%arg19 : memref<!tpu.dma_semaphore, #tpu.memory_space<semaphore_mem>>) src(%dma_wait3A_491 : memref<4x1x64xi32, #tpu.memory_space<hbm>>) dst(%arg8 : memref<4x1x64xi32, #tpu.memory_space<vmem>>)
        %dma_wait3A_492 = arith.constant 0 : i32
        %dma_wait3A_493 = arith.constant 0 : i32
        %dma_wait3A_494 = arith.constant 0 : i32
        %dma_wait3A_495 = tpu.memref_slice %arg4[%add3A, %dma_wait3A_492, %dma_wait3A_493, %dma_wait3A_494] : memref<32x160x1x64xi32, #tpu.memory_space<hbm>> -> memref<1x4x1x64xi32, #tpu.memory_space<hbm>>
        %dma_wait3A_496 = tpu.memref_squeeze %dma_wait3A_495 : memref<1x4x1x64xi32, #tpu.memory_space<hbm>> -> memref<4x1x64xi32, #tpu.memory_space<hbm>>
        %dma_wait3A_497 = arith.constant 0 : i32
        %dma_wait3A_498 = arith.constant 0 : i32
        %dma_wait3A_499 = arith.constant 0 : i32
        %dma_wait3A_500 = tpu.memref_slice %arg4[%add3A, %dma_wait3A_497, %dma_wait3A_498, %dma_wait3A_499] : memref<32x160x1x64xi32, #tpu.memory_space<hbm>> -> memref<1x4x1x64xi32, #tpu.memory_space<hbm>>
        %dma_wait3A_501 = tpu.memref_squeeze %dma_wait3A_500 : memref<1x4x1x64xi32, #tpu.memory_space<hbm>> -> memref<4x1x64xi32, #tpu.memory_space<hbm>>
        tpu.wait_dma2 semaphore(%arg19 : memref<!tpu.dma_semaphore, #tpu.memory_space<semaphore_mem>>) src(%dma_wait3A_501 : memref<4x1x64xi32, #tpu.memory_space<hbm>>) dst(%arg10 : memref<4x1x64xi32, #tpu.memory_space<vmem>>)
        %dma_wait3A_502 = arith.constant 0 : i32
        %dma_wait3A_503 = arith.constant 0 : i32
        %dma_wait3A_504 = arith.constant 0 : i32
        %dma_wait3A_505 = tpu.memref_slice %arg5[%add3A, %dma_wait3A_502, %dma_wait3A_503, %dma_wait3A_504] : memref<32x160x1x64xf32, #tpu.memory_space<hbm>> -> memref<1x4x1x64xf32, #tpu.memory_space<hbm>>
        %dma_wait3A_506 = tpu.memref_squeeze %dma_wait3A_505 : memref<1x4x1x64xf32, #tpu.memory_space<hbm>> -> memref<4x1x64xf32, #tpu.memory_space<hbm>>
        %dma_wait3A_507 = arith.constant 0 : i32
        %dma_wait3A_508 = arith.constant 0 : i32
        %dma_wait3A_509 = arith.constant 0 : i32
        %dma_wait3A_510 = tpu.memref_slice %arg5[%add3A, %dma_wait3A_507, %dma_wait3A_508, %dma_wait3A_509] : memref<32x160x1x64xf32, #tpu.memory_space<hbm>> -> memref<1x4x1x64xf32, #tpu.memory_space<hbm>>
        %dma_wait3A_511 = tpu.memref_squeeze %dma_wait3A_510 : memref<1x4x1x64xf32, #tpu.memory_space<hbm>> -> memref<4x1x64xf32, #tpu.memory_space<hbm>>
        tpu.wait_dma2 semaphore(%arg19 : memref<!tpu.dma_semaphore, #tpu.memory_space<semaphore_mem>>) src(%dma_wait3A_511 : memref<4x1x64xf32, #tpu.memory_space<hbm>>) dst(%arg12 : memref<4x1x64xf32, #tpu.memory_space<vmem>>)
      } else {
      }
      %add3A_421 = arith.constant 2 : i32
      %add3A_422 = arith.addi %add3A_400, %add3A_421 : i32
      %lt3A_423 = arith.constant 160 : i32
      %lt3A_424 = arith.cmpi slt, %add3A_422, %lt3A_423 : i32
      %convert_element_type3A_425 = arith.extui %lt3A_424 : i1 to i32
      %cond3A_426 = arith.constant 0 : i32
      %cond3A_427 = arith.cmpi ne, %convert_element_type3A_425, %cond3A_426 : i32
      scf.if %cond3A_427 {
        %dma_start3A_482 = arith.constant 0 : i32
        %dma_start3A_483 = arith.constant 0 : i32
        %dma_start3A_484 = arith.constant 0 : i32
        %dma_start3A_485 = tpu.memref_slice %arg8[%dma_start3A_482, %dma_start3A_483, %dma_start3A_484] : memref<4x1x64xi32, #tpu.memory_space<vmem>> -> memref<1x1x64xi32, #tpu.memory_space<vmem>>
        %dma_start3A_486 = tpu.memref_squeeze %dma_start3A_485 : memref<1x1x64xi32, #tpu.memory_space<vmem>> -> memref<64xi32, #tpu.memory_space<vmem>>
        %dma_start3A_487 = arith.constant 0 : i32
        %dma_start3A_488 = arith.constant 0 : i32
        %dma_start3A_489 = tpu.memref_slice %arg2[%dma_start3A_487, %dma_start3A_488] : memref<10000x128xf32, #tpu.memory_space<hbm>> -> memref<10000x128xf32, #tpu.memory_space<hbm>>
        tpu.enqueue_indirect_dma source(%dma_start3A_489 : memref<10000x128xf32, #tpu.memory_space<hbm>>) target(%arg14 : memref<64x128xf32, #tpu.memory_space<vmem>>) offsets(%dma_start3A_486 : memref<64xi32, #tpu.memory_space<vmem>>) semaphore(%arg22 : memref<!tpu.dma_semaphore, #tpu.memory_space<semaphore_mem>>)
      } else {
      }
      %broadcast_in_dim3A_428 = arith.constant 2 : i32
      %broadcast_in_dim3A_429 = vector.broadcast %broadcast_in_dim3A_428 : i32 to vector<16xi32>
      %scan3A_430 = arith.constant 0 : i32
      %scan3A_431 = arith.constant 0 : i32
      %scan3A_432 = arith.constant 64 : i32
      %scan3A_433 = arith.addi %scan3A_431, %scan3A_432 : i32
      %scan3A_434 = arith.constant 4 : i32
      scf.for %scan3A_482 = %scan3A_431 to %scan3A_433 step %scan3A_434  : i32 {
        %broadcast_in_dim3A_483 = vector.broadcast %scan3A_482 : i32 to vector<16xi32>
        %gather3A = tpu.vector_load_idx %arg13[%broadcast_in_dim3A_429, %broadcast_in_dim3A_6, %broadcast_in_dim3A_483] : memref<4x1x64xf32, #tpu.memory_space<vmem>>[vector<16xi32>, vector<16xi32>, vector<16xi32>], vector<16xf32>,
        %get3A = arith.index_cast %scan3A_482 : i32 to index
        %get3A_484 = arith.constant 0 : index
        %get3A_485 = tpu.vector_load %arg16[%get3A, %get3A_484] {strides = array<i32>} : memref<64x128xf32, #tpu.memory_space<vmem>>, vector<16xf32>,
        %mul3A_486 = arith.mulf %get3A_485, %gather3A : vector<16xf32>
        %swap3A = arith.index_cast %scan3A_482 : i32 to index
        %swap3A_487 = arith.constant 0 : index
        %swap3A_488 = tpu.vector_load %arg16[%swap3A, %swap3A_487] {strides = array<i32>} : memref<64x128xf32, #tpu.memory_space<vmem>>, vector<16xf32>,
        tpu.vector_store %arg16[%swap3A, %swap3A_487], %mul3A_486 {strides = array<i32>} : memref<64x128xf32, #tpu.memory_space<vmem>>, vector<16xf32>,
        %get3A_489 = arith.index_cast %scan3A_482 : i32 to index
        %get3A_490 = arith.constant 16 : index
        %get3A_491 = tpu.vector_load %arg16[%get3A_489, %get3A_490] {strides = array<i32>} : memref<64x128xf32, #tpu.memory_space<vmem>>, vector<16xf32>,
        %mul3A_492 = arith.mulf %get3A_491, %gather3A : vector<16xf32>
        %swap3A_493 = arith.index_cast %scan3A_482 : i32 to index
        %swap3A_494 = arith.constant 16 : index
        %swap3A_495 = tpu.vector_load %arg16[%swap3A_493, %swap3A_494] {strides = array<i32>} : memref<64x128xf32, #tpu.memory_space<vmem>>, vector<16xf32>,
        tpu.vector_store %arg16[%swap3A_493, %swap3A_494], %mul3A_492 {strides = array<i32>} : memref<64x128xf32, #tpu.memory_space<vmem>>, vector<16xf32>,
        %get3A_496 = arith.index_cast %scan3A_482 : i32 to index
        %get3A_497 = arith.constant 32 : index
        %get3A_498 = tpu.vector_load %arg16[%get3A_496, %get3A_497] {strides = array<i32>} : memref<64x128xf32, #tpu.memory_space<vmem>>, vector<16xf32>,
        %mul3A_499 = arith.mulf %get3A_498, %gather3A : vector<16xf32>
        %swap3A_500 = arith.index_cast %scan3A_482 : i32 to index
        %swap3A_501 = arith.constant 32 : index
        %swap3A_502 = tpu.vector_load %arg16[%swap3A_500, %swap3A_501] {strides = array<i32>} : memref<64x128xf32, #tpu.memory_space<vmem>>, vector<16xf32>,
        tpu.vector_store %arg16[%swap3A_500, %swap3A_501], %mul3A_499 {strides = array<i32>} : memref<64x128xf32, #tpu.memory_space<vmem>>, vector<16xf32>,
        %get3A_503 = arith.index_cast %scan3A_482 : i32 to index
        %get3A_504 = arith.constant 48 : index
        %get3A_505 = tpu.vector_load %arg16[%get3A_503, %get3A_504] {strides = array<i32>} : memref<64x128xf32, #tpu.memory_space<vmem>>, vector<16xf32>,
        %mul3A_506 = arith.mulf %get3A_505, %gather3A : vector<16xf32>
        %swap3A_507 = arith.index_cast %scan3A_482 : i32 to index
        %swap3A_508 = arith.constant 48 : index
        %swap3A_509 = tpu.vector_load %arg16[%swap3A_507, %swap3A_508] {strides = array<i32>} : memref<64x128xf32, #tpu.memory_space<vmem>>, vector<16xf32>,
        tpu.vector_store %arg16[%swap3A_507, %swap3A_508], %mul3A_506 {strides = array<i32>} : memref<64x128xf32, #tpu.memory_space<vmem>>, vector<16xf32>,
        %get3A_510 = arith.index_cast %scan3A_482 : i32 to index
        %get3A_511 = arith.constant 64 : index
        %get3A_512 = tpu.vector_load %arg16[%get3A_510, %get3A_511] {strides = array<i32>} : memref<64x128xf32, #tpu.memory_space<vmem>>, vector<16xf32>,
        %mul3A_513 = arith.mulf %get3A_512, %gather3A : vector<16xf32>
        %swap3A_514 = arith.index_cast %scan3A_482 : i32 to index
        %swap3A_515 = arith.constant 64 : index
        %swap3A_516 = tpu.vector_load %arg16[%swap3A_514, %swap3A_515] {strides = array<i32>} : memref<64x128xf32, #tpu.memory_space<vmem>>, vector<16xf32>,
        tpu.vector_store %arg16[%swap3A_514, %swap3A_515], %mul3A_513 {strides = array<i32>} : memref<64x128xf32, #tpu.memory_space<vmem>>, vector<16xf32>,
        %get3A_517 = arith.index_cast %scan3A_482 : i32 to index
        %get3A_518 = arith.constant 80 : index
        %get3A_519 = tpu.vector_load %arg16[%get3A_517, %get3A_518] {strides = array<i32>} : memref<64x128xf32, #tpu.memory_space<vmem>>, vector<16xf32>,
        %mul3A_520 = arith.mulf %get3A_519, %gather3A : vector<16xf32>
        %swap3A_521 = arith.index_cast %scan3A_482 : i32 to index
        %swap3A_522 = arith.constant 80 : index
        %swap3A_523 = tpu.vector_load %arg16[%swap3A_521, %swap3A_522] {strides = array<i32>} : memref<64x128xf32, #tpu.memory_space<vmem>>, vector<16xf32>,
        tpu.vector_store %arg16[%swap3A_521, %swap3A_522], %mul3A_520 {strides = array<i32>} : memref<64x128xf32, #tpu.memory_space<vmem>>, vector<16xf32>,
        %get3A_524 = arith.index_cast %scan3A_482 : i32 to index
        %get3A_525 = arith.constant 96 : index
        %get3A_526 = tpu.vector_load %arg16[%get3A_524, %get3A_525] {strides = array<i32>} : memref<64x128xf32, #tpu.memory_space<vmem>>, vector<16xf32>,
        %mul3A_527 = arith.mulf %get3A_526, %gather3A : vector<16xf32>
        %swap3A_528 = arith.index_cast %scan3A_482 : i32 to index
        %swap3A_529 = arith.constant 96 : index
        %swap3A_530 = tpu.vector_load %arg16[%swap3A_528, %swap3A_529] {strides = array<i32>} : memref<64x128xf32, #tpu.memory_space<vmem>>, vector<16xf32>,
        tpu.vector_store %arg16[%swap3A_528, %swap3A_529], %mul3A_527 {strides = array<i32>} : memref<64x128xf32, #tpu.memory_space<vmem>>, vector<16xf32>,
        %get3A_531 = arith.index_cast %scan3A_482 : i32 to index
        %get3A_532 = arith.constant 112 : index
        %get3A_533 = tpu.vector_load %arg16[%get3A_531, %get3A_532] {strides = array<i32>} : memref<64x128xf32, #tpu.memory_space<vmem>>, vector<16xf32>,
        %mul3A_534 = arith.mulf %get3A_533, %gather3A : vector<16xf32>
        %swap3A_535 = arith.index_cast %scan3A_482 : i32 to index
        %swap3A_536 = arith.constant 112 : index
        %swap3A_537 = tpu.vector_load %arg16[%swap3A_535, %swap3A_536] {strides = array<i32>} : memref<64x128xf32, #tpu.memory_space<vmem>>, vector<16xf32>,
        tpu.vector_store %arg16[%swap3A_535, %swap3A_536], %mul3A_534 {strides = array<i32>} : memref<64x128xf32, #tpu.memory_space<vmem>>, vector<16xf32>,
        %scan3A_538 = arith.constant 1 : i32
        %scan3A_539 = arith.addi %scan3A_482, %scan3A_538 : i32
        %broadcast_in_dim3A_540 = vector.broadcast %scan3A_539 : i32 to vector<16xi32>
        %gather3A_541 = tpu.vector_load_idx %arg13[%broadcast_in_dim3A_429, %broadcast_in_dim3A_6, %broadcast_in_dim3A_540] : memref<4x1x64xf32, #tpu.memory_space<vmem>>[vector<16xi32>, vector<16xi32>, vector<16xi32>], vector<16xf32>,
        %get3A_542 = arith.index_cast %scan3A_539 : i32 to index
        %get3A_543 = arith.constant 0 : index
        %get3A_544 = tpu.vector_load %arg16[%get3A_542, %get3A_543] {strides = array<i32>} : memref<64x128xf32, #tpu.memory_space<vmem>>, vector<16xf32>,
        %mul3A_545 = arith.mulf %get3A_544, %gather3A_541 : vector<16xf32>
        %swap3A_546 = arith.index_cast %scan3A_539 : i32 to index
        %swap3A_547 = arith.constant 0 : index
        %swap3A_548 = tpu.vector_load %arg16[%swap3A_546, %swap3A_547] {strides = array<i32>} : memref<64x128xf32, #tpu.memory_space<vmem>>, vector<16xf32>,
        tpu.vector_store %arg16[%swap3A_546, %swap3A_547], %mul3A_545 {strides = array<i32>} : memref<64x128xf32, #tpu.memory_space<vmem>>, vector<16xf32>,
        %get3A_549 = arith.index_cast %scan3A_539 : i32 to index
        %get3A_550 = arith.constant 16 : index
        %get3A_551 = tpu.vector_load %arg16[%get3A_549, %get3A_550] {strides = array<i32>} : memref<64x128xf32, #tpu.memory_space<vmem>>, vector<16xf32>,
        %mul3A_552 = arith.mulf %get3A_551, %gather3A_541 : vector<16xf32>
        %swap3A_553 = arith.index_cast %scan3A_539 : i32 to index
        %swap3A_554 = arith.constant 16 : index
        %swap3A_555 = tpu.vector_load %arg16[%swap3A_553, %swap3A_554] {strides = array<i32>} : memref<64x128xf32, #tpu.memory_space<vmem>>, vector<16xf32>,
        tpu.vector_store %arg16[%swap3A_553, %swap3A_554], %mul3A_552 {strides = array<i32>} : memref<64x128xf32, #tpu.memory_space<vmem>>, vector<16xf32>,
        %get3A_556 = arith.index_cast %scan3A_539 : i32 to index
        %get3A_557 = arith.constant 32 : index
        %get3A_558 = tpu.vector_load %arg16[%get3A_556, %get3A_557] {strides = array<i32>} : memref<64x128xf32, #tpu.memory_space<vmem>>, vector<16xf32>,
        %mul3A_559 = arith.mulf %get3A_558, %gather3A_541 : vector<16xf32>
        %swap3A_560 = arith.index_cast %scan3A_539 : i32 to index
        %swap3A_561 = arith.constant 32 : index
        %swap3A_562 = tpu.vector_load %arg16[%swap3A_560, %swap3A_561] {strides = array<i32>} : memref<64x128xf32, #tpu.memory_space<vmem>>, vector<16xf32>,
        tpu.vector_store %arg16[%swap3A_560, %swap3A_561], %mul3A_559 {strides = array<i32>} : memref<64x128xf32, #tpu.memory_space<vmem>>, vector<16xf32>,
        %get3A_563 = arith.index_cast %scan3A_539 : i32 to index
        %get3A_564 = arith.constant 48 : index
        %get3A_565 = tpu.vector_load %arg16[%get3A_563, %get3A_564] {strides = array<i32>} : memref<64x128xf32, #tpu.memory_space<vmem>>, vector<16xf32>,
        %mul3A_566 = arith.mulf %get3A_565, %gather3A_541 : vector<16xf32>
        %swap3A_567 = arith.index_cast %scan3A_539 : i32 to index
        %swap3A_568 = arith.constant 48 : index
        %swap3A_569 = tpu.vector_load %arg16[%swap3A_567, %swap3A_568] {strides = array<i32>} : memref<64x128xf32, #tpu.memory_space<vmem>>, vector<16xf32>,
        tpu.vector_store %arg16[%swap3A_567, %swap3A_568], %mul3A_566 {strides = array<i32>} : memref<64x128xf32, #tpu.memory_space<vmem>>, vector<16xf32>,
        %get3A_570 = arith.index_cast %scan3A_539 : i32 to index
        %get3A_571 = arith.constant 64 : index
        %get3A_572 = tpu.vector_load %arg16[%get3A_570, %get3A_571] {strides = array<i32>} : memref<64x128xf32, #tpu.memory_space<vmem>>, vector<16xf32>,
        %mul3A_573 = arith.mulf %get3A_572, %gather3A_541 : vector<16xf32>
        %swap3A_574 = arith.index_cast %scan3A_539 : i32 to index
        %swap3A_575 = arith.constant 64 : index
        %swap3A_576 = tpu.vector_load %arg16[%swap3A_574, %swap3A_575] {strides = array<i32>} : memref<64x128xf32, #tpu.memory_space<vmem>>, vector<16xf32>,
        tpu.vector_store %arg16[%swap3A_574, %swap3A_575], %mul3A_573 {strides = array<i32>} : memref<64x128xf32, #tpu.memory_space<vmem>>, vector<16xf32>,
        %get3A_577 = arith.index_cast %scan3A_539 : i32 to index
        %get3A_578 = arith.constant 80 : index
        %get3A_579 = tpu.vector_load %arg16[%get3A_577, %get3A_578] {strides = array<i32>} : memref<64x128xf32, #tpu.memory_space<vmem>>, vector<16xf32>,
        %mul3A_580 = arith.mulf %get3A_579, %gather3A_541 : vector<16xf32>
        %swap3A_581 = arith.index_cast %scan3A_539 : i32 to index
        %swap3A_582 = arith.constant 80 : index
        %swap3A_583 = tpu.vector_load %arg16[%swap3A_581, %swap3A_582] {strides = array<i32>} : memref<64x128xf32, #tpu.memory_space<vmem>>, vector<16xf32>,
        tpu.vector_store %arg16[%swap3A_581, %swap3A_582], %mul3A_580 {strides = array<i32>} : memref<64x128xf32, #tpu.memory_space<vmem>>, vector<16xf32>,
        %get3A_584 = arith.index_cast %scan3A_539 : i32 to index
        %get3A_585 = arith.constant 96 : index
        %get3A_586 = tpu.vector_load %arg16[%get3A_584, %get3A_585] {strides = array<i32>} : memref<64x128xf32, #tpu.memory_space<vmem>>, vector<16xf32>,
        %mul3A_587 = arith.mulf %get3A_586, %gather3A_541 : vector<16xf32>
        %swap3A_588 = arith.index_cast %scan3A_539 : i32 to index
        %swap3A_589 = arith.constant 96 : index
        %swap3A_590 = tpu.vector_load %arg16[%swap3A_588, %swap3A_589] {strides = array<i32>} : memref<64x128xf32, #tpu.memory_space<vmem>>, vector<16xf32>,
        tpu.vector_store %arg16[%swap3A_588, %swap3A_589], %mul3A_587 {strides = array<i32>} : memref<64x128xf32, #tpu.memory_space<vmem>>, vector<16xf32>,
        %get3A_591 = arith.index_cast %scan3A_539 : i32 to index
        %get3A_592 = arith.constant 112 : index
        %get3A_593 = tpu.vector_load %arg16[%get3A_591, %get3A_592] {strides = array<i32>} : memref<64x128xf32, #tpu.memory_space<vmem>>, vector<16xf32>,
        %mul3A_594 = arith.mulf %get3A_593, %gather3A_541 : vector<16xf32>
        %swap3A_595 = arith.index_cast %scan3A_539 : i32 to index
        %swap3A_596 = arith.constant 112 : index
        %swap3A_597 = tpu.vector_load %arg16[%swap3A_595, %swap3A_596] {strides = array<i32>} : memref<64x128xf32, #tpu.memory_space<vmem>>, vector<16xf32>,
        tpu.vector_store %arg16[%swap3A_595, %swap3A_596], %mul3A_594 {strides = array<i32>} : memref<64x128xf32, #tpu.memory_space<vmem>>, vector<16xf32>,
        %scan3A_598 = arith.constant 2 : i32
        %scan3A_599 = arith.addi %scan3A_482, %scan3A_598 : i32
        %broadcast_in_dim3A_600 = vector.broadcast %scan3A_599 : i32 to vector<16xi32>
        %gather3A_601 = tpu.vector_load_idx %arg13[%broadcast_in_dim3A_429, %broadcast_in_dim3A_6, %broadcast_in_dim3A_600] : memref<4x1x64xf32, #tpu.memory_space<vmem>>[vector<16xi32>, vector<16xi32>, vector<16xi32>], vector<16xf32>,
        %get3A_602 = arith.index_cast %scan3A_599 : i32 to index
        %get3A_603 = arith.constant 0 : index
        %get3A_604 = tpu.vector_load %arg16[%get3A_602, %get3A_603] {strides = array<i32>} : memref<64x128xf32, #tpu.memory_space<vmem>>, vector<16xf32>,
        %mul3A_605 = arith.mulf %get3A_604, %gather3A_601 : vector<16xf32>
        %swap3A_606 = arith.index_cast %scan3A_599 : i32 to index
        %swap3A_607 = arith.constant 0 : index
        %swap3A_608 = tpu.vector_load %arg16[%swap3A_606, %swap3A_607] {strides = array<i32>} : memref<64x128xf32, #tpu.memory_space<vmem>>, vector<16xf32>,
        tpu.vector_store %arg16[%swap3A_606, %swap3A_607], %mul3A_605 {strides = array<i32>} : memref<64x128xf32, #tpu.memory_space<vmem>>, vector<16xf32>,
        %get3A_609 = arith.index_cast %scan3A_599 : i32 to index
        %get3A_610 = arith.constant 16 : index
        %get3A_611 = tpu.vector_load %arg16[%get3A_609, %get3A_610] {strides = array<i32>} : memref<64x128xf32, #tpu.memory_space<vmem>>, vector<16xf32>,
        %mul3A_612 = arith.mulf %get3A_611, %gather3A_601 : vector<16xf32>
        %swap3A_613 = arith.index_cast %scan3A_599 : i32 to index
        %swap3A_614 = arith.constant 16 : index
        %swap3A_615 = tpu.vector_load %arg16[%swap3A_613, %swap3A_614] {strides = array<i32>} : memref<64x128xf32, #tpu.memory_space<vmem>>, vector<16xf32>,
        tpu.vector_store %arg16[%swap3A_613, %swap3A_614], %mul3A_612 {strides = array<i32>} : memref<64x128xf32, #tpu.memory_space<vmem>>, vector<16xf32>,
        %get3A_616 = arith.index_cast %scan3A_599 : i32 to index
        %get3A_617 = arith.constant 32 : index
        %get3A_618 = tpu.vector_load %arg16[%get3A_616, %get3A_617] {strides = array<i32>} : memref<64x128xf32, #tpu.memory_space<vmem>>, vector<16xf32>,
        %mul3A_619 = arith.mulf %get3A_618, %gather3A_601 : vector<16xf32>
        %swap3A_620 = arith.index_cast %scan3A_599 : i32 to index
        %swap3A_621 = arith.constant 32 : index
        %swap3A_622 = tpu.vector_load %arg16[%swap3A_620, %swap3A_621] {strides = array<i32>} : memref<64x128xf32, #tpu.memory_space<vmem>>, vector<16xf32>,
        tpu.vector_store %arg16[%swap3A_620, %swap3A_621], %mul3A_619 {strides = array<i32>} : memref<64x128xf32, #tpu.memory_space<vmem>>, vector<16xf32>,
        %get3A_623 = arith.index_cast %scan3A_599 : i32 to index
        %get3A_624 = arith.constant 48 : index
        %get3A_625 = tpu.vector_load %arg16[%get3A_623, %get3A_624] {strides = array<i32>} : memref<64x128xf32, #tpu.memory_space<vmem>>, vector<16xf32>,
        %mul3A_626 = arith.mulf %get3A_625, %gather3A_601 : vector<16xf32>
        %swap3A_627 = arith.index_cast %scan3A_599 : i32 to index
        %swap3A_628 = arith.constant 48 : index
        %swap3A_629 = tpu.vector_load %arg16[%swap3A_627, %swap3A_628] {strides = array<i32>} : memref<64x128xf32, #tpu.memory_space<vmem>>, vector<16xf32>,
        tpu.vector_store %arg16[%swap3A_627, %swap3A_628], %mul3A_626 {strides = array<i32>} : memref<64x128xf32, #tpu.memory_space<vmem>>, vector<16xf32>,
        %get3A_630 = arith.index_cast %scan3A_599 : i32 to index
        %get3A_631 = arith.constant 64 : index
        %get3A_632 = tpu.vector_load %arg16[%get3A_630, %get3A_631] {strides = array<i32>} : memref<64x128xf32, #tpu.memory_space<vmem>>, vector<16xf32>,
        %mul3A_633 = arith.mulf %get3A_632, %gather3A_601 : vector<16xf32>
        %swap3A_634 = arith.index_cast %scan3A_599 : i32 to index
        %swap3A_635 = arith.constant 64 : index
        %swap3A_636 = tpu.vector_load %arg16[%swap3A_634, %swap3A_635] {strides = array<i32>} : memref<64x128xf32, #tpu.memory_space<vmem>>, vector<16xf32>,
        tpu.vector_store %arg16[%swap3A_634, %swap3A_635], %mul3A_633 {strides = array<i32>} : memref<64x128xf32, #tpu.memory_space<vmem>>, vector<16xf32>,
        %get3A_637 = arith.index_cast %scan3A_599 : i32 to index
        %get3A_638 = arith.constant 80 : index
        %get3A_639 = tpu.vector_load %arg16[%get3A_637, %get3A_638] {strides = array<i32>} : memref<64x128xf32, #tpu.memory_space<vmem>>, vector<16xf32>,
        %mul3A_640 = arith.mulf %get3A_639, %gather3A_601 : vector<16xf32>
        %swap3A_641 = arith.index_cast %scan3A_599 : i32 to index
        %swap3A_642 = arith.constant 80 : index
        %swap3A_643 = tpu.vector_load %arg16[%swap3A_641, %swap3A_642] {strides = array<i32>} : memref<64x128xf32, #tpu.memory_space<vmem>>, vector<16xf32>,
        tpu.vector_store %arg16[%swap3A_641, %swap3A_642], %mul3A_640 {strides = array<i32>} : memref<64x128xf32, #tpu.memory_space<vmem>>, vector<16xf32>,
        %get3A_644 = arith.index_cast %scan3A_599 : i32 to index
        %get3A_645 = arith.constant 96 : index
        %get3A_646 = tpu.vector_load %arg16[%get3A_644, %get3A_645] {strides = array<i32>} : memref<64x128xf32, #tpu.memory_space<vmem>>, vector<16xf32>,
        %mul3A_647 = arith.mulf %get3A_646, %gather3A_601 : vector<16xf32>
        %swap3A_648 = arith.index_cast %scan3A_599 : i32 to index
        %swap3A_649 = arith.constant 96 : index
        %swap3A_650 = tpu.vector_load %arg16[%swap3A_648, %swap3A_649] {strides = array<i32>} : memref<64x128xf32, #tpu.memory_space<vmem>>, vector<16xf32>,
        tpu.vector_store %arg16[%swap3A_648, %swap3A_649], %mul3A_647 {strides = array<i32>} : memref<64x128xf32, #tpu.memory_space<vmem>>, vector<16xf32>,
        %get3A_651 = arith.index_cast %scan3A_599 : i32 to index
        %get3A_652 = arith.constant 112 : index
        %get3A_653 = tpu.vector_load %arg16[%get3A_651, %get3A_652] {strides = array<i32>} : memref<64x128xf32, #tpu.memory_space<vmem>>, vector<16xf32>,
        %mul3A_654 = arith.mulf %get3A_653, %gather3A_601 : vector<16xf32>
        %swap3A_655 = arith.index_cast %scan3A_599 : i32 to index
        %swap3A_656 = arith.constant 112 : index
        %swap3A_657 = tpu.vector_load %arg16[%swap3A_655, %swap3A_656] {strides = array<i32>} : memref<64x128xf32, #tpu.memory_space<vmem>>, vector<16xf32>,
        tpu.vector_store %arg16[%swap3A_655, %swap3A_656], %mul3A_654 {strides = array<i32>} : memref<64x128xf32, #tpu.memory_space<vmem>>, vector<16xf32>,
        %scan3A_658 = arith.constant 3 : i32
        %scan3A_659 = arith.addi %scan3A_482, %scan3A_658 : i32
        %broadcast_in_dim3A_660 = vector.broadcast %scan3A_659 : i32 to vector<16xi32>
        %gather3A_661 = tpu.vector_load_idx %arg13[%broadcast_in_dim3A_429, %broadcast_in_dim3A_6, %broadcast_in_dim3A_660] : memref<4x1x64xf32, #tpu.memory_space<vmem>>[vector<16xi32>, vector<16xi32>, vector<16xi32>], vector<16xf32>,
        %get3A_662 = arith.index_cast %scan3A_659 : i32 to index
        %get3A_663 = arith.constant 0 : index
        %get3A_664 = tpu.vector_load %arg16[%get3A_662, %get3A_663] {strides = array<i32>} : memref<64x128xf32, #tpu.memory_space<vmem>>, vector<16xf32>,
        %mul3A_665 = arith.mulf %get3A_664, %gather3A_661 : vector<16xf32>
        %swap3A_666 = arith.index_cast %scan3A_659 : i32 to index
        %swap3A_667 = arith.constant 0 : index
        %swap3A_668 = tpu.vector_load %arg16[%swap3A_666, %swap3A_667] {strides = array<i32>} : memref<64x128xf32, #tpu.memory_space<vmem>>, vector<16xf32>,
        tpu.vector_store %arg16[%swap3A_666, %swap3A_667], %mul3A_665 {strides = array<i32>} : memref<64x128xf32, #tpu.memory_space<vmem>>, vector<16xf32>,
        %get3A_669 = arith.index_cast %scan3A_659 : i32 to index
        %get3A_670 = arith.constant 16 : index
        %get3A_671 = tpu.vector_load %arg16[%get3A_669, %get3A_670] {strides = array<i32>} : memref<64x128xf32, #tpu.memory_space<vmem>>, vector<16xf32>,
        %mul3A_672 = arith.mulf %get3A_671, %gather3A_661 : vector<16xf32>
        %swap3A_673 = arith.index_cast %scan3A_659 : i32 to index
        %swap3A_674 = arith.constant 16 : index
        %swap3A_675 = tpu.vector_load %arg16[%swap3A_673, %swap3A_674] {strides = array<i32>} : memref<64x128xf32, #tpu.memory_space<vmem>>, vector<16xf32>,
        tpu.vector_store %arg16[%swap3A_673, %swap3A_674], %mul3A_672 {strides = array<i32>} : memref<64x128xf32, #tpu.memory_space<vmem>>, vector<16xf32>,
        %get3A_676 = arith.index_cast %scan3A_659 : i32 to index
        %get3A_677 = arith.constant 32 : index
        %get3A_678 = tpu.vector_load %arg16[%get3A_676, %get3A_677] {strides = array<i32>} : memref<64x128xf32, #tpu.memory_space<vmem>>, vector<16xf32>,
        %mul3A_679 = arith.mulf %get3A_678, %gather3A_661 : vector<16xf32>
        %swap3A_680 = arith.index_cast %scan3A_659 : i32 to index
        %swap3A_681 = arith.constant 32 : index
        %swap3A_682 = tpu.vector_load %arg16[%swap3A_680, %swap3A_681] {strides = array<i32>} : memref<64x128xf32, #tpu.memory_space<vmem>>, vector<16xf32>,
        tpu.vector_store %arg16[%swap3A_680, %swap3A_681], %mul3A_679 {strides = array<i32>} : memref<64x128xf32, #tpu.memory_space<vmem>>, vector<16xf32>,
        %get3A_683 = arith.index_cast %scan3A_659 : i32 to index
        %get3A_684 = arith.constant 48 : index
        %get3A_685 = tpu.vector_load %arg16[%get3A_683, %get3A_684] {strides = array<i32>} : memref<64x128xf32, #tpu.memory_space<vmem>>, vector<16xf32>,
        %mul3A_686 = arith.mulf %get3A_685, %gather3A_661 : vector<16xf32>
        %swap3A_687 = arith.index_cast %scan3A_659 : i32 to index
        %swap3A_688 = arith.constant 48 : index
        %swap3A_689 = tpu.vector_load %arg16[%swap3A_687, %swap3A_688] {strides = array<i32>} : memref<64x128xf32, #tpu.memory_space<vmem>>, vector<16xf32>,
        tpu.vector_store %arg16[%swap3A_687, %swap3A_688], %mul3A_686 {strides = array<i32>} : memref<64x128xf32, #tpu.memory_space<vmem>>, vector<16xf32>,
        %get3A_690 = arith.index_cast %scan3A_659 : i32 to index
        %get3A_691 = arith.constant 64 : index
        %get3A_692 = tpu.vector_load %arg16[%get3A_690, %get3A_691] {strides = array<i32>} : memref<64x128xf32, #tpu.memory_space<vmem>>, vector<16xf32>,
        %mul3A_693 = arith.mulf %get3A_692, %gather3A_661 : vector<16xf32>
        %swap3A_694 = arith.index_cast %scan3A_659 : i32 to index
        %swap3A_695 = arith.constant 64 : index
        %swap3A_696 = tpu.vector_load %arg16[%swap3A_694, %swap3A_695] {strides = array<i32>} : memref<64x128xf32, #tpu.memory_space<vmem>>, vector<16xf32>,
        tpu.vector_store %arg16[%swap3A_694, %swap3A_695], %mul3A_693 {strides = array<i32>} : memref<64x128xf32, #tpu.memory_space<vmem>>, vector<16xf32>,
        %get3A_697 = arith.index_cast %scan3A_659 : i32 to index
        %get3A_698 = arith.constant 80 : index
        %get3A_699 = tpu.vector_load %arg16[%get3A_697, %get3A_698] {strides = array<i32>} : memref<64x128xf32, #tpu.memory_space<vmem>>, vector<16xf32>,
        %mul3A_700 = arith.mulf %get3A_699, %gather3A_661 : vector<16xf32>
        %swap3A_701 = arith.index_cast %scan3A_659 : i32 to index
        %swap3A_702 = arith.constant 80 : index
        %swap3A_703 = tpu.vector_load %arg16[%swap3A_701, %swap3A_702] {strides = array<i32>} : memref<64x128xf32, #tpu.memory_space<vmem>>, vector<16xf32>,
        tpu.vector_store %arg16[%swap3A_701, %swap3A_702], %mul3A_700 {strides = array<i32>} : memref<64x128xf32, #tpu.memory_space<vmem>>, vector<16xf32>,
        %get3A_704 = arith.index_cast %scan3A_659 : i32 to index
        %get3A_705 = arith.constant 96 : index
        %get3A_706 = tpu.vector_load %arg16[%get3A_704, %get3A_705] {strides = array<i32>} : memref<64x128xf32, #tpu.memory_space<vmem>>, vector<16xf32>,
        %mul3A_707 = arith.mulf %get3A_706, %gather3A_661 : vector<16xf32>
        %swap3A_708 = arith.index_cast %scan3A_659 : i32 to index
        %swap3A_709 = arith.constant 96 : index
        %swap3A_710 = tpu.vector_load %arg16[%swap3A_708, %swap3A_709] {strides = array<i32>} : memref<64x128xf32, #tpu.memory_space<vmem>>, vector<16xf32>,
        tpu.vector_store %arg16[%swap3A_708, %swap3A_709], %mul3A_707 {strides = array<i32>} : memref<64x128xf32, #tpu.memory_space<vmem>>, vector<16xf32>,
        %get3A_711 = arith.index_cast %scan3A_659 : i32 to index
        %get3A_712 = arith.constant 112 : index
        %get3A_713 = tpu.vector_load %arg16[%get3A_711, %get3A_712] {strides = array<i32>} : memref<64x128xf32, #tpu.memory_space<vmem>>, vector<16xf32>,
        %mul3A_714 = arith.mulf %get3A_713, %gather3A_661 : vector<16xf32>
        %swap3A_715 = arith.index_cast %scan3A_659 : i32 to index
        %swap3A_716 = arith.constant 112 : index
        %swap3A_717 = tpu.vector_load %arg16[%swap3A_715, %swap3A_716] {strides = array<i32>} : memref<64x128xf32, #tpu.memory_space<vmem>>, vector<16xf32>,
        tpu.vector_store %arg16[%swap3A_715, %swap3A_716], %mul3A_714 {strides = array<i32>} : memref<64x128xf32, #tpu.memory_space<vmem>>, vector<16xf32>,
      }
      %scan3A_435 = arith.constant 64 : i32
      %dma_start3A_436 = arith.constant 2 : i32
      %dma_start3A_437 = arith.constant 0 : i32
      %dma_start3A_438 = arith.constant 0 : i32
      %dma_start3A_439 = tpu.memref_slice %arg11[%dma_start3A_436, %dma_start3A_437, %dma_start3A_438] : memref<4x1x64xi32, #tpu.memory_space<vmem>> -> memref<1x1x64xi32, #tpu.memory_space<vmem>>
      %dma_start3A_440 = tpu.memref_squeeze %dma_start3A_439 : memref<1x1x64xi32, #tpu.memory_space<vmem>> -> memref<64xi32, #tpu.memory_space<vmem>>
      %dma_start3A_441 = arith.constant 0 : i32
      %dma_start3A_442 = arith.constant 0 : i32
      %dma_start3A_443 = tpu.memref_slice %arg18[%dma_start3A_441, %dma_start3A_442] : memref<10112x128xf32, #tpu.memory_space<vmem_shared>> -> memref<10112x128xf32, #tpu.memory_space<vmem_shared>>
      tpu.enqueue_indirect_dma source(%arg16 : memref<64x128xf32, #tpu.memory_space<vmem>>) target(%dma_start3A_443 : memref<10112x128xf32, #tpu.memory_space<vmem_shared>>) offsets(%dma_start3A_440 : memref<64xi32, #tpu.memory_space<vmem>>) semaphore(%arg28 : memref<!tpu.dma_semaphore, #tpu.memory_space<semaphore_mem>>) {add = true}
      %add3A_444 = arith.constant 7 : i32
      %add3A_445 = arith.addi %mul3A_111, %add3A_444 : i32
      %dma_wait3A_446 = arith.constant 3 : i32
      %dma_wait3A_447 = arith.constant 0 : i32
      %dma_wait3A_448 = arith.constant 0 : i32
      %dma_wait3A_449 = tpu.memref_slice %arg9[%dma_wait3A_446, %dma_wait3A_447, %dma_wait3A_448] : memref<4x1x64xi32, #tpu.memory_space<vmem>> -> memref<1x1x64xi32, #tpu.memory_space<vmem>>
      %dma_wait3A_450 = tpu.memref_squeeze %dma_wait3A_449 : memref<1x1x64xi32, #tpu.memory_space<vmem>> -> memref<64xi32, #tpu.memory_space<vmem>>
      %dma_wait3A_451 = arith.constant 0 : i32
      %dma_wait3A_452 = arith.constant 0 : i32
      %dma_wait3A_453 = tpu.memref_slice %arg2[%dma_wait3A_451, %dma_wait3A_452] : memref<10000x128xf32, #tpu.memory_space<hbm>> -> memref<10000x128xf32, #tpu.memory_space<hbm>>
      tpu.wait_indirect_dma semaphore(%arg25 : memref<!tpu.dma_semaphore, #tpu.memory_space<semaphore_mem>>) src(%dma_wait3A_453 : memref<10000x128xf32, #tpu.memory_space<hbm>>) dst(%arg17 : memref<64x128xf32, #tpu.memory_space<vmem>>)
      %ge3A_454 = arith.constant 2 : i32
      %ge3A_455 = arith.cmpi sge, %add3A_445, %ge3A_454 : i32
      %convert_element_type3A_456 = arith.extui %ge3A_455 : i1 to i32
      %cond3A_457 = arith.constant 0 : i32
      %cond3A_458 = arith.cmpi ne, %convert_element_type3A_456, %cond3A_457 : i32
      scf.if %cond3A_458 {
        %dma_wait3A_482 = arith.constant 0 : i32
        %dma_wait3A_483 = arith.constant 0 : i32
        %dma_wait3A_484 = arith.constant 0 : i32
        %dma_wait3A_485 = tpu.memref_slice %arg11[%dma_wait3A_482, %dma_wait3A_483, %dma_wait3A_484] : memref<4x1x64xi32, #tpu.memory_space<vmem>> -> memref<1x1x64xi32, #tpu.memory_space<vmem>>
        %dma_wait3A_486 = tpu.memref_squeeze %dma_wait3A_485 : memref<1x1x64xi32, #tpu.memory_space<vmem>> -> memref<64xi32, #tpu.memory_space<vmem>>
        %dma_wait3A_487 = arith.constant 0 : i32
        %dma_wait3A_488 = arith.constant 0 : i32
        %dma_wait3A_489 = tpu.memref_slice %arg18[%dma_wait3A_487, %dma_wait3A_488] : memref<10112x128xf32, #tpu.memory_space<vmem_shared>> -> memref<10112x128xf32, #tpu.memory_space<vmem_shared>>
        tpu.wait_indirect_dma semaphore(%arg27 : memref<!tpu.dma_semaphore, #tpu.memory_space<semaphore_mem>>) src(%arg15 : memref<64x128xf32, #tpu.memory_space<vmem>>) dst(%dma_wait3A_489 : memref<10112x128xf32, #tpu.memory_space<vmem_shared>>)
      } else {
      }
      %add3A_459 = arith.constant 2 : i32
      %add3A_460 = arith.addi %add3A_445, %add3A_459 : i32
      %lt3A_461 = arith.constant 160 : i32
      %lt3A_462 = arith.cmpi slt, %add3A_460, %lt3A_461 : i32
      %convert_element_type3A_463 = arith.extui %lt3A_462 : i1 to i32
      %cond3A_464 = arith.constant 0 : i32
      %cond3A_465 = arith.cmpi ne, %convert_element_type3A_463, %cond3A_464 : i32
      scf.if %cond3A_465 {
        %dma_start3A_482 = arith.constant 1 : i32
        %dma_start3A_483 = arith.constant 0 : i32
        %dma_start3A_484 = arith.constant 0 : i32
        %dma_start3A_485 = tpu.memref_slice %arg8[%dma_start3A_482, %dma_start3A_483, %dma_start3A_484] : memref<4x1x64xi32, #tpu.memory_space<vmem>> -> memref<1x1x64xi32, #tpu.memory_space<vmem>>
        %dma_start3A_486 = tpu.memref_squeeze %dma_start3A_485 : memref<1x1x64xi32, #tpu.memory_space<vmem>> -> memref<64xi32, #tpu.memory_space<vmem>>
        %dma_start3A_487 = arith.constant 0 : i32
        %dma_start3A_488 = arith.constant 0 : i32
        %dma_start3A_489 = tpu.memref_slice %arg2[%dma_start3A_487, %dma_start3A_488] : memref<10000x128xf32, #tpu.memory_space<hbm>> -> memref<10000x128xf32, #tpu.memory_space<hbm>>
        tpu.enqueue_indirect_dma source(%dma_start3A_489 : memref<10000x128xf32, #tpu.memory_space<hbm>>) target(%arg15 : memref<64x128xf32, #tpu.memory_space<vmem>>) offsets(%dma_start3A_486 : memref<64xi32, #tpu.memory_space<vmem>>) semaphore(%arg23 : memref<!tpu.dma_semaphore, #tpu.memory_space<semaphore_mem>>)
      } else {
      }
      %broadcast_in_dim3A_466 = arith.constant 3 : i32
      %broadcast_in_dim3A_467 = vector.broadcast %broadcast_in_dim3A_466 : i32 to vector<16xi32>
      %scan3A_468 = arith.constant 0 : i32
      %scan3A_469 = arith.constant 0 : i32
      %scan3A_470 = arith.constant 64 : i32
      %scan3A_471 = arith.addi %scan3A_469, %scan3A_470 : i32
      %scan3A_472 = arith.constant 4 : i32
      scf.for %scan3A_482 = %scan3A_469 to %scan3A_471 step %scan3A_472  : i32 {
        %broadcast_in_dim3A_483 = vector.broadcast %scan3A_482 : i32 to vector<16xi32>
        %gather3A = tpu.vector_load_idx %arg13[%broadcast_in_dim3A_467, %broadcast_in_dim3A_6, %broadcast_in_dim3A_483] : memref<4x1x64xf32, #tpu.memory_space<vmem>>[vector<16xi32>, vector<16xi32>, vector<16xi32>], vector<16xf32>,
        %get3A = arith.index_cast %scan3A_482 : i32 to index
        %get3A_484 = arith.constant 0 : index
        %get3A_485 = tpu.vector_load %arg17[%get3A, %get3A_484] {strides = array<i32>} : memref<64x128xf32, #tpu.memory_space<vmem>>, vector<16xf32>,
        %mul3A_486 = arith.mulf %get3A_485, %gather3A : vector<16xf32>
        %swap3A = arith.index_cast %scan3A_482 : i32 to index
        %swap3A_487 = arith.constant 0 : index
        %swap3A_488 = tpu.vector_load %arg17[%swap3A, %swap3A_487] {strides = array<i32>} : memref<64x128xf32, #tpu.memory_space<vmem>>, vector<16xf32>,
        tpu.vector_store %arg17[%swap3A, %swap3A_487], %mul3A_486 {strides = array<i32>} : memref<64x128xf32, #tpu.memory_space<vmem>>, vector<16xf32>,
        %get3A_489 = arith.index_cast %scan3A_482 : i32 to index
        %get3A_490 = arith.constant 16 : index
        %get3A_491 = tpu.vector_load %arg17[%get3A_489, %get3A_490] {strides = array<i32>} : memref<64x128xf32, #tpu.memory_space<vmem>>, vector<16xf32>,
        %mul3A_492 = arith.mulf %get3A_491, %gather3A : vector<16xf32>
        %swap3A_493 = arith.index_cast %scan3A_482 : i32 to index
        %swap3A_494 = arith.constant 16 : index
        %swap3A_495 = tpu.vector_load %arg17[%swap3A_493, %swap3A_494] {strides = array<i32>} : memref<64x128xf32, #tpu.memory_space<vmem>>, vector<16xf32>,
        tpu.vector_store %arg17[%swap3A_493, %swap3A_494], %mul3A_492 {strides = array<i32>} : memref<64x128xf32, #tpu.memory_space<vmem>>, vector<16xf32>,
        %get3A_496 = arith.index_cast %scan3A_482 : i32 to index
        %get3A_497 = arith.constant 32 : index
        %get3A_498 = tpu.vector_load %arg17[%get3A_496, %get3A_497] {strides = array<i32>} : memref<64x128xf32, #tpu.memory_space<vmem>>, vector<16xf32>,
        %mul3A_499 = arith.mulf %get3A_498, %gather3A : vector<16xf32>
        %swap3A_500 = arith.index_cast %scan3A_482 : i32 to index
        %swap3A_501 = arith.constant 32 : index
        %swap3A_502 = tpu.vector_load %arg17[%swap3A_500, %swap3A_501] {strides = array<i32>} : memref<64x128xf32, #tpu.memory_space<vmem>>, vector<16xf32>,
        tpu.vector_store %arg17[%swap3A_500, %swap3A_501], %mul3A_499 {strides = array<i32>} : memref<64x128xf32, #tpu.memory_space<vmem>>, vector<16xf32>,
        %get3A_503 = arith.index_cast %scan3A_482 : i32 to index
        %get3A_504 = arith.constant 48 : index
        %get3A_505 = tpu.vector_load %arg17[%get3A_503, %get3A_504] {strides = array<i32>} : memref<64x128xf32, #tpu.memory_space<vmem>>, vector<16xf32>,
        %mul3A_506 = arith.mulf %get3A_505, %gather3A : vector<16xf32>
        %swap3A_507 = arith.index_cast %scan3A_482 : i32 to index
        %swap3A_508 = arith.constant 48 : index
        %swap3A_509 = tpu.vector_load %arg17[%swap3A_507, %swap3A_508] {strides = array<i32>} : memref<64x128xf32, #tpu.memory_space<vmem>>, vector<16xf32>,
        tpu.vector_store %arg17[%swap3A_507, %swap3A_508], %mul3A_506 {strides = array<i32>} : memref<64x128xf32, #tpu.memory_space<vmem>>, vector<16xf32>,
        %get3A_510 = arith.index_cast %scan3A_482 : i32 to index
        %get3A_511 = arith.constant 64 : index
        %get3A_512 = tpu.vector_load %arg17[%get3A_510, %get3A_511] {strides = array<i32>} : memref<64x128xf32, #tpu.memory_space<vmem>>, vector<16xf32>,
        %mul3A_513 = arith.mulf %get3A_512, %gather3A : vector<16xf32>
        %swap3A_514 = arith.index_cast %scan3A_482 : i32 to index
        %swap3A_515 = arith.constant 64 : index
        %swap3A_516 = tpu.vector_load %arg17[%swap3A_514, %swap3A_515] {strides = array<i32>} : memref<64x128xf32, #tpu.memory_space<vmem>>, vector<16xf32>,
        tpu.vector_store %arg17[%swap3A_514, %swap3A_515], %mul3A_513 {strides = array<i32>} : memref<64x128xf32, #tpu.memory_space<vmem>>, vector<16xf32>,
        %get3A_517 = arith.index_cast %scan3A_482 : i32 to index
        %get3A_518 = arith.constant 80 : index
        %get3A_519 = tpu.vector_load %arg17[%get3A_517, %get3A_518] {strides = array<i32>} : memref<64x128xf32, #tpu.memory_space<vmem>>, vector<16xf32>,
        %mul3A_520 = arith.mulf %get3A_519, %gather3A : vector<16xf32>
        %swap3A_521 = arith.index_cast %scan3A_482 : i32 to index
        %swap3A_522 = arith.constant 80 : index
        %swap3A_523 = tpu.vector_load %arg17[%swap3A_521, %swap3A_522] {strides = array<i32>} : memref<64x128xf32, #tpu.memory_space<vmem>>, vector<16xf32>,
        tpu.vector_store %arg17[%swap3A_521, %swap3A_522], %mul3A_520 {strides = array<i32>} : memref<64x128xf32, #tpu.memory_space<vmem>>, vector<16xf32>,
        %get3A_524 = arith.index_cast %scan3A_482 : i32 to index
        %get3A_525 = arith.constant 96 : index
        %get3A_526 = tpu.vector_load %arg17[%get3A_524, %get3A_525] {strides = array<i32>} : memref<64x128xf32, #tpu.memory_space<vmem>>, vector<16xf32>,
        %mul3A_527 = arith.mulf %get3A_526, %gather3A : vector<16xf32>
        %swap3A_528 = arith.index_cast %scan3A_482 : i32 to index
        %swap3A_529 = arith.constant 96 : index
        %swap3A_530 = tpu.vector_load %arg17[%swap3A_528, %swap3A_529] {strides = array<i32>} : memref<64x128xf32, #tpu.memory_space<vmem>>, vector<16xf32>,
        tpu.vector_store %arg17[%swap3A_528, %swap3A_529], %mul3A_527 {strides = array<i32>} : memref<64x128xf32, #tpu.memory_space<vmem>>, vector<16xf32>,
        %get3A_531 = arith.index_cast %scan3A_482 : i32 to index
        %get3A_532 = arith.constant 112 : index
        %get3A_533 = tpu.vector_load %arg17[%get3A_531, %get3A_532] {strides = array<i32>} : memref<64x128xf32, #tpu.memory_space<vmem>>, vector<16xf32>,
        %mul3A_534 = arith.mulf %get3A_533, %gather3A : vector<16xf32>
        %swap3A_535 = arith.index_cast %scan3A_482 : i32 to index
        %swap3A_536 = arith.constant 112 : index
        %swap3A_537 = tpu.vector_load %arg17[%swap3A_535, %swap3A_536] {strides = array<i32>} : memref<64x128xf32, #tpu.memory_space<vmem>>, vector<16xf32>,
        tpu.vector_store %arg17[%swap3A_535, %swap3A_536], %mul3A_534 {strides = array<i32>} : memref<64x128xf32, #tpu.memory_space<vmem>>, vector<16xf32>,
        %scan3A_538 = arith.constant 1 : i32
        %scan3A_539 = arith.addi %scan3A_482, %scan3A_538 : i32
        %broadcast_in_dim3A_540 = vector.broadcast %scan3A_539 : i32 to vector<16xi32>
        %gather3A_541 = tpu.vector_load_idx %arg13[%broadcast_in_dim3A_467, %broadcast_in_dim3A_6, %broadcast_in_dim3A_540] : memref<4x1x64xf32, #tpu.memory_space<vmem>>[vector<16xi32>, vector<16xi32>, vector<16xi32>], vector<16xf32>,
        %get3A_542 = arith.index_cast %scan3A_539 : i32 to index
        %get3A_543 = arith.constant 0 : index
        %get3A_544 = tpu.vector_load %arg17[%get3A_542, %get3A_543] {strides = array<i32>} : memref<64x128xf32, #tpu.memory_space<vmem>>, vector<16xf32>,
        %mul3A_545 = arith.mulf %get3A_544, %gather3A_541 : vector<16xf32>
        %swap3A_546 = arith.index_cast %scan3A_539 : i32 to index
        %swap3A_547 = arith.constant 0 : index
        %swap3A_548 = tpu.vector_load %arg17[%swap3A_546, %swap3A_547] {strides = array<i32>} : memref<64x128xf32, #tpu.memory_space<vmem>>, vector<16xf32>,
        tpu.vector_store %arg17[%swap3A_546, %swap3A_547], %mul3A_545 {strides = array<i32>} : memref<64x128xf32, #tpu.memory_space<vmem>>, vector<16xf32>,
        %get3A_549 = arith.index_cast %scan3A_539 : i32 to index
        %get3A_550 = arith.constant 16 : index
        %get3A_551 = tpu.vector_load %arg17[%get3A_549, %get3A_550] {strides = array<i32>} : memref<64x128xf32, #tpu.memory_space<vmem>>, vector<16xf32>,
        %mul3A_552 = arith.mulf %get3A_551, %gather3A_541 : vector<16xf32>
        %swap3A_553 = arith.index_cast %scan3A_539 : i32 to index
        %swap3A_554 = arith.constant 16 : index
        %swap3A_555 = tpu.vector_load %arg17[%swap3A_553, %swap3A_554] {strides = array<i32>} : memref<64x128xf32, #tpu.memory_space<vmem>>, vector<16xf32>,
        tpu.vector_store %arg17[%swap3A_553, %swap3A_554], %mul3A_552 {strides = array<i32>} : memref<64x128xf32, #tpu.memory_space<vmem>>, vector<16xf32>,
        %get3A_556 = arith.index_cast %scan3A_539 : i32 to index
        %get3A_557 = arith.constant 32 : index
        %get3A_558 = tpu.vector_load %arg17[%get3A_556, %get3A_557] {strides = array<i32>} : memref<64x128xf32, #tpu.memory_space<vmem>>, vector<16xf32>,
        %mul3A_559 = arith.mulf %get3A_558, %gather3A_541 : vector<16xf32>
        %swap3A_560 = arith.index_cast %scan3A_539 : i32 to index
        %swap3A_561 = arith.constant 32 : index
        %swap3A_562 = tpu.vector_load %arg17[%swap3A_560, %swap3A_561] {strides = array<i32>} : memref<64x128xf32, #tpu.memory_space<vmem>>, vector<16xf32>,
        tpu.vector_store %arg17[%swap3A_560, %swap3A_561], %mul3A_559 {strides = array<i32>} : memref<64x128xf32, #tpu.memory_space<vmem>>, vector<16xf32>,
        %get3A_563 = arith.index_cast %scan3A_539 : i32 to index
        %get3A_564 = arith.constant 48 : index
        %get3A_565 = tpu.vector_load %arg17[%get3A_563, %get3A_564] {strides = array<i32>} : memref<64x128xf32, #tpu.memory_space<vmem>>, vector<16xf32>,
        %mul3A_566 = arith.mulf %get3A_565, %gather3A_541 : vector<16xf32>
        %swap3A_567 = arith.index_cast %scan3A_539 : i32 to index
        %swap3A_568 = arith.constant 48 : index
        %swap3A_569 = tpu.vector_load %arg17[%swap3A_567, %swap3A_568] {strides = array<i32>} : memref<64x128xf32, #tpu.memory_space<vmem>>, vector<16xf32>,
        tpu.vector_store %arg17[%swap3A_567, %swap3A_568], %mul3A_566 {strides = array<i32>} : memref<64x128xf32, #tpu.memory_space<vmem>>, vector<16xf32>,
        %get3A_570 = arith.index_cast %scan3A_539 : i32 to index
        %get3A_571 = arith.constant 64 : index
        %get3A_572 = tpu.vector_load %arg17[%get3A_570, %get3A_571] {strides = array<i32>} : memref<64x128xf32, #tpu.memory_space<vmem>>, vector<16xf32>,
        %mul3A_573 = arith.mulf %get3A_572, %gather3A_541 : vector<16xf32>
        %swap3A_574 = arith.index_cast %scan3A_539 : i32 to index
        %swap3A_575 = arith.constant 64 : index
        %swap3A_576 = tpu.vector_load %arg17[%swap3A_574, %swap3A_575] {strides = array<i32>} : memref<64x128xf32, #tpu.memory_space<vmem>>, vector<16xf32>,
        tpu.vector_store %arg17[%swap3A_574, %swap3A_575], %mul3A_573 {strides = array<i32>} : memref<64x128xf32, #tpu.memory_space<vmem>>, vector<16xf32>,
        %get3A_577 = arith.index_cast %scan3A_539 : i32 to index
        %get3A_578 = arith.constant 80 : index
        %get3A_579 = tpu.vector_load %arg17[%get3A_577, %get3A_578] {strides = array<i32>} : memref<64x128xf32, #tpu.memory_space<vmem>>, vector<16xf32>,
        %mul3A_580 = arith.mulf %get3A_579, %gather3A_541 : vector<16xf32>
        %swap3A_581 = arith.index_cast %scan3A_539 : i32 to index
        %swap3A_582 = arith.constant 80 : index
        %swap3A_583 = tpu.vector_load %arg17[%swap3A_581, %swap3A_582] {strides = array<i32>} : memref<64x128xf32, #tpu.memory_space<vmem>>, vector<16xf32>,
        tpu.vector_store %arg17[%swap3A_581, %swap3A_582], %mul3A_580 {strides = array<i32>} : memref<64x128xf32, #tpu.memory_space<vmem>>, vector<16xf32>,
        %get3A_584 = arith.index_cast %scan3A_539 : i32 to index
        %get3A_585 = arith.constant 96 : index
        %get3A_586 = tpu.vector_load %arg17[%get3A_584, %get3A_585] {strides = array<i32>} : memref<64x128xf32, #tpu.memory_space<vmem>>, vector<16xf32>,
        %mul3A_587 = arith.mulf %get3A_586, %gather3A_541 : vector<16xf32>
        %swap3A_588 = arith.index_cast %scan3A_539 : i32 to index
        %swap3A_589 = arith.constant 96 : index
        %swap3A_590 = tpu.vector_load %arg17[%swap3A_588, %swap3A_589] {strides = array<i32>} : memref<64x128xf32, #tpu.memory_space<vmem>>, vector<16xf32>,
        tpu.vector_store %arg17[%swap3A_588, %swap3A_589], %mul3A_587 {strides = array<i32>} : memref<64x128xf32, #tpu.memory_space<vmem>>, vector<16xf32>,
        %get3A_591 = arith.index_cast %scan3A_539 : i32 to index
        %get3A_592 = arith.constant 112 : index
        %get3A_593 = tpu.vector_load %arg17[%get3A_591, %get3A_592] {strides = array<i32>} : memref<64x128xf32, #tpu.memory_space<vmem>>, vector<16xf32>,
        %mul3A_594 = arith.mulf %get3A_593, %gather3A_541 : vector<16xf32>
        %swap3A_595 = arith.index_cast %scan3A_539 : i32 to index
        %swap3A_596 = arith.constant 112 : index
        %swap3A_597 = tpu.vector_load %arg17[%swap3A_595, %swap3A_596] {strides = array<i32>} : memref<64x128xf32, #tpu.memory_space<vmem>>, vector<16xf32>,
        tpu.vector_store %arg17[%swap3A_595, %swap3A_596], %mul3A_594 {strides = array<i32>} : memref<64x128xf32, #tpu.memory_space<vmem>>, vector<16xf32>,
        %scan3A_598 = arith.constant 2 : i32
        %scan3A_599 = arith.addi %scan3A_482, %scan3A_598 : i32
        %broadcast_in_dim3A_600 = vector.broadcast %scan3A_599 : i32 to vector<16xi32>
        %gather3A_601 = tpu.vector_load_idx %arg13[%broadcast_in_dim3A_467, %broadcast_in_dim3A_6, %broadcast_in_dim3A_600] : memref<4x1x64xf32, #tpu.memory_space<vmem>>[vector<16xi32>, vector<16xi32>, vector<16xi32>], vector<16xf32>,
        %get3A_602 = arith.index_cast %scan3A_599 : i32 to index
        %get3A_603 = arith.constant 0 : index
        %get3A_604 = tpu.vector_load %arg17[%get3A_602, %get3A_603] {strides = array<i32>} : memref<64x128xf32, #tpu.memory_space<vmem>>, vector<16xf32>,
        %mul3A_605 = arith.mulf %get3A_604, %gather3A_601 : vector<16xf32>
        %swap3A_606 = arith.index_cast %scan3A_599 : i32 to index
        %swap3A_607 = arith.constant 0 : index
        %swap3A_608 = tpu.vector_load %arg17[%swap3A_606, %swap3A_607] {strides = array<i32>} : memref<64x128xf32, #tpu.memory_space<vmem>>, vector<16xf32>,
        tpu.vector_store %arg17[%swap3A_606, %swap3A_607], %mul3A_605 {strides = array<i32>} : memref<64x128xf32, #tpu.memory_space<vmem>>, vector<16xf32>,
        %get3A_609 = arith.index_cast %scan3A_599 : i32 to index
        %get3A_610 = arith.constant 16 : index
        %get3A_611 = tpu.vector_load %arg17[%get3A_609, %get3A_610] {strides = array<i32>} : memref<64x128xf32, #tpu.memory_space<vmem>>, vector<16xf32>,
        %mul3A_612 = arith.mulf %get3A_611, %gather3A_601 : vector<16xf32>
        %swap3A_613 = arith.index_cast %scan3A_599 : i32 to index
        %swap3A_614 = arith.constant 16 : index
        %swap3A_615 = tpu.vector_load %arg17[%swap3A_613, %swap3A_614] {strides = array<i32>} : memref<64x128xf32, #tpu.memory_space<vmem>>, vector<16xf32>,
        tpu.vector_store %arg17[%swap3A_613, %swap3A_614], %mul3A_612 {strides = array<i32>} : memref<64x128xf32, #tpu.memory_space<vmem>>, vector<16xf32>,
        %get3A_616 = arith.index_cast %scan3A_599 : i32 to index
        %get3A_617 = arith.constant 32 : index
        %get3A_618 = tpu.vector_load %arg17[%get3A_616, %get3A_617] {strides = array<i32>} : memref<64x128xf32, #tpu.memory_space<vmem>>, vector<16xf32>,
        %mul3A_619 = arith.mulf %get3A_618, %gather3A_601 : vector<16xf32>
        %swap3A_620 = arith.index_cast %scan3A_599 : i32 to index
        %swap3A_621 = arith.constant 32 : index
        %swap3A_622 = tpu.vector_load %arg17[%swap3A_620, %swap3A_621] {strides = array<i32>} : memref<64x128xf32, #tpu.memory_space<vmem>>, vector<16xf32>,
        tpu.vector_store %arg17[%swap3A_620, %swap3A_621], %mul3A_619 {strides = array<i32>} : memref<64x128xf32, #tpu.memory_space<vmem>>, vector<16xf32>,
        %get3A_623 = arith.index_cast %scan3A_599 : i32 to index
        %get3A_624 = arith.constant 48 : index
        %get3A_625 = tpu.vector_load %arg17[%get3A_623, %get3A_624] {strides = array<i32>} : memref<64x128xf32, #tpu.memory_space<vmem>>, vector<16xf32>,
        %mul3A_626 = arith.mulf %get3A_625, %gather3A_601 : vector<16xf32>
        %swap3A_627 = arith.index_cast %scan3A_599 : i32 to index
        %swap3A_628 = arith.constant 48 : index
        %swap3A_629 = tpu.vector_load %arg17[%swap3A_627, %swap3A_628] {strides = array<i32>} : memref<64x128xf32, #tpu.memory_space<vmem>>, vector<16xf32>,
        tpu.vector_store %arg17[%swap3A_627, %swap3A_628], %mul3A_626 {strides = array<i32>} : memref<64x128xf32, #tpu.memory_space<vmem>>, vector<16xf32>,
        %get3A_630 = arith.index_cast %scan3A_599 : i32 to index
        %get3A_631 = arith.constant 64 : index
        %get3A_632 = tpu.vector_load %arg17[%get3A_630, %get3A_631] {strides = array<i32>} : memref<64x128xf32, #tpu.memory_space<vmem>>, vector<16xf32>,
        %mul3A_633 = arith.mulf %get3A_632, %gather3A_601 : vector<16xf32>
        %swap3A_634 = arith.index_cast %scan3A_599 : i32 to index
        %swap3A_635 = arith.constant 64 : index
        %swap3A_636 = tpu.vector_load %arg17[%swap3A_634, %swap3A_635] {strides = array<i32>} : memref<64x128xf32, #tpu.memory_space<vmem>>, vector<16xf32>,
        tpu.vector_store %arg17[%swap3A_634, %swap3A_635], %mul3A_633 {strides = array<i32>} : memref<64x128xf32, #tpu.memory_space<vmem>>, vector<16xf32>,
        %get3A_637 = arith.index_cast %scan3A_599 : i32 to index
        %get3A_638 = arith.constant 80 : index
        %get3A_639 = tpu.vector_load %arg17[%get3A_637, %get3A_638] {strides = array<i32>} : memref<64x128xf32, #tpu.memory_space<vmem>>, vector<16xf32>,
        %mul3A_640 = arith.mulf %get3A_639, %gather3A_601 : vector<16xf32>
        %swap3A_641 = arith.index_cast %scan3A_599 : i32 to index
        %swap3A_642 = arith.constant 80 : index
        %swap3A_643 = tpu.vector_load %arg17[%swap3A_641, %swap3A_642] {strides = array<i32>} : memref<64x128xf32, #tpu.memory_space<vmem>>, vector<16xf32>,
        tpu.vector_store %arg17[%swap3A_641, %swap3A_642], %mul3A_640 {strides = array<i32>} : memref<64x128xf32, #tpu.memory_space<vmem>>, vector<16xf32>,
        %get3A_644 = arith.index_cast %scan3A_599 : i32 to index
        %get3A_645 = arith.constant 96 : index
        %get3A_646 = tpu.vector_load %arg17[%get3A_644, %get3A_645] {strides = array<i32>} : memref<64x128xf32, #tpu.memory_space<vmem>>, vector<16xf32>,
        %mul3A_647 = arith.mulf %get3A_646, %gather3A_601 : vector<16xf32>
        %swap3A_648 = arith.index_cast %scan3A_599 : i32 to index
        %swap3A_649 = arith.constant 96 : index
        %swap3A_650 = tpu.vector_load %arg17[%swap3A_648, %swap3A_649] {strides = array<i32>} : memref<64x128xf32, #tpu.memory_space<vmem>>, vector<16xf32>,
        tpu.vector_store %arg17[%swap3A_648, %swap3A_649], %mul3A_647 {strides = array<i32>} : memref<64x128xf32, #tpu.memory_space<vmem>>, vector<16xf32>,
        %get3A_651 = arith.index_cast %scan3A_599 : i32 to index
        %get3A_652 = arith.constant 112 : index
        %get3A_653 = tpu.vector_load %arg17[%get3A_651, %get3A_652] {strides = array<i32>} : memref<64x128xf32, #tpu.memory_space<vmem>>, vector<16xf32>,
        %mul3A_654 = arith.mulf %get3A_653, %gather3A_601 : vector<16xf32>
        %swap3A_655 = arith.index_cast %scan3A_599 : i32 to index
        %swap3A_656 = arith.constant 112 : index
        %swap3A_657 = tpu.vector_load %arg17[%swap3A_655, %swap3A_656] {strides = array<i32>} : memref<64x128xf32, #tpu.memory_space<vmem>>, vector<16xf32>,
        tpu.vector_store %arg17[%swap3A_655, %swap3A_656], %mul3A_654 {strides = array<i32>} : memref<64x128xf32, #tpu.memory_space<vmem>>, vector<16xf32>,
        %scan3A_658 = arith.constant 3 : i32
        %scan3A_659 = arith.addi %scan3A_482, %scan3A_658 : i32
        %broadcast_in_dim3A_660 = vector.broadcast %scan3A_659 : i32 to vector<16xi32>
        %gather3A_661 = tpu.vector_load_idx %arg13[%broadcast_in_dim3A_467, %broadcast_in_dim3A_6, %broadcast_in_dim3A_660] : memref<4x1x64xf32, #tpu.memory_space<vmem>>[vector<16xi32>, vector<16xi32>, vector<16xi32>], vector<16xf32>,
        %get3A_662 = arith.index_cast %scan3A_659 : i32 to index
        %get3A_663 = arith.constant 0 : index
        %get3A_664 = tpu.vector_load %arg17[%get3A_662, %get3A_663] {strides = array<i32>} : memref<64x128xf32, #tpu.memory_space<vmem>>, vector<16xf32>,
        %mul3A_665 = arith.mulf %get3A_664, %gather3A_661 : vector<16xf32>
        %swap3A_666 = arith.index_cast %scan3A_659 : i32 to index
        %swap3A_667 = arith.constant 0 : index
        %swap3A_668 = tpu.vector_load %arg17[%swap3A_666, %swap3A_667] {strides = array<i32>} : memref<64x128xf32, #tpu.memory_space<vmem>>, vector<16xf32>,
        tpu.vector_store %arg17[%swap3A_666, %swap3A_667], %mul3A_665 {strides = array<i32>} : memref<64x128xf32, #tpu.memory_space<vmem>>, vector<16xf32>,
        %get3A_669 = arith.index_cast %scan3A_659 : i32 to index
        %get3A_670 = arith.constant 16 : index
        %get3A_671 = tpu.vector_load %arg17[%get3A_669, %get3A_670] {strides = array<i32>} : memref<64x128xf32, #tpu.memory_space<vmem>>, vector<16xf32>,
        %mul3A_672 = arith.mulf %get3A_671, %gather3A_661 : vector<16xf32>
        %swap3A_673 = arith.index_cast %scan3A_659 : i32 to index
        %swap3A_674 = arith.constant 16 : index
        %swap3A_675 = tpu.vector_load %arg17[%swap3A_673, %swap3A_674] {strides = array<i32>} : memref<64x128xf32, #tpu.memory_space<vmem>>, vector<16xf32>,
        tpu.vector_store %arg17[%swap3A_673, %swap3A_674], %mul3A_672 {strides = array<i32>} : memref<64x128xf32, #tpu.memory_space<vmem>>, vector<16xf32>,
        %get3A_676 = arith.index_cast %scan3A_659 : i32 to index
        %get3A_677 = arith.constant 32 : index
        %get3A_678 = tpu.vector_load %arg17[%get3A_676, %get3A_677] {strides = array<i32>} : memref<64x128xf32, #tpu.memory_space<vmem>>, vector<16xf32>,
        %mul3A_679 = arith.mulf %get3A_678, %gather3A_661 : vector<16xf32>
        %swap3A_680 = arith.index_cast %scan3A_659 : i32 to index
        %swap3A_681 = arith.constant 32 : index
        %swap3A_682 = tpu.vector_load %arg17[%swap3A_680, %swap3A_681] {strides = array<i32>} : memref<64x128xf32, #tpu.memory_space<vmem>>, vector<16xf32>,
        tpu.vector_store %arg17[%swap3A_680, %swap3A_681], %mul3A_679 {strides = array<i32>} : memref<64x128xf32, #tpu.memory_space<vmem>>, vector<16xf32>,
        %get3A_683 = arith.index_cast %scan3A_659 : i32 to index
        %get3A_684 = arith.constant 48 : index
        %get3A_685 = tpu.vector_load %arg17[%get3A_683, %get3A_684] {strides = array<i32>} : memref<64x128xf32, #tpu.memory_space<vmem>>, vector<16xf32>,
        %mul3A_686 = arith.mulf %get3A_685, %gather3A_661 : vector<16xf32>
        %swap3A_687 = arith.index_cast %scan3A_659 : i32 to index
        %swap3A_688 = arith.constant 48 : index
        %swap3A_689 = tpu.vector_load %arg17[%swap3A_687, %swap3A_688] {strides = array<i32>} : memref<64x128xf32, #tpu.memory_space<vmem>>, vector<16xf32>,
        tpu.vector_store %arg17[%swap3A_687, %swap3A_688], %mul3A_686 {strides = array<i32>} : memref<64x128xf32, #tpu.memory_space<vmem>>, vector<16xf32>,
        %get3A_690 = arith.index_cast %scan3A_659 : i32 to index
        %get3A_691 = arith.constant 64 : index
        %get3A_692 = tpu.vector_load %arg17[%get3A_690, %get3A_691] {strides = array<i32>} : memref<64x128xf32, #tpu.memory_space<vmem>>, vector<16xf32>,
        %mul3A_693 = arith.mulf %get3A_692, %gather3A_661 : vector<16xf32>
        %swap3A_694 = arith.index_cast %scan3A_659 : i32 to index
        %swap3A_695 = arith.constant 64 : index
        %swap3A_696 = tpu.vector_load %arg17[%swap3A_694, %swap3A_695] {strides = array<i32>} : memref<64x128xf32, #tpu.memory_space<vmem>>, vector<16xf32>,
        tpu.vector_store %arg17[%swap3A_694, %swap3A_695], %mul3A_693 {strides = array<i32>} : memref<64x128xf32, #tpu.memory_space<vmem>>, vector<16xf32>,
        %get3A_697 = arith.index_cast %scan3A_659 : i32 to index
        %get3A_698 = arith.constant 80 : index
        %get3A_699 = tpu.vector_load %arg17[%get3A_697, %get3A_698] {strides = array<i32>} : memref<64x128xf32, #tpu.memory_space<vmem>>, vector<16xf32>,
        %mul3A_700 = arith.mulf %get3A_699, %gather3A_661 : vector<16xf32>
        %swap3A_701 = arith.index_cast %scan3A_659 : i32 to index
        %swap3A_702 = arith.constant 80 : index
        %swap3A_703 = tpu.vector_load %arg17[%swap3A_701, %swap3A_702] {strides = array<i32>} : memref<64x128xf32, #tpu.memory_space<vmem>>, vector<16xf32>,
        tpu.vector_store %arg17[%swap3A_701, %swap3A_702], %mul3A_700 {strides = array<i32>} : memref<64x128xf32, #tpu.memory_space<vmem>>, vector<16xf32>,
        %get3A_704 = arith.index_cast %scan3A_659 : i32 to index
        %get3A_705 = arith.constant 96 : index
        %get3A_706 = tpu.vector_load %arg17[%get3A_704, %get3A_705] {strides = array<i32>} : memref<64x128xf32, #tpu.memory_space<vmem>>, vector<16xf32>,
        %mul3A_707 = arith.mulf %get3A_706, %gather3A_661 : vector<16xf32>
        %swap3A_708 = arith.index_cast %scan3A_659 : i32 to index
        %swap3A_709 = arith.constant 96 : index
        %swap3A_710 = tpu.vector_load %arg17[%swap3A_708, %swap3A_709] {strides = array<i32>} : memref<64x128xf32, #tpu.memory_space<vmem>>, vector<16xf32>,
        tpu.vector_store %arg17[%swap3A_708, %swap3A_709], %mul3A_707 {strides = array<i32>} : memref<64x128xf32, #tpu.memory_space<vmem>>, vector<16xf32>,
        %get3A_711 = arith.index_cast %scan3A_659 : i32 to index
        %get3A_712 = arith.constant 112 : index
        %get3A_713 = tpu.vector_load %arg17[%get3A_711, %get3A_712] {strides = array<i32>} : memref<64x128xf32, #tpu.memory_space<vmem>>, vector<16xf32>,
        %mul3A_714 = arith.mulf %get3A_713, %gather3A_661 : vector<16xf32>
        %swap3A_715 = arith.index_cast %scan3A_659 : i32 to index
        %swap3A_716 = arith.constant 112 : index
        %swap3A_717 = tpu.vector_load %arg17[%swap3A_715, %swap3A_716] {strides = array<i32>} : memref<64x128xf32, #tpu.memory_space<vmem>>, vector<16xf32>,
        tpu.vector_store %arg17[%swap3A_715, %swap3A_716], %mul3A_714 {strides = array<i32>} : memref<64x128xf32, #tpu.memory_space<vmem>>, vector<16xf32>,
      }
      %scan3A_473 = arith.constant 64 : i32
      %dma_start3A_474 = arith.constant 3 : i32
      %dma_start3A_475 = arith.constant 0 : i32
      %dma_start3A_476 = arith.constant 0 : i32
      %dma_start3A_477 = tpu.memref_slice %arg11[%dma_start3A_474, %dma_start3A_475, %dma_start3A_476] : memref<4x1x64xi32, #tpu.memory_space<vmem>> -> memref<1x1x64xi32, #tpu.memory_space<vmem>>
      %dma_start3A_478 = tpu.memref_squeeze %dma_start3A_477 : memref<1x1x64xi32, #tpu.memory_space<vmem>> -> memref<64xi32, #tpu.memory_space<vmem>>
      %dma_start3A_479 = arith.constant 0 : i32
      %dma_start3A_480 = arith.constant 0 : i32
      %dma_start3A_481 = tpu.memref_slice %arg18[%dma_start3A_479, %dma_start3A_480] : memref<10112x128xf32, #tpu.memory_space<vmem_shared>> -> memref<10112x128xf32, #tpu.memory_space<vmem_shared>>
      tpu.enqueue_indirect_dma source(%arg17 : memref<64x128xf32, #tpu.memory_space<vmem>>) target(%dma_start3A_481 : memref<10112x128xf32, #tpu.memory_space<vmem_shared>>) offsets(%dma_start3A_478 : memref<64xi32, #tpu.memory_space<vmem>>) semaphore(%arg29 : memref<!tpu.dma_semaphore, #tpu.memory_space<semaphore_mem>>) {add = true}
    }
    %scan3A_90 = arith.constant 20 : i32
    %dma_wait3A_91 = arith.constant 0 : i32
    %dma_wait3A_92 = arith.constant 0 : i32
    %dma_wait3A_93 = arith.constant 0 : i32
    %dma_wait3A_94 = tpu.memref_slice %arg11[%dma_wait3A_91, %dma_wait3A_92, %dma_wait3A_93] : memref<4x1x64xi32, #tpu.memory_space<vmem>> -> memref<1x1x64xi32, #tpu.memory_space<vmem>>
    %dma_wait3A_95 = tpu.memref_squeeze %dma_wait3A_94 : memref<1x1x64xi32, #tpu.memory_space<vmem>> -> memref<64xi32, #tpu.memory_space<vmem>>
    %dma_wait3A_96 = arith.constant 0 : i32
    %dma_wait3A_97 = arith.constant 0 : i32
    %dma_wait3A_98 = tpu.memref_slice %arg18[%dma_wait3A_96, %dma_wait3A_97] : memref<10112x128xf32, #tpu.memory_space<vmem_shared>> -> memref<10112x128xf32, #tpu.memory_space<vmem_shared>>
    tpu.wait_indirect_dma semaphore(%arg28 : memref<!tpu.dma_semaphore, #tpu.memory_space<semaphore_mem>>) src(%arg16 : memref<64x128xf32, #tpu.memory_space<vmem>>) dst(%dma_wait3A_98 : memref<10112x128xf32, #tpu.memory_space<vmem_shared>>)
    %dma_wait3A_99 = arith.constant 0 : i32
    %dma_wait3A_100 = arith.constant 0 : i32
    %dma_wait3A_101 = arith.constant 0 : i32
    %dma_wait3A_102 = tpu.memref_slice %arg11[%dma_wait3A_99, %dma_wait3A_100, %dma_wait3A_101] : memref<4x1x64xi32, #tpu.memory_space<vmem>> -> memref<1x1x64xi32, #tpu.memory_space<vmem>>
    %dma_wait3A_103 = tpu.memref_squeeze %dma_wait3A_102 : memref<1x1x64xi32, #tpu.memory_space<vmem>> -> memref<64xi32, #tpu.memory_space<vmem>>
    %dma_wait3A_104 = arith.constant 0 : i32
    %dma_wait3A_105 = arith.constant 0 : i32
    %dma_wait3A_106 = tpu.memref_slice %arg18[%dma_wait3A_104, %dma_wait3A_105] : memref<10112x128xf32, #tpu.memory_space<vmem_shared>> -> memref<10112x128xf32, #tpu.memory_space<vmem_shared>>
    tpu.wait_indirect_dma semaphore(%arg29 : memref<!tpu.dma_semaphore, #tpu.memory_space<semaphore_mem>>) src(%arg17 : memref<64x128xf32, #tpu.memory_space<vmem>>) dst(%dma_wait3A_106 : memref<10112x128xf32, #tpu.memory_space<vmem_shared>>)
    %barrier3A_107 = arith.constant 0 : index
    tpu.barrier barrier_id(%barrier3A_107)
    "tpu.region"() ({
      %run_scoped3A = tpu.sem_alloc : memref<!tpu.dma_semaphore, #tpu.memory_space<semaphore_mem>>
      %dma_start3A_109 = arith.constant 0 : i32
      %dma_start3A_110 = tpu.memref_slice %arg7[%arg0, %mul3A_2, %dma_start3A_109] : memref<2x10112x128xf32, #tpu.memory_space<hbm>> -> memref<1x632x128xf32, #tpu.memory_space<hbm>>
      %dma_start3A_111 = tpu.memref_squeeze %dma_start3A_110 : memref<1x632x128xf32, #tpu.memory_space<hbm>> -> memref<632x128xf32, #tpu.memory_space<hbm>>
      %dma_start3A_112 = arith.constant 0 : i32
      %dma_start3A_113 = tpu.memref_slice %arg18[%mul3A_2, %dma_start3A_112] : memref<10112x128xf32, #tpu.memory_space<vmem_shared>> -> memref<632x128xf32, #tpu.memory_space<vmem_shared>>
      tpu.enqueue_dma source(%dma_start3A_113 : memref<632x128xf32, #tpu.memory_space<vmem_shared>>) target(%dma_start3A_111 : memref<632x128xf32, #tpu.memory_space<hbm>>) target_semaphore(%run_scoped3A : memref<!tpu.dma_semaphore, #tpu.memory_space<semaphore_mem>>)
      %dma_wait3A_114 = arith.constant 0 : i32
      %dma_wait3A_115 = tpu.memref_slice %arg7[%arg0, %mul3A_2, %dma_wait3A_114] : memref<2x10112x128xf32, #tpu.memory_space<hbm>> -> memref<1x632x128xf32, #tpu.memory_space<hbm>>
      %dma_wait3A_116 = tpu.memref_squeeze %dma_wait3A_115 : memref<1x632x128xf32, #tpu.memory_space<hbm>> -> memref<632x128xf32, #tpu.memory_space<hbm>>
      %dma_wait3A_117 = arith.constant 0 : i32
      %dma_wait3A_118 = tpu.memref_slice %arg18[%mul3A_2, %dma_wait3A_117] : memref<10112x128xf32, #tpu.memory_space<vmem_shared>> -> memref<632x128xf32, #tpu.memory_space<vmem_shared>>
      tpu.wait_dma2 semaphore(%run_scoped3A : memref<!tpu.dma_semaphore, #tpu.memory_space<semaphore_mem>>) src(%dma_wait3A_118 : memref<632x128xf32, #tpu.memory_space<vmem_shared>>) dst(%dma_wait3A_116 : memref<632x128xf32, #tpu.memory_space<hbm>>)
      tpu.yield
    }) : () -> ()
    %barrier3A_108 = arith.constant 0 : index
    tpu.barrier barrier_id(%barrier3A_108)
    return
  }
}

module attributes {stable_mosaic.version = 14 : i64} {
  func.func @body(%arg0: i32, %arg1: memref<1000x128xf32, #tpu.memory_space<vmem>>, %arg2: memref<1000x128xf32, #tpu.memory_space<vmem>>, %arg3: memref<128x128xf32, #tpu.memory_space<vmem>>, %arg4: memref<1000x128xf32, #tpu.memory_space<vmem>>) attributes {dimension_semantics = [#tpu.dimension_semantics<arbitrary>], iteration_bounds = array<i64: 10>, scalar_prefetch = 0 : i64, scratch_operands = 0 : i64, tpu.core_type = #tpu.core_type<tc>, window_params = [{transform_indices = @transform_0, window_bounds = array<i64: 1000, 128>}, {transform_indices = @transform_1, window_bounds = array<i64: 1000, 128>}, {pipeline_mode = #tpu.pipeline_mode<synchronous>, transform_indices = @transform_2, window_bounds = array<i64: 128, 128>}, {transform_indices = @transform_3, window_bounds = array<i64: 1000, 128>}]} {
    %get3A = arith.constant 0 : index
    %get3A_0 = arith.constant 0 : index
    %get3A_1 = vector.load %arg1[%get3A, %get3A_0] : memref<1000x128xf32, #tpu.memory_space<vmem>>, vector<1000x128xf32>
    %get3A_2 = arith.constant 0 : index
    %get3A_3 = arith.constant 0 : index
    %get3A_4 = vector.load %arg2[%get3A_2, %get3A_3] : memref<1000x128xf32, #tpu.memory_space<vmem>>, vector<1000x128xf32>
    %add3A = arith.addf %get3A_1, %get3A_4 : vector<1000x128xf32>
    %get3A_5 = arith.constant 0 : index
    %get3A_6 = arith.constant 0 : index
    %get3A_7 = vector.load %arg3[%get3A_5, %get3A_6] : memref<128x128xf32, #tpu.memory_space<vmem>>, vector<128x128xf32>
    %dot_general3A = arith.constant dense<0.000000e+00> : vector<1000x128xf32>
    %dot_general3A_8 = tpu.matmul %add3A, %get3A_7, %dot_general3A {dimension_numbers = #tpu.dot_dimension_numbers<[1], [0], [0], [1], [0, 0, 1, 1], [], []>, transpose_lhs_hint = false} : vector<1000x128xf32>, vector<128x128xf32>, vector<1000x128xf32> -> vector<1000x128xf32>
    %max3A = arith.constant 0.000000e+00 : f32
    %max3A_9 = vector.broadcast %max3A : f32 to vector<1000x128xf32>
    %max3A_10 = arith.maximumf %dot_general3A_8, %max3A_9 : vector<1000x128xf32>
    %mul3A = arith.mulf %max3A_10, %max3A_10 : vector<1000x128xf32>
    %reduce_sum3A = arith.constant dense<0.000000e+00> : vector<1000xf32>
    %reduce_sum3A_11 = vector.multi_reduction <add>, %mul3A, %reduce_sum3A [1] : vector<1000x128xf32> to vector<1000xf32>
    %broadcast_in_dim3A = vector.shape_cast %reduce_sum3A_11 : vector<1000xf32> to vector<1000x1xf32>
    %sqrt3A = math.sqrt %broadcast_in_dim3A : vector<1000x1xf32>
    %max3A_12 = arith.constant 9.99999996E-13 : f32
    %max3A_13 = vector.broadcast %max3A_12 : f32 to vector<1000x1xf32>
    %max3A_14 = arith.maximumf %sqrt3A, %max3A_13 : vector<1000x1xf32>
    %div3A = vector.broadcast %max3A_14 : vector<1000x1xf32> to vector<1000x128xf32>
    %div3A_15 = arith.divf %max3A_10, %div3A : vector<1000x128xf32>
    %swap3A = arith.constant 0 : index
    %swap3A_16 = arith.constant 0 : index
    %swap3A_17 = vector.load %arg4[%swap3A, %swap3A_16] : memref<1000x128xf32, #tpu.memory_space<vmem>>, vector<1000x128xf32>
    tpu.vector_store %arg4[%swap3A, %swap3A_16], %div3A_15 {strides = array<i32>} : memref<1000x128xf32, #tpu.memory_space<vmem>>, vector<1000x128xf32>,
    return
  }
  func.func @transform_0(%arg0: i32) -> (i32, i32) {
    %c0_i32 = arith.constant 0 : i32
    %c0_i32_0 = arith.constant 0 : i32
    return %arg0, %c0_i32 : i32, i32
  }
  func.func @transform_1(%arg0: i32) -> (i32, i32) {
    %c0_i32 = arith.constant 0 : i32
    %c0_i32_0 = arith.constant 0 : i32
    return %arg0, %c0_i32 : i32, i32
  }
  func.func @transform_2(%arg0: i32) -> (i32, i32) {
    %c0_i32 = arith.constant 0 : i32
    %c0_i32_0 = arith.constant 0 : i32
    %c0_i32_1 = arith.constant 0 : i32
    return %c0_i32, %c0_i32_0 : i32, i32
  }
  func.func @transform_3(%arg0: i32) -> (i32, i32) {
    %c0_i32 = arith.constant 0 : i32
    %c0_i32_0 = arith.constant 0 : i32
    return %arg0, %c0_i32 : i32, i32
  }
}

</mosaic_0001>

<sc_bundles>
// kernel: kernel.4.cloned.1.call-start
scs
__scs_entry_jumppad:
0x0: {  	(pc) =	sbr.rel $0x88, $3  }
0x1: {  	(tag) =	ssettag $0x0;
	lr =	simm.s32 $0x1  }
0x2: {  	[smem:$0x3F9D] =	sst lr;
	_ =	strace $0xD0000000  }
0x3: {  	_ = 	snop  }
0x4: {  	_ = 	snop  }
0x5: {  	_ = 	snop  }
0x6: {  	_ = 	snop  }
0x7: {  	_ = 	snop  }
__scs_overlays_trampoline_lowered:
0x8: {  	[smem:$0x3FAC] =	sst s0  }
0x9: {  	[smem:$0x3FAD] =	sst s1  }
0xa: {  	[smem:$0x3FAE] =	sst s2  }
0xb: {  	[smem:$0x3FAF] =	sst s3  }
0xc: {  	[smem:$0x3FB0] =	sst s4  }
0xd: {  	[smem:$0x3FB1] =	sst s5  }
0xe: {  	[smem:$0x3FB2] =	sst s6  }
0xf: {  	[smem:$0x3FB3] =	sst s7  }
0x10: {  	[smem:$0x3FB4] =	sst s8  }
0x11: {  	[smem:$0x3FB5] =	sst s9;
	s0 =	simm.s32 @!p0 $0x0  }
0x12: {  	s1 =	sld [smem:$0x3F9B];
	s0 =	simm.s32 @p0 $0x1  }
0x13: {  	[smem:$0x3FB6] =	sst s0;
	s0 =	simm.s32 @!p1 $0x0  }
0x14: {  	s2 =	sld [smem:$0x3F9A];
	s0 =	simm.s32 @p1 $0x1  }
0x15: {  	[smem:$0x3FB7] =	sst s0;
	s0 =	simm.s32 @!p2 $0x0  }
0x16: {  	s3 =	sld [smem:$0x3FDB];
	s0 =	simm.s32 @p2 $0x1  }
0x17: {  	s4 =	simm.s32 $0x1BF5;
	[smem:$0x3FB9] =	sst s0  }
0x18: {  	s0 =	sld [smem:$0x3F9C];
	_ =	swait.ge [sflag:s4], $0x0  }
0x19: {  	s7 =	sld [smem:$0x3F9D]  }
0x1a: {  	s8 =	sadd.s32 $0xFFFFE003, lr  }
0x1b: {  	s9 =	sadd.s32 $0xFFFFFEF7, lr;
	s5 =	simm.s32 $0xFFFFFFFF;
	p2 =	slt.u32 s8, $0xFFFFF086  }
0x1c: {  	p1 =	slt.u32 s9, $0xF7A;
	s5 =	simm.s32 @!p2 $0x0  }
0x1d: {  	s5 =	simm.s32 @p1 $0x1;
	p0 =	seq.s32 s7, s2  }
0x1e: {  	s7 =	smul.u32 @!p0 $0xF7A, s2;
	p2 =	seq.s32 @!p0 s5, $0x0  }
0x1f: {  	s9 =	smul.u32 $0xF7A, s1;
	s8 =	simm.s32 @!p0 $0x1BF5;
	p2 =	por !p2, p0  }
0x20: {  	[sflag:s8] =	ssyncset.s32 @!p0 $0xFFFFF086;
	s6 =	sadd.s32 @!p0 s3, s7;
	s7 =	simm.s32 @!p0 $0x108  }
0x21: {  	s3 =	sadd.s32 s3, s9;
	s6 =	sadd.s32 @!p0 $0x88, s6;
	s7 =	simm.s32 @p2 $0x1082  }
0x22: {  	[simem:s7], [sflag:s8] =	dma.local @!p0 [hbm:s6], $0xF7A  }
0x23: {  	s9 =	sor.u32 $0xD0000000, s2;
	s6 =	simm.s32 $0x108;
	_ =	swait.ge @!p0 [sflag:s8], $0x0  }
0x24: {  	s3 =	sadd.s32 $0x88, s3;
	s6 =	simm.s32 @!p1 $0x1082;
	[sflag:s4] =	ssyncset.s32 $0xFFFFF086  }
0x25: {  	[simem:s6], [sflag:s4] =	dma.local [hbm:s3], $0xF7A  }
0x26: {  	[smem:$0x3F9D] =	sst s1;
	(tag) =	ssettag s2;
	_ =	strace s9  }
0x27: {  	s1 =	sld [smem:$0x3FAD]  }
0x28: {  	s2 =	sld [smem:$0x3FAE]  }
0x29: {  	s4 =	sld [smem:$0x3FB0]  }
0x2a: {  	p0 =	seq.s32 s5, $0x0;
	s5 =	sld [smem:$0x3FB1]  }
0x2b: {  	s6 =	sld [smem:$0x3FB2]  }
0x2c: {  	s7 =	sld [smem:$0x3FB3]  }
0x2d: {  	s3 =	simm.s32 $0x108;
	s8 =	sld [smem:$0x3FB4]  }
0x2e: {  	s3 =	simm.s32 @!p0 $0x1082;
	s9 =	sld [smem:$0x3FB5]  }
0x2f: {  	lr =	sadd.s32 s0, s3;
	s0 =	sld [smem:$0x3FAC]  }
0x30: {  	s3 =	sld [smem:$0x3FAF]  }
0x31: {  	[smem:$0x3FB8] =	sst s10  }
0x32: {  	s10 =	sld [smem:$0x3FB6];
	_ =	sdelay $0x3  }
0x33: {  	p0 =	seq.s32 s10, $0x1;
	s10 =	sld [smem:$0x3FB8];
	_ =	sdelay $0x3  }
0x34: {  	[smem:$0x3FB8] =	sst s10  }
0x35: {  	s10 =	sld [smem:$0x3FB7];
	_ =	sdelay $0x3  }
0x36: {  	p1 =	seq.s32 s10, $0x1;
	s10 =	sld [smem:$0x3FB8];
	_ =	sdelay $0x3  }
0x37: {  	[smem:$0x3FB8] =	sst s10  }
0x38: {  	s10 =	sld [smem:$0x3FB9]  }
0x39: {  	_ = 	snop;
	(pc) =	sbr.ind lr, $3  }
0x3a: {  	_ = 	snop  }
0x3b: {  	_ = 	snop  }
0x3c: {  	p2 =	seq.s32 s10, $0x1;
	s10 =	sld [smem:$0x3FB8]  }
0x3d: {  	_ =	shalt  }
0x3e: {  	_ =	shalt  }
0x3f: {  	_ =	shalt  }
0x40: {  	_ =	shalt  }
0x41: {  	_ =	shalt  }
0x42: {  	_ =	shalt  }
0x43: {  	_ =	shalt  }
0x44: {  	_ =	shalt  }
0x45: {  	_ =	shalt  }
0x46: {  	_ =	shalt  }
0x47: {  	_ =	shalt  }
0x48: {  	_ =	shalt  }
0x49: {  	_ =	shalt  }
0x4a: {  	_ =	shalt  }
0x4b: {  	_ =	shalt  }
0x4c: {  	_ =	shalt  }
0x4d: {  	_ =	shalt  }
0x4e: {  	_ =	shalt  }
0x4f: {  	_ =	shalt  }
0x50: {  	_ =	shalt  }
0x51: {  	_ =	shalt  }
0x52: {  	_ =	shalt  }
0x53: {  	_ =	shalt  }
0x54: {  	_ =	shalt  }
0x55: {  	_ =	shalt  }
0x56: {  	_ =	shalt  }
0x57: {  	_ =	shalt  }
0x58: {  	_ =	shalt  }
0x59: {  	_ =	shalt  }
0x5a: {  	_ =	shalt  }
0x5b: {  	_ =	shalt  }
0x5c: {  	_ =	shalt  }
0x5d: {  	_ =	shalt  }
0x5e: {  	_ =	shalt  }
0x5f: {  	_ =	shalt  }
0x60: {  	_ =	shalt  }
0x61: {  	_ =	shalt  }
0x62: {  	_ =	shalt  }
0x63: {  	_ =	shalt  }
0x64: {  	_ =	shalt  }
0x65: {  	_ =	shalt  }
0x66: {  	_ =	shalt  }
0x67: {  	_ =	shalt  }
0x68: {  	_ =	shalt  }
0x69: {  	_ =	shalt  }
0x6a: {  	_ =	shalt  }
0x6b: {  	_ =	shalt  }
0x6c: {  	_ =	shalt  }
0x6d: {  	_ =	shalt  }
0x6e: {  	_ =	shalt  }
0x6f: {  	_ =	shalt  }
0x70: {  	_ =	shalt  }
0x71: {  	_ =	shalt  }
0x72: {  	_ =	shalt  }
0x73: {  	_ =	shalt  }
0x74: {  	_ =	shalt  }
0x75: {  	_ =	shalt  }
0x76: {  	_ =	shalt  }
0x77: {  	_ =	shalt  }
0x78: {  	_ =	shalt  }
0x79: {  	_ =	shalt  }
0x7a: {  	_ =	shalt  }
0x7b: {  	_ =	shalt  }
0x7c: {  	_ =	shalt  }
0x7d: {  	_ =	shalt  }
0x7e: {  	_ =	shalt  }
0x7f: {  	_ =	shalt  }
0x80: {  	_ =	shalt  }
0x81: {  	_ =	shalt  }
0x82: {  	_ =	shalt  }
0x83: {  	_ =	shalt  }
0x84: {  	_ =	shalt  }
0x85: {  	_ =	shalt  }
0x86: {  	_ =	shalt  }
0x87: {  	_ =	shalt  }
.Lfunc_end0:
.L_simem_size_0:
called_computation_lowered:
.L_overlay_start_0:
0x88: {  	s2 =	sld [smem:$0x3FD9]  }
0x89: {  	s3 =	sld [smem:$0x3FFE];
	_ =	sdelay $0x1  }
0x8a: {  	s1 =	srdreg.scid  }
0x8b: {  	s0 =	sand.u32 $0x1, s1  }
0x8c: {  	s17 =	sshll.u32 s0, $0xA;
	s2 =	sadd.s32 s3, s2  }
0x8d: {  	s2 =	sadd.s32 s2, s17  }
0x8e: {  	[smem:$0x3FC4] =	sst s2  }
0x8f: {  	_ = 	snop  }
0x90: {  	s2 =	sld [smem:$0x3FC9]  }
0x91: {  	s18 =	sld [smem:$0x3FD0];
	(tm) =	ssettm $0x1  }
0x92: {  	s4 =	sld [smem:$0x3FFB];
	_ =	sdelay $0x3  }
0x93: {  	_ =	strace s4  }
0x94: {  	s4 =	sld [smem:$0x3FFC];
	_ =	sdelay $0x3  }
0x95: {  	_ =	strace s4  }
0x96: {  	s4 =	sld [smem:$0x3FFD];
	_ =	sdelay $0x3  }
0x97: {  	_ =	strace s4  }
0x98: {  	_ =	strace $0x8FFFFFFF  }
0x99: {  	s19 =	sld [smem:$0x3FDB];
	_ =	sdelay $0x1  }
0x9a: {  	s5 =	simm.s32 $_scs_section_size  }
0x9b: {  	s6 =	simm.s32 $_size__tile_overlayer_lowered;
	s7 =	simm.s32 $_tile_overlayer_lowered  }
0x9c: {  	s22 =	simm.s32 $0x1BFF;
	s21 =	sshll.u32 s7, $0x1;
	s4 =	sadd.s32 s5, s19  }
0x9d: {  	s8 =	simm.s32 $0x0;
	s20 =	sshll.u32 s6, $0x1;
	s6 =	sadd.s32 s21, s4  }
0x9e: {  	[timem:s8], [sflag:s22] =	dma.local [hbm:s6], s20  }
0x9f: {  	_ =	swait.ge [sflag:s22], s20  }
0xa0: {  	s5 =	ssub.s32 $0x0, s20;
	[sflag:s22] =	ssyncset.done $0x0  }
0xa1: {  	[sflag:s22] =	ssyncadd.s32 s5;
	_ =	sdelay $0x1  }
0xa2: {  	s23 =	simm.s32 $0x1B8B  }
0xa3: {  	_ =	swait.ge [sflag:s23], $0x1  }
0xa4: {  	[sflag:s23] =	ssyncset.done $0x0  }
0xa5: {  	s25 =	simm.s32 $0x1B8E;
	s24 =	sld [smem:$0x3FFE];
	[sflag:s23] =	ssyncadd.s32 $0xFFFFFFFF  }
0xa6: {  	s26 =	simm.s32 $execute0_lowered;
	[smem:$0x3FD2] =	sst s25  }
0xa7: {  	s6 =	sshll.u32 s26, $0x1;
	_ =	strace $0x80000046;
	[dreg:$0x1] =	wrdreg $0xFFFFFFFF  }
0xa8: {  	s28 =	simm.s32 $_size_execute0_lowered;
	s4 =	sadd.s32 s4, s6;
	[dreg:$0x0] =	wrdreg $0x0  }
0xa9: {  	s6 =	sshll.u32 s28, $0x1;
	[dreg:$0x2] =	wrdreg s4  }
0xaa: {  	[dreg:$0x3] =	wrdreg s6  }
0xab: {  	[dreg:$0x4] =	wrdreg $0xC0  }
0xac: {  	_ =	task [dreg:s8], $0x5FFFF  }
0xad: {  	[dreg:$0x1] =	wrdreg $0xFFFFFFFF  }
0xae: {  	[dreg:$0x0] =	wrdreg $0x60  }
0xaf: {  	[dreg:$0x2] =	wrdreg s2  }
0xb0: {  	[dreg:$0x3] =	wrdreg s18  }
0xb1: {  	[dreg:$0x4] =	wrdreg s24  }
0xb2: {  	[dreg:$0x5] =	wrdreg $0x8C000  }
0xb3: {  	[dreg:$0x6] =	wrdreg $0x9  }
0xb4: {  	_ =	task.clear_ibuf [dreg:s8], $0x7FFFF;
	_ =	strace $0x90000046  }
0xb5: {  	s29 =	simm.s32 $0x9;
	_ =	strace $0x80000048  }
0xb6: {  	_ =	swait.ge [sflag:s29], $0x1  }
0xb7: {  	[sflag:s29] =	ssyncadd.s32 $0xFFFFFFFF  }
0xb8: {  	_ =	strace $0x90000048  }
0xb9: {  	_ =	sfence  }
0xba: {  	s30 =	sld [smem:$0x0];
	_ =	sdelay $0x2  }
0xbb: {  	s31 =	sshll.u32 s1, $0xD;
	s1 =	sshrl.u32 s1, $0x2  }
0xbc: {  	s3 =	sand.u32 $0x4000, s31;
	s1 =	sadd.s32 s1, s30  }
0xbd: {  	s0 =	sor.u32 s3, s0;
	s1 =	sshll.u32 s1, $0x11  }
0xbe: {  	s0 =	sor.u32 s1, s0  }
0xbf: {  	s0 =	sadd.s32 $0x8F2B, s0  }
0xc0: {  	[sflag:s0] =	ssyncadd.remote.s32 $0x1  }
0xc1: {  	_ =	sfence.sel $0xFFFF  }
0xc2: {  	[dreg:$0x0] =	wrdreg $0xFFFFFFFF;
	(pc) =	sbr.abs _section_cstart, $3  }
0xc3: {  	[dreg:$0x1] =	wrdreg $0xFFFFFFFF  }
0xc4: {  	_ =	task.clear_ibuf [dreg:s8], $0x2FFFF;
	_ =	strace $0x9FFFFFFF  }
0xc5: {  	(tm) =	ssettm $0x7FFFFFFF  }
tec
execute0_lowered:
.L_overlay_start_1:
0x0: {  	(tag) =	ssettag $0x1  }
0x1: {  	s1 =	rddreg [dreg:$0x0]  }
0x2: {  	s2 =	rddreg [dreg:$0x1]  }
0x3: {  	s0 =	rddreg [dreg:$0x2]  }
0x4: {  	s4 =	rddreg [dreg:$0x3];
	s5 =	simm.s32 $0x0  }
0x5: {  	s12 =	stileid.u32;
	s3 =	srdreg.scid;
	s28 =	simm.s32 $0x4  }
0x6: {  	s30 =	simm.s32 $0x4C00;
	s31 =	simm.s32 $0x5;
	s13 =	simm.s32 $0x8  }
0x7: {  	[smem:$0x7FF] =	sst s5;
	s15 =	smul.u32 $0x13C00, s12;
	s3 =	sand.u32 $0x1, s3  }
0x8: {  	s6 =	sadd.s32 $0x14200, s0;
	s7 =	sadd.s32 $0x200, s0;
	s16 =	sshll.u32 s12, $0x1  }
0x9: {  	s11 =	smul.u32 $0x4F000, s12;
	s20 =	sshll.u32 s12, $0x6;
	s12 =	simm.s32 $0x6  }
0xa: {  	_ =	strace $0x80000047;
	s8 =	smul.u32 $0x13C000, s3;
	s10 =	ssub.s32 $0x2, s3  }
0xb: {  	s3 =	sor.u32 s3, s16;
	[dreg:$0x5] =	wrdreg s20;
	s22 =	sor.u32 $0x1C03, s20  }
0xc: {  	s20 =	simm.s32 $0x800;
	s16 =	simm.s32 $0x2;
	s9 =	sshrl.u32 s15, $0x3  }
0xd: {  	s17 =	sshrl.u32 s10, $0x1;
	s3 =	smul.u32 $0x5000, s3;
	s19 =	sshrl.u32 s11, $0x2  }
0xe: {  	[dreg:$0x7] =	wrdreg s22;
	s22 =	simm.s32 $0x9;
	s9 =	sadd.s32 s9, s0  }
0xf: {  	s5 =	sadd.s32 s15, s8;
	s18 =	ssub.s32 s10, s17;
	s8 =	sadd.s32 s19, s4  }
0x10: {  	s15 =	smov.u32 s2;
	s10 =	simm.s32 $0x6C00;
	s5 =	sshrl.u32 s5, $0x3  }
0x11: {  	s21 =	sshrl.u32 s3, $0x3;
	s9 =	sadd.s32 $0x28200, s9;
	s25 =	sor.u32 $0x200, s3  }
0x12: {  	s26 =	sor.u32 $0x400, s3;
	s29 =	smax.u32 s18, $0x1;
	[dreg:$0x6] =	wrdreg s9  }
0x13: {  	s11 =	sshrl.u32 s8, $0x3;
	s3 =	simm.s32 $0x600;
	[dreg:$0xb] =	wrdreg s25  }
0x14: {  	s8 =	simm.s32 $0x7;
	s0 =	sadd.s32 s5, s0;
	[dreg:$0xc] =	wrdreg s26  }
0x15: {  	s2 =	sadd.s32 s2, s21;
	s23 =	sadd.s32 s6, s21;
	[dreg:$0xe] =	wrdreg s29  }
0x16: {  	s24 =	sadd.s32 s7, s21;
	s26 =	simm.s32 $0x2C00;
	[dreg:$0xf] =	wrdreg s11  }
0x17: {  	s25 =	simm.s32 $0xA00;
	s21 =	simm.s32 $0xA;
	[dreg:$0x8] =	wrdreg s2  }
0x18: {  	s9 =	simm.s32 $0xB;
	s5 =	simm.s32 $0x0;
	[dreg:$0x9] =	wrdreg s23  }
0x19: {  	[dreg:$0xa] =	wrdreg s24;
	s0 =	sadd.s32 $0x4FA00, s0;
	s23 =	simm.s32 $0x40  }
0x1a: {  	s24 =	simm.s32 $0xC00;
	[dreg:$0xd] =	wrdreg s0;
	s0 =	simm.s32 $0x200  }
.LBB2_1:
0x1b: {  	[dreg:$0x10] =	wrdreg s5  }
0x1c: {  	s2 =	rddreg [dreg:$0x6]  }
0x1d: {  	s17 =	rddreg [dreg:$0x7]  }
0x1e: {  	[spmem:s11], [sflag:s17] =	dma.local [hbm:s2], $0x2780  }
0x1f: {  	s2 =	simm.s32 $0x0;
	s5 =	rddreg [dreg:$0x8]  }
0x20: {  	[tilespmem:s2], [sflag:$0x1] =	stream.linear.gather [hbm4b:s5+s2], $0x200, $0x38;
	[tilespmem:$0x1C800] =	vst v63  }
0x21: {  	s19 =	simm.s32 $0x400;
	s18 =	rddreg [dreg:$0x9]  }
0x22: {  	[tilespmem:s19], [sflag:$0x1] =	stream.linear.gather [hbm4b:s18+s2], $0x200, $0x38;
	[tilespmem:$0x1C800] =	vst v63  }
0x23: {  	s17 =	simm.s32 $0x1;
	s14 =	rddreg [dreg:$0xa]  }
0x24: {  	[tilespmem:s20], [sflag:$0x1] =	stream.linear.gather [hbm4b:s14+s2], $0x200, $0x38;
	[tilespmem:$0x1C800] =	vst v63  }
0x25: {  	_ =	swait.ge [sflag:s17], $0x200  }
0x26: {  	[sflag:s17] =	ssyncset.done $0x0  }
0x27: {  	[sflag:s17] =	ssyncadd.s32 $0xFFFFFE00  }
0x28: {  	_ =	swait.ge [sflag:s17], $0x200  }
0x29: {  	[sflag:s17] =	ssyncset.done $0x0  }
0x2a: {  	[sflag:s17] =	ssyncadd.s32 $0xFFFFFE00  }
0x2b: {  	_ =	swait.ge [sflag:s17], $0x200  }
0x2c: {  	[sflag:s17] =	ssyncset.done $0x0  }
0x2d: {  	s18 =	simm.s32 $0x3;
	[sflag:s17] =	ssyncadd.s32 $0xFFFFFE00  }
0x2e: {  	_ =	swait.ge [sflag:s18], $0x2780  }
0x2f: {  	[sflag:s18] =	ssyncset.done $0x0  }
0x30: {  	[sflag:s18] =	ssyncadd.s32 $0xFFFFD880  }
0x31: {  	[bflag:$0x0] =	sbarrier.arrive $0xFFFF  }
0x32: {  	[tilespmem:s24], [sflag:$0x4] =	stream.indirect.gather [hbm4b:s1+s23], $0x80, s2, s23, $0xb8;
	[tilespmem:$0x1C800] =	vst v63  }
0x33: {  	s29 =	simm.s32 $0x0;
	s19 =	simm.s32 $0x80  }
0x34: {  	[tilespmem:s26], [sflag:$0x5] =	stream.indirect.gather [hbm4b:s1+s23], $0x80, s19, s23, $0xb8;
	[tilespmem:$0x1C800] =	vst v63  }
.LBB2_2:
0x35: {  	s5 =	simm.s32 $0x0  }
0x36: {  	_ =	swait.ge [sflag:s28], $0x2000;
	v0 =	vmov s5  }
0x37: {  	p0 =	seq.s32 s29, $0x0;
	[sflag:s28] =	ssyncset.done $0x0;
	v0 =	vand.u32 $0xFFFFFFFC, v0  }
0x38: {  	s11 =	simm.s32 @!p0 $0xA;
	[sflag:s28] =	ssyncadd.s32 $0xFFFFE000;
	v0 =	vbroadcast v0, $0x0  }
0x39: {  	_ =	swait.ge @!p0 [sflag:s11], $0x2000  }
0x3a: {  	[sflag:s11] =	ssyncset.done @!p0 $0x0  }
0x3b: {  	s2 =	simm.s32 $0x100;
	[sflag:s11] =	ssyncadd.s32 @!p0 $0xFFFFE000;
	s11 =	simm.s32 $0xD00  }
0x3c: {  	[tilespmem:s30], [sflag:$0x6] =	stream.indirect.gather [hbm4b:s1+s23], $0x80, s2, s23, $0xb8;
	[tilespmem:$0x1C800] =	vst v63  }
0x3d: {  	v1 =	vld [tilespmem:s11+$0xFFFFFF70]  }
0x3e: {  	v0 =	vld.idx.msk [tilespmem:v0+s20+$0x0], $0xffff  }
0x3f: {  	v2 =	vld [tilespmem:s11+$0xFFFFFF00]  }
0x40: {  	v3 =	vld [tilespmem:s11+$0xFFFFFF20]  }
0x41: {  	v4 =	vld [tilespmem:s11+$0xFFFFFF50]  }
0x42: {  	v5 =	vld [tilespmem:s11+$0xFFFFFF40]  }
0x43: {  	v6 =	vld [tilespmem:s11+$0xFFFFFF60];
	v1 =	vmul.f32 v1, v0  }
0x44: {  	s17 =	simm.s32 $0x1;
	v7 =	vld [tilespmem:s11+$0xFFFFFF30];
	v2 =	vmul.f32 v2, v0  }
0x45: {  	v8 =	vld [tilespmem:s11+$0xFFFFFF10];
	v3 =	vmul.f32 v3, v0;
	[tilespmem:s11+$0xFFFFFF70] =	vst v1;
	v1 =	vmov s17  }
0x46: {  	v4 =	vmul.f32 v4, v0;
	[tilespmem:s11+$0xFFFFFF00] =	vst v2;
	v1 =	vand.u32 $0xFFFFFFFD, v1  }
0x47: {  	v2 =	vmul.f32 v5, v0;
	[tilespmem:s11+$0xFFFFFF20] =	vst v3;
	v1 =	vbroadcast v1, $0x0  }
0x48: {  	v3 =	vmul.f32 v6, v0;
	[tilespmem:s11+$0xFFFFFF50] =	vst v4  }
0x49: {  	v4 =	vmul.f32 v7, v0;
	[tilespmem:s11+$0xFFFFFF40] =	vst v2  }
0x4a: {  	v0 =	vmul.f32 v8, v0;
	[tilespmem:s11+$0xFFFFFF60] =	vst v3  }
0x4b: {  	[tilespmem:s11+$0xFFFFFF30] =	vst v4  }
0x4c: {  	[tilespmem:s11+$0xFFFFFF10] =	vst v0;
	v0 =	vld [tilespmem:s11+$0xFFFFFF90]  }
0x4d: {  	v2 =	vld.idx.msk [tilespmem:v1+s20+$0x0], $0xffff  }
0x4e: {  	v1 =	vld [tilespmem:s11+$0xFFFFFFA0]  }
0x4f: {  	v3 =	vld [tilespmem:s11+$0xFFFFFF80]  }
0x50: {  	v4 =	vld [tilespmem:s11+$0xFFFFFFB0]  }
0x51: {  	v5 =	vld [tilespmem:s11+$0xFFFFFFC0]  }
0x52: {  	v6 =	vld [tilespmem:s11+$0xFFFFFFD0];
	v0 =	vmul.f32 v0, v2  }
0x53: {  	s19 =	simm.s32 $0x2;
	v7 =	vld [tilespmem:s11+$0xFFFFFFF0];
	v1 =	vmul.f32 v1, v2  }
0x54: {  	v8 =	vld [tilespmem:s11+$0xFFFFFFE0];
	v3 =	vmul.f32 v3, v2;
	[tilespmem:s11+$0xFFFFFF90] =	vst v0;
	v0 =	vmov s19  }
0x55: {  	v4 =	vmul.f32 v4, v2;
	[tilespmem:s11+$0xFFFFFFA0] =	vst v1;
	v0 =	vand.u32 $0xFFFFFFFE, v0  }
0x56: {  	v1 =	vmul.f32 v5, v2;
	[tilespmem:s11+$0xFFFFFF80] =	vst v3;
	v5 =	vld [tilespmem:s11+$0x60];
	v9 =	vbroadcast v0, $0x0  }
0x57: {  	v3 =	vmul.f32 v6, v2;
	[tilespmem:s11+$0xFFFFFFB0] =	vst v4;
	v6 =	vld [tilespmem:s11+$0x0]  }
0x58: {  	v4 =	vmul.f32 v7, v2;
	v0 =	vld [tilespmem:s11+$0x20];
	[tilespmem:s11+$0xFFFFFFC0] =	vst v1  }
0x59: {  	v2 =	vmul.f32 v8, v2;
	v1 =	vld [tilespmem:s11+$0x30];
	[tilespmem:s11+$0xFFFFFFD0] =	vst v3  }
0x5a: {  	[tilespmem:s11+$0xFFFFFFF0] =	vst v4;
	v3 =	vld [tilespmem:s11+$0x40]  }
0x5b: {  	[tilespmem:s11+$0xFFFFFFE0] =	vst v2;
	v4 =	vld [tilespmem:s11+$0x10]  }
0x5c: {  	s18 =	simm.s32 $0xD00;
	s17 =	simm.s32 $0x4;
	v2 =	vld.idx.msk [tilespmem:v9+s20+$0x0], $0xffff  }
.LBB2_3:
0x5d: {  	p1 =	slt.u32 s17, $0x3C  }
0x5e: {  	v7 =	vld [tilespmem:s11+$0x50];
	s18 =	sadd.s32 $0x200, s18;
	s19 =	smov.u32 s17;
	s17 =	sadd.s32 $0x4, s17  }
0x5f: {  	v8 =	vld [tilespmem:s11+$0x70];
	_ =	sdelay $0x1  }
0x60: {  	v5 =	vmul.f32 v5, v2;
	v6 =	vmul.f32 v6, v2  }
0x61: {  	v3 =	vmul.f32 v3, v2;
	v4 =	vmul.f32 v4, v2  }
0x62: {  	v0 =	vmul.f32 v0, v2;
	v1 =	vmul.f32 v1, v2;
	[tilespmem:s11+$0x60] =	vst v5  }
0x63: {  	[tilespmem:s11+$0x40] =	vst v3;
	v3 =	vmul.f32 v7, v2;
	v2 =	vmul.f32 v8, v2  }
0x64: {  	s2 =	sadd.s32 $0x3, s5;
	s5 =	smov.u32 s19;
	[tilespmem:s11+$0x20] =	vst v0;
	v5 =	vld [tilespmem:s11+$0x80]  }
0x65: {  	v0 =	vld [tilespmem:s18+$0x20];
	[tilespmem:s11+$0x0] =	vst v6;
	v6 =	vmov s2  }
0x66: {  	[tilespmem:s11+$0x50] =	vst v3;
	v3 =	vld [tilespmem:s11+$0xE0]  }
0x67: {  	[tilespmem:s11+$0x30] =	vst v1;
	v7 =	vld [tilespmem:s11+$0xC0]  }
0x68: {  	v1 =	vld [tilespmem:s18+$0x30];
	[tilespmem:s11+$0x10] =	vst v4  }
0x69: {  	[tilespmem:s11+$0x70] =	vst v2;
	v2 =	vld [tilespmem:s11+$0xA0]  }
0x6a: {  	v4 =	vld.idx.msk [tilespmem:v6+s20+$0x0], $0xffff  }
0x6b: {  	v6 =	vld [tilespmem:s11+$0x90]  }
0x6c: {  	v8 =	vld [tilespmem:s11+$0xB0]  }
0x6d: {  	v9 =	vld [tilespmem:s11+$0xD0]  }
0x6e: {  	v10 =	vld [tilespmem:s11+$0xF0];
	_ =	sdelay $0x1  }
0x6f: {  	v5 =	vmul.f32 v5, v4;
	v6 =	vmul.f32 v6, v4  }
0x70: {  	v2 =	vmul.f32 v2, v4;
	v8 =	vmul.f32 v8, v4  }
0x71: {  	v11 =	vmov s5;
	[tilespmem:s11+$0x80] =	vst v5;
	v5 =	vmul.f32 v7, v4;
	v7 =	vmul.f32 v9, v4  }
0x72: {  	v9 =	vand.u32 $0xFFFFFFFC, v11;
	[tilespmem:s11+$0xA0] =	vst v2;
	v2 =	vmul.f32 v3, v4;
	v3 =	vmul.f32 v10, v4  }
0x73: {  	v4 =	vbroadcast v9, $0x0;
	[tilespmem:s11+$0xC0] =	vst v5  }
0x74: {  	[tilespmem:s11+$0xF0] =	vst v3  }
0x75: {  	v3 =	vld [tilespmem:s18+$0xFFFFFF40];
	[tilespmem:s11+$0xE0] =	vst v2  }
0x76: {  	v2 =	vld [tilespmem:s18+$0xFFFFFF50];
	[tilespmem:s11+$0x90] =	vst v6  }
0x77: {  	v5 =	vld [tilespmem:s18+$0xFFFFFF60];
	[tilespmem:s11+$0xB0] =	vst v8  }
0x78: {  	v6 =	vld [tilespmem:s18+$0xFFFFFF70];
	[tilespmem:s11+$0xD0] =	vst v7;
	s11 =	smov.u32 s18  }
0x79: {  	v4 =	vld.idx.msk [tilespmem:v4+s20+$0x0], $0xffff  }
0x7a: {  	v7 =	vld [tilespmem:s18+$0xFFFFFF00]  }
0x7b: {  	v8 =	vld [tilespmem:s18+$0xFFFFFF20]  }
0x7c: {  	v9 =	vld [tilespmem:s18+$0xFFFFFF10]  }
0x7d: {  	v10 =	vld [tilespmem:s18+$0xFFFFFF30];
	_ =	sdelay $0x1  }
0x7e: {  	v6 =	vmul.f32 v6, v4;
	v7 =	vmul.f32 v7, v4  }
0x7f: {  	s2 =	sadd.s32 $0x1, s5;
	v5 =	vmul.f32 v5, v4;
	v8 =	vmul.f32 v8, v4  }
0x80: {  	v2 =	vmul.f32 v2, v4;
	v9 =	vmul.f32 v9, v4;
	[tilespmem:s18+$0xFFFFFF70] =	vst v6;
	v6 =	vmov s2  }
0x81: {  	v3 =	vmul.f32 v3, v4;
	[tilespmem:s18+$0xFFFFFF00] =	vst v7;
	v7 =	vmul.f32 v10, v4;
	v4 =	vand.u32 $0xFFFFFFFD, v6  }
0x82: {  	[tilespmem:s18+$0xFFFFFF20] =	vst v8;
	v4 =	vbroadcast v4, $0x0  }
0x83: {  	[tilespmem:s18+$0xFFFFFF50] =	vst v2  }
0x84: {  	[tilespmem:s18+$0xFFFFFF40] =	vst v3;
	v2 =	vld [tilespmem:s18+$0xFFFFFFF0]  }
0x85: {  	[tilespmem:s18+$0xFFFFFF60] =	vst v5;
	v3 =	vld [tilespmem:s18+$0xFFFFFFC0]  }
0x86: {  	[tilespmem:s18+$0xFFFFFF30] =	vst v7;
	v5 =	vld [tilespmem:s18+$0xFFFFFFD0]  }
0x87: {  	[tilespmem:s18+$0xFFFFFF10] =	vst v9;
	v6 =	vld [tilespmem:s18+$0xFFFFFF90]  }
0x88: {  	v4 =	vld.idx.msk [tilespmem:v4+s20+$0x0], $0xffff  }
0x89: {  	v7 =	vld [tilespmem:s18+$0xFFFFFF80]  }
0x8a: {  	v8 =	vld [tilespmem:s18+$0xFFFFFFA0]  }
0x8b: {  	v9 =	vld [tilespmem:s18+$0xFFFFFFB0]  }
0x8c: {  	v10 =	vld [tilespmem:s18+$0xFFFFFFE0];
	_ =	sdelay $0x1  }
0x8d: {  	v6 =	vmul.f32 v6, v4;
	v7 =	vmul.f32 v7, v4  }
0x8e: {  	s2 =	sadd.s32 $0x2, s5;
	v5 =	vmul.f32 v5, v4;
	v8 =	vmul.f32 v8, v4  }
0x8f: {  	v3 =	vmul.f32 v3, v4;
	[tilespmem:s18+$0xFFFFFF90] =	vst v6;
	v6 =	vmul.f32 v9, v4;
	v9 =	vmov s2  }
0x90: {  	v2 =	vmul.f32 v2, v4;
	[tilespmem:s18+$0xFFFFFFA0] =	vst v8;
	v8 =	vmul.f32 v10, v4;
	v4 =	vand.u32 $0xFFFFFFFE, v9  }
0x91: {  	[tilespmem:s18+$0xFFFFFF80] =	vst v7;
	v4 =	vbroadcast v4, $0x0  }
0x92: {  	[tilespmem:s18+$0xFFFFFFB0] =	vst v6  }
0x93: {  	[tilespmem:s18+$0xFFFFFFC0] =	vst v3  }
0x94: {  	[tilespmem:s18+$0xFFFFFFD0] =	vst v5  }
.Ltmp0:
0x95: {  	[tilespmem:s18+$0xFFFFFFF0] =	vst v2;
	v3 =	vld [tilespmem:s18+$0x40];
	(pc) =	sbr.rel @p1 .LBB2_3-.Ltmp0, $4  }
0x96: {  	[tilespmem:s18+$0xFFFFFFE0] =	vst v8;
	v5 =	vld [tilespmem:s18+$0x60]  }
0x97: {  	v2 =	vld.idx.msk [tilespmem:v4+s20+$0x0], $0xffff  }
0x98: {  	v6 =	vld [tilespmem:s18+$0x0]  }
0x99: {  	v4 =	vld [tilespmem:s18+$0x10]  }
0x9a: {  	_ =	sdelay $0x1  }
0x9b: {  	v5 =	vmul.f32 v5, v2  }
0x9c: {  	v7 =	vld [tilespmem:s11+$0x50];
	v3 =	vmul.f32 v3, v2  }
0x9d: {  	v8 =	vld [tilespmem:s11+$0x70];
	v0 =	vmul.f32 v0, v2;
	[tilespmem:s11+$0x60] =	vst v5  }
0x9e: {  	v5 =	vmul.f32 v6, v2;
	[tilespmem:s11+$0x40] =	vst v3  }
0x9f: {  	s2 =	sadd.s32 $0x3, s5;
	[tilespmem:s11+$0x20] =	vst v0;
	v0 =	vmul.f32 v1, v2  }
0xa0: {  	v4 =	vmul.f32 v4, v2;
	[tilespmem:s11+$0x0] =	vst v5;
	v5 =	vmov s2  }
0xa1: {  	v3 =	vmul.f32 v7, v2;
	[tilespmem:s11+$0x30] =	vst v0  }
0xa2: {  	v2 =	vmul.f32 v8, v2;
	[tilespmem:s11+$0x10] =	vst v4  }
0xa3: {  	[tilespmem:s11+$0x50] =	vst v3  }
0xa4: {  	v1 =	vld [tilespmem:s11+$0x80];
	[tilespmem:s11+$0x70] =	vst v2  }
0xa5: {  	v0 =	vld.idx.msk [tilespmem:v5+s20+$0x0], $0xffff  }
0xa6: {  	v2 =	vld [tilespmem:s11+$0xA0]  }
0xa7: {  	v3 =	vld [tilespmem:s11+$0xC0]  }
0xa8: {  	v4 =	vld [tilespmem:s11+$0xF0]  }
0xa9: {  	v5 =	vld [tilespmem:s11+$0xE0]  }
0xaa: {  	v6 =	vld [tilespmem:s11+$0x90];
	v1 =	vmul.f32 v1, v0  }
0xab: {  	v7 =	vld [tilespmem:s11+$0xB0];
	v2 =	vmul.f32 v2, v0  }
0xac: {  	v8 =	vld [tilespmem:s11+$0xD0];
	[tilespmem:s11+$0x80] =	vst v1;
	v1 =	vmul.f32 v3, v0  }
0xad: {  	[tilespmem:s11+$0xA0] =	vst v2;
	v2 =	vmul.f32 v4, v0  }
0xae: {  	v3 =	vmul.f32 v5, v0;
	[tilespmem:s11+$0xC0] =	vst v1  }
0xaf: {  	v1 =	vmul.f32 v6, v0;
	[tilespmem:s11+$0xF0] =	vst v2  }
0xb0: {  	v2 =	vmul.f32 v7, v0;
	[tilespmem:s11+$0xE0] =	vst v3  }
0xb1: {  	v0 =	vmul.f32 v8, v0;
	[tilespmem:s11+$0x90] =	vst v1  }
0xb2: {  	[tilespmem:s11+$0xB0] =	vst v2  }
0xb3: {  	s14 =	simm.s32 $0x400;
	[tilespmem:s11+$0xD0] =	vst v0  }
0xb4: {  	[spmem:s4] =	stream.indirect.scatter.add.f32 [tilespmem:s24], [sflag:$0x8], $0x80, s14, s23, $0xb8;
	[tilespmem:$0x1C800] =	vst v63  }
0xb5: {  	_ =	swait.ge [sflag:s31], $0x2000  }
0xb6: {  	[sflag:s31] =	ssyncset.done $0x0  }
0xb7: {  	s2 =	simm.s32 @!p0 $0xB;
	[sflag:s31] =	ssyncadd.s32 $0xFFFFE000  }
0xb8: {  	_ =	swait.ge @!p0 [sflag:s2], $0x2000  }
0xb9: {  	s11 =	sshll.u32 s29, $0xA;
	s17 =	rddreg [dreg:$0xb]  }
0xba: {  	s5 =	sadd.s32 s11, s17  }
0xbb: {  	[sflag:s2] =	ssyncset.done @!p0 $0x0;
	s17 =	sshrl.u32 s5, $0x3  }
0xbc: {  	[sflag:s2] =	ssyncadd.s32 @!p0 $0xFFFFE000;
	s5 =	simm.s32 $0x0;
	s18 =	sadd.s32 s15, s17  }
0xbd: {  	v0 =	vmov s5;
	[tilespmem:s0], [sflag:$0x2] =	stream.linear.gather [hbm4b:s18+s5], $0x200, $0x38;
	[tilespmem:$0x1C800] =	vst v63  }
0xbe: {  	s19 =	sadd.s32 s6, s17;
	v0 =	vand.u32 $0x7C, v0  }
0xbf: {  	v0 =	vor.u32 $0x80, v0;
	[tilespmem:s3], [sflag:$0x2] =	stream.linear.gather [hbm4b:s19+s5], $0x200, $0x38;
	[tilespmem:$0x1C800] =	vst v63  }
0xc0: {  	s14 =	sadd.s32 s7, s17;
	v0 =	vbroadcast v0, $0x0  }
0xc1: {  	[tilespmem:s25], [sflag:$0x2] =	stream.linear.gather [hbm4b:s14+s5], $0x200, $0x38;
	[tilespmem:$0x1C800] =	vst v63  }
0xc2: {  	s17 =	simm.s32 $0x180  }
0xc3: {  	[tilespmem:s10], [sflag:$0x7] =	stream.indirect.gather [hbm4b:s1+s23], $0x80, s17, s23, $0xb8;
	[tilespmem:$0x1C800] =	vst v63  }
0xc4: {  	s17 =	simm.s32 $0x2D00  }
0xc5: {  	v2 =	vld [tilespmem:s17+$0xFFFFFF70]  }
0xc6: {  	v0 =	vld.idx.msk [tilespmem:v0+s20+$0x0], $0xffff  }
0xc7: {  	v3 =	vld [tilespmem:s17+$0xFFFFFF00]  }
0xc8: {  	v4 =	vld [tilespmem:s17+$0xFFFFFF20]  }
0xc9: {  	v5 =	vld [tilespmem:s17+$0xFFFFFF30]  }
0xca: {  	v1 =	vld [tilespmem:s17+$0xFFFFFF50]  }
0xcb: {  	s18 =	simm.s32 $0x1;
	v7 =	vld [tilespmem:s17+$0xFFFFFF10];
	v2 =	vmul.f32 v2, v0  }
0xcc: {  	v9 =	vmov s18;
	v6 =	vld [tilespmem:s17+$0xFFFFFF60];
	v3 =	vmul.f32 v3, v0  }
0xcd: {  	v8 =	vld [tilespmem:s17+$0xFFFFFF40];
	v4 =	vmul.f32 v4, v0;
	[tilespmem:s17+$0xFFFFFF70] =	vst v2;
	v2 =	vand.u32 $0x7D, v9  }
0xce: {  	v5 =	vmul.f32 v5, v0;
	[tilespmem:s17+$0xFFFFFF00] =	vst v3;
	v2 =	vor.u32 $0x80, v2  }
0xcf: {  	v1 =	vmul.f32 v1, v0;
	[tilespmem:s17+$0xFFFFFF20] =	vst v4;
	v2 =	vbroadcast v2, $0x0  }
0xd0: {  	v3 =	vmul.f32 v7, v0;
	[tilespmem:s17+$0xFFFFFF30] =	vst v5  }
0xd1: {  	v4 =	vmul.f32 v6, v0;
	[tilespmem:s17+$0xFFFFFF50] =	vst v1  }
0xd2: {  	v0 =	vmul.f32 v8, v0;
	[tilespmem:s17+$0xFFFFFF10] =	vst v3  }
0xd3: {  	[tilespmem:s17+$0xFFFFFF60] =	vst v4  }
0xd4: {  	[tilespmem:s17+$0xFFFFFF40] =	vst v0;
	v0 =	vld [tilespmem:s17+$0xFFFFFF80]  }
0xd5: {  	v2 =	vld.idx.msk [tilespmem:v2+s20+$0x0], $0xffff  }
0xd6: {  	v1 =	vld [tilespmem:s17+$0xFFFFFFA0]  }
0xd7: {  	v3 =	vld [tilespmem:s17+$0xFFFFFFF0]  }
0xd8: {  	v4 =	vld [tilespmem:s17+$0xFFFFFFC0]  }
0xd9: {  	v5 =	vld [tilespmem:s17+$0xFFFFFF90]  }
0xda: {  	s19 =	simm.s32 $0x2;
	v6 =	vld [tilespmem:s17+$0xFFFFFFD0];
	v0 =	vmul.f32 v0, v2  }
0xdb: {  	v7 =	vld [tilespmem:s17+$0xFFFFFFB0];
	v8 =	vmov s19;
	v1 =	vmul.f32 v1, v2  }
0xdc: {  	v63 =	vld [tilespmem:s17+$0xFFFFFFE0];
	v3 =	vmul.f32 v3, v2;
	[tilespmem:s17+$0xFFFFFF80] =	vst v0;
	v0 =	vand.u32 $0x7E, v8  }
0xdd: {  	v4 =	vmul.f32 v4, v2;
	[tilespmem:s17+$0xFFFFFFA0] =	vst v1;
	v0 =	vor.u32 $0x80, v0  }
0xde: {  	v1 =	vmul.f32 v5, v2;
	[tilespmem:s17+$0xFFFFFFF0] =	vst v3;
	v3 =	vbroadcast v0, $0x0  }
0xdf: {  	v5 =	vmul.f32 v6, v2;
	[tilespmem:s17+$0xFFFFFFC0] =	vst v4;
	v6 =	vld [tilespmem:s17+$0x30]  }
0xe0: {  	v4 =	vmul.f32 v7, v2;
	v0 =	vld [tilespmem:s17+$0x60];
	[tilespmem:s17+$0xFFFFFF90] =	vst v1  }
0xe1: {  	v2 =	vmul.f32 v63, v2;
	v1 =	vld [tilespmem:s17+$0x70];
	[tilespmem:s17+$0xFFFFFFD0] =	vst v5  }
0xe2: {  	[tilespmem:s17+$0xFFFFFFB0] =	vst v4;
	v5 =	vld [tilespmem:s17+$0x20]  }
0xe3: {  	[tilespmem:s17+$0xFFFFFFE0] =	vst v2;
	v4 =	vld [tilespmem:s17+$0x0]  }
0xe4: {  	v2 =	vld.idx.msk [tilespmem:v3+s20+$0x0], $0xffff  }
0xe5: {  	s18 =	simm.s32 $0x4;
	s19 =	simm.s32 $0x2D00;
	v3 =	vld [tilespmem:s17+$0x10]  }
.LBB2_5:
0xe6: {  	p0 =	slt.u32 s18, $0x3C  }
0xe7: {  	v7 =	vld [tilespmem:s17+$0x50];
	s19 =	sadd.s32 $0x200, s19;
	s2 =	smov.u32 s18;
	s18 =	sadd.s32 $0x4, s18  }
0xe8: {  	v8 =	vld [tilespmem:s17+$0x40];
	_ =	sdelay $0x1  }
0xe9: {  	s14 =	sadd.s32 $0x3, s5;
	s5 =	smov.u32 s2;
	v6 =	vmul.f32 v6, v2;
	v4 =	vmul.f32 v4, v2  }
0xea: {  	v9 =	vmov s14;
	v5 =	vmul.f32 v5, v2;
	v3 =	vmul.f32 v3, v2  }
0xeb: {  	v0 =	vmul.f32 v0, v2;
	v1 =	vmul.f32 v1, v2;
	[tilespmem:s17+$0x30] =	vst v6;
	v6 =	vand.u32 $0x7F, v9  }
0xec: {  	[tilespmem:s17+$0x20] =	vst v5;
	v5 =	vmul.f32 v8, v2;
	v2 =	vmul.f32 v7, v2;
	v6 =	vor.u32 $0x80, v6  }
0xed: {  	[tilespmem:s17+$0x70] =	vst v1;
	v6 =	vbroadcast v6, $0x0;
	v7 =	vld [tilespmem:s17+$0x80]  }
0xee: {  	[tilespmem:s17+$0x60] =	vst v0;
	v8 =	vld [tilespmem:s17+$0xF0]  }
0xef: {  	v0 =	vld [tilespmem:s19+$0x60];
	[tilespmem:s17+$0x50] =	vst v2  }
0xf0: {  	v1 =	vld [tilespmem:s19+$0x70];
	[tilespmem:s17+$0x40] =	vst v5  }
0xf1: {  	[tilespmem:s17+$0x0] =	vst v4;
	v2 =	vld [tilespmem:s17+$0xD0]  }
0xf2: {  	[tilespmem:s17+$0x10] =	vst v3;
	v3 =	vld [tilespmem:s17+$0xB0]  }
0xf3: {  	v4 =	vld.idx.msk [tilespmem:v6+s20+$0x0], $0xffff  }
0xf4: {  	v5 =	vld [tilespmem:s17+$0x90]  }
0xf5: {  	v6 =	vld [tilespmem:s17+$0xA0]  }
0xf6: {  	v9 =	vld [tilespmem:s17+$0xC0]  }
0xf7: {  	v10 =	vld [tilespmem:s17+$0xE0];
	_ =	sdelay $0x1  }
0xf8: {  	v7 =	vmul.f32 v7, v4;
	v5 =	vmul.f32 v5, v4  }
0xf9: {  	v11 =	vmov s5;
	v3 =	vmul.f32 v3, v4;
	v6 =	vmul.f32 v6, v4  }
0xfa: {  	v11 =	vand.u32 $0x7C, v11;
	v2 =	vmul.f32 v2, v4;
	[tilespmem:s17+$0x80] =	vst v7;
	v7 =	vmul.f32 v9, v4  }
0xfb: {  	v9 =	vor.u32 $0x80, v11;
	[tilespmem:s17+$0xB0] =	vst v3;
	v3 =	vmul.f32 v10, v4;
	v4 =	vmul.f32 v8, v4  }
0xfc: {  	v8 =	vbroadcast v9, $0x0;
	[tilespmem:s17+$0xA0] =	vst v6  }
0xfd: {  	[tilespmem:s17+$0xD0] =	vst v2  }
0xfe: {  	v2 =	vld [tilespmem:s19+$0xFFFFFF50];
	[tilespmem:s17+$0xF0] =	vst v4  }
0xff: {  	v4 =	vld [tilespmem:s19+$0xFFFFFF30];
	[tilespmem:s17+$0x90] =	vst v5  }
0x100: {  	v5 =	vld [tilespmem:s19+$0xFFFFFF60];
	[tilespmem:s17+$0xC0] =	vst v7  }
0x101: {  	v6 =	vld [tilespmem:s19+$0xFFFFFF70];
	[tilespmem:s17+$0xE0] =	vst v3;
	s17 =	smov.u32 s19  }
0x102: {  	v3 =	vld.idx.msk [tilespmem:v8+s20+$0x0], $0xffff  }
0x103: {  	v7 =	vld [tilespmem:s19+$0xFFFFFF00]  }
0x104: {  	v8 =	vld [tilespmem:s19+$0xFFFFFF20]  }
0x105: {  	v9 =	vld [tilespmem:s19+$0xFFFFFF10]  }
0x106: {  	v10 =	vld [tilespmem:s19+$0xFFFFFF40];
	_ =	sdelay $0x1  }
0x107: {  	s2 =	sadd.s32 $0x1, s5;
	v6 =	vmul.f32 v6, v3;
	v7 =	vmul.f32 v7, v3  }
0x108: {  	v11 =	vmov s2;
	v5 =	vmul.f32 v5, v3;
	v8 =	vmul.f32 v8, v3  }
0x109: {  	v4 =	vmul.f32 v4, v3;
	v9 =	vmul.f32 v9, v3;
	[tilespmem:s19+$0xFFFFFF70] =	vst v6;
	v6 =	vand.u32 $0x7D, v11  }
0x10a: {  	v2 =	vmul.f32 v2, v3;
	[tilespmem:s19+$0xFFFFFF00] =	vst v7;
	v7 =	vmul.f32 v10, v3;
	v3 =	vor.u32 $0x80, v6  }
0x10b: {  	[tilespmem:s19+$0xFFFFFF20] =	vst v8;
	v3 =	vbroadcast v3, $0x0  }
0x10c: {  	[tilespmem:s19+$0xFFFFFF30] =	vst v4  }
0x10d: {  	[tilespmem:s19+$0xFFFFFF50] =	vst v2;
	v2 =	vld [tilespmem:s19+$0xFFFFFFD0]  }
0x10e: {  	[tilespmem:s19+$0xFFFFFF10] =	vst v9;
	v4 =	vld [tilespmem:s19+$0xFFFFFFE0]  }
0x10f: {  	[tilespmem:s19+$0xFFFFFF60] =	vst v5;
	v5 =	vld [tilespmem:s19+$0xFFFFFFB0]  }
0x110: {  	[tilespmem:s19+$0xFFFFFF40] =	vst v7;
	v6 =	vld [tilespmem:s19+$0xFFFFFFF0]  }
0x111: {  	v3 =	vld.idx.msk [tilespmem:v3+s20+$0x0], $0xffff  }
0x112: {  	v7 =	vld [tilespmem:s19+$0xFFFFFF80]  }
0x113: {  	v8 =	vld [tilespmem:s19+$0xFFFFFFA0]  }
0x114: {  	v9 =	vld [tilespmem:s19+$0xFFFFFFC0]  }
0x115: {  	v10 =	vld [tilespmem:s19+$0xFFFFFF90];
	_ =	sdelay $0x1  }
0x116: {  	s2 =	sadd.s32 $0x2, s5;
	v6 =	vmul.f32 v6, v3;
	v7 =	vmul.f32 v7, v3  }
0x117: {  	v11 =	vmov s2;
	v5 =	vmul.f32 v5, v3;
	v8 =	vmul.f32 v8, v3  }
0x118: {  	v4 =	vmul.f32 v4, v3;
	[tilespmem:s19+$0xFFFFFF80] =	vst v7;
	v7 =	vmul.f32 v9, v3;
	v9 =	vand.u32 $0x7E, v11  }
0x119: {  	v2 =	vmul.f32 v2, v3;
	v10 =	vmul.f32 v10, v3;
	[tilespmem:s19+$0xFFFFFFA0] =	vst v8;
	v3 =	vor.u32 $0x80, v9  }
0x11a: {  	[tilespmem:s19+$0xFFFFFFF0] =	vst v6;
	v3 =	vbroadcast v3, $0x0  }
0x11b: {  	[tilespmem:s19+$0xFFFFFFC0] =	vst v7  }
0x11c: {  	[tilespmem:s19+$0xFFFFFF90] =	vst v10  }
0x11d: {  	[tilespmem:s19+$0xFFFFFFD0] =	vst v2  }
.Ltmp1:
0x11e: {  	[tilespmem:s19+$0xFFFFFFB0] =	vst v5;
	v6 =	vld [tilespmem:s19+$0x30];
	(pc) =	sbr.rel @p0 .LBB2_5-.Ltmp1, $4  }
0x11f: {  	[tilespmem:s19+$0xFFFFFFE0] =	vst v4;
	v5 =	vld [tilespmem:s19+$0x20]  }
0x120: {  	v2 =	vld.idx.msk [tilespmem:v3+s20+$0x0], $0xffff  }
0x121: {  	v4 =	vld [tilespmem:s19+$0x0]  }
0x122: {  	v3 =	vld [tilespmem:s19+$0x10]  }
0x123: {  	_ =	sdelay $0x1  }
0x124: {  	v7 =	vld [tilespmem:s17+$0x50];
	s2 =	sadd.s32 $0x3, s5;
	v6 =	vmul.f32 v6, v2  }
0x125: {  	v8 =	vld [tilespmem:s17+$0x40];
	v9 =	vmov s2;
	v5 =	vmul.f32 v5, v2  }
0x126: {  	v0 =	vmul.f32 v0, v2;
	[tilespmem:s17+$0x30] =	vst v6;
	v6 =	vand.u32 $0x7F, v9  }
0x127: {  	v1 =	vmul.f32 v1, v2;
	[tilespmem:s17+$0x20] =	vst v5;
	v6 =	vor.u32 $0x80, v6  }
0x128: {  	[tilespmem:s17+$0x60] =	vst v0;
	v0 =	vmul.f32 v4, v2;
	v5 =	vbroadcast v6, $0x0  }
0x129: {  	[tilespmem:s17+$0x70] =	vst v1;
	v1 =	vmul.f32 v7, v2  }
0x12a: {  	v7 =	vmul.f32 v8, v2;
	[tilespmem:s17+$0x0] =	vst v0  }
0x12b: {  	[tilespmem:s17+$0x50] =	vst v1;
	v1 =	vmul.f32 v3, v2  }
0x12c: {  	[tilespmem:s17+$0x40] =	vst v7  }
0x12d: {  	v6 =	vld [tilespmem:s17+$0x80];
	[tilespmem:s17+$0x10] =	vst v1  }
0x12e: {  	v0 =	vld.idx.msk [tilespmem:v5+s20+$0x0], $0xffff  }
0x12f: {  	v1 =	vld [tilespmem:s17+$0xB0]  }
0x130: {  	v2 =	vld [tilespmem:s17+$0xA0]  }
0x131: {  	v3 =	vld [tilespmem:s17+$0xD0]  }
0x132: {  	v4 =	vld [tilespmem:s17+$0xF0]  }
0x133: {  	v5 =	vld [tilespmem:s17+$0x90];
	v6 =	vmul.f32 v6, v0  }
0x134: {  	v7 =	vld [tilespmem:s17+$0xC0];
	v1 =	vmul.f32 v1, v0  }
0x135: {  	v8 =	vld [tilespmem:s17+$0xE0];
	v2 =	vmul.f32 v2, v0;
	[tilespmem:s17+$0x80] =	vst v6  }
0x136: {  	v3 =	vmul.f32 v3, v0;
	[tilespmem:s17+$0xB0] =	vst v1  }
0x137: {  	v1 =	vmul.f32 v4, v0;
	[tilespmem:s17+$0xA0] =	vst v2  }
0x138: {  	v2 =	vmul.f32 v5, v0;
	[tilespmem:s17+$0xD0] =	vst v3  }
0x139: {  	v3 =	vmul.f32 v7, v0;
	[tilespmem:s17+$0xF0] =	vst v1  }
0x13a: {  	v0 =	vmul.f32 v8, v0;
	[tilespmem:s17+$0x90] =	vst v2  }
0x13b: {  	[tilespmem:s17+$0xC0] =	vst v3  }
0x13c: {  	[tilespmem:s17+$0xE0] =	vst v0;
	s17 =	simm.s32 $0x480  }
0x13d: {  	[spmem:s4] =	stream.indirect.scatter.add.f32 [tilespmem:s26], [sflag:$0x9], $0x80, s17, s23, $0xb8;
	[tilespmem:$0x1C800] =	vst v63  }
0x13e: {  	_ =	swait.ge [sflag:s12], $0x2000  }
0x13f: {  	[sflag:s12] =	ssyncset.done $0x0  }
0x140: {  	[sflag:s12] =	ssyncadd.s32 $0xFFFFE000  }
0x141: {  	_ =	swait.ge [sflag:s13], $0x2000  }
0x142: {  	[sflag:s13] =	ssyncset.done $0x0  }
0x143: {  	[sflag:s13] =	ssyncadd.s32 $0xFFFFE000  }
0x144: {  	_ =	swait.ge [sflag:s16], $0x200  }
0x145: {  	s5 =	simm.s32 $0x0;
	[sflag:s16] =	ssyncset.done $0x0  }
0x146: {  	v0 =	vmov s5;
	[sflag:s16] =	ssyncadd.s32 $0xFFFFFE00  }
0x147: {  	v0 =	vand.u32 $0x7C, v0;
	_ =	swait.ge [sflag:s16], $0x200  }
0x148: {  	v0 =	vor.u32 $0x100, v0;
	[sflag:s16] =	ssyncset.done $0x0  }
0x149: {  	v0 =	vbroadcast v0, $0x0;
	[sflag:s16] =	ssyncadd.s32 $0xFFFFFE00  }
0x14a: {  	_ =	swait.ge [sflag:s16], $0x200  }
0x14b: {  	[sflag:s16] =	ssyncset.done $0x0  }
0x14c: {  	s17 =	simm.s32 $0x4D00;
	[sflag:s16] =	ssyncadd.s32 $0xFFFFFE00  }
0x14d: {  	[tilespmem:s24], [sflag:$0x4] =	stream.indirect.gather [hbm4b:s1+s23], $0x80, s0, s23, $0xb8;
	[tilespmem:$0x1C800] =	vst v63  }
0x14e: {  	v2 =	vld [tilespmem:s17+$0xFFFFFF70]  }
0x14f: {  	v0 =	vld.idx.msk [tilespmem:v0+s20+$0x0], $0xffff  }
0x150: {  	v3 =	vld [tilespmem:s17+$0xFFFFFF00]  }
0x151: {  	v4 =	vld [tilespmem:s17+$0xFFFFFF20]  }
0x152: {  	v5 =	vld [tilespmem:s17+$0xFFFFFF30]  }
0x153: {  	v1 =	vld [tilespmem:s17+$0xFFFFFF50]  }
0x154: {  	s18 =	simm.s32 $0x1;
	v7 =	vld [tilespmem:s17+$0xFFFFFF10];
	v2 =	vmul.f32 v2, v0  }
0x155: {  	v62 =	vmov s18;
	v6 =	vld [tilespmem:s17+$0xFFFFFF60];
	v3 =	vmul.f32 v3, v0  }
0x156: {  	v8 =	vld [tilespmem:s17+$0xFFFFFF40];
	v4 =	vmul.f32 v4, v0;
	[tilespmem:s17+$0xFFFFFF70] =	vst v2;
	v2 =	vand.u32 $0x7D, v62  }
0x157: {  	v5 =	vmul.f32 v5, v0;
	[tilespmem:s17+$0xFFFFFF00] =	vst v3;
	v2 =	vor.u32 $0x100, v2  }
0x158: {  	v1 =	vmul.f32 v1, v0;
	[tilespmem:s17+$0xFFFFFF20] =	vst v4;
	v2 =	vbroadcast v2, $0x0  }
0x159: {  	v3 =	vmul.f32 v7, v0;
	[tilespmem:s17+$0xFFFFFF30] =	vst v5  }
0x15a: {  	v4 =	vmul.f32 v6, v0;
	[tilespmem:s17+$0xFFFFFF50] =	vst v1  }
0x15b: {  	v0 =	vmul.f32 v8, v0;
	[tilespmem:s17+$0xFFFFFF10] =	vst v3  }
0x15c: {  	[tilespmem:s17+$0xFFFFFF60] =	vst v4  }
0x15d: {  	[tilespmem:s17+$0xFFFFFF40] =	vst v0;
	v0 =	vld [tilespmem:s17+$0xFFFFFF80]  }
0x15e: {  	v2 =	vld.idx.msk [tilespmem:v2+s20+$0x0], $0xffff  }
0x15f: {  	v1 =	vld [tilespmem:s17+$0xFFFFFFA0]  }
0x160: {  	v3 =	vld [tilespmem:s17+$0xFFFFFFF0]  }
0x161: {  	v4 =	vld [tilespmem:s17+$0xFFFFFFC0]  }
0x162: {  	v5 =	vld [tilespmem:s17+$0xFFFFFF90]  }
0x163: {  	s19 =	simm.s32 $0x2;
	v6 =	vld [tilespmem:s17+$0xFFFFFFD0];
	v0 =	vmul.f32 v0, v2  }
0x164: {  	v7 =	vld [tilespmem:s17+$0xFFFFFFB0];
	v8 =	vmov s19;
	v1 =	vmul.f32 v1, v2  }
0x165: {  	v63 =	vld [tilespmem:s17+$0xFFFFFFE0];
	v3 =	vmul.f32 v3, v2;
	[tilespmem:s17+$0xFFFFFF80] =	vst v0;
	v0 =	vand.u32 $0x7E, v8  }
0x166: {  	v4 =	vmul.f32 v4, v2;
	[tilespmem:s17+$0xFFFFFFA0] =	vst v1;
	v0 =	vor.u32 $0x100, v0  }
0x167: {  	v1 =	vmul.f32 v5, v2;
	[tilespmem:s17+$0xFFFFFFF0] =	vst v3;
	v3 =	vbroadcast v0, $0x0  }
0x168: {  	v5 =	vmul.f32 v6, v2;
	[tilespmem:s17+$0xFFFFFFC0] =	vst v4;
	v6 =	vld [tilespmem:s17+$0x30]  }
0x169: {  	v4 =	vmul.f32 v7, v2;
	v0 =	vld [tilespmem:s17+$0x60];
	[tilespmem:s17+$0xFFFFFF90] =	vst v1  }
0x16a: {  	v2 =	vmul.f32 v63, v2;
	v1 =	vld [tilespmem:s17+$0x70];
	[tilespmem:s17+$0xFFFFFFD0] =	vst v5  }
0x16b: {  	[tilespmem:s17+$0xFFFFFFB0] =	vst v4;
	v5 =	vld [tilespmem:s17+$0x20]  }
0x16c: {  	[tilespmem:s17+$0xFFFFFFE0] =	vst v2;
	v4 =	vld [tilespmem:s17+$0x0]  }
0x16d: {  	v2 =	vld.idx.msk [tilespmem:v3+s20+$0x0], $0xffff  }
0x16e: {  	s18 =	simm.s32 $0x4;
	s19 =	simm.s32 $0x4D00;
	v3 =	vld [tilespmem:s17+$0x10]  }
.LBB2_7:
0x16f: {  	p0 =	slt.u32 s18, $0x3C  }
0x170: {  	v7 =	vld [tilespmem:s17+$0x50];
	s19 =	sadd.s32 $0x200, s19;
	s2 =	smov.u32 s18;
	s18 =	sadd.s32 $0x4, s18  }
0x171: {  	v8 =	vld [tilespmem:s17+$0x40];
	_ =	sdelay $0x1  }
0x172: {  	s14 =	sadd.s32 $0x3, s5;
	s5 =	smov.u32 s2;
	v6 =	vmul.f32 v6, v2;
	v4 =	vmul.f32 v4, v2  }
0x173: {  	v9 =	vmov s14;
	v5 =	vmul.f32 v5, v2;
	v3 =	vmul.f32 v3, v2  }
0x174: {  	v0 =	vmul.f32 v0, v2;
	v1 =	vmul.f32 v1, v2;
	[tilespmem:s17+$0x30] =	vst v6;
	v6 =	vand.u32 $0x7F, v9  }
0x175: {  	[tilespmem:s17+$0x20] =	vst v5;
	v5 =	vmul.f32 v8, v2;
	v2 =	vmul.f32 v7, v2;
	v6 =	vor.u32 $0x100, v6  }
0x176: {  	[tilespmem:s17+$0x70] =	vst v1;
	v6 =	vbroadcast v6, $0x0;
	v7 =	vld [tilespmem:s17+$0x80]  }
0x177: {  	[tilespmem:s17+$0x60] =	vst v0;
	v8 =	vld [tilespmem:s17+$0xF0]  }
0x178: {  	v0 =	vld [tilespmem:s19+$0x60];
	[tilespmem:s17+$0x50] =	vst v2  }
0x179: {  	v1 =	vld [tilespmem:s19+$0x70];
	[tilespmem:s17+$0x40] =	vst v5  }
0x17a: {  	[tilespmem:s17+$0x0] =	vst v4;
	v2 =	vld [tilespmem:s17+$0xD0]  }
0x17b: {  	[tilespmem:s17+$0x10] =	vst v3;
	v3 =	vld [tilespmem:s17+$0xB0]  }
0x17c: {  	v4 =	vld.idx.msk [tilespmem:v6+s20+$0x0], $0xffff  }
0x17d: {  	v5 =	vld [tilespmem:s17+$0x90]  }
0x17e: {  	v6 =	vld [tilespmem:s17+$0xA0]  }
0x17f: {  	v9 =	vld [tilespmem:s17+$0xC0]  }
0x180: {  	v10 =	vld [tilespmem:s17+$0xE0];
	_ =	sdelay $0x1  }
0x181: {  	v7 =	vmul.f32 v7, v4;
	v5 =	vmul.f32 v5, v4  }
0x182: {  	v11 =	vmov s5;
	v3 =	vmul.f32 v3, v4;
	v6 =	vmul.f32 v6, v4  }
0x183: {  	v11 =	vand.u32 $0x7C, v11;
	v2 =	vmul.f32 v2, v4;
	[tilespmem:s17+$0x80] =	vst v7;
	v7 =	vmul.f32 v9, v4  }
0x184: {  	v9 =	vor.u32 $0x100, v11;
	[tilespmem:s17+$0xB0] =	vst v3;
	v3 =	vmul.f32 v10, v4;
	v4 =	vmul.f32 v8, v4  }
0x185: {  	v8 =	vbroadcast v9, $0x0;
	[tilespmem:s17+$0xA0] =	vst v6  }
0x186: {  	[tilespmem:s17+$0xD0] =	vst v2  }
0x187: {  	v2 =	vld [tilespmem:s19+$0xFFFFFF50];
	[tilespmem:s17+$0xF0] =	vst v4  }
0x188: {  	v4 =	vld [tilespmem:s19+$0xFFFFFF30];
	[tilespmem:s17+$0x90] =	vst v5  }
0x189: {  	v5 =	vld [tilespmem:s19+$0xFFFFFF60];
	[tilespmem:s17+$0xC0] =	vst v7  }
0x18a: {  	v6 =	vld [tilespmem:s19+$0xFFFFFF70];
	[tilespmem:s17+$0xE0] =	vst v3;
	s17 =	smov.u32 s19  }
0x18b: {  	v3 =	vld.idx.msk [tilespmem:v8+s20+$0x0], $0xffff  }
0x18c: {  	v7 =	vld [tilespmem:s19+$0xFFFFFF00]  }
0x18d: {  	v8 =	vld [tilespmem:s19+$0xFFFFFF20]  }
0x18e: {  	v9 =	vld [tilespmem:s19+$0xFFFFFF10]  }
0x18f: {  	v10 =	vld [tilespmem:s19+$0xFFFFFF40];
	_ =	sdelay $0x1  }
0x190: {  	s2 =	sadd.s32 $0x1, s5;
	v6 =	vmul.f32 v6, v3;
	v7 =	vmul.f32 v7, v3  }
0x191: {  	v11 =	vmov s2;
	v5 =	vmul.f32 v5, v3;
	v8 =	vmul.f32 v8, v3  }
0x192: {  	v4 =	vmul.f32 v4, v3;
	v9 =	vmul.f32 v9, v3;
	[tilespmem:s19+$0xFFFFFF70] =	vst v6;
	v6 =	vand.u32 $0x7D, v11  }
0x193: {  	v2 =	vmul.f32 v2, v3;
	[tilespmem:s19+$0xFFFFFF00] =	vst v7;
	v7 =	vmul.f32 v10, v3;
	v3 =	vor.u32 $0x100, v6  }
0x194: {  	[tilespmem:s19+$0xFFFFFF20] =	vst v8;
	v3 =	vbroadcast v3, $0x0  }
0x195: {  	[tilespmem:s19+$0xFFFFFF30] =	vst v4  }
0x196: {  	[tilespmem:s19+$0xFFFFFF50] =	vst v2;
	v2 =	vld [tilespmem:s19+$0xFFFFFFD0]  }
0x197: {  	[tilespmem:s19+$0xFFFFFF10] =	vst v9;
	v4 =	vld [tilespmem:s19+$0xFFFFFFE0]  }
0x198: {  	[tilespmem:s19+$0xFFFFFF60] =	vst v5;
	v5 =	vld [tilespmem:s19+$0xFFFFFFB0]  }
0x199: {  	[tilespmem:s19+$0xFFFFFF40] =	vst v7;
	v6 =	vld [tilespmem:s19+$0xFFFFFFF0]  }
0x19a: {  	v3 =	vld.idx.msk [tilespmem:v3+s20+$0x0], $0xffff  }
0x19b: {  	v7 =	vld [tilespmem:s19+$0xFFFFFF80]  }
0x19c: {  	v8 =	vld [tilespmem:s19+$0xFFFFFFA0]  }
0x19d: {  	v9 =	vld [tilespmem:s19+$0xFFFFFFC0]  }
0x19e: {  	v10 =	vld [tilespmem:s19+$0xFFFFFF90];
	_ =	sdelay $0x1  }
0x19f: {  	s2 =	sadd.s32 $0x2, s5;
	v6 =	vmul.f32 v6, v3;
	v7 =	vmul.f32 v7, v3  }
0x1a0: {  	v11 =	vmov s2;
	v5 =	vmul.f32 v5, v3;
	v8 =	vmul.f32 v8, v3  }
0x1a1: {  	v4 =	vmul.f32 v4, v3;
	[tilespmem:s19+$0xFFFFFF80] =	vst v7;
	v7 =	vmul.f32 v9, v3;
	v9 =	vand.u32 $0x7E, v11  }
0x1a2: {  	v2 =	vmul.f32 v2, v3;
	v10 =	vmul.f32 v10, v3;
	[tilespmem:s19+$0xFFFFFFA0] =	vst v8;
	v3 =	vor.u32 $0x100, v9  }
0x1a3: {  	[tilespmem:s19+$0xFFFFFFF0] =	vst v6;
	v3 =	vbroadcast v3, $0x0  }
0x1a4: {  	[tilespmem:s19+$0xFFFFFFC0] =	vst v7  }
0x1a5: {  	[tilespmem:s19+$0xFFFFFF90] =	vst v10  }
0x1a6: {  	[tilespmem:s19+$0xFFFFFFD0] =	vst v2  }
.Ltmp2:
0x1a7: {  	[tilespmem:s19+$0xFFFFFFB0] =	vst v5;
	v6 =	vld [tilespmem:s19+$0x30];
	(pc) =	sbr.rel @p0 .LBB2_7-.Ltmp2, $4  }
0x1a8: {  	[tilespmem:s19+$0xFFFFFFE0] =	vst v4;
	v5 =	vld [tilespmem:s19+$0x20]  }
0x1a9: {  	v2 =	vld.idx.msk [tilespmem:v3+s20+$0x0], $0xffff  }
0x1aa: {  	v4 =	vld [tilespmem:s19+$0x0]  }
0x1ab: {  	v3 =	vld [tilespmem:s19+$0x10]  }
0x1ac: {  	_ =	sdelay $0x1  }
0x1ad: {  	v7 =	vld [tilespmem:s17+$0x50];
	s2 =	sadd.s32 $0x3, s5;
	v6 =	vmul.f32 v6, v2  }
0x1ae: {  	v8 =	vld [tilespmem:s17+$0x40];
	v9 =	vmov s2;
	v5 =	vmul.f32 v5, v2  }
0x1af: {  	v0 =	vmul.f32 v0, v2;
	[tilespmem:s17+$0x30] =	vst v6;
	v6 =	vand.u32 $0x7F, v9  }
0x1b0: {  	v1 =	vmul.f32 v1, v2;
	[tilespmem:s17+$0x20] =	vst v5;
	v6 =	vor.u32 $0x100, v6  }
0x1b1: {  	[tilespmem:s17+$0x60] =	vst v0;
	v0 =	vmul.f32 v4, v2;
	v5 =	vbroadcast v6, $0x0  }
0x1b2: {  	[tilespmem:s17+$0x70] =	vst v1;
	v1 =	vmul.f32 v7, v2  }
0x1b3: {  	v7 =	vmul.f32 v8, v2;
	[tilespmem:s17+$0x0] =	vst v0  }
0x1b4: {  	[tilespmem:s17+$0x50] =	vst v1;
	v1 =	vmul.f32 v3, v2  }
0x1b5: {  	[tilespmem:s17+$0x40] =	vst v7  }
0x1b6: {  	v6 =	vld [tilespmem:s17+$0x80];
	[tilespmem:s17+$0x10] =	vst v1  }
0x1b7: {  	v0 =	vld.idx.msk [tilespmem:v5+s20+$0x0], $0xffff  }
0x1b8: {  	v1 =	vld [tilespmem:s17+$0xB0]  }
0x1b9: {  	v2 =	vld [tilespmem:s17+$0xA0]  }
0x1ba: {  	v3 =	vld [tilespmem:s17+$0xD0]  }
0x1bb: {  	v4 =	vld [tilespmem:s17+$0xF0]  }
0x1bc: {  	v5 =	vld [tilespmem:s17+$0x90];
	v6 =	vmul.f32 v6, v0  }
0x1bd: {  	v7 =	vld [tilespmem:s17+$0xC0];
	v1 =	vmul.f32 v1, v0  }
0x1be: {  	v8 =	vld [tilespmem:s17+$0xE0];
	v2 =	vmul.f32 v2, v0;
	[tilespmem:s17+$0x80] =	vst v6  }
0x1bf: {  	v3 =	vmul.f32 v3, v0;
	[tilespmem:s17+$0xB0] =	vst v1  }
0x1c0: {  	v1 =	vmul.f32 v4, v0;
	[tilespmem:s17+$0xA0] =	vst v2  }
0x1c1: {  	v2 =	vmul.f32 v5, v0;
	[tilespmem:s17+$0xD0] =	vst v3  }
0x1c2: {  	v3 =	vmul.f32 v7, v0;
	[tilespmem:s17+$0xF0] =	vst v1  }
0x1c3: {  	v0 =	vmul.f32 v8, v0;
	[tilespmem:s17+$0x90] =	vst v2  }
0x1c4: {  	[tilespmem:s17+$0xC0] =	vst v3  }
0x1c5: {  	s14 =	simm.s32 $0x500;
	s5 =	simm.s32 $0x0;
	[tilespmem:s17+$0xE0] =	vst v0  }
0x1c6: {  	[spmem:s4] =	stream.indirect.scatter.add.f32 [tilespmem:s30], [sflag:$0xA], $0x80, s14, s23, $0xb8;
	[tilespmem:$0x1C800] =	vst v63  }
0x1c7: {  	v0 =	vmov s5;
	_ =	swait.ge [sflag:s8], $0x2000  }
0x1c8: {  	v0 =	vand.u32 $0x7C, v0;
	[sflag:s8] =	ssyncset.done $0x0  }
0x1c9: {  	v0 =	vor.u32 $0x180, v0;
	[sflag:s8] =	ssyncadd.s32 $0xFFFFE000  }
0x1ca: {  	v0 =	vbroadcast v0, $0x0;
	_ =	swait.ge [sflag:s22], $0x2000  }
0x1cb: {  	[sflag:s22] =	ssyncset.done $0x0  }
0x1cc: {  	s17 =	simm.s32 $0x280;
	[sflag:s22] =	ssyncadd.s32 $0xFFFFE000  }
0x1cd: {  	[tilespmem:s26], [sflag:$0x5] =	stream.indirect.gather [hbm4b:s1+s23], $0x80, s17, s23, $0xb8;
	[tilespmem:$0x1C800] =	vst v63  }
0x1ce: {  	s17 =	simm.s32 $0x6D00  }
0x1cf: {  	v2 =	vld [tilespmem:s17+$0xFFFFFF70]  }
0x1d0: {  	v0 =	vld.idx.msk [tilespmem:v0+s20+$0x0], $0xffff  }
0x1d1: {  	v3 =	vld [tilespmem:s17+$0xFFFFFF00]  }
0x1d2: {  	v4 =	vld [tilespmem:s17+$0xFFFFFF20]  }
0x1d3: {  	v5 =	vld [tilespmem:s17+$0xFFFFFF30]  }
0x1d4: {  	v1 =	vld [tilespmem:s17+$0xFFFFFF50]  }
0x1d5: {  	s18 =	simm.s32 $0x1;
	v7 =	vld [tilespmem:s17+$0xFFFFFF10];
	v2 =	vmul.f32 v2, v0  }
0x1d6: {  	v62 =	vmov s18;
	v6 =	vld [tilespmem:s17+$0xFFFFFF60];
	v3 =	vmul.f32 v3, v0  }
0x1d7: {  	v8 =	vld [tilespmem:s17+$0xFFFFFF40];
	v4 =	vmul.f32 v4, v0;
	[tilespmem:s17+$0xFFFFFF70] =	vst v2;
	v2 =	vand.u32 $0x7D, v62  }
0x1d8: {  	v5 =	vmul.f32 v5, v0;
	[tilespmem:s17+$0xFFFFFF00] =	vst v3;
	v2 =	vor.u32 $0x180, v2  }
0x1d9: {  	v1 =	vmul.f32 v1, v0;
	[tilespmem:s17+$0xFFFFFF20] =	vst v4;
	v2 =	vbroadcast v2, $0x0  }
0x1da: {  	v3 =	vmul.f32 v7, v0;
	[tilespmem:s17+$0xFFFFFF30] =	vst v5  }
0x1db: {  	v4 =	vmul.f32 v6, v0;
	[tilespmem:s17+$0xFFFFFF50] =	vst v1  }
0x1dc: {  	v0 =	vmul.f32 v8, v0;
	[tilespmem:s17+$0xFFFFFF10] =	vst v3  }
0x1dd: {  	[tilespmem:s17+$0xFFFFFF60] =	vst v4  }
0x1de: {  	[tilespmem:s17+$0xFFFFFF40] =	vst v0;
	v0 =	vld [tilespmem:s17+$0xFFFFFF80]  }
0x1df: {  	v2 =	vld.idx.msk [tilespmem:v2+s20+$0x0], $0xffff  }
0x1e0: {  	v1 =	vld [tilespmem:s17+$0xFFFFFFA0]  }
0x1e1: {  	v3 =	vld [tilespmem:s17+$0xFFFFFFF0]  }
0x1e2: {  	v4 =	vld [tilespmem:s17+$0xFFFFFFC0]  }
0x1e3: {  	v5 =	vld [tilespmem:s17+$0xFFFFFF90]  }
0x1e4: {  	s19 =	simm.s32 $0x2;
	v6 =	vld [tilespmem:s17+$0xFFFFFFD0];
	v0 =	vmul.f32 v0, v2  }
0x1e5: {  	v7 =	vld [tilespmem:s17+$0xFFFFFFB0];
	v8 =	vmov s19;
	v1 =	vmul.f32 v1, v2  }
0x1e6: {  	v63 =	vld [tilespmem:s17+$0xFFFFFFE0];
	v3 =	vmul.f32 v3, v2;
	[tilespmem:s17+$0xFFFFFF80] =	vst v0;
	v0 =	vand.u32 $0x7E, v8  }
0x1e7: {  	v4 =	vmul.f32 v4, v2;
	[tilespmem:s17+$0xFFFFFFA0] =	vst v1;
	v0 =	vor.u32 $0x180, v0  }
0x1e8: {  	v1 =	vmul.f32 v5, v2;
	[tilespmem:s17+$0xFFFFFFF0] =	vst v3;
	v3 =	vbroadcast v0, $0x0  }
0x1e9: {  	v5 =	vmul.f32 v6, v2;
	[tilespmem:s17+$0xFFFFFFC0] =	vst v4;
	v6 =	vld [tilespmem:s17+$0x30]  }
0x1ea: {  	v4 =	vmul.f32 v7, v2;
	v0 =	vld [tilespmem:s17+$0x60];
	[tilespmem:s17+$0xFFFFFF90] =	vst v1  }
0x1eb: {  	v2 =	vmul.f32 v63, v2;
	v1 =	vld [tilespmem:s17+$0x70];
	[tilespmem:s17+$0xFFFFFFD0] =	vst v5  }
0x1ec: {  	[tilespmem:s17+$0xFFFFFFB0] =	vst v4;
	v5 =	vld [tilespmem:s17+$0x20]  }
0x1ed: {  	[tilespmem:s17+$0xFFFFFFE0] =	vst v2;
	v4 =	vld [tilespmem:s17+$0x0]  }
0x1ee: {  	v2 =	vld.idx.msk [tilespmem:v3+s20+$0x0], $0xffff  }
0x1ef: {  	s18 =	simm.s32 $0x4;
	s19 =	simm.s32 $0x6D00;
	v3 =	vld [tilespmem:s17+$0x10]  }
.LBB2_9:
0x1f0: {  	p0 =	slt.u32 s18, $0x3C  }
0x1f1: {  	v7 =	vld [tilespmem:s17+$0x50];
	s19 =	sadd.s32 $0x200, s19;
	s2 =	smov.u32 s18;
	s18 =	sadd.s32 $0x4, s18  }
0x1f2: {  	v8 =	vld [tilespmem:s17+$0x40];
	_ =	sdelay $0x1  }
0x1f3: {  	s14 =	sadd.s32 $0x3, s5;
	s5 =	smov.u32 s2;
	v6 =	vmul.f32 v6, v2;
	v4 =	vmul.f32 v4, v2  }
0x1f4: {  	v9 =	vmov s14;
	v5 =	vmul.f32 v5, v2;
	v3 =	vmul.f32 v3, v2  }
0x1f5: {  	v0 =	vmul.f32 v0, v2;
	v1 =	vmul.f32 v1, v2;
	[tilespmem:s17+$0x30] =	vst v6;
	v6 =	vand.u32 $0x7F, v9  }
0x1f6: {  	[tilespmem:s17+$0x20] =	vst v5;
	v5 =	vmul.f32 v8, v2;
	v2 =	vmul.f32 v7, v2;
	v6 =	vor.u32 $0x180, v6  }
0x1f7: {  	[tilespmem:s17+$0x70] =	vst v1;
	v6 =	vbroadcast v6, $0x0;
	v7 =	vld [tilespmem:s17+$0x80]  }
0x1f8: {  	[tilespmem:s17+$0x60] =	vst v0;
	v8 =	vld [tilespmem:s17+$0xF0]  }
0x1f9: {  	v0 =	vld [tilespmem:s19+$0x60];
	[tilespmem:s17+$0x50] =	vst v2  }
0x1fa: {  	v1 =	vld [tilespmem:s19+$0x70];
	[tilespmem:s17+$0x40] =	vst v5  }
0x1fb: {  	[tilespmem:s17+$0x0] =	vst v4;
	v2 =	vld [tilespmem:s17+$0xD0]  }
0x1fc: {  	[tilespmem:s17+$0x10] =	vst v3;
	v3 =	vld [tilespmem:s17+$0xB0]  }
0x1fd: {  	v4 =	vld.idx.msk [tilespmem:v6+s20+$0x0], $0xffff  }
0x1fe: {  	v5 =	vld [tilespmem:s17+$0x90]  }
0x1ff: {  	v6 =	vld [tilespmem:s17+$0xA0]  }
0x200: {  	v9 =	vld [tilespmem:s17+$0xC0]  }
0x201: {  	v10 =	vld [tilespmem:s17+$0xE0];
	_ =	sdelay $0x1  }
0x202: {  	v7 =	vmul.f32 v7, v4;
	v5 =	vmul.f32 v5, v4  }
0x203: {  	v11 =	vmov s5;
	v3 =	vmul.f32 v3, v4;
	v6 =	vmul.f32 v6, v4  }
0x204: {  	v11 =	vand.u32 $0x7C, v11;
	v2 =	vmul.f32 v2, v4;
	[tilespmem:s17+$0x80] =	vst v7;
	v7 =	vmul.f32 v9, v4  }
0x205: {  	v9 =	vor.u32 $0x180, v11;
	[tilespmem:s17+$0xB0] =	vst v3;
	v3 =	vmul.f32 v10, v4;
	v4 =	vmul.f32 v8, v4  }
0x206: {  	v8 =	vbroadcast v9, $0x0;
	[tilespmem:s17+$0xA0] =	vst v6  }
0x207: {  	[tilespmem:s17+$0xD0] =	vst v2  }
0x208: {  	v2 =	vld [tilespmem:s19+$0xFFFFFF50];
	[tilespmem:s17+$0xF0] =	vst v4  }
0x209: {  	v4 =	vld [tilespmem:s19+$0xFFFFFF30];
	[tilespmem:s17+$0x90] =	vst v5  }
0x20a: {  	v5 =	vld [tilespmem:s19+$0xFFFFFF60];
	[tilespmem:s17+$0xC0] =	vst v7  }
0x20b: {  	v6 =	vld [tilespmem:s19+$0xFFFFFF70];
	[tilespmem:s17+$0xE0] =	vst v3;
	s17 =	smov.u32 s19  }
0x20c: {  	v3 =	vld.idx.msk [tilespmem:v8+s20+$0x0], $0xffff  }
0x20d: {  	v7 =	vld [tilespmem:s19+$0xFFFFFF00]  }
0x20e: {  	v8 =	vld [tilespmem:s19+$0xFFFFFF20]  }
0x20f: {  	v9 =	vld [tilespmem:s19+$0xFFFFFF10]  }
0x210: {  	v10 =	vld [tilespmem:s19+$0xFFFFFF40];
	_ =	sdelay $0x1  }
0x211: {  	s2 =	sadd.s32 $0x1, s5;
	v6 =	vmul.f32 v6, v3;
	v7 =	vmul.f32 v7, v3  }
0x212: {  	v11 =	vmov s2;
	v5 =	vmul.f32 v5, v3;
	v8 =	vmul.f32 v8, v3  }
0x213: {  	v4 =	vmul.f32 v4, v3;
	v9 =	vmul.f32 v9, v3;
	[tilespmem:s19+$0xFFFFFF70] =	vst v6;
	v6 =	vand.u32 $0x7D, v11  }
0x214: {  	v2 =	vmul.f32 v2, v3;
	[tilespmem:s19+$0xFFFFFF00] =	vst v7;
	v7 =	vmul.f32 v10, v3;
	v3 =	vor.u32 $0x180, v6  }
0x215: {  	[tilespmem:s19+$0xFFFFFF20] =	vst v8;
	v3 =	vbroadcast v3, $0x0  }
0x216: {  	[tilespmem:s19+$0xFFFFFF30] =	vst v4  }
0x217: {  	[tilespmem:s19+$0xFFFFFF50] =	vst v2;
	v2 =	vld [tilespmem:s19+$0xFFFFFFD0]  }
0x218: {  	[tilespmem:s19+$0xFFFFFF10] =	vst v9;
	v4 =	vld [tilespmem:s19+$0xFFFFFFE0]  }
0x219: {  	[tilespmem:s19+$0xFFFFFF60] =	vst v5;
	v5 =	vld [tilespmem:s19+$0xFFFFFFB0]  }
0x21a: {  	[tilespmem:s19+$0xFFFFFF40] =	vst v7;
	v6 =	vld [tilespmem:s19+$0xFFFFFFF0]  }
0x21b: {  	v3 =	vld.idx.msk [tilespmem:v3+s20+$0x0], $0xffff  }
0x21c: {  	v7 =	vld [tilespmem:s19+$0xFFFFFF80]  }
0x21d: {  	v8 =	vld [tilespmem:s19+$0xFFFFFFA0]  }
0x21e: {  	v9 =	vld [tilespmem:s19+$0xFFFFFFC0]  }
0x21f: {  	v10 =	vld [tilespmem:s19+$0xFFFFFF90];
	_ =	sdelay $0x1  }
0x220: {  	s2 =	sadd.s32 $0x2, s5;
	v6 =	vmul.f32 v6, v3;
	v7 =	vmul.f32 v7, v3  }
0x221: {  	v11 =	vmov s2;
	v5 =	vmul.f32 v5, v3;
	v8 =	vmul.f32 v8, v3  }
0x222: {  	v4 =	vmul.f32 v4, v3;
	[tilespmem:s19+$0xFFFFFF80] =	vst v7;
	v7 =	vmul.f32 v9, v3;
	v9 =	vand.u32 $0x7E, v11  }
0x223: {  	v2 =	vmul.f32 v2, v3;
	v10 =	vmul.f32 v10, v3;
	[tilespmem:s19+$0xFFFFFFA0] =	vst v8;
	v3 =	vor.u32 $0x180, v9  }
0x224: {  	[tilespmem:s19+$0xFFFFFFF0] =	vst v6;
	v3 =	vbroadcast v3, $0x0  }
0x225: {  	[tilespmem:s19+$0xFFFFFFC0] =	vst v7  }
0x226: {  	[tilespmem:s19+$0xFFFFFF90] =	vst v10  }
0x227: {  	[tilespmem:s19+$0xFFFFFFD0] =	vst v2  }
.Ltmp3:
0x228: {  	[tilespmem:s19+$0xFFFFFFB0] =	vst v5;
	v6 =	vld [tilespmem:s19+$0x30];
	(pc) =	sbr.rel @p0 .LBB2_9-.Ltmp3, $4  }
0x229: {  	[tilespmem:s19+$0xFFFFFFE0] =	vst v4;
	v5 =	vld [tilespmem:s19+$0x20]  }
0x22a: {  	v2 =	vld.idx.msk [tilespmem:v3+s20+$0x0], $0xffff  }
0x22b: {  	v4 =	vld [tilespmem:s19+$0x0]  }
0x22c: {  	v3 =	vld [tilespmem:s19+$0x10]  }
0x22d: {  	_ =	sdelay $0x1  }
0x22e: {  	v7 =	vld [tilespmem:s17+$0x50];
	s2 =	sadd.s32 $0x3, s5;
	v6 =	vmul.f32 v6, v2  }
0x22f: {  	v8 =	vld [tilespmem:s17+$0x40];
	v9 =	vmov s2;
	v5 =	vmul.f32 v5, v2  }
0x230: {  	v0 =	vmul.f32 v0, v2;
	[tilespmem:s17+$0x30] =	vst v6;
	v6 =	vand.u32 $0x7F, v9  }
0x231: {  	v1 =	vmul.f32 v1, v2;
	[tilespmem:s17+$0x20] =	vst v5;
	v6 =	vor.u32 $0x180, v6  }
0x232: {  	[tilespmem:s17+$0x60] =	vst v0;
	v0 =	vmul.f32 v4, v2;
	v5 =	vbroadcast v6, $0x0  }
0x233: {  	[tilespmem:s17+$0x70] =	vst v1;
	v1 =	vmul.f32 v7, v2  }
0x234: {  	v7 =	vmul.f32 v8, v2;
	[tilespmem:s17+$0x0] =	vst v0  }
0x235: {  	[tilespmem:s17+$0x50] =	vst v1;
	v1 =	vmul.f32 v3, v2  }
0x236: {  	[tilespmem:s17+$0x40] =	vst v7  }
0x237: {  	v6 =	vld [tilespmem:s17+$0x80];
	[tilespmem:s17+$0x10] =	vst v1  }
0x238: {  	v0 =	vld.idx.msk [tilespmem:v5+s20+$0x0], $0xffff  }
0x239: {  	v1 =	vld [tilespmem:s17+$0xB0]  }
0x23a: {  	v2 =	vld [tilespmem:s17+$0xA0]  }
0x23b: {  	v3 =	vld [tilespmem:s17+$0xD0]  }
0x23c: {  	v4 =	vld [tilespmem:s17+$0xF0]  }
0x23d: {  	v5 =	vld [tilespmem:s17+$0x90];
	v6 =	vmul.f32 v6, v0  }
0x23e: {  	v7 =	vld [tilespmem:s17+$0xC0];
	v1 =	vmul.f32 v1, v0  }
0x23f: {  	v8 =	vld [tilespmem:s17+$0xE0];
	v2 =	vmul.f32 v2, v0;
	[tilespmem:s17+$0x80] =	vst v6  }
0x240: {  	v3 =	vmul.f32 v3, v0;
	[tilespmem:s17+$0xB0] =	vst v1  }
0x241: {  	v1 =	vmul.f32 v4, v0;
	[tilespmem:s17+$0xA0] =	vst v2  }
0x242: {  	v2 =	vmul.f32 v5, v0;
	[tilespmem:s17+$0xD0] =	vst v3  }
0x243: {  	v3 =	vmul.f32 v7, v0;
	[tilespmem:s17+$0xF0] =	vst v1  }
0x244: {  	v0 =	vmul.f32 v8, v0;
	[tilespmem:s17+$0x90] =	vst v2  }
0x245: {  	[tilespmem:s17+$0xC0] =	vst v3  }
0x246: {  	s14 =	simm.s32 $0x580;
	[tilespmem:s17+$0xE0] =	vst v0  }
0x247: {  	[spmem:s4] =	stream.indirect.scatter.add.f32 [tilespmem:s10], [sflag:$0xB], $0x80, s14, s23, $0xb8;
	[tilespmem:$0x1C800] =	vst v63  }
0x248: {  	s5 =	simm.s32 $0x0;
	_ =	swait.ge [sflag:s28], $0x2000  }
0x249: {  	v0 =	vmov s5;
	[sflag:s28] =	ssyncset.done $0x0  }
0x24a: {  	v0 =	vand.u32 $0xFFFFFFFC, v0;
	[sflag:s28] =	ssyncadd.s32 $0xFFFFE000  }
0x24b: {  	v0 =	vbroadcast v0, $0x0;
	_ =	swait.ge [sflag:s21], $0x2000  }
0x24c: {  	[sflag:s21] =	ssyncset.done $0x0  }
0x24d: {  	s17 =	simm.s32 $0x300;
	[sflag:s21] =	ssyncadd.s32 $0xFFFFE000  }
0x24e: {  	[tilespmem:s30], [sflag:$0x6] =	stream.indirect.gather [hbm4b:s1+s23], $0x80, s17, s23, $0xb8;
	[tilespmem:$0x1C800] =	vst v63  }
0x24f: {  	s17 =	simm.s32 $0xD00  }
0x250: {  	v1 =	vld [tilespmem:s17+$0xFFFFFF70]  }
0x251: {  	v0 =	vld.idx.msk [tilespmem:v0+s25+$0x0], $0xffff  }
0x252: {  	v2 =	vld [tilespmem:s17+$0xFFFFFF00]  }
0x253: {  	v3 =	vld [tilespmem:s17+$0xFFFFFF20]  }
0x254: {  	v4 =	vld [tilespmem:s17+$0xFFFFFF50]  }
0x255: {  	v5 =	vld [tilespmem:s17+$0xFFFFFF40]  }
0x256: {  	v6 =	vld [tilespmem:s17+$0xFFFFFF60];
	v1 =	vmul.f32 v1, v0  }
0x257: {  	s18 =	simm.s32 $0x1;
	v7 =	vld [tilespmem:s17+$0xFFFFFF30];
	v2 =	vmul.f32 v2, v0  }
0x258: {  	v8 =	vld [tilespmem:s17+$0xFFFFFF10];
	v3 =	vmul.f32 v3, v0;
	[tilespmem:s17+$0xFFFFFF70] =	vst v1;
	v1 =	vmov s18  }
0x259: {  	v4 =	vmul.f32 v4, v0;
	[tilespmem:s17+$0xFFFFFF00] =	vst v2;
	v1 =	vand.u32 $0xFFFFFFFD, v1  }
0x25a: {  	v2 =	vmul.f32 v5, v0;
	[tilespmem:s17+$0xFFFFFF20] =	vst v3;
	v1 =	vbroadcast v1, $0x0  }
0x25b: {  	v3 =	vmul.f32 v6, v0;
	[tilespmem:s17+$0xFFFFFF50] =	vst v4  }
0x25c: {  	v4 =	vmul.f32 v7, v0;
	[tilespmem:s17+$0xFFFFFF40] =	vst v2  }
0x25d: {  	v0 =	vmul.f32 v8, v0;
	[tilespmem:s17+$0xFFFFFF60] =	vst v3  }
0x25e: {  	[tilespmem:s17+$0xFFFFFF30] =	vst v4  }
0x25f: {  	[tilespmem:s17+$0xFFFFFF10] =	vst v0;
	v0 =	vld [tilespmem:s17+$0xFFFFFF90]  }
0x260: {  	v2 =	vld.idx.msk [tilespmem:v1+s25+$0x0], $0xffff  }
0x261: {  	v1 =	vld [tilespmem:s17+$0xFFFFFFA0]  }
0x262: {  	v3 =	vld [tilespmem:s17+$0xFFFFFF80]  }
0x263: {  	v4 =	vld [tilespmem:s17+$0xFFFFFFB0]  }
0x264: {  	v5 =	vld [tilespmem:s17+$0xFFFFFFC0]  }
0x265: {  	v6 =	vld [tilespmem:s17+$0xFFFFFFD0];
	v0 =	vmul.f32 v0, v2  }
0x266: {  	s19 =	simm.s32 $0x2;
	v7 =	vld [tilespmem:s17+$0xFFFFFFF0];
	v1 =	vmul.f32 v1, v2  }
0x267: {  	v8 =	vld [tilespmem:s17+$0xFFFFFFE0];
	v3 =	vmul.f32 v3, v2;
	[tilespmem:s17+$0xFFFFFF90] =	vst v0;
	v0 =	vmov s19  }
0x268: {  	v4 =	vmul.f32 v4, v2;
	[tilespmem:s17+$0xFFFFFFA0] =	vst v1;
	v0 =	vand.u32 $0xFFFFFFFE, v0  }
0x269: {  	v1 =	vmul.f32 v5, v2;
	[tilespmem:s17+$0xFFFFFF80] =	vst v3;
	v5 =	vld [tilespmem:s17+$0x60];
	v63 =	vbroadcast v0, $0x0  }
0x26a: {  	v3 =	vmul.f32 v6, v2;
	[tilespmem:s17+$0xFFFFFFB0] =	vst v4;
	v6 =	vld [tilespmem:s17+$0x0]  }
0x26b: {  	v4 =	vmul.f32 v7, v2;
	v0 =	vld [tilespmem:s17+$0x20];
	[tilespmem:s17+$0xFFFFFFC0] =	vst v1  }
0x26c: {  	v2 =	vmul.f32 v8, v2;
	v1 =	vld [tilespmem:s17+$0x30];
	[tilespmem:s17+$0xFFFFFFD0] =	vst v3  }
0x26d: {  	[tilespmem:s17+$0xFFFFFFF0] =	vst v4;
	v3 =	vld [tilespmem:s17+$0x40]  }
0x26e: {  	[tilespmem:s17+$0xFFFFFFE0] =	vst v2;
	v4 =	vld [tilespmem:s17+$0x10]  }
0x26f: {  	s18 =	simm.s32 $0x4;
	s19 =	simm.s32 $0xD00;
	v2 =	vld.idx.msk [tilespmem:v63+s25+$0x0], $0xffff  }
.LBB2_11:
0x270: {  	p0 =	slt.u32 s18, $0x3C  }
0x271: {  	v7 =	vld [tilespmem:s17+$0x50];
	s19 =	sadd.s32 $0x200, s19;
	s2 =	smov.u32 s18;
	s18 =	sadd.s32 $0x4, s18  }
0x272: {  	v8 =	vld [tilespmem:s17+$0x70];
	_ =	sdelay $0x1  }
0x273: {  	v5 =	vmul.f32 v5, v2;
	v6 =	vmul.f32 v6, v2  }
0x274: {  	v3 =	vmul.f32 v3, v2;
	v4 =	vmul.f32 v4, v2  }
0x275: {  	v0 =	vmul.f32 v0, v2;
	v1 =	vmul.f32 v1, v2;
	[tilespmem:s17+$0x60] =	vst v5  }
0x276: {  	[tilespmem:s17+$0x40] =	vst v3;
	v3 =	vmul.f32 v7, v2;
	v2 =	vmul.f32 v8, v2  }
0x277: {  	s14 =	sadd.s32 $0x3, s5;
	s5 =	smov.u32 s2;
	[tilespmem:s17+$0x20] =	vst v0;
	v5 =	vld [tilespmem:s17+$0x80]  }
0x278: {  	v0 =	vld [tilespmem:s19+$0x20];
	[tilespmem:s17+$0x0] =	vst v6;
	v6 =	vmov s14  }
0x279: {  	[tilespmem:s17+$0x50] =	vst v3;
	v3 =	vld [tilespmem:s17+$0xE0]  }
0x27a: {  	[tilespmem:s17+$0x30] =	vst v1;
	v7 =	vld [tilespmem:s17+$0xC0]  }
0x27b: {  	v1 =	vld [tilespmem:s19+$0x30];
	[tilespmem:s17+$0x10] =	vst v4  }
0x27c: {  	[tilespmem:s17+$0x70] =	vst v2;
	v2 =	vld [tilespmem:s17+$0xA0]  }
0x27d: {  	v4 =	vld.idx.msk [tilespmem:v6+s25+$0x0], $0xffff  }
0x27e: {  	v6 =	vld [tilespmem:s17+$0x90]  }
0x27f: {  	v8 =	vld [tilespmem:s17+$0xB0]  }
0x280: {  	v9 =	vld [tilespmem:s17+$0xD0]  }
0x281: {  	v10 =	vld [tilespmem:s17+$0xF0];
	_ =	sdelay $0x1  }
0x282: {  	v5 =	vmul.f32 v5, v4;
	v6 =	vmul.f32 v6, v4  }
0x283: {  	v2 =	vmul.f32 v2, v4;
	v8 =	vmul.f32 v8, v4  }
0x284: {  	v11 =	vmov s5;
	[tilespmem:s17+$0x80] =	vst v5;
	v5 =	vmul.f32 v7, v4;
	v7 =	vmul.f32 v9, v4  }
0x285: {  	v9 =	vand.u32 $0xFFFFFFFC, v11;
	[tilespmem:s17+$0xA0] =	vst v2;
	v2 =	vmul.f32 v3, v4;
	v3 =	vmul.f32 v10, v4  }
0x286: {  	v4 =	vbroadcast v9, $0x0;
	[tilespmem:s17+$0xC0] =	vst v5  }
0x287: {  	[tilespmem:s17+$0xF0] =	vst v3  }
0x288: {  	v3 =	vld [tilespmem:s19+$0xFFFFFF40];
	[tilespmem:s17+$0xE0] =	vst v2  }
0x289: {  	v2 =	vld [tilespmem:s19+$0xFFFFFF50];
	[tilespmem:s17+$0x90] =	vst v6  }
0x28a: {  	v5 =	vld [tilespmem:s19+$0xFFFFFF60];
	[tilespmem:s17+$0xB0] =	vst v8  }
0x28b: {  	v6 =	vld [tilespmem:s19+$0xFFFFFF70];
	[tilespmem:s17+$0xD0] =	vst v7;
	s17 =	smov.u32 s19  }
0x28c: {  	v4 =	vld.idx.msk [tilespmem:v4+s25+$0x0], $0xffff  }
0x28d: {  	v7 =	vld [tilespmem:s19+$0xFFFFFF00]  }
0x28e: {  	v8 =	vld [tilespmem:s19+$0xFFFFFF20]  }
0x28f: {  	v9 =	vld [tilespmem:s19+$0xFFFFFF10]  }
0x290: {  	v10 =	vld [tilespmem:s19+$0xFFFFFF30];
	_ =	sdelay $0x1  }
0x291: {  	v6 =	vmul.f32 v6, v4;
	v7 =	vmul.f32 v7, v4  }
0x292: {  	s2 =	sadd.s32 $0x1, s5;
	v5 =	vmul.f32 v5, v4;
	v8 =	vmul.f32 v8, v4  }
0x293: {  	v2 =	vmul.f32 v2, v4;
	v9 =	vmul.f32 v9, v4;
	[tilespmem:s19+$0xFFFFFF70] =	vst v6;
	v6 =	vmov s2  }
0x294: {  	v3 =	vmul.f32 v3, v4;
	[tilespmem:s19+$0xFFFFFF00] =	vst v7;
	v7 =	vmul.f32 v10, v4;
	v4 =	vand.u32 $0xFFFFFFFD, v6  }
0x295: {  	[tilespmem:s19+$0xFFFFFF20] =	vst v8;
	v4 =	vbroadcast v4, $0x0  }
0x296: {  	[tilespmem:s19+$0xFFFFFF50] =	vst v2  }
0x297: {  	[tilespmem:s19+$0xFFFFFF40] =	vst v3;
	v2 =	vld [tilespmem:s19+$0xFFFFFFF0]  }
0x298: {  	[tilespmem:s19+$0xFFFFFF60] =	vst v5;
	v3 =	vld [tilespmem:s19+$0xFFFFFFC0]  }
0x299: {  	[tilespmem:s19+$0xFFFFFF30] =	vst v7;
	v5 =	vld [tilespmem:s19+$0xFFFFFFD0]  }
0x29a: {  	[tilespmem:s19+$0xFFFFFF10] =	vst v9;
	v6 =	vld [tilespmem:s19+$0xFFFFFF90]  }
0x29b: {  	v4 =	vld.idx.msk [tilespmem:v4+s25+$0x0], $0xffff  }
0x29c: {  	v7 =	vld [tilespmem:s19+$0xFFFFFF80]  }
0x29d: {  	v8 =	vld [tilespmem:s19+$0xFFFFFFA0]  }
0x29e: {  	v9 =	vld [tilespmem:s19+$0xFFFFFFB0]  }
0x29f: {  	v10 =	vld [tilespmem:s19+$0xFFFFFFE0];
	_ =	sdelay $0x1  }
0x2a0: {  	v6 =	vmul.f32 v6, v4;
	v7 =	vmul.f32 v7, v4  }
0x2a1: {  	s2 =	sadd.s32 $0x2, s5;
	v5 =	vmul.f32 v5, v4;
	v8 =	vmul.f32 v8, v4  }
0x2a2: {  	v3 =	vmul.f32 v3, v4;
	[tilespmem:s19+$0xFFFFFF90] =	vst v6;
	v6 =	vmul.f32 v9, v4;
	v9 =	vmov s2  }
0x2a3: {  	v2 =	vmul.f32 v2, v4;
	[tilespmem:s19+$0xFFFFFFA0] =	vst v8;
	v8 =	vmul.f32 v10, v4;
	v4 =	vand.u32 $0xFFFFFFFE, v9  }
0x2a4: {  	[tilespmem:s19+$0xFFFFFF80] =	vst v7;
	v4 =	vbroadcast v4, $0x0  }
0x2a5: {  	[tilespmem:s19+$0xFFFFFFB0] =	vst v6  }
0x2a6: {  	[tilespmem:s19+$0xFFFFFFC0] =	vst v3  }
0x2a7: {  	[tilespmem:s19+$0xFFFFFFD0] =	vst v5  }
.Ltmp4:
0x2a8: {  	[tilespmem:s19+$0xFFFFFFF0] =	vst v2;
	v3 =	vld [tilespmem:s19+$0x40];
	(pc) =	sbr.rel @p0 .LBB2_11-.Ltmp4, $4  }
0x2a9: {  	[tilespmem:s19+$0xFFFFFFE0] =	vst v8;
	v5 =	vld [tilespmem:s19+$0x60]  }
0x2aa: {  	v2 =	vld.idx.msk [tilespmem:v4+s25+$0x0], $0xffff  }
0x2ab: {  	v6 =	vld [tilespmem:s19+$0x0]  }
0x2ac: {  	v4 =	vld [tilespmem:s19+$0x10]  }
0x2ad: {  	_ =	sdelay $0x1  }
0x2ae: {  	v5 =	vmul.f32 v5, v2  }
0x2af: {  	v7 =	vld [tilespmem:s17+$0x50];
	v3 =	vmul.f32 v3, v2  }
0x2b0: {  	v8 =	vld [tilespmem:s17+$0x70];
	v0 =	vmul.f32 v0, v2;
	[tilespmem:s17+$0x60] =	vst v5  }
0x2b1: {  	v5 =	vmul.f32 v6, v2;
	[tilespmem:s17+$0x40] =	vst v3  }
0x2b2: {  	s2 =	sadd.s32 $0x3, s5;
	[tilespmem:s17+$0x20] =	vst v0;
	v0 =	vmul.f32 v1, v2  }
0x2b3: {  	v4 =	vmul.f32 v4, v2;
	[tilespmem:s17+$0x0] =	vst v5;
	v5 =	vmov s2  }
0x2b4: {  	v3 =	vmul.f32 v7, v2;
	[tilespmem:s17+$0x30] =	vst v0  }
0x2b5: {  	v2 =	vmul.f32 v8, v2;
	[tilespmem:s17+$0x10] =	vst v4  }
0x2b6: {  	[tilespmem:s17+$0x50] =	vst v3  }
0x2b7: {  	v1 =	vld [tilespmem:s17+$0x80];
	[tilespmem:s17+$0x70] =	vst v2  }
0x2b8: {  	v0 =	vld.idx.msk [tilespmem:v5+s25+$0x0], $0xffff  }
0x2b9: {  	v2 =	vld [tilespmem:s17+$0xA0]  }
0x2ba: {  	v3 =	vld [tilespmem:s17+$0xC0]  }
0x2bb: {  	v4 =	vld [tilespmem:s17+$0xF0]  }
0x2bc: {  	v5 =	vld [tilespmem:s17+$0xE0]  }
0x2bd: {  	v6 =	vld [tilespmem:s17+$0x90];
	v1 =	vmul.f32 v1, v0  }
0x2be: {  	v7 =	vld [tilespmem:s17+$0xB0];
	v2 =	vmul.f32 v2, v0  }
0x2bf: {  	v8 =	vld [tilespmem:s17+$0xD0];
	[tilespmem:s17+$0x80] =	vst v1;
	v1 =	vmul.f32 v3, v0  }
0x2c0: {  	[tilespmem:s17+$0xA0] =	vst v2;
	v2 =	vmul.f32 v4, v0  }
0x2c1: {  	v3 =	vmul.f32 v5, v0;
	[tilespmem:s17+$0xC0] =	vst v1  }
0x2c2: {  	v1 =	vmul.f32 v6, v0;
	[tilespmem:s17+$0xF0] =	vst v2  }
0x2c3: {  	v2 =	vmul.f32 v7, v0;
	[tilespmem:s17+$0xE0] =	vst v3  }
0x2c4: {  	v0 =	vmul.f32 v8, v0;
	[tilespmem:s17+$0x90] =	vst v1  }
0x2c5: {  	[tilespmem:s17+$0xB0] =	vst v2  }
0x2c6: {  	[tilespmem:s17+$0xD0] =	vst v0  }
0x2c7: {  	[spmem:s4] =	stream.indirect.scatter.add.f32 [tilespmem:s24], [sflag:$0x8], $0x80, s3, s23, $0xb8;
	[tilespmem:$0x1C800] =	vst v63  }
0x2c8: {  	_ =	swait.ge [sflag:s31], $0x2000  }
0x2c9: {  	[sflag:s31] =	ssyncset.done $0x0  }
0x2ca: {  	[sflag:s31] =	ssyncadd.s32 $0xFFFFE000  }
0x2cb: {  	_ =	swait.ge [sflag:s9], $0x2000  }
0x2cc: {  	p0 =	seq.s32 s29, $0x13;
	s2 =	rddreg [dreg:$0xc]  }
0x2cd: {  	s2 =	sadd.s32 @!p0 s11, s2  }
0x2ce: {  	s17 =	simm.s32 $0x0;
	[sflag:s9] =	ssyncset.done $0x0;
	s2 =	sshrl.u32 @!p0 s2, $0x3  }
0x2cf: {  	v0 =	vmov s17;
	[sflag:s9] =	ssyncadd.s32 $0xFFFFE000;
	s11 =	simm.s32 @!p0 $0x0;
	s5 =	sadd.s32 @!p0 s15, s2  }
0x2d0: {  	v0 =	vand.u32 $0x7C, v0;
	[tilespmem:s11], [sflag:$0x1] =	stream.linear.gather @!p0 [hbm4b:s5+s11], $0x200, $0x38;
	[tilespmem:$0x1C800] =	vst v63  }
0x2d1: {  	s14 =	simm.s32 @!p0 $0x400;
	v0 =	vor.u32 $0x80, v0;
	s5 =	sadd.s32 @!p0 s6, s2  }
0x2d2: {  	v0 =	vbroadcast v0, $0x0;
	[tilespmem:s14], [sflag:$0x1] =	stream.linear.gather @!p0 [hbm4b:s5+s11], $0x200, $0x38;
	[tilespmem:$0x1C800] =	vst v63  }
0x2d3: {  	s2 =	sadd.s32 @!p0 s7, s2;
	s5 =	simm.s32 @!p0 $0x800  }
0x2d4: {  	[tilespmem:s5], [sflag:$0x1] =	stream.linear.gather @!p0 [hbm4b:s2+s11], $0x200, $0x38;
	[tilespmem:$0x1C800] =	vst v63  }
0x2d5: {  	s14 =	simm.s32 $0x380;
	s11 =	simm.s32 $0x2D00  }
0x2d6: {  	[tilespmem:s10], [sflag:$0x7] =	stream.indirect.gather [hbm4b:s1+s23], $0x80, s14, s23, $0xb8;
	[tilespmem:$0x1C800] =	vst v63  }
0x2d7: {  	v2 =	vld [tilespmem:s11+$0xFFFFFF70]  }
0x2d8: {  	v0 =	vld.idx.msk [tilespmem:v0+s25+$0x0], $0xffff  }
0x2d9: {  	v3 =	vld [tilespmem:s11+$0xFFFFFF00]  }
0x2da: {  	v4 =	vld [tilespmem:s11+$0xFFFFFF20]  }
0x2db: {  	v5 =	vld [tilespmem:s11+$0xFFFFFF30]  }
0x2dc: {  	v1 =	vld [tilespmem:s11+$0xFFFFFF50]  }
0x2dd: {  	s18 =	simm.s32 $0x1;
	v7 =	vld [tilespmem:s11+$0xFFFFFF10];
	v2 =	vmul.f32 v2, v0  }
0x2de: {  	v9 =	vmov s18;
	v6 =	vld [tilespmem:s11+$0xFFFFFF60];
	v3 =	vmul.f32 v3, v0  }
0x2df: {  	v8 =	vld [tilespmem:s11+$0xFFFFFF40];
	v4 =	vmul.f32 v4, v0;
	[tilespmem:s11+$0xFFFFFF70] =	vst v2;
	v2 =	vand.u32 $0x7D, v9  }
0x2e0: {  	v5 =	vmul.f32 v5, v0;
	[tilespmem:s11+$0xFFFFFF00] =	vst v3;
	v2 =	vor.u32 $0x80, v2  }
0x2e1: {  	v1 =	vmul.f32 v1, v0;
	[tilespmem:s11+$0xFFFFFF20] =	vst v4;
	v2 =	vbroadcast v2, $0x0  }
0x2e2: {  	v3 =	vmul.f32 v7, v0;
	[tilespmem:s11+$0xFFFFFF30] =	vst v5  }
0x2e3: {  	v4 =	vmul.f32 v6, v0;
	[tilespmem:s11+$0xFFFFFF50] =	vst v1  }
0x2e4: {  	v0 =	vmul.f32 v8, v0;
	[tilespmem:s11+$0xFFFFFF10] =	vst v3  }
0x2e5: {  	[tilespmem:s11+$0xFFFFFF60] =	vst v4  }
0x2e6: {  	[tilespmem:s11+$0xFFFFFF40] =	vst v0;
	v0 =	vld [tilespmem:s11+$0xFFFFFF80]  }
0x2e7: {  	v2 =	vld.idx.msk [tilespmem:v2+s25+$0x0], $0xffff  }
0x2e8: {  	v1 =	vld [tilespmem:s11+$0xFFFFFFA0]  }
0x2e9: {  	v3 =	vld [tilespmem:s11+$0xFFFFFFF0]  }
0x2ea: {  	v4 =	vld [tilespmem:s11+$0xFFFFFFC0]  }
0x2eb: {  	v5 =	vld [tilespmem:s11+$0xFFFFFF90]  }
0x2ec: {  	s19 =	simm.s32 $0x2;
	v6 =	vld [tilespmem:s11+$0xFFFFFFD0];
	v0 =	vmul.f32 v0, v2  }
0x2ed: {  	v7 =	vld [tilespmem:s11+$0xFFFFFFB0];
	v8 =	vmov s19;
	v1 =	vmul.f32 v1, v2  }
0x2ee: {  	v63 =	vld [tilespmem:s11+$0xFFFFFFE0];
	v3 =	vmul.f32 v3, v2;
	[tilespmem:s11+$0xFFFFFF80] =	vst v0;
	v0 =	vand.u32 $0x7E, v8  }
0x2ef: {  	v4 =	vmul.f32 v4, v2;
	[tilespmem:s11+$0xFFFFFFA0] =	vst v1;
	v0 =	vor.u32 $0x80, v0  }
0x2f0: {  	v1 =	vmul.f32 v5, v2;
	[tilespmem:s11+$0xFFFFFFF0] =	vst v3;
	v3 =	vbroadcast v0, $0x0  }
0x2f1: {  	v5 =	vmul.f32 v6, v2;
	[tilespmem:s11+$0xFFFFFFC0] =	vst v4;
	v6 =	vld [tilespmem:s11+$0x30]  }
0x2f2: {  	v4 =	vmul.f32 v7, v2;
	v0 =	vld [tilespmem:s11+$0x60];
	[tilespmem:s11+$0xFFFFFF90] =	vst v1  }
0x2f3: {  	v2 =	vmul.f32 v63, v2;
	v1 =	vld [tilespmem:s11+$0x70];
	[tilespmem:s11+$0xFFFFFFD0] =	vst v5  }
0x2f4: {  	[tilespmem:s11+$0xFFFFFFB0] =	vst v4;
	v5 =	vld [tilespmem:s11+$0x20]  }
0x2f5: {  	[tilespmem:s11+$0xFFFFFFE0] =	vst v2;
	v4 =	vld [tilespmem:s11+$0x0]  }
0x2f6: {  	v2 =	vld.idx.msk [tilespmem:v3+s25+$0x0], $0xffff  }
0x2f7: {  	s18 =	simm.s32 $0x2D00;
	s5 =	simm.s32 $0x4;
	v3 =	vld [tilespmem:s11+$0x10]  }
.LBB2_13:
0x2f8: {  	p1 =	slt.u32 s5, $0x3C  }
0x2f9: {  	v7 =	vld [tilespmem:s11+$0x50];
	s18 =	sadd.s32 $0x200, s18;
	s2 =	smov.u32 s5;
	s5 =	sadd.s32 $0x4, s5  }
0x2fa: {  	v8 =	vld [tilespmem:s11+$0x40];
	_ =	sdelay $0x1  }
0x2fb: {  	s14 =	sadd.s32 $0x3, s17;
	s17 =	smov.u32 s2;
	v6 =	vmul.f32 v6, v2;
	v4 =	vmul.f32 v4, v2  }
0x2fc: {  	v9 =	vmov s14;
	v5 =	vmul.f32 v5, v2;
	v3 =	vmul.f32 v3, v2  }
0x2fd: {  	v0 =	vmul.f32 v0, v2;
	v1 =	vmul.f32 v1, v2;
	[tilespmem:s11+$0x30] =	vst v6;
	v6 =	vand.u32 $0x7F, v9  }
0x2fe: {  	[tilespmem:s11+$0x20] =	vst v5;
	v5 =	vmul.f32 v8, v2;
	v2 =	vmul.f32 v7, v2;
	v6 =	vor.u32 $0x80, v6  }
0x2ff: {  	[tilespmem:s11+$0x70] =	vst v1;
	v6 =	vbroadcast v6, $0x0;
	v7 =	vld [tilespmem:s11+$0x80]  }
0x300: {  	[tilespmem:s11+$0x60] =	vst v0;
	v8 =	vld [tilespmem:s11+$0xF0]  }
0x301: {  	v0 =	vld [tilespmem:s18+$0x60];
	[tilespmem:s11+$0x50] =	vst v2  }
0x302: {  	v1 =	vld [tilespmem:s18+$0x70];
	[tilespmem:s11+$0x40] =	vst v5  }
0x303: {  	[tilespmem:s11+$0x0] =	vst v4;
	v2 =	vld [tilespmem:s11+$0xD0]  }
0x304: {  	[tilespmem:s11+$0x10] =	vst v3;
	v3 =	vld [tilespmem:s11+$0xB0]  }
0x305: {  	v4 =	vld.idx.msk [tilespmem:v6+s25+$0x0], $0xffff  }
0x306: {  	v5 =	vld [tilespmem:s11+$0x90]  }
0x307: {  	v6 =	vld [tilespmem:s11+$0xA0]  }
0x308: {  	v9 =	vld [tilespmem:s11+$0xC0]  }
0x309: {  	v10 =	vld [tilespmem:s11+$0xE0];
	_ =	sdelay $0x1  }
0x30a: {  	v7 =	vmul.f32 v7, v4;
	v5 =	vmul.f32 v5, v4  }
0x30b: {  	v11 =	vmov s17;
	v3 =	vmul.f32 v3, v4;
	v6 =	vmul.f32 v6, v4  }
0x30c: {  	v11 =	vand.u32 $0x7C, v11;
	v2 =	vmul.f32 v2, v4;
	[tilespmem:s11+$0x80] =	vst v7;
	v7 =	vmul.f32 v9, v4  }
0x30d: {  	v9 =	vor.u32 $0x80, v11;
	[tilespmem:s11+$0xB0] =	vst v3;
	v3 =	vmul.f32 v10, v4;
	v4 =	vmul.f32 v8, v4  }
0x30e: {  	v8 =	vbroadcast v9, $0x0;
	[tilespmem:s11+$0xA0] =	vst v6  }
0x30f: {  	[tilespmem:s11+$0xD0] =	vst v2  }
0x310: {  	v2 =	vld [tilespmem:s18+$0xFFFFFF50];
	[tilespmem:s11+$0xF0] =	vst v4  }
0x311: {  	v4 =	vld [tilespmem:s18+$0xFFFFFF30];
	[tilespmem:s11+$0x90] =	vst v5  }
0x312: {  	v5 =	vld [tilespmem:s18+$0xFFFFFF60];
	[tilespmem:s11+$0xC0] =	vst v7  }
0x313: {  	v6 =	vld [tilespmem:s18+$0xFFFFFF70];
	[tilespmem:s11+$0xE0] =	vst v3;
	s11 =	smov.u32 s18  }
0x314: {  	v3 =	vld.idx.msk [tilespmem:v8+s25+$0x0], $0xffff  }
0x315: {  	v7 =	vld [tilespmem:s18+$0xFFFFFF00]  }
0x316: {  	v8 =	vld [tilespmem:s18+$0xFFFFFF20]  }
0x317: {  	v9 =	vld [tilespmem:s18+$0xFFFFFF10]  }
0x318: {  	v10 =	vld [tilespmem:s18+$0xFFFFFF40];
	_ =	sdelay $0x1  }
0x319: {  	s2 =	sadd.s32 $0x1, s17;
	v6 =	vmul.f32 v6, v3;
	v7 =	vmul.f32 v7, v3  }
0x31a: {  	v11 =	vmov s2;
	v5 =	vmul.f32 v5, v3;
	v8 =	vmul.f32 v8, v3  }
0x31b: {  	v4 =	vmul.f32 v4, v3;
	v9 =	vmul.f32 v9, v3;
	[tilespmem:s18+$0xFFFFFF70] =	vst v6;
	v6 =	vand.u32 $0x7D, v11  }
0x31c: {  	v2 =	vmul.f32 v2, v3;
	[tilespmem:s18+$0xFFFFFF00] =	vst v7;
	v7 =	vmul.f32 v10, v3;
	v3 =	vor.u32 $0x80, v6  }
0x31d: {  	[tilespmem:s18+$0xFFFFFF20] =	vst v8;
	v3 =	vbroadcast v3, $0x0  }
0x31e: {  	[tilespmem:s18+$0xFFFFFF30] =	vst v4  }
0x31f: {  	[tilespmem:s18+$0xFFFFFF50] =	vst v2;
	v2 =	vld [tilespmem:s18+$0xFFFFFFD0]  }
0x320: {  	[tilespmem:s18+$0xFFFFFF10] =	vst v9;
	v4 =	vld [tilespmem:s18+$0xFFFFFFE0]  }
0x321: {  	[tilespmem:s18+$0xFFFFFF60] =	vst v5;
	v5 =	vld [tilespmem:s18+$0xFFFFFFB0]  }
0x322: {  	[tilespmem:s18+$0xFFFFFF40] =	vst v7;
	v6 =	vld [tilespmem:s18+$0xFFFFFFF0]  }
0x323: {  	v3 =	vld.idx.msk [tilespmem:v3+s25+$0x0], $0xffff  }
0x324: {  	v7 =	vld [tilespmem:s18+$0xFFFFFF80]  }
0x325: {  	v8 =	vld [tilespmem:s18+$0xFFFFFFA0]  }
0x326: {  	v9 =	vld [tilespmem:s18+$0xFFFFFFC0]  }
0x327: {  	v10 =	vld [tilespmem:s18+$0xFFFFFF90];
	_ =	sdelay $0x1  }
0x328: {  	s2 =	sadd.s32 $0x2, s17;
	v6 =	vmul.f32 v6, v3;
	v7 =	vmul.f32 v7, v3  }
0x329: {  	v11 =	vmov s2;
	v5 =	vmul.f32 v5, v3;
	v8 =	vmul.f32 v8, v3  }
0x32a: {  	v4 =	vmul.f32 v4, v3;
	[tilespmem:s18+$0xFFFFFF80] =	vst v7;
	v7 =	vmul.f32 v9, v3;
	v9 =	vand.u32 $0x7E, v11  }
0x32b: {  	v2 =	vmul.f32 v2, v3;
	v10 =	vmul.f32 v10, v3;
	[tilespmem:s18+$0xFFFFFFA0] =	vst v8;
	v3 =	vor.u32 $0x80, v9  }
0x32c: {  	[tilespmem:s18+$0xFFFFFFF0] =	vst v6;
	v3 =	vbroadcast v3, $0x0  }
0x32d: {  	[tilespmem:s18+$0xFFFFFFC0] =	vst v7  }
0x32e: {  	[tilespmem:s18+$0xFFFFFF90] =	vst v10  }
0x32f: {  	[tilespmem:s18+$0xFFFFFFD0] =	vst v2  }
.Ltmp5:
0x330: {  	[tilespmem:s18+$0xFFFFFFB0] =	vst v5;
	v6 =	vld [tilespmem:s18+$0x30];
	(pc) =	sbr.rel @p1 .LBB2_13-.Ltmp5, $4  }
0x331: {  	[tilespmem:s18+$0xFFFFFFE0] =	vst v4;
	v5 =	vld [tilespmem:s18+$0x20]  }
0x332: {  	v2 =	vld.idx.msk [tilespmem:v3+s25+$0x0], $0xffff  }
0x333: {  	v4 =	vld [tilespmem:s18+$0x0]  }
0x334: {  	v3 =	vld [tilespmem:s18+$0x10]  }
0x335: {  	_ =	sdelay $0x1  }
0x336: {  	v7 =	vld [tilespmem:s11+$0x50];
	s2 =	sadd.s32 $0x3, s17;
	v6 =	vmul.f32 v6, v2  }
0x337: {  	v8 =	vld [tilespmem:s11+$0x40];
	v9 =	vmov s2;
	v5 =	vmul.f32 v5, v2  }
0x338: {  	v0 =	vmul.f32 v0, v2;
	[tilespmem:s11+$0x30] =	vst v6;
	v6 =	vand.u32 $0x7F, v9  }
0x339: {  	v1 =	vmul.f32 v1, v2;
	[tilespmem:s11+$0x20] =	vst v5;
	v6 =	vor.u32 $0x80, v6  }
0x33a: {  	[tilespmem:s11+$0x60] =	vst v0;
	v0 =	vmul.f32 v4, v2;
	v5 =	vbroadcast v6, $0x0  }
0x33b: {  	[tilespmem:s11+$0x70] =	vst v1;
	v1 =	vmul.f32 v7, v2  }
0x33c: {  	v7 =	vmul.f32 v8, v2;
	[tilespmem:s11+$0x0] =	vst v0  }
0x33d: {  	[tilespmem:s11+$0x50] =	vst v1;
	v1 =	vmul.f32 v3, v2  }
0x33e: {  	[tilespmem:s11+$0x40] =	vst v7  }
0x33f: {  	v6 =	vld [tilespmem:s11+$0x80];
	[tilespmem:s11+$0x10] =	vst v1  }
0x340: {  	v0 =	vld.idx.msk [tilespmem:v5+s25+$0x0], $0xffff  }
0x341: {  	v1 =	vld [tilespmem:s11+$0xB0]  }
0x342: {  	v2 =	vld [tilespmem:s11+$0xA0]  }
0x343: {  	v3 =	vld [tilespmem:s11+$0xD0]  }
0x344: {  	v4 =	vld [tilespmem:s11+$0xF0]  }
0x345: {  	v5 =	vld [tilespmem:s11+$0x90];
	v6 =	vmul.f32 v6, v0  }
0x346: {  	v7 =	vld [tilespmem:s11+$0xC0];
	v1 =	vmul.f32 v1, v0  }
0x347: {  	v8 =	vld [tilespmem:s11+$0xE0];
	v2 =	vmul.f32 v2, v0;
	[tilespmem:s11+$0x80] =	vst v6  }
0x348: {  	v3 =	vmul.f32 v3, v0;
	[tilespmem:s11+$0xB0] =	vst v1  }
0x349: {  	v1 =	vmul.f32 v4, v0;
	[tilespmem:s11+$0xA0] =	vst v2  }
0x34a: {  	v2 =	vmul.f32 v5, v0;
	[tilespmem:s11+$0xD0] =	vst v3  }
0x34b: {  	v3 =	vmul.f32 v7, v0;
	[tilespmem:s11+$0xF0] =	vst v1  }
0x34c: {  	v0 =	vmul.f32 v8, v0;
	[tilespmem:s11+$0x90] =	vst v2  }
0x34d: {  	[tilespmem:s11+$0xC0] =	vst v3  }
0x34e: {  	s17 =	simm.s32 $0x680;
	[tilespmem:s11+$0xE0] =	vst v0  }
0x34f: {  	[spmem:s4] =	stream.indirect.scatter.add.f32 [tilespmem:s26], [sflag:$0x9], $0x80, s17, s23, $0xb8;
	[tilespmem:$0x1C800] =	vst v63  }
0x350: {  	_ =	swait.ge [sflag:s12], $0x2000  }
0x351: {  	[sflag:s12] =	ssyncset.done $0x0  }
0x352: {  	[sflag:s12] =	ssyncadd.s32 $0xFFFFE000  }
0x353: {  	_ =	swait.ge [sflag:s13], $0x2000  }
0x354: {  	[sflag:s13] =	ssyncset.done $0x0  }
0x355: {  	s2 =	simm.s32 @!p0 $0x1;
	[sflag:s13] =	ssyncadd.s32 $0xFFFFE000  }
0x356: {  	_ =	swait.ge @!p0 [sflag:s2], $0x200  }
0x357: {  	[sflag:s2] =	ssyncset.done @!p0 $0x0  }
0x358: {  	s17 =	simm.s32 $0x0;
	[sflag:s2] =	ssyncadd.s32 @!p0 $0xFFFFFE00  }
0x359: {  	v0 =	vmov s17;
	_ =	swait.ge @!p0 [sflag:s2], $0x200  }
0x35a: {  	v0 =	vand.u32 $0x7C, v0;
	[sflag:s2] =	ssyncset.done @!p0 $0x0  }
0x35b: {  	v0 =	vor.u32 $0x100, v0;
	[sflag:s2] =	ssyncadd.s32 @!p0 $0xFFFFFE00  }
0x35c: {  	v0 =	vbroadcast v0, $0x0;
	_ =	swait.ge @!p0 [sflag:s2], $0x200  }
0x35d: {  	s5 =	simm.s32 @!p0 $0x0;
	[sflag:s2] =	ssyncset.done @!p0 $0x0  }
0x35e: {  	s11 =	simm.s32 @!p0 $0xC00;
	[sflag:s2] =	ssyncadd.s32 @!p0 $0xFFFFFE00;
	s2 =	simm.s32 @!p0 $0x40  }
0x35f: {  	[tilespmem:s11], [sflag:$0x4] =	stream.indirect.gather @!p0 [hbm4b:s1+s2], $0x80, s5, s2, $0xb8;
	[tilespmem:$0x1C800] =	vst v63  }
0x360: {  	s11 =	simm.s32 $0x4D00  }
0x361: {  	v2 =	vld [tilespmem:s11+$0xFFFFFF70]  }
0x362: {  	v0 =	vld.idx.msk [tilespmem:v0+s25+$0x0], $0xffff  }
0x363: {  	v3 =	vld [tilespmem:s11+$0xFFFFFF00]  }
0x364: {  	v4 =	vld [tilespmem:s11+$0xFFFFFF20]  }
0x365: {  	v5 =	vld [tilespmem:s11+$0xFFFFFF30]  }
0x366: {  	v1 =	vld [tilespmem:s11+$0xFFFFFF50]  }
0x367: {  	s18 =	simm.s32 $0x1;
	v7 =	vld [tilespmem:s11+$0xFFFFFF10];
	v2 =	vmul.f32 v2, v0  }
0x368: {  	v62 =	vmov s18;
	v6 =	vld [tilespmem:s11+$0xFFFFFF60];
	v3 =	vmul.f32 v3, v0  }
0x369: {  	v8 =	vld [tilespmem:s11+$0xFFFFFF40];
	v4 =	vmul.f32 v4, v0;
	[tilespmem:s11+$0xFFFFFF70] =	vst v2;
	v2 =	vand.u32 $0x7D, v62  }
0x36a: {  	v5 =	vmul.f32 v5, v0;
	[tilespmem:s11+$0xFFFFFF00] =	vst v3;
	v2 =	vor.u32 $0x100, v2  }
0x36b: {  	v1 =	vmul.f32 v1, v0;
	[tilespmem:s11+$0xFFFFFF20] =	vst v4;
	v2 =	vbroadcast v2, $0x0  }
0x36c: {  	v3 =	vmul.f32 v7, v0;
	[tilespmem:s11+$0xFFFFFF30] =	vst v5  }
0x36d: {  	v4 =	vmul.f32 v6, v0;
	[tilespmem:s11+$0xFFFFFF50] =	vst v1  }
0x36e: {  	v0 =	vmul.f32 v8, v0;
	[tilespmem:s11+$0xFFFFFF10] =	vst v3  }
0x36f: {  	[tilespmem:s11+$0xFFFFFF60] =	vst v4  }
0x370: {  	[tilespmem:s11+$0xFFFFFF40] =	vst v0;
	v0 =	vld [tilespmem:s11+$0xFFFFFF80]  }
0x371: {  	v2 =	vld.idx.msk [tilespmem:v2+s25+$0x0], $0xffff  }
0x372: {  	v1 =	vld [tilespmem:s11+$0xFFFFFFA0]  }
0x373: {  	v3 =	vld [tilespmem:s11+$0xFFFFFFF0]  }
0x374: {  	v4 =	vld [tilespmem:s11+$0xFFFFFFC0]  }
0x375: {  	v5 =	vld [tilespmem:s11+$0xFFFFFF90]  }
0x376: {  	s19 =	simm.s32 $0x2;
	v6 =	vld [tilespmem:s11+$0xFFFFFFD0];
	v0 =	vmul.f32 v0, v2  }
0x377: {  	v7 =	vld [tilespmem:s11+$0xFFFFFFB0];
	v8 =	vmov s19;
	v1 =	vmul.f32 v1, v2  }
0x378: {  	v63 =	vld [tilespmem:s11+$0xFFFFFFE0];
	v3 =	vmul.f32 v3, v2;
	[tilespmem:s11+$0xFFFFFF80] =	vst v0;
	v0 =	vand.u32 $0x7E, v8  }
0x379: {  	v4 =	vmul.f32 v4, v2;
	[tilespmem:s11+$0xFFFFFFA0] =	vst v1;
	v0 =	vor.u32 $0x100, v0  }
0x37a: {  	v1 =	vmul.f32 v5, v2;
	[tilespmem:s11+$0xFFFFFFF0] =	vst v3;
	v3 =	vbroadcast v0, $0x0  }
0x37b: {  	v5 =	vmul.f32 v6, v2;
	[tilespmem:s11+$0xFFFFFFC0] =	vst v4;
	v6 =	vld [tilespmem:s11+$0x30]  }
0x37c: {  	v4 =	vmul.f32 v7, v2;
	v0 =	vld [tilespmem:s11+$0x60];
	[tilespmem:s11+$0xFFFFFF90] =	vst v1  }
0x37d: {  	v2 =	vmul.f32 v63, v2;
	v1 =	vld [tilespmem:s11+$0x70];
	[tilespmem:s11+$0xFFFFFFD0] =	vst v5  }
0x37e: {  	[tilespmem:s11+$0xFFFFFFB0] =	vst v4;
	v5 =	vld [tilespmem:s11+$0x20]  }
0x37f: {  	[tilespmem:s11+$0xFFFFFFE0] =	vst v2;
	v4 =	vld [tilespmem:s11+$0x0]  }
0x380: {  	v2 =	vld.idx.msk [tilespmem:v3+s25+$0x0], $0xffff  }
0x381: {  	s18 =	simm.s32 $0x4D00;
	s5 =	simm.s32 $0x4;
	v3 =	vld [tilespmem:s11+$0x10]  }
.LBB2_15:
0x382: {  	p1 =	slt.u32 s5, $0x3C  }
0x383: {  	v7 =	vld [tilespmem:s11+$0x50];
	s18 =	sadd.s32 $0x200, s18;
	s2 =	smov.u32 s5;
	s5 =	sadd.s32 $0x4, s5  }
0x384: {  	v8 =	vld [tilespmem:s11+$0x40];
	_ =	sdelay $0x1  }
0x385: {  	s14 =	sadd.s32 $0x3, s17;
	s17 =	smov.u32 s2;
	v6 =	vmul.f32 v6, v2;
	v4 =	vmul.f32 v4, v2  }
0x386: {  	v9 =	vmov s14;
	v5 =	vmul.f32 v5, v2;
	v3 =	vmul.f32 v3, v2  }
0x387: {  	v0 =	vmul.f32 v0, v2;
	v1 =	vmul.f32 v1, v2;
	[tilespmem:s11+$0x30] =	vst v6;
	v6 =	vand.u32 $0x7F, v9  }
0x388: {  	[tilespmem:s11+$0x20] =	vst v5;
	v5 =	vmul.f32 v8, v2;
	v2 =	vmul.f32 v7, v2;
	v6 =	vor.u32 $0x100, v6  }
0x389: {  	[tilespmem:s11+$0x70] =	vst v1;
	v6 =	vbroadcast v6, $0x0;
	v7 =	vld [tilespmem:s11+$0x80]  }
0x38a: {  	[tilespmem:s11+$0x60] =	vst v0;
	v8 =	vld [tilespmem:s11+$0xF0]  }
0x38b: {  	v0 =	vld [tilespmem:s18+$0x60];
	[tilespmem:s11+$0x50] =	vst v2  }
0x38c: {  	v1 =	vld [tilespmem:s18+$0x70];
	[tilespmem:s11+$0x40] =	vst v5  }
0x38d: {  	[tilespmem:s11+$0x0] =	vst v4;
	v2 =	vld [tilespmem:s11+$0xD0]  }
0x38e: {  	[tilespmem:s11+$0x10] =	vst v3;
	v3 =	vld [tilespmem:s11+$0xB0]  }
0x38f: {  	v4 =	vld.idx.msk [tilespmem:v6+s25+$0x0], $0xffff  }
0x390: {  	v5 =	vld [tilespmem:s11+$0x90]  }
0x391: {  	v6 =	vld [tilespmem:s11+$0xA0]  }
0x392: {  	v9 =	vld [tilespmem:s11+$0xC0]  }
0x393: {  	v10 =	vld [tilespmem:s11+$0xE0];
	_ =	sdelay $0x1  }
0x394: {  	v7 =	vmul.f32 v7, v4;
	v5 =	vmul.f32 v5, v4  }
0x395: {  	v11 =	vmov s17;
	v3 =	vmul.f32 v3, v4;
	v6 =	vmul.f32 v6, v4  }
0x396: {  	v11 =	vand.u32 $0x7C, v11;
	v2 =	vmul.f32 v2, v4;
	[tilespmem:s11+$0x80] =	vst v7;
	v7 =	vmul.f32 v9, v4  }
0x397: {  	v9 =	vor.u32 $0x100, v11;
	[tilespmem:s11+$0xB0] =	vst v3;
	v3 =	vmul.f32 v10, v4;
	v4 =	vmul.f32 v8, v4  }
0x398: {  	v8 =	vbroadcast v9, $0x0;
	[tilespmem:s11+$0xA0] =	vst v6  }
0x399: {  	[tilespmem:s11+$0xD0] =	vst v2  }
0x39a: {  	v2 =	vld [tilespmem:s18+$0xFFFFFF50];
	[tilespmem:s11+$0xF0] =	vst v4  }
0x39b: {  	v4 =	vld [tilespmem:s18+$0xFFFFFF30];
	[tilespmem:s11+$0x90] =	vst v5  }
0x39c: {  	v5 =	vld [tilespmem:s18+$0xFFFFFF60];
	[tilespmem:s11+$0xC0] =	vst v7  }
0x39d: {  	v6 =	vld [tilespmem:s18+$0xFFFFFF70];
	[tilespmem:s11+$0xE0] =	vst v3;
	s11 =	smov.u32 s18  }
0x39e: {  	v3 =	vld.idx.msk [tilespmem:v8+s25+$0x0], $0xffff  }
0x39f: {  	v7 =	vld [tilespmem:s18+$0xFFFFFF00]  }
0x3a0: {  	v8 =	vld [tilespmem:s18+$0xFFFFFF20]  }
0x3a1: {  	v9 =	vld [tilespmem:s18+$0xFFFFFF10]  }
0x3a2: {  	v10 =	vld [tilespmem:s18+$0xFFFFFF40];
	_ =	sdelay $0x1  }
0x3a3: {  	s2 =	sadd.s32 $0x1, s17;
	v6 =	vmul.f32 v6, v3;
	v7 =	vmul.f32 v7, v3  }
0x3a4: {  	v11 =	vmov s2;
	v5 =	vmul.f32 v5, v3;
	v8 =	vmul.f32 v8, v3  }
0x3a5: {  	v4 =	vmul.f32 v4, v3;
	v9 =	vmul.f32 v9, v3;
	[tilespmem:s18+$0xFFFFFF70] =	vst v6;
	v6 =	vand.u32 $0x7D, v11  }
0x3a6: {  	v2 =	vmul.f32 v2, v3;
	[tilespmem:s18+$0xFFFFFF00] =	vst v7;
	v7 =	vmul.f32 v10, v3;
	v3 =	vor.u32 $0x100, v6  }
0x3a7: {  	[tilespmem:s18+$0xFFFFFF20] =	vst v8;
	v3 =	vbroadcast v3, $0x0  }
0x3a8: {  	[tilespmem:s18+$0xFFFFFF30] =	vst v4  }
0x3a9: {  	[tilespmem:s18+$0xFFFFFF50] =	vst v2;
	v2 =	vld [tilespmem:s18+$0xFFFFFFD0]  }
0x3aa: {  	[tilespmem:s18+$0xFFFFFF10] =	vst v9;
	v4 =	vld [tilespmem:s18+$0xFFFFFFE0]  }
0x3ab: {  	[tilespmem:s18+$0xFFFFFF60] =	vst v5;
	v5 =	vld [tilespmem:s18+$0xFFFFFFB0]  }
0x3ac: {  	[tilespmem:s18+$0xFFFFFF40] =	vst v7;
	v6 =	vld [tilespmem:s18+$0xFFFFFFF0]  }
0x3ad: {  	v3 =	vld.idx.msk [tilespmem:v3+s25+$0x0], $0xffff  }
0x3ae: {  	v7 =	vld [tilespmem:s18+$0xFFFFFF80]  }
0x3af: {  	v8 =	vld [tilespmem:s18+$0xFFFFFFA0]  }
0x3b0: {  	v9 =	vld [tilespmem:s18+$0xFFFFFFC0]  }
0x3b1: {  	v10 =	vld [tilespmem:s18+$0xFFFFFF90];
	_ =	sdelay $0x1  }
0x3b2: {  	s2 =	sadd.s32 $0x2, s17;
	v6 =	vmul.f32 v6, v3;
	v7 =	vmul.f32 v7, v3  }
0x3b3: {  	v11 =	vmov s2;
	v5 =	vmul.f32 v5, v3;
	v8 =	vmul.f32 v8, v3  }
0x3b4: {  	v4 =	vmul.f32 v4, v3;
	[tilespmem:s18+$0xFFFFFF80] =	vst v7;
	v7 =	vmul.f32 v9, v3;
	v9 =	vand.u32 $0x7E, v11  }
0x3b5: {  	v2 =	vmul.f32 v2, v3;
	v10 =	vmul.f32 v10, v3;
	[tilespmem:s18+$0xFFFFFFA0] =	vst v8;
	v3 =	vor.u32 $0x100, v9  }
0x3b6: {  	[tilespmem:s18+$0xFFFFFFF0] =	vst v6;
	v3 =	vbroadcast v3, $0x0  }
0x3b7: {  	[tilespmem:s18+$0xFFFFFFC0] =	vst v7  }
0x3b8: {  	[tilespmem:s18+$0xFFFFFF90] =	vst v10  }
0x3b9: {  	[tilespmem:s18+$0xFFFFFFD0] =	vst v2  }
.Ltmp6:
0x3ba: {  	[tilespmem:s18+$0xFFFFFFB0] =	vst v5;
	v6 =	vld [tilespmem:s18+$0x30];
	(pc) =	sbr.rel @p1 .LBB2_15-.Ltmp6, $4  }
0x3bb: {  	[tilespmem:s18+$0xFFFFFFE0] =	vst v4;
	v5 =	vld [tilespmem:s18+$0x20]  }
0x3bc: {  	v2 =	vld.idx.msk [tilespmem:v3+s25+$0x0], $0xffff  }
0x3bd: {  	v4 =	vld [tilespmem:s18+$0x0]  }
0x3be: {  	v3 =	vld [tilespmem:s18+$0x10]  }
0x3bf: {  	_ =	sdelay $0x1  }
0x3c0: {  	v7 =	vld [tilespmem:s11+$0x50];
	s2 =	sadd.s32 $0x3, s17;
	v6 =	vmul.f32 v6, v2  }
0x3c1: {  	v8 =	vld [tilespmem:s11+$0x40];
	v9 =	vmov s2;
	v5 =	vmul.f32 v5, v2  }
0x3c2: {  	v0 =	vmul.f32 v0, v2;
	[tilespmem:s11+$0x30] =	vst v6;
	v6 =	vand.u32 $0x7F, v9  }
0x3c3: {  	v1 =	vmul.f32 v1, v2;
	[tilespmem:s11+$0x20] =	vst v5;
	v6 =	vor.u32 $0x100, v6  }
0x3c4: {  	[tilespmem:s11+$0x60] =	vst v0;
	v0 =	vmul.f32 v4, v2;
	v5 =	vbroadcast v6, $0x0  }
0x3c5: {  	[tilespmem:s11+$0x70] =	vst v1;
	v1 =	vmul.f32 v7, v2  }
0x3c6: {  	v7 =	vmul.f32 v8, v2;
	[tilespmem:s11+$0x0] =	vst v0  }
0x3c7: {  	[tilespmem:s11+$0x50] =	vst v1;
	v1 =	vmul.f32 v3, v2  }
0x3c8: {  	[tilespmem:s11+$0x40] =	vst v7  }
0x3c9: {  	v6 =	vld [tilespmem:s11+$0x80];
	[tilespmem:s11+$0x10] =	vst v1  }
0x3ca: {  	v0 =	vld.idx.msk [tilespmem:v5+s25+$0x0], $0xffff  }
0x3cb: {  	v1 =	vld [tilespmem:s11+$0xB0]  }
0x3cc: {  	v2 =	vld [tilespmem:s11+$0xA0]  }
0x3cd: {  	v3 =	vld [tilespmem:s11+$0xD0]  }
0x3ce: {  	v4 =	vld [tilespmem:s11+$0xF0]  }
0x3cf: {  	v5 =	vld [tilespmem:s11+$0x90];
	v6 =	vmul.f32 v6, v0  }
0x3d0: {  	v7 =	vld [tilespmem:s11+$0xC0];
	v1 =	vmul.f32 v1, v0  }
0x3d1: {  	v8 =	vld [tilespmem:s11+$0xE0];
	v2 =	vmul.f32 v2, v0;
	[tilespmem:s11+$0x80] =	vst v6  }
0x3d2: {  	v3 =	vmul.f32 v3, v0;
	[tilespmem:s11+$0xB0] =	vst v1  }
0x3d3: {  	v1 =	vmul.f32 v4, v0;
	[tilespmem:s11+$0xA0] =	vst v2  }
0x3d4: {  	v2 =	vmul.f32 v5, v0;
	[tilespmem:s11+$0xD0] =	vst v3  }
0x3d5: {  	v3 =	vmul.f32 v7, v0;
	[tilespmem:s11+$0xF0] =	vst v1  }
0x3d6: {  	v0 =	vmul.f32 v8, v0;
	[tilespmem:s11+$0x90] =	vst v2  }
0x3d7: {  	[tilespmem:s11+$0xC0] =	vst v3  }
0x3d8: {  	s17 =	simm.s32 $0x700;
	[tilespmem:s11+$0xE0] =	vst v0  }
0x3d9: {  	[spmem:s4] =	stream.indirect.scatter.add.f32 [tilespmem:s30], [sflag:$0xA], $0x80, s17, s23, $0xb8;
	[tilespmem:$0x1C800] =	vst v63  }
0x3da: {  	s17 =	simm.s32 $0x0  }
0x3db: {  	_ =	swait.ge [sflag:s8], $0x2000;
	v0 =	vmov s17  }
0x3dc: {  	[sflag:s8] =	ssyncset.done $0x0;
	v0 =	vand.u32 $0x7C, v0  }
0x3dd: {  	[sflag:s8] =	ssyncadd.s32 $0xFFFFE000;
	v0 =	vor.u32 $0x180, v0  }
0x3de: {  	_ =	swait.ge [sflag:s22], $0x2000;
	v0 =	vbroadcast v0, $0x0  }
0x3df: {  	s5 =	simm.s32 @!p0 $0x80;
	[sflag:s22] =	ssyncset.done $0x0  }
0x3e0: {  	s2 =	simm.s32 @!p0 $0x40;
	s11 =	simm.s32 @!p0 $0x2C00;
	[sflag:s22] =	ssyncadd.s32 $0xFFFFE000  }
0x3e1: {  	[tilespmem:s11], [sflag:$0x5] =	stream.indirect.gather @!p0 [hbm4b:s1+s2], $0x80, s5, s2, $0xb8;
	[tilespmem:$0x1C800] =	vst v63  }
0x3e2: {  	s11 =	simm.s32 $0x6D00  }
0x3e3: {  	v2 =	vld [tilespmem:s11+$0xFFFFFF70]  }
0x3e4: {  	v0 =	vld.idx.msk [tilespmem:v0+s25+$0x0], $0xffff  }
0x3e5: {  	v3 =	vld [tilespmem:s11+$0xFFFFFF00]  }
0x3e6: {  	v4 =	vld [tilespmem:s11+$0xFFFFFF20]  }
0x3e7: {  	v5 =	vld [tilespmem:s11+$0xFFFFFF30]  }
0x3e8: {  	v1 =	vld [tilespmem:s11+$0xFFFFFF50]  }
0x3e9: {  	s18 =	simm.s32 $0x1;
	v7 =	vld [tilespmem:s11+$0xFFFFFF10];
	v2 =	vmul.f32 v2, v0  }
0x3ea: {  	v62 =	vmov s18;
	v6 =	vld [tilespmem:s11+$0xFFFFFF60];
	v3 =	vmul.f32 v3, v0  }
0x3eb: {  	v8 =	vld [tilespmem:s11+$0xFFFFFF40];
	v4 =	vmul.f32 v4, v0;
	[tilespmem:s11+$0xFFFFFF70] =	vst v2;
	v2 =	vand.u32 $0x7D, v62  }
0x3ec: {  	v5 =	vmul.f32 v5, v0;
	[tilespmem:s11+$0xFFFFFF00] =	vst v3;
	v2 =	vor.u32 $0x180, v2  }
0x3ed: {  	v1 =	vmul.f32 v1, v0;
	[tilespmem:s11+$0xFFFFFF20] =	vst v4;
	v2 =	vbroadcast v2, $0x0  }
0x3ee: {  	v3 =	vmul.f32 v7, v0;
	[tilespmem:s11+$0xFFFFFF30] =	vst v5  }
0x3ef: {  	v4 =	vmul.f32 v6, v0;
	[tilespmem:s11+$0xFFFFFF50] =	vst v1  }
0x3f0: {  	v0 =	vmul.f32 v8, v0;
	[tilespmem:s11+$0xFFFFFF10] =	vst v3  }
0x3f1: {  	[tilespmem:s11+$0xFFFFFF60] =	vst v4  }
0x3f2: {  	[tilespmem:s11+$0xFFFFFF40] =	vst v0;
	v0 =	vld [tilespmem:s11+$0xFFFFFF80]  }
0x3f3: {  	v2 =	vld.idx.msk [tilespmem:v2+s25+$0x0], $0xffff  }
0x3f4: {  	v1 =	vld [tilespmem:s11+$0xFFFFFFA0]  }
0x3f5: {  	v3 =	vld [tilespmem:s11+$0xFFFFFFF0]  }
0x3f6: {  	v4 =	vld [tilespmem:s11+$0xFFFFFFC0]  }
0x3f7: {  	v5 =	vld [tilespmem:s11+$0xFFFFFF90]  }
0x3f8: {  	s19 =	simm.s32 $0x2;
	v6 =	vld [tilespmem:s11+$0xFFFFFFD0];
	v0 =	vmul.f32 v0, v2  }
0x3f9: {  	v7 =	vld [tilespmem:s11+$0xFFFFFFB0];
	v8 =	vmov s19;
	v1 =	vmul.f32 v1, v2  }
0x3fa: {  	v63 =	vld [tilespmem:s11+$0xFFFFFFE0];
	v3 =	vmul.f32 v3, v2;
	[tilespmem:s11+$0xFFFFFF80] =	vst v0;
	v0 =	vand.u32 $0x7E, v8  }
0x3fb: {  	v4 =	vmul.f32 v4, v2;
	[tilespmem:s11+$0xFFFFFFA0] =	vst v1;
	v0 =	vor.u32 $0x180, v0  }
0x3fc: {  	v1 =	vmul.f32 v5, v2;
	[tilespmem:s11+$0xFFFFFFF0] =	vst v3;
	v3 =	vbroadcast v0, $0x0  }
0x3fd: {  	v5 =	vmul.f32 v6, v2;
	[tilespmem:s11+$0xFFFFFFC0] =	vst v4;
	v6 =	vld [tilespmem:s11+$0x30]  }
0x3fe: {  	v4 =	vmul.f32 v7, v2;
	v0 =	vld [tilespmem:s11+$0x60];
	[tilespmem:s11+$0xFFFFFF90] =	vst v1  }
0x3ff: {  	v2 =	vmul.f32 v63, v2;
	v1 =	vld [tilespmem:s11+$0x70];
	[tilespmem:s11+$0xFFFFFFD0] =	vst v5  }
0x400: {  	[tilespmem:s11+$0xFFFFFFB0] =	vst v4;
	v5 =	vld [tilespmem:s11+$0x20]  }
0x401: {  	[tilespmem:s11+$0xFFFFFFE0] =	vst v2;
	v4 =	vld [tilespmem:s11+$0x0]  }
0x402: {  	v2 =	vld.idx.msk [tilespmem:v3+s25+$0x0], $0xffff  }
0x403: {  	s18 =	simm.s32 $0x6D00;
	s5 =	simm.s32 $0x4;
	v3 =	vld [tilespmem:s11+$0x10]  }
.LBB2_17:
0x404: {  	p0 =	slt.u32 s5, $0x3C  }
0x405: {  	v7 =	vld [tilespmem:s11+$0x50];
	s18 =	sadd.s32 $0x200, s18;
	s2 =	smov.u32 s5;
	s5 =	sadd.s32 $0x4, s5  }
0x406: {  	v8 =	vld [tilespmem:s11+$0x40];
	_ =	sdelay $0x1  }
0x407: {  	s14 =	sadd.s32 $0x3, s17;
	s17 =	smov.u32 s2;
	v6 =	vmul.f32 v6, v2;
	v4 =	vmul.f32 v4, v2  }
0x408: {  	v9 =	vmov s14;
	v5 =	vmul.f32 v5, v2;
	v3 =	vmul.f32 v3, v2  }
0x409: {  	v0 =	vmul.f32 v0, v2;
	v1 =	vmul.f32 v1, v2;
	[tilespmem:s11+$0x30] =	vst v6;
	v6 =	vand.u32 $0x7F, v9  }
0x40a: {  	[tilespmem:s11+$0x20] =	vst v5;
	v5 =	vmul.f32 v8, v2;
	v2 =	vmul.f32 v7, v2;
	v6 =	vor.u32 $0x180, v6  }
0x40b: {  	[tilespmem:s11+$0x70] =	vst v1;
	v6 =	vbroadcast v6, $0x0;
	v7 =	vld [tilespmem:s11+$0x80]  }
0x40c: {  	[tilespmem:s11+$0x60] =	vst v0;
	v8 =	vld [tilespmem:s11+$0xF0]  }
0x40d: {  	v0 =	vld [tilespmem:s18+$0x60];
	[tilespmem:s11+$0x50] =	vst v2  }
0x40e: {  	v1 =	vld [tilespmem:s18+$0x70];
	[tilespmem:s11+$0x40] =	vst v5  }
0x40f: {  	[tilespmem:s11+$0x0] =	vst v4;
	v2 =	vld [tilespmem:s11+$0xD0]  }
0x410: {  	[tilespmem:s11+$0x10] =	vst v3;
	v3 =	vld [tilespmem:s11+$0xB0]  }
0x411: {  	v4 =	vld.idx.msk [tilespmem:v6+s25+$0x0], $0xffff  }
0x412: {  	v5 =	vld [tilespmem:s11+$0x90]  }
0x413: {  	v6 =	vld [tilespmem:s11+$0xA0]  }
0x414: {  	v9 =	vld [tilespmem:s11+$0xC0]  }
0x415: {  	v10 =	vld [tilespmem:s11+$0xE0];
	_ =	sdelay $0x1  }
0x416: {  	v7 =	vmul.f32 v7, v4;
	v5 =	vmul.f32 v5, v4  }
0x417: {  	v11 =	vmov s17;
	v3 =	vmul.f32 v3, v4;
	v6 =	vmul.f32 v6, v4  }
0x418: {  	v11 =	vand.u32 $0x7C, v11;
	v2 =	vmul.f32 v2, v4;
	[tilespmem:s11+$0x80] =	vst v7;
	v7 =	vmul.f32 v9, v4  }
0x419: {  	v9 =	vor.u32 $0x180, v11;
	[tilespmem:s11+$0xB0] =	vst v3;
	v3 =	vmul.f32 v10, v4;
	v4 =	vmul.f32 v8, v4  }
0x41a: {  	v8 =	vbroadcast v9, $0x0;
	[tilespmem:s11+$0xA0] =	vst v6  }
0x41b: {  	[tilespmem:s11+$0xD0] =	vst v2  }
0x41c: {  	v2 =	vld [tilespmem:s18+$0xFFFFFF50];
	[tilespmem:s11+$0xF0] =	vst v4  }
0x41d: {  	v4 =	vld [tilespmem:s18+$0xFFFFFF30];
	[tilespmem:s11+$0x90] =	vst v5  }
0x41e: {  	v5 =	vld [tilespmem:s18+$0xFFFFFF60];
	[tilespmem:s11+$0xC0] =	vst v7  }
0x41f: {  	v6 =	vld [tilespmem:s18+$0xFFFFFF70];
	[tilespmem:s11+$0xE0] =	vst v3;
	s11 =	smov.u32 s18  }
0x420: {  	v3 =	vld.idx.msk [tilespmem:v8+s25+$0x0], $0xffff  }
0x421: {  	v7 =	vld [tilespmem:s18+$0xFFFFFF00]  }
0x422: {  	v8 =	vld [tilespmem:s18+$0xFFFFFF20]  }
0x423: {  	v9 =	vld [tilespmem:s18+$0xFFFFFF10]  }
0x424: {  	v10 =	vld [tilespmem:s18+$0xFFFFFF40];
	_ =	sdelay $0x1  }
0x425: {  	s2 =	sadd.s32 $0x1, s17;
	v6 =	vmul.f32 v6, v3;
	v7 =	vmul.f32 v7, v3  }
0x426: {  	v11 =	vmov s2;
	v5 =	vmul.f32 v5, v3;
	v8 =	vmul.f32 v8, v3  }
0x427: {  	v4 =	vmul.f32 v4, v3;
	v9 =	vmul.f32 v9, v3;
	[tilespmem:s18+$0xFFFFFF70] =	vst v6;
	v6 =	vand.u32 $0x7D, v11  }
0x428: {  	v2 =	vmul.f32 v2, v3;
	[tilespmem:s18+$0xFFFFFF00] =	vst v7;
	v7 =	vmul.f32 v10, v3;
	v3 =	vor.u32 $0x180, v6  }
0x429: {  	[tilespmem:s18+$0xFFFFFF20] =	vst v8;
	v3 =	vbroadcast v3, $0x0  }
0x42a: {  	[tilespmem:s18+$0xFFFFFF30] =	vst v4  }
0x42b: {  	[tilespmem:s18+$0xFFFFFF50] =	vst v2;
	v2 =	vld [tilespmem:s18+$0xFFFFFFD0]  }
0x42c: {  	[tilespmem:s18+$0xFFFFFF10] =	vst v9;
	v4 =	vld [tilespmem:s18+$0xFFFFFFE0]  }
0x42d: {  	[tilespmem:s18+$0xFFFFFF60] =	vst v5;
	v5 =	vld [tilespmem:s18+$0xFFFFFFB0]  }
0x42e: {  	[tilespmem:s18+$0xFFFFFF40] =	vst v7;
	v6 =	vld [tilespmem:s18+$0xFFFFFFF0]  }
0x42f: {  	v3 =	vld.idx.msk [tilespmem:v3+s25+$0x0], $0xffff  }
0x430: {  	v7 =	vld [tilespmem:s18+$0xFFFFFF80]  }
0x431: {  	v8 =	vld [tilespmem:s18+$0xFFFFFFA0]  }
0x432: {  	v9 =	vld [tilespmem:s18+$0xFFFFFFC0]  }
0x433: {  	v10 =	vld [tilespmem:s18+$0xFFFFFF90];
	_ =	sdelay $0x1  }
0x434: {  	s2 =	sadd.s32 $0x2, s17;
	v6 =	vmul.f32 v6, v3;
	v7 =	vmul.f32 v7, v3  }
0x435: {  	v11 =	vmov s2;
	v5 =	vmul.f32 v5, v3;
	v8 =	vmul.f32 v8, v3  }
0x436: {  	v4 =	vmul.f32 v4, v3;
	[tilespmem:s18+$0xFFFFFF80] =	vst v7;
	v7 =	vmul.f32 v9, v3;
	v9 =	vand.u32 $0x7E, v11  }
0x437: {  	v2 =	vmul.f32 v2, v3;
	v10 =	vmul.f32 v10, v3;
	[tilespmem:s18+$0xFFFFFFA0] =	vst v8;
	v3 =	vor.u32 $0x180, v9  }
0x438: {  	[tilespmem:s18+$0xFFFFFFF0] =	vst v6;
	v3 =	vbroadcast v3, $0x0  }
0x439: {  	[tilespmem:s18+$0xFFFFFFC0] =	vst v7  }
0x43a: {  	[tilespmem:s18+$0xFFFFFF90] =	vst v10  }
0x43b: {  	[tilespmem:s18+$0xFFFFFFD0] =	vst v2  }
.Ltmp7:
0x43c: {  	[tilespmem:s18+$0xFFFFFFB0] =	vst v5;
	v6 =	vld [tilespmem:s18+$0x30];
	(pc) =	sbr.rel @p0 .LBB2_17-.Ltmp7, $4  }
0x43d: {  	[tilespmem:s18+$0xFFFFFFE0] =	vst v4;
	v5 =	vld [tilespmem:s18+$0x20]  }
0x43e: {  	v2 =	vld.idx.msk [tilespmem:v3+s25+$0x0], $0xffff  }
0x43f: {  	v4 =	vld [tilespmem:s18+$0x0]  }
0x440: {  	v3 =	vld [tilespmem:s18+$0x10]  }
0x441: {  	_ =	sdelay $0x1  }
0x442: {  	s2 =	sadd.s32 $0x3, s17;
	v6 =	vmul.f32 v6, v2  }
0x443: {  	v7 =	vld [tilespmem:s11+$0x50];
	v9 =	vmov s2;
	v1 =	vmul.f32 v1, v2  }
0x444: {  	v8 =	vld [tilespmem:s11+$0x40];
	v5 =	vmul.f32 v5, v2;
	v47 =	vand.u32 $0x7F, v9;
	[tilespmem:s11+$0x30] =	vst v6  }
0x445: {  	v0 =	vmul.f32 v0, v2;
	v6 =	vor.u32 $0x180, v47;
	[tilespmem:s11+$0x70] =	vst v1  }
0x446: {  	v52 =	vmul.f32 v4, v2;
	[tilespmem:s11+$0x20] =	vst v5;
	v49 =	vbroadcast v6, $0x0  }
0x447: {  	[tilespmem:s11+$0x60] =	vst v0;
	v53 =	vmul.f32 v3, v2  }
0x448: {  	v48 =	vmul.f32 v7, v2;
	[tilespmem:s11+$0x0] =	vst v52  }
0x449: {  	v51 =	vmul.f32 v8, v2;
	[tilespmem:s11+$0x10] =	vst v53  }
0x44a: {  	[tilespmem:s11+$0x50] =	vst v48  }
0x44b: {  	v50 =	vld [tilespmem:s11+$0x80];
	[tilespmem:s11+$0x40] =	vst v51  }
0x44c: {  	v0 =	vld.idx.msk [tilespmem:v49+s25+$0x0], $0xffff  }
0x44d: {  	v54 =	vld [tilespmem:s11+$0xB0]  }
0x44e: {  	v55 =	vld [tilespmem:s11+$0xA0]  }
0x44f: {  	v56 =	vld [tilespmem:s11+$0xD0]  }
0x450: {  	v57 =	vld [tilespmem:s11+$0xF0]  }
0x451: {  	v58 =	vld [tilespmem:s11+$0x90];
	v6 =	vmul.f32 v50, v0  }
0x452: {  	v59 =	vld [tilespmem:s11+$0xC0];
	v1 =	vmul.f32 v54, v0  }
0x453: {  	v60 =	vld [tilespmem:s11+$0xE0];
	v2 =	vmul.f32 v55, v0;
	[tilespmem:s11+$0x80] =	vst v6  }
0x454: {  	v3 =	vmul.f32 v56, v0;
	[tilespmem:s11+$0xB0] =	vst v1  }
0x455: {  	s29 =	sadd.s32 $0x1, s29;
	v61 =	vmul.f32 v57, v0;
	[tilespmem:s11+$0xA0] =	vst v2  }
0x456: {  	p0 =	sne.s32 s29, $0x14;
	v62 =	vmul.f32 v58, v0;
	[tilespmem:s11+$0xD0] =	vst v3  }
.Ltmp8:
0x457: {  	v63 =	vmul.f32 v59, v0;
	[tilespmem:s11+$0xF0] =	vst v61;
	(pc) =	sbr.rel @p0 .LBB2_2-.Ltmp8, $4  }
0x458: {  	v0 =	vmul.f32 v60, v0;
	[tilespmem:s11+$0x90] =	vst v62  }
0x459: {  	[tilespmem:s11+$0xC0] =	vst v63  }
0x45a: {  	s19 =	simm.s32 $0x780;
	[tilespmem:s11+$0xE0] =	vst v0  }
0x45b: {  	[spmem:s4] =	stream.indirect.scatter.add.f32 [tilespmem:s10], [sflag:$0xB], $0x80, s19, s23, $0xb8;
	[tilespmem:$0x1C800] =	vst v63  }
0x45c: {  	_ =	swait.ge [sflag:s21], $0x2000  }
0x45d: {  	[sflag:s21] =	ssyncset.done $0x0  }
0x45e: {  	[sflag:s21] =	ssyncadd.s32 $0xFFFFE000  }
0x45f: {  	_ =	swait.ge [sflag:s9], $0x2000  }
0x460: {  	[sflag:s9] =	ssyncset.done $0x0  }
0x461: {  	[sflag:s9] =	ssyncadd.s32 $0xFFFFE000  }
0x462: {  	[bflag:$0x0] =	sbarrier.arrive $0xFFFF  }
0x463: {  	s2 =	rddreg [dreg:$0x5]  }
0x464: {  	s5 =	rddreg [dreg:$0xd]  }
0x465: {  	s18 =	simm.s32 $0xC;
	s11 =	rddreg [dreg:$0xf];
	s2 =	sor.u32 $0x1C0C, s2  }
0x466: {  	[hbm:s5], [sflag:s2] =	dma.local [spmem:s11], $0x2780  }
0x467: {  	_ =	swait.ge [sflag:s18], $0x2780  }
0x468: {  	s19 =	rddreg [dreg:$0x10]  }
0x469: {  	s29 =	rddreg [dreg:$0xe];
	s5 =	sadd.s32 $0x1, s19  }
0x46a: {  	p0 =	sne.s32 s5, s29  }
.Ltmp9:
0x46b: {  	_ = 	snop;
	(pc) =	sbr.rel @p0 .LBB2_1-.Ltmp9, $3  }
0x46c: {  	[sflag:s18] =	ssyncset.done $0x0  }
0x46d: {  	[sflag:s18] =	ssyncadd.s32 $0xFFFFD880  }
0x46e: {  	[bflag:$0x0] =	sbarrier.arrive $0xFFFF;
	_ =	sdelay $0x1  }
0x46f: {  	_ =	sfence.sel $0x180000  }
0x470: {  	[bflag:$0x0] =	sbarrier.arrive $0xFFFF  }
0x471: {  	_ =	strace $0x90000047  }
0x472: {  	s0 =	stileid.u32;
	[bflag:$0x2] =	sbarrier.arrive $0xFFFF  }
0x473: {  	p0 =	sne.s32 s0, $0x0;
	s0 =	rddreg [dreg:$0x4]  }
0x474: {  	s0 =	sadd.s32 @!p0 $0x100000, s0  }
0x475: {  	[sflag:s0] =	ssyncadd.tile.s32 @!p0 $0x1;
	_ =	shalt  }
.Lfunc_end2:
_tile_overlayer_lowered:
.L_overlay_start_2:
0x476: {  	(tag) =	ssettag $0x2  }
0x477: {  	s0 =	rddreg [dreg:$0x0];
	s2 =	stileid.u32  }
0x478: {  	s1 =	rddreg [dreg:$0x1];
	p0 =	sne.s32 s2, $0x0  }
0x479: {  	s3 =	rddreg [dreg:$0x2];
	[bflag:$0x3] =	sbarrier.arrive $0xFFFF;
	s2 =	simm.s32 @!p0 $0x1C0C  }
0x47a: {  	[timem:s3], [sflag:s2] =	dma.local @!p0 [hbm:s0], s1  }
0x47b: {  	s0 =	simm.s32 @!p0 $0xC  }
0x47c: {  	_ =	swait.ge @!p0 [sflag:s0], s1  }
0x47d: {  	s1 =	ssub.s32 @!p0 $0x0, s1;
	[sflag:s0] =	ssyncset.done @!p0 $0x0  }
0x47e: {  	[sflag:s0] =	ssyncadd.s32 @!p0 s1  }
0x47f: {  	[bflag:$0x3] =	sbarrier.arrive $0xFFFF  }
0x480: {  	_ =	shalt  }

</sc_bundles>
